<compile_context>
chip_gen: v7x
topology: tpu7x:2x2x1
jax: 0.10.2.dev20260603
libtpu: 0.0.44.dev20260713+nightly
codegen_flags: <defaults>
</compile_context>

<pallas_src>
import functools

import jax
import jax.numpy as jnp
from jax import lax
from jax.experimental import pallas as pl
from jax.experimental.pallas import tpu as pltpu
from jax.experimental.pallas import tpu_sc as plsc

FEATURE = 1024
QUEUE = 65536
BATCH = 4096
NC, NS = 2, 16
NW = NC * NS
WROWS = FEATURE // NW
CC = 1024
NKC = BATCH // CC
NCH = QUEUE // CC


def _chunk_in(tkeys_ref, queue_ref, r0, i, buf, sem):
    src = tkeys_ref if i < NKC else queue_ref
    return pltpu.make_async_copy(
        src.at[pl.ds(r0, WROWS), pl.ds(i * CC, CC)], buf, sem)


def _chunk_out(out_ref, r0, i, buf, sem):
    return pltpu.make_async_copy(
        buf, out_ref.at[pl.ds(r0, WROWS), pl.ds(i * CC, CC)], sem)


def _sc_body(tkeys_ref, queue_ref, out_ref,
             buf0, buf1, isem0, isem1, osem0, osem1):
    wid = lax.axis_index("s") * NC + lax.axis_index("c")
    r0 = wid * WROWS

    bufs = (buf0, buf1)
    isems = (isem0, isem1)
    osems = (osem0, osem1)

    _chunk_in(tkeys_ref, queue_ref, r0, 0, buf0, isem0).start()
    for i in range(NCH):
        s = i % 2
        _chunk_in(tkeys_ref, queue_ref, r0, i, bufs[s], isems[s]).wait()
        if i >= 1:
            _chunk_out(out_ref, r0, i - 1, bufs[s ^ 1], osems[s ^ 1]).wait()
        if i + 1 < NCH:
            _chunk_in(tkeys_ref, queue_ref, r0, i + 1, bufs[s ^ 1], isems[s ^ 1]).start()
        _chunk_out(out_ref, r0, i, bufs[s], osems[s]).start()
    _chunk_out(out_ref, r0, NCH - 1, bufs[(NCH - 1) % 2], osems[(NCH - 1) % 2]).wait()


def _t_body(keys_ref, tk_ref):
    tk_ref[...] = keys_ref[...].T


def _transpose_tc(keys):
    return pl.pallas_call(
        _t_body,
        grid=(BATCH // CC,),
        in_specs=[pl.BlockSpec((CC, FEATURE), lambda j: (j, 0))],
        out_specs=pl.BlockSpec((FEATURE, CC), lambda j: (0, j)),
        out_shape=jax.ShapeDtypeStruct((FEATURE, BATCH), jnp.float32),
    )(keys)


def kernel(keys, queue):
    tkeys = _transpose_tc(keys)
    mesh = plsc.VectorSubcoreMesh(core_axis_name="c", subcore_axis_name="s")
    k = functools.partial(
        pl.kernel,
        out_type=jax.ShapeDtypeStruct((FEATURE, QUEUE), jnp.float32),
        mesh=mesh,
        scratch_types=[
            pltpu.VMEM((WROWS, CC), jnp.float32),
            pltpu.VMEM((WROWS, CC), jnp.float32),
            pltpu.SemaphoreType.DMA,
            pltpu.SemaphoreType.DMA,
            pltpu.SemaphoreType.DMA,
            pltpu.SemaphoreType.DMA,
        ],
    )(_sc_body)
    return k(tkeys, queue)

# --- scband reference (transcript-rebuilt; emitter-appended) ---
"""Pipeline reference for scband-memory-queue-29446295781981 (READ-ONLY COPY).

The authoritative reference and input builder live on the scoring server;
editing this copy changes nothing except your own understanding.
"""

import jax, jax.numpy as jnp
import numpy as np

FEATURE_DIM = 1024
QUEUE_SIZE = 65536
BATCH = 4096

def setup_inputs(seed: int = 0) -> dict:
    key = jax.random.key(seed)
    k1, k2 = jax.random.split(key)
    keys = jax.random.normal(k1, (BATCH, FEATURE_DIM), dtype=jnp.float32)
    # buffer 'queue' initialized as randn then L2-normalized along dim 0 (as in __init__)
    queue = jax.random.normal(k2, (FEATURE_DIM, QUEUE_SIZE), dtype=jnp.float32)
    queue = queue / jnp.clip(jnp.linalg.norm(queue, axis=0, keepdims=True), 1e-12)
    return {"keys": keys, "queue": queue}

def reference(keys, queue):
    # Faithful translation of MemoryQueue.update_queue with ptr = 0 (initial state).
    # batch_size <= queue_size and ptr + batch_size <= queue_size, so the
    # non-wraparound branch applies: queue[:, ptr:ptr+B] = keys.T  (scatter-overwrite)
    ptr = 0
    batch_size = keys.shape[0]
    new_queue = jax.lax.dynamic_update_slice(queue, keys.T, (0, ptr))
    # new_ptr = (ptr + batch_size) % queue_size  (state bookkeeping, not returned)
    return new_queue

if __name__ == "__main__":
    import jax
    _d = setup_inputs()
    print(jax.jit(kernel)(*tuple(_d.values())))

</pallas_src>

<mosaic_0001>
#map = affine_map<(d0, d1) -> (0, 0)>
module attributes {stable_mosaic.version = 14 : i64} {
  func.func @_sc_body(%arg0: i32, %arg1: i32, %arg2: memref<1024x4096xf32, #tpu.memory_space<hbm>>, %arg3: memref<1024x65536xf32, #tpu.memory_space<hbm>>, %arg4: memref<1024x65536xf32, #tpu.memory_space<hbm>>, %arg5: memref<32x1024xf32, #tpu.memory_space<vmem>>, %arg6: memref<32x1024xf32, #tpu.memory_space<vmem>>, %arg7: memref<!tpu.dma_semaphore, #tpu.memory_space<semaphore_mem>>, %arg8: memref<!tpu.dma_semaphore, #tpu.memory_space<semaphore_mem>>, %arg9: memref<!tpu.dma_semaphore, #tpu.memory_space<semaphore_mem>>, %arg10: memref<!tpu.dma_semaphore, #tpu.memory_space<semaphore_mem>>) attributes {dimension_semantics = [#tpu.dimension_semantics<core_parallel>, #tpu.dimension_semantics<subcore_parallel>], iteration_bounds = array<i64: 2, 16>, scalar_prefetch = 0 : i64, scratch_operands = 6 : i64, tpu.core_type = #tpu.core_type<sc_vector_subcore>, window_params = [{transform_indices = #map}, {transform_indices = #map}, {transform_indices = #map}]} {
    %mul3A = arith.constant 2 : i32
    %mul3A_0 = arith.muli %arg1, %mul3A : i32
    %add3A = arith.addi %mul3A_0, %arg0 : i32
    %mul3A_1 = arith.constant 32 : i32
    %mul3A_2 = arith.muli %add3A, %mul3A_1 : i32
    %dma_start3A = arith.constant 0 : i32
    %dma_start3A_3 = tpu.memref_slice %arg2[%mul3A_2, %dma_start3A] : memref<1024x4096xf32, #tpu.memory_space<hbm>> -> memref<32x1024xf32, #tpu.memory_space<hbm>>
    %dma_start3A_4 = arith.constant 0 : i32
    %dma_start3A_5 = tpu.memref_slice %arg2[%mul3A_2, %dma_start3A_4] : memref<1024x4096xf32, #tpu.memory_space<hbm>> -> memref<32x1024xf32, #tpu.memory_space<hbm>>
    tpu.enqueue_dma source(%dma_start3A_5 : memref<32x1024xf32, #tpu.memory_space<hbm>>) target(%arg5 : memref<32x1024xf32, #tpu.memory_space<vmem>>) target_semaphore(%arg7 : memref<!tpu.dma_semaphore, #tpu.memory_space<semaphore_mem>>)
    %dma_wait3A = arith.constant 0 : i32
    %dma_wait3A_6 = tpu.memref_slice %arg2[%mul3A_2, %dma_wait3A] : memref<1024x4096xf32, #tpu.memory_space<hbm>> -> memref<32x1024xf32, #tpu.memory_space<hbm>>
    %dma_wait3A_7 = arith.constant 0 : i32
    %dma_wait3A_8 = tpu.memref_slice %arg2[%mul3A_2, %dma_wait3A_7] : memref<1024x4096xf32, #tpu.memory_space<hbm>> -> memref<32x1024xf32, #tpu.memory_space<hbm>>
    tpu.wait_dma2 semaphore(%arg7 : memref<!tpu.dma_semaphore, #tpu.memory_space<semaphore_mem>>) src(%dma_wait3A_8 : memref<32x1024xf32, #tpu.memory_space<hbm>>) dst(%arg5 : memref<32x1024xf32, #tpu.memory_space<vmem>>)
    %dma_start3A_9 = arith.constant 1024 : i32
    %dma_start3A_10 = tpu.memref_slice %arg2[%mul3A_2, %dma_start3A_9] : memref<1024x4096xf32, #tpu.memory_space<hbm>> -> memref<32x1024xf32, #tpu.memory_space<hbm>>
    %dma_start3A_11 = arith.constant 1024 : i32
    %dma_start3A_12 = tpu.memref_slice %arg2[%mul3A_2, %dma_start3A_11] : memref<1024x4096xf32, #tpu.memory_space<hbm>> -> memref<32x1024xf32, #tpu.memory_space<hbm>>
    tpu.enqueue_dma source(%dma_start3A_12 : memref<32x1024xf32, #tpu.memory_space<hbm>>) target(%arg6 : memref<32x1024xf32, #tpu.memory_space<vmem>>) target_semaphore(%arg8 : memref<!tpu.dma_semaphore, #tpu.memory_space<semaphore_mem>>)
    %dma_start3A_13 = arith.constant 0 : i32
    %dma_start3A_14 = tpu.memref_slice %arg4[%mul3A_2, %dma_start3A_13] : memref<1024x65536xf32, #tpu.memory_space<hbm>> -> memref<32x1024xf32, #tpu.memory_space<hbm>>
    %dma_start3A_15 = arith.constant 0 : i32
    %dma_start3A_16 = tpu.memref_slice %arg4[%mul3A_2, %dma_start3A_15] : memref<1024x65536xf32, #tpu.memory_space<hbm>> -> memref<32x1024xf32, #tpu.memory_space<hbm>>
    tpu.enqueue_dma source(%arg5 : memref<32x1024xf32, #tpu.memory_space<vmem>>) target(%dma_start3A_16 : memref<32x1024xf32, #tpu.memory_space<hbm>>) target_semaphore(%arg9 : memref<!tpu.dma_semaphore, #tpu.memory_space<semaphore_mem>>)
    %dma_wait3A_17 = arith.constant 1024 : i32
    %dma_wait3A_18 = tpu.memref_slice %arg2[%mul3A_2, %dma_wait3A_17] : memref<1024x4096xf32, #tpu.memory_space<hbm>> -> memref<32x1024xf32, #tpu.memory_space<hbm>>
    %dma_wait3A_19 = arith.constant 1024 : i32
    %dma_wait3A_20 = tpu.memref_slice %arg2[%mul3A_2, %dma_wait3A_19] : memref<1024x4096xf32, #tpu.memory_space<hbm>> -> memref<32x1024xf32, #tpu.memory_space<hbm>>
    tpu.wait_dma2 semaphore(%arg8 : memref<!tpu.dma_semaphore, #tpu.memory_space<semaphore_mem>>) src(%dma_wait3A_20 : memref<32x1024xf32, #tpu.memory_space<hbm>>) dst(%arg6 : memref<32x1024xf32, #tpu.memory_space<vmem>>)
    %dma_wait3A_21 = arith.constant 0 : i32
    %dma_wait3A_22 = tpu.memref_slice %arg4[%mul3A_2, %dma_wait3A_21] : memref<1024x65536xf32, #tpu.memory_space<hbm>> -> memref<32x1024xf32, #tpu.memory_space<hbm>>
    %dma_wait3A_23 = arith.constant 0 : i32
    %dma_wait3A_24 = tpu.memref_slice %arg4[%mul3A_2, %dma_wait3A_23] : memref<1024x65536xf32, #tpu.memory_space<hbm>> -> memref<32x1024xf32, #tpu.memory_space<hbm>>
    tpu.wait_dma2 semaphore(%arg9 : memref<!tpu.dma_semaphore, #tpu.memory_space<semaphore_mem>>) src(%arg5 : memref<32x1024xf32, #tpu.memory_space<vmem>>) dst(%dma_wait3A_24 : memref<32x1024xf32, #tpu.memory_space<hbm>>)
    %dma_start3A_25 = arith.constant 2048 : i32
    %dma_start3A_26 = tpu.memref_slice %arg2[%mul3A_2, %dma_start3A_25] : memref<1024x4096xf32, #tpu.memory_space<hbm>> -> memref<32x1024xf32, #tpu.memory_space<hbm>>
    %dma_start3A_27 = arith.constant 2048 : i32
    %dma_start3A_28 = tpu.memref_slice %arg2[%mul3A_2, %dma_start3A_27] : memref<1024x4096xf32, #tpu.memory_space<hbm>> -> memref<32x1024xf32, #tpu.memory_space<hbm>>
    tpu.enqueue_dma source(%dma_start3A_28 : memref<32x1024xf32, #tpu.memory_space<hbm>>) target(%arg5 : memref<32x1024xf32, #tpu.memory_space<vmem>>) target_semaphore(%arg7 : memref<!tpu.dma_semaphore, #tpu.memory_space<semaphore_mem>>)
    %dma_start3A_29 = arith.constant 1024 : i32
    %dma_start3A_30 = tpu.memref_slice %arg4[%mul3A_2, %dma_start3A_29] : memref<1024x65536xf32, #tpu.memory_space<hbm>> -> memref<32x1024xf32, #tpu.memory_space<hbm>>
    %dma_start3A_31 = arith.constant 1024 : i32
    %dma_start3A_32 = tpu.memref_slice %arg4[%mul3A_2, %dma_start3A_31] : memref<1024x65536xf32, #tpu.memory_space<hbm>> -> memref<32x1024xf32, #tpu.memory_space<hbm>>
    tpu.enqueue_dma source(%arg6 : memref<32x1024xf32, #tpu.memory_space<vmem>>) target(%dma_start3A_32 : memref<32x1024xf32, #tpu.memory_space<hbm>>) target_semaphore(%arg10 : memref<!tpu.dma_semaphore, #tpu.memory_space<semaphore_mem>>)
    %dma_wait3A_33 = arith.constant 2048 : i32
    %dma_wait3A_34 = tpu.memref_slice %arg2[%mul3A_2, %dma_wait3A_33] : memref<1024x4096xf32, #tpu.memory_space<hbm>> -> memref<32x1024xf32, #tpu.memory_space<hbm>>
    %dma_wait3A_35 = arith.constant 2048 : i32
    %dma_wait3A_36 = tpu.memref_slice %arg2[%mul3A_2, %dma_wait3A_35] : memref<1024x4096xf32, #tpu.memory_space<hbm>> -> memref<32x1024xf32, #tpu.memory_space<hbm>>
    tpu.wait_dma2 semaphore(%arg7 : memref<!tpu.dma_semaphore, #tpu.memory_space<semaphore_mem>>) src(%dma_wait3A_36 : memref<32x1024xf32, #tpu.memory_space<hbm>>) dst(%arg5 : memref<32x1024xf32, #tpu.memory_space<vmem>>)
    %dma_wait3A_37 = arith.constant 1024 : i32
    %dma_wait3A_38 = tpu.memref_slice %arg4[%mul3A_2, %dma_wait3A_37] : memref<1024x65536xf32, #tpu.memory_space<hbm>> -> memref<32x1024xf32, #tpu.memory_space<hbm>>
    %dma_wait3A_39 = arith.constant 1024 : i32
    %dma_wait3A_40 = tpu.memref_slice %arg4[%mul3A_2, %dma_wait3A_39] : memref<1024x65536xf32, #tpu.memory_space<hbm>> -> memref<32x1024xf32, #tpu.memory_space<hbm>>
    tpu.wait_dma2 semaphore(%arg10 : memref<!tpu.dma_semaphore, #tpu.memory_space<semaphore_mem>>) src(%arg6 : memref<32x1024xf32, #tpu.memory_space<vmem>>) dst(%dma_wait3A_40 : memref<32x1024xf32, #tpu.memory_space<hbm>>)
    %dma_start3A_41 = arith.constant 3072 : i32
    %dma_start3A_42 = tpu.memref_slice %arg2[%mul3A_2, %dma_start3A_41] : memref<1024x4096xf32, #tpu.memory_space<hbm>> -> memref<32x1024xf32, #tpu.memory_space<hbm>>
    %dma_start3A_43 = arith.constant 3072 : i32
    %dma_start3A_44 = tpu.memref_slice %arg2[%mul3A_2, %dma_start3A_43] : memref<1024x4096xf32, #tpu.memory_space<hbm>> -> memref<32x1024xf32, #tpu.memory_space<hbm>>
    tpu.enqueue_dma source(%dma_start3A_44 : memref<32x1024xf32, #tpu.memory_space<hbm>>) target(%arg6 : memref<32x1024xf32, #tpu.memory_space<vmem>>) target_semaphore(%arg8 : memref<!tpu.dma_semaphore, #tpu.memory_space<semaphore_mem>>)
    %dma_start3A_45 = arith.constant 2048 : i32
    %dma_start3A_46 = tpu.memref_slice %arg4[%mul3A_2, %dma_start3A_45] : memref<1024x65536xf32, #tpu.memory_space<hbm>> -> memref<32x1024xf32, #tpu.memory_space<hbm>>
    %dma_start3A_47 = arith.constant 2048 : i32
    %dma_start3A_48 = tpu.memref_slice %arg4[%mul3A_2, %dma_start3A_47] : memref<1024x65536xf32, #tpu.memory_space<hbm>> -> memref<32x1024xf32, #tpu.memory_space<hbm>>
    tpu.enqueue_dma source(%arg5 : memref<32x1024xf32, #tpu.memory_space<vmem>>) target(%dma_start3A_48 : memref<32x1024xf32, #tpu.memory_space<hbm>>) target_semaphore(%arg9 : memref<!tpu.dma_semaphore, #tpu.memory_space<semaphore_mem>>)
    %dma_wait3A_49 = arith.constant 3072 : i32
    %dma_wait3A_50 = tpu.memref_slice %arg2[%mul3A_2, %dma_wait3A_49] : memref<1024x4096xf32, #tpu.memory_space<hbm>> -> memref<32x1024xf32, #tpu.memory_space<hbm>>
    %dma_wait3A_51 = arith.constant 3072 : i32
    %dma_wait3A_52 = tpu.memref_slice %arg2[%mul3A_2, %dma_wait3A_51] : memref<1024x4096xf32, #tpu.memory_space<hbm>> -> memref<32x1024xf32, #tpu.memory_space<hbm>>
    tpu.wait_dma2 semaphore(%arg8 : memref<!tpu.dma_semaphore, #tpu.memory_space<semaphore_mem>>) src(%dma_wait3A_52 : memref<32x1024xf32, #tpu.memory_space<hbm>>) dst(%arg6 : memref<32x1024xf32, #tpu.memory_space<vmem>>)
    %dma_wait3A_53 = arith.constant 2048 : i32
    %dma_wait3A_54 = tpu.memref_slice %arg4[%mul3A_2, %dma_wait3A_53] : memref<1024x65536xf32, #tpu.memory_space<hbm>> -> memref<32x1024xf32, #tpu.memory_space<hbm>>
    %dma_wait3A_55 = arith.constant 2048 : i32
    %dma_wait3A_56 = tpu.memref_slice %arg4[%mul3A_2, %dma_wait3A_55] : memref<1024x65536xf32, #tpu.memory_space<hbm>> -> memref<32x1024xf32, #tpu.memory_space<hbm>>
    tpu.wait_dma2 semaphore(%arg9 : memref<!tpu.dma_semaphore, #tpu.memory_space<semaphore_mem>>) src(%arg5 : memref<32x1024xf32, #tpu.memory_space<vmem>>) dst(%dma_wait3A_56 : memref<32x1024xf32, #tpu.memory_space<hbm>>)
    %dma_start3A_57 = arith.constant 4096 : i32
    %dma_start3A_58 = tpu.memref_slice %arg3[%mul3A_2, %dma_start3A_57] : memref<1024x65536xf32, #tpu.memory_space<hbm>> -> memref<32x1024xf32, #tpu.memory_space<hbm>>
    %dma_start3A_59 = arith.constant 4096 : i32
    %dma_start3A_60 = tpu.memref_slice %arg3[%mul3A_2, %dma_start3A_59] : memref<1024x65536xf32, #tpu.memory_space<hbm>> -> memref<32x1024xf32, #tpu.memory_space<hbm>>
    tpu.enqueue_dma source(%dma_start3A_60 : memref<32x1024xf32, #tpu.memory_space<hbm>>) target(%arg5 : memref<32x1024xf32, #tpu.memory_space<vmem>>) target_semaphore(%arg7 : memref<!tpu.dma_semaphore, #tpu.memory_space<semaphore_mem>>)
    %dma_start3A_61 = arith.constant 3072 : i32
    %dma_start3A_62 = tpu.memref_slice %arg4[%mul3A_2, %dma_start3A_61] : memref<1024x65536xf32, #tpu.memory_space<hbm>> -> memref<32x1024xf32, #tpu.memory_space<hbm>>
    %dma_start3A_63 = arith.constant 3072 : i32
    %dma_start3A_64 = tpu.memref_slice %arg4[%mul3A_2, %dma_start3A_63] : memref<1024x65536xf32, #tpu.memory_space<hbm>> -> memref<32x1024xf32, #tpu.memory_space<hbm>>
    tpu.enqueue_dma source(%arg6 : memref<32x1024xf32, #tpu.memory_space<vmem>>) target(%dma_start3A_64 : memref<32x1024xf32, #tpu.memory_space<hbm>>) target_semaphore(%arg10 : memref<!tpu.dma_semaphore, #tpu.memory_space<semaphore_mem>>)
    %dma_wait3A_65 = arith.constant 4096 : i32
    %dma_wait3A_66 = tpu.memref_slice %arg3[%mul3A_2, %dma_wait3A_65] : memref<1024x65536xf32, #tpu.memory_space<hbm>> -> memref<32x1024xf32, #tpu.memory_space<hbm>>
    %dma_wait3A_67 = arith.constant 4096 : i32
    %dma_wait3A_68 = tpu.memref_slice %arg3[%mul3A_2, %dma_wait3A_67] : memref<1024x65536xf32, #tpu.memory_space<hbm>> -> memref<32x1024xf32, #tpu.memory_space<hbm>>
    tpu.wait_dma2 semaphore(%arg7 : memref<!tpu.dma_semaphore, #tpu.memory_space<semaphore_mem>>) src(%dma_wait3A_68 : memref<32x1024xf32, #tpu.memory_space<hbm>>) dst(%arg5 : memref<32x1024xf32, #tpu.memory_space<vmem>>)
    %dma_wait3A_69 = arith.constant 3072 : i32
    %dma_wait3A_70 = tpu.memref_slice %arg4[%mul3A_2, %dma_wait3A_69] : memref<1024x65536xf32, #tpu.memory_space<hbm>> -> memref<32x1024xf32, #tpu.memory_space<hbm>>
    %dma_wait3A_71 = arith.constant 3072 : i32
    %dma_wait3A_72 = tpu.memref_slice %arg4[%mul3A_2, %dma_wait3A_71] : memref<1024x65536xf32, #tpu.memory_space<hbm>> -> memref<32x1024xf32, #tpu.memory_space<hbm>>
    tpu.wait_dma2 semaphore(%arg10 : memref<!tpu.dma_semaphore, #tpu.memory_space<semaphore_mem>>) src(%arg6 : memref<32x1024xf32, #tpu.memory_space<vmem>>) dst(%dma_wait3A_72 : memref<32x1024xf32, #tpu.memory_space<hbm>>)
    %dma_start3A_73 = arith.constant 5120 : i32
    %dma_start3A_74 = tpu.memref_slice %arg3[%mul3A_2, %dma_start3A_73] : memref<1024x65536xf32, #tpu.memory_space<hbm>> -> memref<32x1024xf32, #tpu.memory_space<hbm>>
    %dma_start3A_75 = arith.constant 5120 : i32
    %dma_start3A_76 = tpu.memref_slice %arg3[%mul3A_2, %dma_start3A_75] : memref<1024x65536xf32, #tpu.memory_space<hbm>> -> memref<32x1024xf32, #tpu.memory_space<hbm>>
    tpu.enqueue_dma source(%dma_start3A_76 : memref<32x1024xf32, #tpu.memory_space<hbm>>) target(%arg6 : memref<32x1024xf32, #tpu.memory_space<vmem>>) target_semaphore(%arg8 : memref<!tpu.dma_semaphore, #tpu.memory_space<semaphore_mem>>)
    %dma_start3A_77 = arith.constant 4096 : i32
    %dma_start3A_78 = tpu.memref_slice %arg4[%mul3A_2, %dma_start3A_77] : memref<1024x65536xf32, #tpu.memory_space<hbm>> -> memref<32x1024xf32, #tpu.memory_space<hbm>>
    %dma_start3A_79 = arith.constant 4096 : i32
    %dma_start3A_80 = tpu.memref_slice %arg4[%mul3A_2, %dma_start3A_79] : memref<1024x65536xf32, #tpu.memory_space<hbm>> -> memref<32x1024xf32, #tpu.memory_space<hbm>>
    tpu.enqueue_dma source(%arg5 : memref<32x1024xf32, #tpu.memory_space<vmem>>) target(%dma_start3A_80 : memref<32x1024xf32, #tpu.memory_space<hbm>>) target_semaphore(%arg9 : memref<!tpu.dma_semaphore, #tpu.memory_space<semaphore_mem>>)
    %dma_wait3A_81 = arith.constant 5120 : i32
    %dma_wait3A_82 = tpu.memref_slice %arg3[%mul3A_2, %dma_wait3A_81] : memref<1024x65536xf32, #tpu.memory_space<hbm>> -> memref<32x1024xf32, #tpu.memory_space<hbm>>
    %dma_wait3A_83 = arith.constant 5120 : i32
    %dma_wait3A_84 = tpu.memref_slice %arg3[%mul3A_2, %dma_wait3A_83] : memref<1024x65536xf32, #tpu.memory_space<hbm>> -> memref<32x1024xf32, #tpu.memory_space<hbm>>
    tpu.wait_dma2 semaphore(%arg8 : memref<!tpu.dma_semaphore, #tpu.memory_space<semaphore_mem>>) src(%dma_wait3A_84 : memref<32x1024xf32, #tpu.memory_space<hbm>>) dst(%arg6 : memref<32x1024xf32, #tpu.memory_space<vmem>>)
    %dma_wait3A_85 = arith.constant 4096 : i32
    %dma_wait3A_86 = tpu.memref_slice %arg4[%mul3A_2, %dma_wait3A_85] : memref<1024x65536xf32, #tpu.memory_space<hbm>> -> memref<32x1024xf32, #tpu.memory_space<hbm>>
    %dma_wait3A_87 = arith.constant 4096 : i32
    %dma_wait3A_88 = tpu.memref_slice %arg4[%mul3A_2, %dma_wait3A_87] : memref<1024x65536xf32, #tpu.memory_space<hbm>> -> memref<32x1024xf32, #tpu.memory_space<hbm>>
    tpu.wait_dma2 semaphore(%arg9 : memref<!tpu.dma_semaphore, #tpu.memory_space<semaphore_mem>>) src(%arg5 : memref<32x1024xf32, #tpu.memory_space<vmem>>) dst(%dma_wait3A_88 : memref<32x1024xf32, #tpu.memory_space<hbm>>)
    %dma_start3A_89 = arith.constant 6144 : i32
    %dma_start3A_90 = tpu.memref_slice %arg3[%mul3A_2, %dma_start3A_89] : memref<1024x65536xf32, #tpu.memory_space<hbm>> -> memref<32x1024xf32, #tpu.memory_space<hbm>>
    %dma_start3A_91 = arith.constant 6144 : i32
    %dma_start3A_92 = tpu.memref_slice %arg3[%mul3A_2, %dma_start3A_91] : memref<1024x65536xf32, #tpu.memory_space<hbm>> -> memref<32x1024xf32, #tpu.memory_space<hbm>>
    tpu.enqueue_dma source(%dma_start3A_92 : memref<32x1024xf32, #tpu.memory_space<hbm>>) target(%arg5 : memref<32x1024xf32, #tpu.memory_space<vmem>>) target_semaphore(%arg7 : memref<!tpu.dma_semaphore, #tpu.memory_space<semaphore_mem>>)
    %dma_start3A_93 = arith.constant 5120 : i32
    %dma_start3A_94 = tpu.memref_slice %arg4[%mul3A_2, %dma_start3A_93] : memref<1024x65536xf32, #tpu.memory_space<hbm>> -> memref<32x1024xf32, #tpu.memory_space<hbm>>
    %dma_start3A_95 = arith.constant 5120 : i32
    %dma_start3A_96 = tpu.memref_slice %arg4[%mul3A_2, %dma_start3A_95] : memref<1024x65536xf32, #tpu.memory_space<hbm>> -> memref<32x1024xf32, #tpu.memory_space<hbm>>
    tpu.enqueue_dma source(%arg6 : memref<32x1024xf32, #tpu.memory_space<vmem>>) target(%dma_start3A_96 : memref<32x1024xf32, #tpu.memory_space<hbm>>) target_semaphore(%arg10 : memref<!tpu.dma_semaphore, #tpu.memory_space<semaphore_mem>>)
    %dma_wait3A_97 = arith.constant 6144 : i32
    %dma_wait3A_98 = tpu.memref_slice %arg3[%mul3A_2, %dma_wait3A_97] : memref<1024x65536xf32, #tpu.memory_space<hbm>> -> memref<32x1024xf32, #tpu.memory_space<hbm>>
    %dma_wait3A_99 = arith.constant 6144 : i32
    %dma_wait3A_100 = tpu.memref_slice %arg3[%mul3A_2, %dma_wait3A_99] : memref<1024x65536xf32, #tpu.memory_space<hbm>> -> memref<32x1024xf32, #tpu.memory_space<hbm>>
    tpu.wait_dma2 semaphore(%arg7 : memref<!tpu.dma_semaphore, #tpu.memory_space<semaphore_mem>>) src(%dma_wait3A_100 : memref<32x1024xf32, #tpu.memory_space<hbm>>) dst(%arg5 : memref<32x1024xf32, #tpu.memory_space<vmem>>)
    %dma_wait3A_101 = arith.constant 5120 : i32
    %dma_wait3A_102 = tpu.memref_slice %arg4[%mul3A_2, %dma_wait3A_101] : memref<1024x65536xf32, #tpu.memory_space<hbm>> -> memref<32x1024xf32, #tpu.memory_space<hbm>>
    %dma_wait3A_103 = arith.constant 5120 : i32
    %dma_wait3A_104 = tpu.memref_slice %arg4[%mul3A_2, %dma_wait3A_103] : memref<1024x65536xf32, #tpu.memory_space<hbm>> -> memref<32x1024xf32, #tpu.memory_space<hbm>>
    tpu.wait_dma2 semaphore(%arg10 : memref<!tpu.dma_semaphore, #tpu.memory_space<semaphore_mem>>) src(%arg6 : memref<32x1024xf32, #tpu.memory_space<vmem>>) dst(%dma_wait3A_104 : memref<32x1024xf32, #tpu.memory_space<hbm>>)
    %dma_start3A_105 = arith.constant 7168 : i32
    %dma_start3A_106 = tpu.memref_slice %arg3[%mul3A_2, %dma_start3A_105] : memref<1024x65536xf32, #tpu.memory_space<hbm>> -> memref<32x1024xf32, #tpu.memory_space<hbm>>
    %dma_start3A_107 = arith.constant 7168 : i32
    %dma_start3A_108 = tpu.memref_slice %arg3[%mul3A_2, %dma_start3A_107] : memref<1024x65536xf32, #tpu.memory_space<hbm>> -> memref<32x1024xf32, #tpu.memory_space<hbm>>
    tpu.enqueue_dma source(%dma_start3A_108 : memref<32x1024xf32, #tpu.memory_space<hbm>>) target(%arg6 : memref<32x1024xf32, #tpu.memory_space<vmem>>) target_semaphore(%arg8 : memref<!tpu.dma_semaphore, #tpu.memory_space<semaphore_mem>>)
    %dma_start3A_109 = arith.constant 6144 : i32
    %dma_start3A_110 = tpu.memref_slice %arg4[%mul3A_2, %dma_start3A_109] : memref<1024x65536xf32, #tpu.memory_space<hbm>> -> memref<32x1024xf32, #tpu.memory_space<hbm>>
    %dma_start3A_111 = arith.constant 6144 : i32
    %dma_start3A_112 = tpu.memref_slice %arg4[%mul3A_2, %dma_start3A_111] : memref<1024x65536xf32, #tpu.memory_space<hbm>> -> memref<32x1024xf32, #tpu.memory_space<hbm>>
    tpu.enqueue_dma source(%arg5 : memref<32x1024xf32, #tpu.memory_space<vmem>>) target(%dma_start3A_112 : memref<32x1024xf32, #tpu.memory_space<hbm>>) target_semaphore(%arg9 : memref<!tpu.dma_semaphore, #tpu.memory_space<semaphore_mem>>)
    %dma_wait3A_113 = arith.constant 7168 : i32
    %dma_wait3A_114 = tpu.memref_slice %arg3[%mul3A_2, %dma_wait3A_113] : memref<1024x65536xf32, #tpu.memory_space<hbm>> -> memref<32x1024xf32, #tpu.memory_space<hbm>>
    %dma_wait3A_115 = arith.constant 7168 : i32
    %dma_wait3A_116 = tpu.memref_slice %arg3[%mul3A_2, %dma_wait3A_115] : memref<1024x65536xf32, #tpu.memory_space<hbm>> -> memref<32x1024xf32, #tpu.memory_space<hbm>>
    tpu.wait_dma2 semaphore(%arg8 : memref<!tpu.dma_semaphore, #tpu.memory_space<semaphore_mem>>) src(%dma_wait3A_116 : memref<32x1024xf32, #tpu.memory_space<hbm>>) dst(%arg6 : memref<32x1024xf32, #tpu.memory_space<vmem>>)
    %dma_wait3A_117 = arith.constant 6144 : i32
    %dma_wait3A_118 = tpu.memref_slice %arg4[%mul3A_2, %dma_wait3A_117] : memref<1024x65536xf32, #tpu.memory_space<hbm>> -> memref<32x1024xf32, #tpu.memory_space<hbm>>
    %dma_wait3A_119 = arith.constant 6144 : i32
    %dma_wait3A_120 = tpu.memref_slice %arg4[%mul3A_2, %dma_wait3A_119] : memref<1024x65536xf32, #tpu.memory_space<hbm>> -> memref<32x1024xf32, #tpu.memory_space<hbm>>
    tpu.wait_dma2 semaphore(%arg9 : memref<!tpu.dma_semaphore, #tpu.memory_space<semaphore_mem>>) src(%arg5 : memref<32x1024xf32, #tpu.memory_space<vmem>>) dst(%dma_wait3A_120 : memref<32x1024xf32, #tpu.memory_space<hbm>>)
    %dma_start3A_121 = arith.constant 8192 : i32
    %dma_start3A_122 = tpu.memref_slice %arg3[%mul3A_2, %dma_start3A_121] : memref<1024x65536xf32, #tpu.memory_space<hbm>> -> memref<32x1024xf32, #tpu.memory_space<hbm>>
    %dma_start3A_123 = arith.constant 8192 : i32
    %dma_start3A_124 = tpu.memref_slice %arg3[%mul3A_2, %dma_start3A_123] : memref<1024x65536xf32, #tpu.memory_space<hbm>> -> memref<32x1024xf32, #tpu.memory_space<hbm>>
    tpu.enqueue_dma source(%dma_start3A_124 : memref<32x1024xf32, #tpu.memory_space<hbm>>) target(%arg5 : memref<32x1024xf32, #tpu.memory_space<vmem>>) target_semaphore(%arg7 : memref<!tpu.dma_semaphore, #tpu.memory_space<semaphore_mem>>)
    %dma_start3A_125 = arith.constant 7168 : i32
    %dma_start3A_126 = tpu.memref_slice %arg4[%mul3A_2, %dma_start3A_125] : memref<1024x65536xf32, #tpu.memory_space<hbm>> -> memref<32x1024xf32, #tpu.memory_space<hbm>>
    %dma_start3A_127 = arith.constant 7168 : i32
    %dma_start3A_128 = tpu.memref_slice %arg4[%mul3A_2, %dma_start3A_127] : memref<1024x65536xf32, #tpu.memory_space<hbm>> -> memref<32x1024xf32, #tpu.memory_space<hbm>>
    tpu.enqueue_dma source(%arg6 : memref<32x1024xf32, #tpu.memory_space<vmem>>) target(%dma_start3A_128 : memref<32x1024xf32, #tpu.memory_space<hbm>>) target_semaphore(%arg10 : memref<!tpu.dma_semaphore, #tpu.memory_space<semaphore_mem>>)
    %dma_wait3A_129 = arith.constant 8192 : i32
    %dma_wait3A_130 = tpu.memref_slice %arg3[%mul3A_2, %dma_wait3A_129] : memref<1024x65536xf32, #tpu.memory_space<hbm>> -> memref<32x1024xf32, #tpu.memory_space<hbm>>
    %dma_wait3A_131 = arith.constant 8192 : i32
    %dma_wait3A_132 = tpu.memref_slice %arg3[%mul3A_2, %dma_wait3A_131] : memref<1024x65536xf32, #tpu.memory_space<hbm>> -> memref<32x1024xf32, #tpu.memory_space<hbm>>
    tpu.wait_dma2 semaphore(%arg7 : memref<!tpu.dma_semaphore, #tpu.memory_space<semaphore_mem>>) src(%dma_wait3A_132 : memref<32x1024xf32, #tpu.memory_space<hbm>>) dst(%arg5 : memref<32x1024xf32, #tpu.memory_space<vmem>>)
    %dma_wait3A_133 = arith.constant 7168 : i32
    %dma_wait3A_134 = tpu.memref_slice %arg4[%mul3A_2, %dma_wait3A_133] : memref<1024x65536xf32, #tpu.memory_space<hbm>> -> memref<32x1024xf32, #tpu.memory_space<hbm>>
    %dma_wait3A_135 = arith.constant 7168 : i32
    %dma_wait3A_136 = tpu.memref_slice %arg4[%mul3A_2, %dma_wait3A_135] : memref<1024x65536xf32, #tpu.memory_space<hbm>> -> memref<32x1024xf32, #tpu.memory_space<hbm>>
    tpu.wait_dma2 semaphore(%arg10 : memref<!tpu.dma_semaphore, #tpu.memory_space<semaphore_mem>>) src(%arg6 : memref<32x1024xf32, #tpu.memory_space<vmem>>) dst(%dma_wait3A_136 : memref<32x1024xf32, #tpu.memory_space<hbm>>)
    %dma_start3A_137 = arith.constant 9216 : i32
    %dma_start3A_138 = tpu.memref_slice %arg3[%mul3A_2, %dma_start3A_137] : memref<1024x65536xf32, #tpu.memory_space<hbm>> -> memref<32x1024xf32, #tpu.memory_space<hbm>>
    %dma_start3A_139 = arith.constant 9216 : i32
    %dma_start3A_140 = tpu.memref_slice %arg3[%mul3A_2, %dma_start3A_139] : memref<1024x65536xf32, #tpu.memory_space<hbm>> -> memref<32x1024xf32, #tpu.memory_space<hbm>>
    tpu.enqueue_dma source(%dma_start3A_140 : memref<32x1024xf32, #tpu.memory_space<hbm>>) target(%arg6 : memref<32x1024xf32, #tpu.memory_space<vmem>>) target_semaphore(%arg8 : memref<!tpu.dma_semaphore, #tpu.memory_space<semaphore_mem>>)
    %dma_start3A_141 = arith.constant 8192 : i32
    %dma_start3A_142 = tpu.memref_slice %arg4[%mul3A_2, %dma_start3A_141] : memref<1024x65536xf32, #tpu.memory_space<hbm>> -> memref<32x1024xf32, #tpu.memory_space<hbm>>
    %dma_start3A_143 = arith.constant 8192 : i32
    %dma_start3A_144 = tpu.memref_slice %arg4[%mul3A_2, %dma_start3A_143] : memref<1024x65536xf32, #tpu.memory_space<hbm>> -> memref<32x1024xf32, #tpu.memory_space<hbm>>
    tpu.enqueue_dma source(%arg5 : memref<32x1024xf32, #tpu.memory_space<vmem>>) target(%dma_start3A_144 : memref<32x1024xf32, #tpu.memory_space<hbm>>) target_semaphore(%arg9 : memref<!tpu.dma_semaphore, #tpu.memory_space<semaphore_mem>>)
    %dma_wait3A_145 = arith.constant 9216 : i32
    %dma_wait3A_146 = tpu.memref_slice %arg3[%mul3A_2, %dma_wait3A_145] : memref<1024x65536xf32, #tpu.memory_space<hbm>> -> memref<32x1024xf32, #tpu.memory_space<hbm>>
    %dma_wait3A_147 = arith.constant 9216 : i32
    %dma_wait3A_148 = tpu.memref_slice %arg3[%mul3A_2, %dma_wait3A_147] : memref<1024x65536xf32, #tpu.memory_space<hbm>> -> memref<32x1024xf32, #tpu.memory_space<hbm>>
    tpu.wait_dma2 semaphore(%arg8 : memref<!tpu.dma_semaphore, #tpu.memory_space<semaphore_mem>>) src(%dma_wait3A_148 : memref<32x1024xf32, #tpu.memory_space<hbm>>) dst(%arg6 : memref<32x1024xf32, #tpu.memory_space<vmem>>)
    %dma_wait3A_149 = arith.constant 8192 : i32
    %dma_wait3A_150 = tpu.memref_slice %arg4[%mul3A_2, %dma_wait3A_149] : memref<1024x65536xf32, #tpu.memory_space<hbm>> -> memref<32x1024xf32, #tpu.memory_space<hbm>>
    %dma_wait3A_151 = arith.constant 8192 : i32
    %dma_wait3A_152 = tpu.memref_slice %arg4[%mul3A_2, %dma_wait3A_151] : memref<1024x65536xf32, #tpu.memory_space<hbm>> -> memref<32x1024xf32, #tpu.memory_space<hbm>>
    tpu.wait_dma2 semaphore(%arg9 : memref<!tpu.dma_semaphore, #tpu.memory_space<semaphore_mem>>) src(%arg5 : memref<32x1024xf32, #tpu.memory_space<vmem>>) dst(%dma_wait3A_152 : memref<32x1024xf32, #tpu.memory_space<hbm>>)
    %dma_start3A_153 = arith.constant 10240 : i32
    %dma_start3A_154 = tpu.memref_slice %arg3[%mul3A_2, %dma_start3A_153] : memref<1024x65536xf32, #tpu.memory_space<hbm>> -> memref<32x1024xf32, #tpu.memory_space<hbm>>
    %dma_start3A_155 = arith.constant 10240 : i32
    %dma_start3A_156 = tpu.memref_slice %arg3[%mul3A_2, %dma_start3A_155] : memref<1024x65536xf32, #tpu.memory_space<hbm>> -> memref<32x1024xf32, #tpu.memory_space<hbm>>
    tpu.enqueue_dma source(%dma_start3A_156 : memref<32x1024xf32, #tpu.memory_space<hbm>>) target(%arg5 : memref<32x1024xf32, #tpu.memory_space<vmem>>) target_semaphore(%arg7 : memref<!tpu.dma_semaphore, #tpu.memory_space<semaphore_mem>>)
    %dma_start3A_157 = arith.constant 9216 : i32
    %dma_start3A_158 = tpu.memref_slice %arg4[%mul3A_2, %dma_start3A_157] : memref<1024x65536xf32, #tpu.memory_space<hbm>> -> memref<32x1024xf32, #tpu.memory_space<hbm>>
    %dma_start3A_159 = arith.constant 9216 : i32
    %dma_start3A_160 = tpu.memref_slice %arg4[%mul3A_2, %dma_start3A_159] : memref<1024x65536xf32, #tpu.memory_space<hbm>> -> memref<32x1024xf32, #tpu.memory_space<hbm>>
    tpu.enqueue_dma source(%arg6 : memref<32x1024xf32, #tpu.memory_space<vmem>>) target(%dma_start3A_160 : memref<32x1024xf32, #tpu.memory_space<hbm>>) target_semaphore(%arg10 : memref<!tpu.dma_semaphore, #tpu.memory_space<semaphore_mem>>)
    %dma_wait3A_161 = arith.constant 10240 : i32
    %dma_wait3A_162 = tpu.memref_slice %arg3[%mul3A_2, %dma_wait3A_161] : memref<1024x65536xf32, #tpu.memory_space<hbm>> -> memref<32x1024xf32, #tpu.memory_space<hbm>>
    %dma_wait3A_163 = arith.constant 10240 : i32
    %dma_wait3A_164 = tpu.memref_slice %arg3[%mul3A_2, %dma_wait3A_163] : memref<1024x65536xf32, #tpu.memory_space<hbm>> -> memref<32x1024xf32, #tpu.memory_space<hbm>>
    tpu.wait_dma2 semaphore(%arg7 : memref<!tpu.dma_semaphore, #tpu.memory_space<semaphore_mem>>) src(%dma_wait3A_164 : memref<32x1024xf32, #tpu.memory_space<hbm>>) dst(%arg5 : memref<32x1024xf32, #tpu.memory_space<vmem>>)
    %dma_wait3A_165 = arith.constant 9216 : i32
    %dma_wait3A_166 = tpu.memref_slice %arg4[%mul3A_2, %dma_wait3A_165] : memref<1024x65536xf32, #tpu.memory_space<hbm>> -> memref<32x1024xf32, #tpu.memory_space<hbm>>
    %dma_wait3A_167 = arith.constant 9216 : i32
    %dma_wait3A_168 = tpu.memref_slice %arg4[%mul3A_2, %dma_wait3A_167] : memref<1024x65536xf32, #tpu.memory_space<hbm>> -> memref<32x1024xf32, #tpu.memory_space<hbm>>
    tpu.wait_dma2 semaphore(%arg10 : memref<!tpu.dma_semaphore, #tpu.memory_space<semaphore_mem>>) src(%arg6 : memref<32x1024xf32, #tpu.memory_space<vmem>>) dst(%dma_wait3A_168 : memref<32x1024xf32, #tpu.memory_space<hbm>>)
    %dma_start3A_169 = arith.constant 11264 : i32
    %dma_start3A_170 = tpu.memref_slice %arg3[%mul3A_2, %dma_start3A_169] : memref<1024x65536xf32, #tpu.memory_space<hbm>> -> memref<32x1024xf32, #tpu.memory_space<hbm>>
    %dma_start3A_171 = arith.constant 11264 : i32
    %dma_start3A_172 = tpu.memref_slice %arg3[%mul3A_2, %dma_start3A_171] : memref<1024x65536xf32, #tpu.memory_space<hbm>> -> memref<32x1024xf32, #tpu.memory_space<hbm>>
    tpu.enqueue_dma source(%dma_start3A_172 : memref<32x1024xf32, #tpu.memory_space<hbm>>) target(%arg6 : memref<32x1024xf32, #tpu.memory_space<vmem>>) target_semaphore(%arg8 : memref<!tpu.dma_semaphore, #tpu.memory_space<semaphore_mem>>)
    %dma_start3A_173 = arith.constant 10240 : i32
    %dma_start3A_174 = tpu.memref_slice %arg4[%mul3A_2, %dma_start3A_173] : memref<1024x65536xf32, #tpu.memory_space<hbm>> -> memref<32x1024xf32, #tpu.memory_space<hbm>>
    %dma_start3A_175 = arith.constant 10240 : i32
    %dma_start3A_176 = tpu.memref_slice %arg4[%mul3A_2, %dma_start3A_175] : memref<1024x65536xf32, #tpu.memory_space<hbm>> -> memref<32x1024xf32, #tpu.memory_space<hbm>>
    tpu.enqueue_dma source(%arg5 : memref<32x1024xf32, #tpu.memory_space<vmem>>) target(%dma_start3A_176 : memref<32x1024xf32, #tpu.memory_space<hbm>>) target_semaphore(%arg9 : memref<!tpu.dma_semaphore, #tpu.memory_space<semaphore_mem>>)
    %dma_wait3A_177 = arith.constant 11264 : i32
    %dma_wait3A_178 = tpu.memref_slice %arg3[%mul3A_2, %dma_wait3A_177] : memref<1024x65536xf32, #tpu.memory_space<hbm>> -> memref<32x1024xf32, #tpu.memory_space<hbm>>
    %dma_wait3A_179 = arith.constant 11264 : i32
    %dma_wait3A_180 = tpu.memref_slice %arg3[%mul3A_2, %dma_wait3A_179] : memref<1024x65536xf32, #tpu.memory_space<hbm>> -> memref<32x1024xf32, #tpu.memory_space<hbm>>
    tpu.wait_dma2 semaphore(%arg8 : memref<!tpu.dma_semaphore, #tpu.memory_space<semaphore_mem>>) src(%dma_wait3A_180 : memref<32x1024xf32, #tpu.memory_space<hbm>>) dst(%arg6 : memref<32x1024xf32, #tpu.memory_space<vmem>>)
    %dma_wait3A_181 = arith.constant 10240 : i32
    %dma_wait3A_182 = tpu.memref_slice %arg4[%mul3A_2, %dma_wait3A_181] : memref<1024x65536xf32, #tpu.memory_space<hbm>> -> memref<32x1024xf32, #tpu.memory_space<hbm>>
    %dma_wait3A_183 = arith.constant 10240 : i32
    %dma_wait3A_184 = tpu.memref_slice %arg4[%mul3A_2, %dma_wait3A_183] : memref<1024x65536xf32, #tpu.memory_space<hbm>> -> memref<32x1024xf32, #tpu.memory_space<hbm>>
    tpu.wait_dma2 semaphore(%arg9 : memref<!tpu.dma_semaphore, #tpu.memory_space<semaphore_mem>>) src(%arg5 : memref<32x1024xf32, #tpu.memory_space<vmem>>) dst(%dma_wait3A_184 : memref<32x1024xf32, #tpu.memory_space<hbm>>)
    %dma_start3A_185 = arith.constant 12288 : i32
    %dma_start3A_186 = tpu.memref_slice %arg3[%mul3A_2, %dma_start3A_185] : memref<1024x65536xf32, #tpu.memory_space<hbm>> -> memref<32x1024xf32, #tpu.memory_space<hbm>>
    %dma_start3A_187 = arith.constant 12288 : i32
    %dma_start3A_188 = tpu.memref_slice %arg3[%mul3A_2, %dma_start3A_187] : memref<1024x65536xf32, #tpu.memory_space<hbm>> -> memref<32x1024xf32, #tpu.memory_space<hbm>>
    tpu.enqueue_dma source(%dma_start3A_188 : memref<32x1024xf32, #tpu.memory_space<hbm>>) target(%arg5 : memref<32x1024xf32, #tpu.memory_space<vmem>>) target_semaphore(%arg7 : memref<!tpu.dma_semaphore, #tpu.memory_space<semaphore_mem>>)
    %dma_start3A_189 = arith.constant 11264 : i32
    %dma_start3A_190 = tpu.memref_slice %arg4[%mul3A_2, %dma_start3A_189] : memref<1024x65536xf32, #tpu.memory_space<hbm>> -> memref<32x1024xf32, #tpu.memory_space<hbm>>
    %dma_start3A_191 = arith.constant 11264 : i32
    %dma_start3A_192 = tpu.memref_slice %arg4[%mul3A_2, %dma_start3A_191] : memref<1024x65536xf32, #tpu.memory_space<hbm>> -> memref<32x1024xf32, #tpu.memory_space<hbm>>
    tpu.enqueue_dma source(%arg6 : memref<32x1024xf32, #tpu.memory_space<vmem>>) target(%dma_start3A_192 : memref<32x1024xf32, #tpu.memory_space<hbm>>) target_semaphore(%arg10 : memref<!tpu.dma_semaphore, #tpu.memory_space<semaphore_mem>>)
    %dma_wait3A_193 = arith.constant 12288 : i32
    %dma_wait3A_194 = tpu.memref_slice %arg3[%mul3A_2, %dma_wait3A_193] : memref<1024x65536xf32, #tpu.memory_space<hbm>> -> memref<32x1024xf32, #tpu.memory_space<hbm>>
    %dma_wait3A_195 = arith.constant 12288 : i32
    %dma_wait3A_196 = tpu.memref_slice %arg3[%mul3A_2, %dma_wait3A_195] : memref<1024x65536xf32, #tpu.memory_space<hbm>> -> memref<32x1024xf32, #tpu.memory_space<hbm>>
    tpu.wait_dma2 semaphore(%arg7 : memref<!tpu.dma_semaphore, #tpu.memory_space<semaphore_mem>>) src(%dma_wait3A_196 : memref<32x1024xf32, #tpu.memory_space<hbm>>) dst(%arg5 : memref<32x1024xf32, #tpu.memory_space<vmem>>)
    %dma_wait3A_197 = arith.constant 11264 : i32
    %dma_wait3A_198 = tpu.memref_slice %arg4[%mul3A_2, %dma_wait3A_197] : memref<1024x65536xf32, #tpu.memory_space<hbm>> -> memref<32x1024xf32, #tpu.memory_space<hbm>>
    %dma_wait3A_199 = arith.constant 11264 : i32
    %dma_wait3A_200 = tpu.memref_slice %arg4[%mul3A_2, %dma_wait3A_199] : memref<1024x65536xf32, #tpu.memory_space<hbm>> -> memref<32x1024xf32, #tpu.memory_space<hbm>>
    tpu.wait_dma2 semaphore(%arg10 : memref<!tpu.dma_semaphore, #tpu.memory_space<semaphore_mem>>) src(%arg6 : memref<32x1024xf32, #tpu.memory_space<vmem>>) dst(%dma_wait3A_200 : memref<32x1024xf32, #tpu.memory_space<hbm>>)
    %dma_start3A_201 = arith.constant 13312 : i32
    %dma_start3A_202 = tpu.memref_slice %arg3[%mul3A_2, %dma_start3A_201] : memref<1024x65536xf32, #tpu.memory_space<hbm>> -> memref<32x1024xf32, #tpu.memory_space<hbm>>
    %dma_start3A_203 = arith.constant 13312 : i32
    %dma_start3A_204 = tpu.memref_slice %arg3[%mul3A_2, %dma_start3A_203] : memref<1024x65536xf32, #tpu.memory_space<hbm>> -> memref<32x1024xf32, #tpu.memory_space<hbm>>
    tpu.enqueue_dma source(%dma_start3A_204 : memref<32x1024xf32, #tpu.memory_space<hbm>>) target(%arg6 : memref<32x1024xf32, #tpu.memory_space<vmem>>) target_semaphore(%arg8 : memref<!tpu.dma_semaphore, #tpu.memory_space<semaphore_mem>>)
    %dma_start3A_205 = arith.constant 12288 : i32
    %dma_start3A_206 = tpu.memref_slice %arg4[%mul3A_2, %dma_start3A_205] : memref<1024x65536xf32, #tpu.memory_space<hbm>> -> memref<32x1024xf32, #tpu.memory_space<hbm>>
    %dma_start3A_207 = arith.constant 12288 : i32
    %dma_start3A_208 = tpu.memref_slice %arg4[%mul3A_2, %dma_start3A_207] : memref<1024x65536xf32, #tpu.memory_space<hbm>> -> memref<32x1024xf32, #tpu.memory_space<hbm>>
    tpu.enqueue_dma source(%arg5 : memref<32x1024xf32, #tpu.memory_space<vmem>>) target(%dma_start3A_208 : memref<32x1024xf32, #tpu.memory_space<hbm>>) target_semaphore(%arg9 : memref<!tpu.dma_semaphore, #tpu.memory_space<semaphore_mem>>)
    %dma_wait3A_209 = arith.constant 13312 : i32
    %dma_wait3A_210 = tpu.memref_slice %arg3[%mul3A_2, %dma_wait3A_209] : memref<1024x65536xf32, #tpu.memory_space<hbm>> -> memref<32x1024xf32, #tpu.memory_space<hbm>>
    %dma_wait3A_211 = arith.constant 13312 : i32
    %dma_wait3A_212 = tpu.memref_slice %arg3[%mul3A_2, %dma_wait3A_211] : memref<1024x65536xf32, #tpu.memory_space<hbm>> -> memref<32x1024xf32, #tpu.memory_space<hbm>>
    tpu.wait_dma2 semaphore(%arg8 : memref<!tpu.dma_semaphore, #tpu.memory_space<semaphore_mem>>) src(%dma_wait3A_212 : memref<32x1024xf32, #tpu.memory_space<hbm>>) dst(%arg6 : memref<32x1024xf32, #tpu.memory_space<vmem>>)
    %dma_wait3A_213 = arith.constant 12288 : i32
    %dma_wait3A_214 = tpu.memref_slice %arg4[%mul3A_2, %dma_wait3A_213] : memref<1024x65536xf32, #tpu.memory_space<hbm>> -> memref<32x1024xf32, #tpu.memory_space<hbm>>
    %dma_wait3A_215 = arith.constant 12288 : i32
    %dma_wait3A_216 = tpu.memref_slice %arg4[%mul3A_2, %dma_wait3A_215] : memref<1024x65536xf32, #tpu.memory_space<hbm>> -> memref<32x1024xf32, #tpu.memory_space<hbm>>
    tpu.wait_dma2 semaphore(%arg9 : memref<!tpu.dma_semaphore, #tpu.memory_space<semaphore_mem>>) src(%arg5 : memref<32x1024xf32, #tpu.memory_space<vmem>>) dst(%dma_wait3A_216 : memref<32x1024xf32, #tpu.memory_space<hbm>>)
    %dma_start3A_217 = arith.constant 14336 : i32
    %dma_start3A_218 = tpu.memref_slice %arg3[%mul3A_2, %dma_start3A_217] : memref<1024x65536xf32, #tpu.memory_space<hbm>> -> memref<32x1024xf32, #tpu.memory_space<hbm>>
    %dma_start3A_219 = arith.constant 14336 : i32
    %dma_start3A_220 = tpu.memref_slice %arg3[%mul3A_2, %dma_start3A_219] : memref<1024x65536xf32, #tpu.memory_space<hbm>> -> memref<32x1024xf32, #tpu.memory_space<hbm>>
    tpu.enqueue_dma source(%dma_start3A_220 : memref<32x1024xf32, #tpu.memory_space<hbm>>) target(%arg5 : memref<32x1024xf32, #tpu.memory_space<vmem>>) target_semaphore(%arg7 : memref<!tpu.dma_semaphore, #tpu.memory_space<semaphore_mem>>)
    %dma_start3A_221 = arith.constant 13312 : i32
    %dma_start3A_222 = tpu.memref_slice %arg4[%mul3A_2, %dma_start3A_221] : memref<1024x65536xf32, #tpu.memory_space<hbm>> -> memref<32x1024xf32, #tpu.memory_space<hbm>>
    %dma_start3A_223 = arith.constant 13312 : i32
    %dma_start3A_224 = tpu.memref_slice %arg4[%mul3A_2, %dma_start3A_223] : memref<1024x65536xf32, #tpu.memory_space<hbm>> -> memref<32x1024xf32, #tpu.memory_space<hbm>>
    tpu.enqueue_dma source(%arg6 : memref<32x1024xf32, #tpu.memory_space<vmem>>) target(%dma_start3A_224 : memref<32x1024xf32, #tpu.memory_space<hbm>>) target_semaphore(%arg10 : memref<!tpu.dma_semaphore, #tpu.memory_space<semaphore_mem>>)
    %dma_wait3A_225 = arith.constant 14336 : i32
    %dma_wait3A_226 = tpu.memref_slice %arg3[%mul3A_2, %dma_wait3A_225] : memref<1024x65536xf32, #tpu.memory_space<hbm>> -> memref<32x1024xf32, #tpu.memory_space<hbm>>
    %dma_wait3A_227 = arith.constant 14336 : i32
    %dma_wait3A_228 = tpu.memref_slice %arg3[%mul3A_2, %dma_wait3A_227] : memref<1024x65536xf32, #tpu.memory_space<hbm>> -> memref<32x1024xf32, #tpu.memory_space<hbm>>
    tpu.wait_dma2 semaphore(%arg7 : memref<!tpu.dma_semaphore, #tpu.memory_space<semaphore_mem>>) src(%dma_wait3A_228 : memref<32x1024xf32, #tpu.memory_space<hbm>>) dst(%arg5 : memref<32x1024xf32, #tpu.memory_space<vmem>>)
    %dma_wait3A_229 = arith.constant 13312 : i32
    %dma_wait3A_230 = tpu.memref_slice %arg4[%mul3A_2, %dma_wait3A_229] : memref<1024x65536xf32, #tpu.memory_space<hbm>> -> memref<32x1024xf32, #tpu.memory_space<hbm>>
    %dma_wait3A_231 = arith.constant 13312 : i32
    %dma_wait3A_232 = tpu.memref_slice %arg4[%mul3A_2, %dma_wait3A_231] : memref<1024x65536xf32, #tpu.memory_space<hbm>> -> memref<32x1024xf32, #tpu.memory_space<hbm>>
    tpu.wait_dma2 semaphore(%arg10 : memref<!tpu.dma_semaphore, #tpu.memory_space<semaphore_mem>>) src(%arg6 : memref<32x1024xf32, #tpu.memory_space<vmem>>) dst(%dma_wait3A_232 : memref<32x1024xf32, #tpu.memory_space<hbm>>)
    %dma_start3A_233 = arith.constant 15360 : i32
    %dma_start3A_234 = tpu.memref_slice %arg3[%mul3A_2, %dma_start3A_233] : memref<1024x65536xf32, #tpu.memory_space<hbm>> -> memref<32x1024xf32, #tpu.memory_space<hbm>>
    %dma_start3A_235 = arith.constant 15360 : i32
    %dma_start3A_236 = tpu.memref_slice %arg3[%mul3A_2, %dma_start3A_235] : memref<1024x65536xf32, #tpu.memory_space<hbm>> -> memref<32x1024xf32, #tpu.memory_space<hbm>>
    tpu.enqueue_dma source(%dma_start3A_236 : memref<32x1024xf32, #tpu.memory_space<hbm>>) target(%arg6 : memref<32x1024xf32, #tpu.memory_space<vmem>>) target_semaphore(%arg8 : memref<!tpu.dma_semaphore, #tpu.memory_space<semaphore_mem>>)
    %dma_start3A_237 = arith.constant 14336 : i32
    %dma_start3A_238 = tpu.memref_slice %arg4[%mul3A_2, %dma_start3A_237] : memref<1024x65536xf32, #tpu.memory_space<hbm>> -> memref<32x1024xf32, #tpu.memory_space<hbm>>
    %dma_start3A_239 = arith.constant 14336 : i32
    %dma_start3A_240 = tpu.memref_slice %arg4[%mul3A_2, %dma_start3A_239] : memref<1024x65536xf32, #tpu.memory_space<hbm>> -> memref<32x1024xf32, #tpu.memory_space<hbm>>
    tpu.enqueue_dma source(%arg5 : memref<32x1024xf32, #tpu.memory_space<vmem>>) target(%dma_start3A_240 : memref<32x1024xf32, #tpu.memory_space<hbm>>) target_semaphore(%arg9 : memref<!tpu.dma_semaphore, #tpu.memory_space<semaphore_mem>>)
    %dma_wait3A_241 = arith.constant 15360 : i32
    %dma_wait3A_242 = tpu.memref_slice %arg3[%mul3A_2, %dma_wait3A_241] : memref<1024x65536xf32, #tpu.memory_space<hbm>> -> memref<32x1024xf32, #tpu.memory_space<hbm>>
    %dma_wait3A_243 = arith.constant 15360 : i32
    %dma_wait3A_244 = tpu.memref_slice %arg3[%mul3A_2, %dma_wait3A_243] : memref<1024x65536xf32, #tpu.memory_space<hbm>> -> memref<32x1024xf32, #tpu.memory_space<hbm>>
    tpu.wait_dma2 semaphore(%arg8 : memref<!tpu.dma_semaphore, #tpu.memory_space<semaphore_mem>>) src(%dma_wait3A_244 : memref<32x1024xf32, #tpu.memory_space<hbm>>) dst(%arg6 : memref<32x1024xf32, #tpu.memory_space<vmem>>)
    %dma_wait3A_245 = arith.constant 14336 : i32
    %dma_wait3A_246 = tpu.memref_slice %arg4[%mul3A_2, %dma_wait3A_245] : memref<1024x65536xf32, #tpu.memory_space<hbm>> -> memref<32x1024xf32, #tpu.memory_space<hbm>>
    %dma_wait3A_247 = arith.constant 14336 : i32
    %dma_wait3A_248 = tpu.memref_slice %arg4[%mul3A_2, %dma_wait3A_247] : memref<1024x65536xf32, #tpu.memory_space<hbm>> -> memref<32x1024xf32, #tpu.memory_space<hbm>>
    tpu.wait_dma2 semaphore(%arg9 : memref<!tpu.dma_semaphore, #tpu.memory_space<semaphore_mem>>) src(%arg5 : memref<32x1024xf32, #tpu.memory_space<vmem>>) dst(%dma_wait3A_248 : memref<32x1024xf32, #tpu.memory_space<hbm>>)
    %dma_start3A_249 = arith.constant 16384 : i32
    %dma_start3A_250 = tpu.memref_slice %arg3[%mul3A_2, %dma_start3A_249] : memref<1024x65536xf32, #tpu.memory_space<hbm>> -> memref<32x1024xf32, #tpu.memory_space<hbm>>
    %dma_start3A_251 = arith.constant 16384 : i32
    %dma_start3A_252 = tpu.memref_slice %arg3[%mul3A_2, %dma_start3A_251] : memref<1024x65536xf32, #tpu.memory_space<hbm>> -> memref<32x1024xf32, #tpu.memory_space<hbm>>
    tpu.enqueue_dma source(%dma_start3A_252 : memref<32x1024xf32, #tpu.memory_space<hbm>>) target(%arg5 : memref<32x1024xf32, #tpu.memory_space<vmem>>) target_semaphore(%arg7 : memref<!tpu.dma_semaphore, #tpu.memory_space<semaphore_mem>>)
    %dma_start3A_253 = arith.constant 15360 : i32
    %dma_start3A_254 = tpu.memref_slice %arg4[%mul3A_2, %dma_start3A_253] : memref<1024x65536xf32, #tpu.memory_space<hbm>> -> memref<32x1024xf32, #tpu.memory_space<hbm>>
    %dma_start3A_255 = arith.constant 15360 : i32
    %dma_start3A_256 = tpu.memref_slice %arg4[%mul3A_2, %dma_start3A_255] : memref<1024x65536xf32, #tpu.memory_space<hbm>> -> memref<32x1024xf32, #tpu.memory_space<hbm>>
    tpu.enqueue_dma source(%arg6 : memref<32x1024xf32, #tpu.memory_space<vmem>>) target(%dma_start3A_256 : memref<32x1024xf32, #tpu.memory_space<hbm>>) target_semaphore(%arg10 : memref<!tpu.dma_semaphore, #tpu.memory_space<semaphore_mem>>)
    %dma_wait3A_257 = arith.constant 16384 : i32
    %dma_wait3A_258 = tpu.memref_slice %arg3[%mul3A_2, %dma_wait3A_257] : memref<1024x65536xf32, #tpu.memory_space<hbm>> -> memref<32x1024xf32, #tpu.memory_space<hbm>>
    %dma_wait3A_259 = arith.constant 16384 : i32
    %dma_wait3A_260 = tpu.memref_slice %arg3[%mul3A_2, %dma_wait3A_259] : memref<1024x65536xf32, #tpu.memory_space<hbm>> -> memref<32x1024xf32, #tpu.memory_space<hbm>>
    tpu.wait_dma2 semaphore(%arg7 : memref<!tpu.dma_semaphore, #tpu.memory_space<semaphore_mem>>) src(%dma_wait3A_260 : memref<32x1024xf32, #tpu.memory_space<hbm>>) dst(%arg5 : memref<32x1024xf32, #tpu.memory_space<vmem>>)
    %dma_wait3A_261 = arith.constant 15360 : i32
    %dma_wait3A_262 = tpu.memref_slice %arg4[%mul3A_2, %dma_wait3A_261] : memref<1024x65536xf32, #tpu.memory_space<hbm>> -> memref<32x1024xf32, #tpu.memory_space<hbm>>
    %dma_wait3A_263 = arith.constant 15360 : i32
    %dma_wait3A_264 = tpu.memref_slice %arg4[%mul3A_2, %dma_wait3A_263] : memref<1024x65536xf32, #tpu.memory_space<hbm>> -> memref<32x1024xf32, #tpu.memory_space<hbm>>
    tpu.wait_dma2 semaphore(%arg10 : memref<!tpu.dma_semaphore, #tpu.memory_space<semaphore_mem>>) src(%arg6 : memref<32x1024xf32, #tpu.memory_space<vmem>>) dst(%dma_wait3A_264 : memref<32x1024xf32, #tpu.memory_space<hbm>>)
    %dma_start3A_265 = arith.constant 17408 : i32
    %dma_start3A_266 = tpu.memref_slice %arg3[%mul3A_2, %dma_start3A_265] : memref<1024x65536xf32, #tpu.memory_space<hbm>> -> memref<32x1024xf32, #tpu.memory_space<hbm>>
    %dma_start3A_267 = arith.constant 17408 : i32
    %dma_start3A_268 = tpu.memref_slice %arg3[%mul3A_2, %dma_start3A_267] : memref<1024x65536xf32, #tpu.memory_space<hbm>> -> memref<32x1024xf32, #tpu.memory_space<hbm>>
    tpu.enqueue_dma source(%dma_start3A_268 : memref<32x1024xf32, #tpu.memory_space<hbm>>) target(%arg6 : memref<32x1024xf32, #tpu.memory_space<vmem>>) target_semaphore(%arg8 : memref<!tpu.dma_semaphore, #tpu.memory_space<semaphore_mem>>)
    %dma_start3A_269 = arith.constant 16384 : i32
    %dma_start3A_270 = tpu.memref_slice %arg4[%mul3A_2, %dma_start3A_269] : memref<1024x65536xf32, #tpu.memory_space<hbm>> -> memref<32x1024xf32, #tpu.memory_space<hbm>>
    %dma_start3A_271 = arith.constant 16384 : i32
    %dma_start3A_272 = tpu.memref_slice %arg4[%mul3A_2, %dma_start3A_271] : memref<1024x65536xf32, #tpu.memory_space<hbm>> -> memref<32x1024xf32, #tpu.memory_space<hbm>>
    tpu.enqueue_dma source(%arg5 : memref<32x1024xf32, #tpu.memory_space<vmem>>) target(%dma_start3A_272 : memref<32x1024xf32, #tpu.memory_space<hbm>>) target_semaphore(%arg9 : memref<!tpu.dma_semaphore, #tpu.memory_space<semaphore_mem>>)
    %dma_wait3A_273 = arith.constant 17408 : i32
    %dma_wait3A_274 = tpu.memref_slice %arg3[%mul3A_2, %dma_wait3A_273] : memref<1024x65536xf32, #tpu.memory_space<hbm>> -> memref<32x1024xf32, #tpu.memory_space<hbm>>
    %dma_wait3A_275 = arith.constant 17408 : i32
    %dma_wait3A_276 = tpu.memref_slice %arg3[%mul3A_2, %dma_wait3A_275] : memref<1024x65536xf32, #tpu.memory_space<hbm>> -> memref<32x1024xf32, #tpu.memory_space<hbm>>
    tpu.wait_dma2 semaphore(%arg8 : memref<!tpu.dma_semaphore, #tpu.memory_space<semaphore_mem>>) src(%dma_wait3A_276 : memref<32x1024xf32, #tpu.memory_space<hbm>>) dst(%arg6 : memref<32x1024xf32, #tpu.memory_space<vmem>>)
    %dma_wait3A_277 = arith.constant 16384 : i32
    %dma_wait3A_278 = tpu.memref_slice %arg4[%mul3A_2, %dma_wait3A_277] : memref<1024x65536xf32, #tpu.memory_space<hbm>> -> memref<32x1024xf32, #tpu.memory_space<hbm>>
    %dma_wait3A_279 = arith.constant 16384 : i32
    %dma_wait3A_280 = tpu.memref_slice %arg4[%mul3A_2, %dma_wait3A_279] : memref<1024x65536xf32, #tpu.memory_space<hbm>> -> memref<32x1024xf32, #tpu.memory_space<hbm>>
    tpu.wait_dma2 semaphore(%arg9 : memref<!tpu.dma_semaphore, #tpu.memory_space<semaphore_mem>>) src(%arg5 : memref<32x1024xf32, #tpu.memory_space<vmem>>) dst(%dma_wait3A_280 : memref<32x1024xf32, #tpu.memory_space<hbm>>)
    %dma_start3A_281 = arith.constant 18432 : i32
    %dma_start3A_282 = tpu.memref_slice %arg3[%mul3A_2, %dma_start3A_281] : memref<1024x65536xf32, #tpu.memory_space<hbm>> -> memref<32x1024xf32, #tpu.memory_space<hbm>>
    %dma_start3A_283 = arith.constant 18432 : i32
    %dma_start3A_284 = tpu.memref_slice %arg3[%mul3A_2, %dma_start3A_283] : memref<1024x65536xf32, #tpu.memory_space<hbm>> -> memref<32x1024xf32, #tpu.memory_space<hbm>>
    tpu.enqueue_dma source(%dma_start3A_284 : memref<32x1024xf32, #tpu.memory_space<hbm>>) target(%arg5 : memref<32x1024xf32, #tpu.memory_space<vmem>>) target_semaphore(%arg7 : memref<!tpu.dma_semaphore, #tpu.memory_space<semaphore_mem>>)
    %dma_start3A_285 = arith.constant 17408 : i32
    %dma_start3A_286 = tpu.memref_slice %arg4[%mul3A_2, %dma_start3A_285] : memref<1024x65536xf32, #tpu.memory_space<hbm>> -> memref<32x1024xf32, #tpu.memory_space<hbm>>
    %dma_start3A_287 = arith.constant 17408 : i32
    %dma_start3A_288 = tpu.memref_slice %arg4[%mul3A_2, %dma_start3A_287] : memref<1024x65536xf32, #tpu.memory_space<hbm>> -> memref<32x1024xf32, #tpu.memory_space<hbm>>
    tpu.enqueue_dma source(%arg6 : memref<32x1024xf32, #tpu.memory_space<vmem>>) target(%dma_start3A_288 : memref<32x1024xf32, #tpu.memory_space<hbm>>) target_semaphore(%arg10 : memref<!tpu.dma_semaphore, #tpu.memory_space<semaphore_mem>>)
    %dma_wait3A_289 = arith.constant 18432 : i32
    %dma_wait3A_290 = tpu.memref_slice %arg3[%mul3A_2, %dma_wait3A_289] : memref<1024x65536xf32, #tpu.memory_space<hbm>> -> memref<32x1024xf32, #tpu.memory_space<hbm>>
    %dma_wait3A_291 = arith.constant 18432 : i32
    %dma_wait3A_292 = tpu.memref_slice %arg3[%mul3A_2, %dma_wait3A_291] : memref<1024x65536xf32, #tpu.memory_space<hbm>> -> memref<32x1024xf32, #tpu.memory_space<hbm>>
    tpu.wait_dma2 semaphore(%arg7 : memref<!tpu.dma_semaphore, #tpu.memory_space<semaphore_mem>>) src(%dma_wait3A_292 : memref<32x1024xf32, #tpu.memory_space<hbm>>) dst(%arg5 : memref<32x1024xf32, #tpu.memory_space<vmem>>)
    %dma_wait3A_293 = arith.constant 17408 : i32
    %dma_wait3A_294 = tpu.memref_slice %arg4[%mul3A_2, %dma_wait3A_293] : memref<1024x65536xf32, #tpu.memory_space<hbm>> -> memref<32x1024xf32, #tpu.memory_space<hbm>>
    %dma_wait3A_295 = arith.constant 17408 : i32
    %dma_wait3A_296 = tpu.memref_slice %arg4[%mul3A_2, %dma_wait3A_295] : memref<1024x65536xf32, #tpu.memory_space<hbm>> -> memref<32x1024xf32, #tpu.memory_space<hbm>>
    tpu.wait_dma2 semaphore(%arg10 : memref<!tpu.dma_semaphore, #tpu.memory_space<semaphore_mem>>) src(%arg6 : memref<32x1024xf32, #tpu.memory_space<vmem>>) dst(%dma_wait3A_296 : memref<32x1024xf32, #tpu.memory_space<hbm>>)
    %dma_start3A_297 = arith.constant 19456 : i32
    %dma_start3A_298 = tpu.memref_slice %arg3[%mul3A_2, %dma_start3A_297] : memref<1024x65536xf32, #tpu.memory_space<hbm>> -> memref<32x1024xf32, #tpu.memory_space<hbm>>
    %dma_start3A_299 = arith.constant 19456 : i32
    %dma_start3A_300 = tpu.memref_slice %arg3[%mul3A_2, %dma_start3A_299] : memref<1024x65536xf32, #tpu.memory_space<hbm>> -> memref<32x1024xf32, #tpu.memory_space<hbm>>
    tpu.enqueue_dma source(%dma_start3A_300 : memref<32x1024xf32, #tpu.memory_space<hbm>>) target(%arg6 : memref<32x1024xf32, #tpu.memory_space<vmem>>) target_semaphore(%arg8 : memref<!tpu.dma_semaphore, #tpu.memory_space<semaphore_mem>>)
    %dma_start3A_301 = arith.constant 18432 : i32
    %dma_start3A_302 = tpu.memref_slice %arg4[%mul3A_2, %dma_start3A_301] : memref<1024x65536xf32, #tpu.memory_space<hbm>> -> memref<32x1024xf32, #tpu.memory_space<hbm>>
    %dma_start3A_303 = arith.constant 18432 : i32
    %dma_start3A_304 = tpu.memref_slice %arg4[%mul3A_2, %dma_start3A_303] : memref<1024x65536xf32, #tpu.memory_space<hbm>> -> memref<32x1024xf32, #tpu.memory_space<hbm>>
    tpu.enqueue_dma source(%arg5 : memref<32x1024xf32, #tpu.memory_space<vmem>>) target(%dma_start3A_304 : memref<32x1024xf32, #tpu.memory_space<hbm>>) target_semaphore(%arg9 : memref<!tpu.dma_semaphore, #tpu.memory_space<semaphore_mem>>)
    %dma_wait3A_305 = arith.constant 19456 : i32
    %dma_wait3A_306 = tpu.memref_slice %arg3[%mul3A_2, %dma_wait3A_305] : memref<1024x65536xf32, #tpu.memory_space<hbm>> -> memref<32x1024xf32, #tpu.memory_space<hbm>>
    %dma_wait3A_307 = arith.constant 19456 : i32
    %dma_wait3A_308 = tpu.memref_slice %arg3[%mul3A_2, %dma_wait3A_307] : memref<1024x65536xf32, #tpu.memory_space<hbm>> -> memref<32x1024xf32, #tpu.memory_space<hbm>>
    tpu.wait_dma2 semaphore(%arg8 : memref<!tpu.dma_semaphore, #tpu.memory_space<semaphore_mem>>) src(%dma_wait3A_308 : memref<32x1024xf32, #tpu.memory_space<hbm>>) dst(%arg6 : memref<32x1024xf32, #tpu.memory_space<vmem>>)
    %dma_wait3A_309 = arith.constant 18432 : i32
    %dma_wait3A_310 = tpu.memref_slice %arg4[%mul3A_2, %dma_wait3A_309] : memref<1024x65536xf32, #tpu.memory_space<hbm>> -> memref<32x1024xf32, #tpu.memory_space<hbm>>
    %dma_wait3A_311 = arith.constant 18432 : i32
    %dma_wait3A_312 = tpu.memref_slice %arg4[%mul3A_2, %dma_wait3A_311] : memref<1024x65536xf32, #tpu.memory_space<hbm>> -> memref<32x1024xf32, #tpu.memory_space<hbm>>
    tpu.wait_dma2 semaphore(%arg9 : memref<!tpu.dma_semaphore, #tpu.memory_space<semaphore_mem>>) src(%arg5 : memref<32x1024xf32, #tpu.memory_space<vmem>>) dst(%dma_wait3A_312 : memref<32x1024xf32, #tpu.memory_space<hbm>>)
    %dma_start3A_313 = arith.constant 20480 : i32
    %dma_start3A_314 = tpu.memref_slice %arg3[%mul3A_2, %dma_start3A_313] : memref<1024x65536xf32, #tpu.memory_space<hbm>> -> memref<32x1024xf32, #tpu.memory_space<hbm>>
    %dma_start3A_315 = arith.constant 20480 : i32
    %dma_start3A_316 = tpu.memref_slice %arg3[%mul3A_2, %dma_start3A_315] : memref<1024x65536xf32, #tpu.memory_space<hbm>> -> memref<32x1024xf32, #tpu.memory_space<hbm>>
    tpu.enqueue_dma source(%dma_start3A_316 : memref<32x1024xf32, #tpu.memory_space<hbm>>) target(%arg5 : memref<32x1024xf32, #tpu.memory_space<vmem>>) target_semaphore(%arg7 : memref<!tpu.dma_semaphore, #tpu.memory_space<semaphore_mem>>)
    %dma_start3A_317 = arith.constant 19456 : i32
    %dma_start3A_318 = tpu.memref_slice %arg4[%mul3A_2, %dma_start3A_317] : memref<1024x65536xf32, #tpu.memory_space<hbm>> -> memref<32x1024xf32, #tpu.memory_space<hbm>>
    %dma_start3A_319 = arith.constant 19456 : i32
    %dma_start3A_320 = tpu.memref_slice %arg4[%mul3A_2, %dma_start3A_319] : memref<1024x65536xf32, #tpu.memory_space<hbm>> -> memref<32x1024xf32, #tpu.memory_space<hbm>>
    tpu.enqueue_dma source(%arg6 : memref<32x1024xf32, #tpu.memory_space<vmem>>) target(%dma_start3A_320 : memref<32x1024xf32, #tpu.memory_space<hbm>>) target_semaphore(%arg10 : memref<!tpu.dma_semaphore, #tpu.memory_space<semaphore_mem>>)
    %dma_wait3A_321 = arith.constant 20480 : i32
    %dma_wait3A_322 = tpu.memref_slice %arg3[%mul3A_2, %dma_wait3A_321] : memref<1024x65536xf32, #tpu.memory_space<hbm>> -> memref<32x1024xf32, #tpu.memory_space<hbm>>
    %dma_wait3A_323 = arith.constant 20480 : i32
    %dma_wait3A_324 = tpu.memref_slice %arg3[%mul3A_2, %dma_wait3A_323] : memref<1024x65536xf32, #tpu.memory_space<hbm>> -> memref<32x1024xf32, #tpu.memory_space<hbm>>
    tpu.wait_dma2 semaphore(%arg7 : memref<!tpu.dma_semaphore, #tpu.memory_space<semaphore_mem>>) src(%dma_wait3A_324 : memref<32x1024xf32, #tpu.memory_space<hbm>>) dst(%arg5 : memref<32x1024xf32, #tpu.memory_space<vmem>>)
    %dma_wait3A_325 = arith.constant 19456 : i32
    %dma_wait3A_326 = tpu.memref_slice %arg4[%mul3A_2, %dma_wait3A_325] : memref<1024x65536xf32, #tpu.memory_space<hbm>> -> memref<32x1024xf32, #tpu.memory_space<hbm>>
    %dma_wait3A_327 = arith.constant 19456 : i32
    %dma_wait3A_328 = tpu.memref_slice %arg4[%mul3A_2, %dma_wait3A_327] : memref<1024x65536xf32, #tpu.memory_space<hbm>> -> memref<32x1024xf32, #tpu.memory_space<hbm>>
    tpu.wait_dma2 semaphore(%arg10 : memref<!tpu.dma_semaphore, #tpu.memory_space<semaphore_mem>>) src(%arg6 : memref<32x1024xf32, #tpu.memory_space<vmem>>) dst(%dma_wait3A_328 : memref<32x1024xf32, #tpu.memory_space<hbm>>)
    %dma_start3A_329 = arith.constant 21504 : i32
    %dma_start3A_330 = tpu.memref_slice %arg3[%mul3A_2, %dma_start3A_329] : memref<1024x65536xf32, #tpu.memory_space<hbm>> -> memref<32x1024xf32, #tpu.memory_space<hbm>>
    %dma_start3A_331 = arith.constant 21504 : i32
    %dma_start3A_332 = tpu.memref_slice %arg3[%mul3A_2, %dma_start3A_331] : memref<1024x65536xf32, #tpu.memory_space<hbm>> -> memref<32x1024xf32, #tpu.memory_space<hbm>>
    tpu.enqueue_dma source(%dma_start3A_332 : memref<32x1024xf32, #tpu.memory_space<hbm>>) target(%arg6 : memref<32x1024xf32, #tpu.memory_space<vmem>>) target_semaphore(%arg8 : memref<!tpu.dma_semaphore, #tpu.memory_space<semaphore_mem>>)
    %dma_start3A_333 = arith.constant 20480 : i32
    %dma_start3A_334 = tpu.memref_slice %arg4[%mul3A_2, %dma_start3A_333] : memref<1024x65536xf32, #tpu.memory_space<hbm>> -> memref<32x1024xf32, #tpu.memory_space<hbm>>
    %dma_start3A_335 = arith.constant 20480 : i32
    %dma_start3A_336 = tpu.memref_slice %arg4[%mul3A_2, %dma_start3A_335] : memref<1024x65536xf32, #tpu.memory_space<hbm>> -> memref<32x1024xf32, #tpu.memory_space<hbm>>
    tpu.enqueue_dma source(%arg5 : memref<32x1024xf32, #tpu.memory_space<vmem>>) target(%dma_start3A_336 : memref<32x1024xf32, #tpu.memory_space<hbm>>) target_semaphore(%arg9 : memref<!tpu.dma_semaphore, #tpu.memory_space<semaphore_mem>>)
    %dma_wait3A_337 = arith.constant 21504 : i32
    %dma_wait3A_338 = tpu.memref_slice %arg3[%mul3A_2, %dma_wait3A_337] : memref<1024x65536xf32, #tpu.memory_space<hbm>> -> memref<32x1024xf32, #tpu.memory_space<hbm>>
    %dma_wait3A_339 = arith.constant 21504 : i32
    %dma_wait3A_340 = tpu.memref_slice %arg3[%mul3A_2, %dma_wait3A_339] : memref<1024x65536xf32, #tpu.memory_space<hbm>> -> memref<32x1024xf32, #tpu.memory_space<hbm>>
    tpu.wait_dma2 semaphore(%arg8 : memref<!tpu.dma_semaphore, #tpu.memory_space<semaphore_mem>>) src(%dma_wait3A_340 : memref<32x1024xf32, #tpu.memory_space<hbm>>) dst(%arg6 : memref<32x1024xf32, #tpu.memory_space<vmem>>)
    %dma_wait3A_341 = arith.constant 20480 : i32
    %dma_wait3A_342 = tpu.memref_slice %arg4[%mul3A_2, %dma_wait3A_341] : memref<1024x65536xf32, #tpu.memory_space<hbm>> -> memref<32x1024xf32, #tpu.memory_space<hbm>>
    %dma_wait3A_343 = arith.constant 20480 : i32
    %dma_wait3A_344 = tpu.memref_slice %arg4[%mul3A_2, %dma_wait3A_343] : memref<1024x65536xf32, #tpu.memory_space<hbm>> -> memref<32x1024xf32, #tpu.memory_space<hbm>>
    tpu.wait_dma2 semaphore(%arg9 : memref<!tpu.dma_semaphore, #tpu.memory_space<semaphore_mem>>) src(%arg5 : memref<32x1024xf32, #tpu.memory_space<vmem>>) dst(%dma_wait3A_344 : memref<32x1024xf32, #tpu.memory_space<hbm>>)
    %dma_start3A_345 = arith.constant 22528 : i32
    %dma_start3A_346 = tpu.memref_slice %arg3[%mul3A_2, %dma_start3A_345] : memref<1024x65536xf32, #tpu.memory_space<hbm>> -> memref<32x1024xf32, #tpu.memory_space<hbm>>
    %dma_start3A_347 = arith.constant 22528 : i32
    %dma_start3A_348 = tpu.memref_slice %arg3[%mul3A_2, %dma_start3A_347] : memref<1024x65536xf32, #tpu.memory_space<hbm>> -> memref<32x1024xf32, #tpu.memory_space<hbm>>
    tpu.enqueue_dma source(%dma_start3A_348 : memref<32x1024xf32, #tpu.memory_space<hbm>>) target(%arg5 : memref<32x1024xf32, #tpu.memory_space<vmem>>) target_semaphore(%arg7 : memref<!tpu.dma_semaphore, #tpu.memory_space<semaphore_mem>>)
    %dma_start3A_349 = arith.constant 21504 : i32
    %dma_start3A_350 = tpu.memref_slice %arg4[%mul3A_2, %dma_start3A_349] : memref<1024x65536xf32, #tpu.memory_space<hbm>> -> memref<32x1024xf32, #tpu.memory_space<hbm>>
    %dma_start3A_351 = arith.constant 21504 : i32
    %dma_start3A_352 = tpu.memref_slice %arg4[%mul3A_2, %dma_start3A_351] : memref<1024x65536xf32, #tpu.memory_space<hbm>> -> memref<32x1024xf32, #tpu.memory_space<hbm>>
    tpu.enqueue_dma source(%arg6 : memref<32x1024xf32, #tpu.memory_space<vmem>>) target(%dma_start3A_352 : memref<32x1024xf32, #tpu.memory_space<hbm>>) target_semaphore(%arg10 : memref<!tpu.dma_semaphore, #tpu.memory_space<semaphore_mem>>)
    %dma_wait3A_353 = arith.constant 22528 : i32
    %dma_wait3A_354 = tpu.memref_slice %arg3[%mul3A_2, %dma_wait3A_353] : memref<1024x65536xf32, #tpu.memory_space<hbm>> -> memref<32x1024xf32, #tpu.memory_space<hbm>>
    %dma_wait3A_355 = arith.constant 22528 : i32
    %dma_wait3A_356 = tpu.memref_slice %arg3[%mul3A_2, %dma_wait3A_355] : memref<1024x65536xf32, #tpu.memory_space<hbm>> -> memref<32x1024xf32, #tpu.memory_space<hbm>>
    tpu.wait_dma2 semaphore(%arg7 : memref<!tpu.dma_semaphore, #tpu.memory_space<semaphore_mem>>) src(%dma_wait3A_356 : memref<32x1024xf32, #tpu.memory_space<hbm>>) dst(%arg5 : memref<32x1024xf32, #tpu.memory_space<vmem>>)
    %dma_wait3A_357 = arith.constant 21504 : i32
    %dma_wait3A_358 = tpu.memref_slice %arg4[%mul3A_2, %dma_wait3A_357] : memref<1024x65536xf32, #tpu.memory_space<hbm>> -> memref<32x1024xf32, #tpu.memory_space<hbm>>
    %dma_wait3A_359 = arith.constant 21504 : i32
    %dma_wait3A_360 = tpu.memref_slice %arg4[%mul3A_2, %dma_wait3A_359] : memref<1024x65536xf32, #tpu.memory_space<hbm>> -> memref<32x1024xf32, #tpu.memory_space<hbm>>
    tpu.wait_dma2 semaphore(%arg10 : memref<!tpu.dma_semaphore, #tpu.memory_space<semaphore_mem>>) src(%arg6 : memref<32x1024xf32, #tpu.memory_space<vmem>>) dst(%dma_wait3A_360 : memref<32x1024xf32, #tpu.memory_space<hbm>>)
    %dma_start3A_361 = arith.constant 23552 : i32
    %dma_start3A_362 = tpu.memref_slice %arg3[%mul3A_2, %dma_start3A_361] : memref<1024x65536xf32, #tpu.memory_space<hbm>> -> memref<32x1024xf32, #tpu.memory_space<hbm>>
    %dma_start3A_363 = arith.constant 23552 : i32
    %dma_start3A_364 = tpu.memref_slice %arg3[%mul3A_2, %dma_start3A_363] : memref<1024x65536xf32, #tpu.memory_space<hbm>> -> memref<32x1024xf32, #tpu.memory_space<hbm>>
    tpu.enqueue_dma source(%dma_start3A_364 : memref<32x1024xf32, #tpu.memory_space<hbm>>) target(%arg6 : memref<32x1024xf32, #tpu.memory_space<vmem>>) target_semaphore(%arg8 : memref<!tpu.dma_semaphore, #tpu.memory_space<semaphore_mem>>)
    %dma_start3A_365 = arith.constant 22528 : i32
    %dma_start3A_366 = tpu.memref_slice %arg4[%mul3A_2, %dma_start3A_365] : memref<1024x65536xf32, #tpu.memory_space<hbm>> -> memref<32x1024xf32, #tpu.memory_space<hbm>>
    %dma_start3A_367 = arith.constant 22528 : i32
    %dma_start3A_368 = tpu.memref_slice %arg4[%mul3A_2, %dma_start3A_367] : memref<1024x65536xf32, #tpu.memory_space<hbm>> -> memref<32x1024xf32, #tpu.memory_space<hbm>>
    tpu.enqueue_dma source(%arg5 : memref<32x1024xf32, #tpu.memory_space<vmem>>) target(%dma_start3A_368 : memref<32x1024xf32, #tpu.memory_space<hbm>>) target_semaphore(%arg9 : memref<!tpu.dma_semaphore, #tpu.memory_space<semaphore_mem>>)
    %dma_wait3A_369 = arith.constant 23552 : i32
    %dma_wait3A_370 = tpu.memref_slice %arg3[%mul3A_2, %dma_wait3A_369] : memref<1024x65536xf32, #tpu.memory_space<hbm>> -> memref<32x1024xf32, #tpu.memory_space<hbm>>
    %dma_wait3A_371 = arith.constant 23552 : i32
    %dma_wait3A_372 = tpu.memref_slice %arg3[%mul3A_2, %dma_wait3A_371] : memref<1024x65536xf32, #tpu.memory_space<hbm>> -> memref<32x1024xf32, #tpu.memory_space<hbm>>
    tpu.wait_dma2 semaphore(%arg8 : memref<!tpu.dma_semaphore, #tpu.memory_space<semaphore_mem>>) src(%dma_wait3A_372 : memref<32x1024xf32, #tpu.memory_space<hbm>>) dst(%arg6 : memref<32x1024xf32, #tpu.memory_space<vmem>>)
    %dma_wait3A_373 = arith.constant 22528 : i32
    %dma_wait3A_374 = tpu.memref_slice %arg4[%mul3A_2, %dma_wait3A_373] : memref<1024x65536xf32, #tpu.memory_space<hbm>> -> memref<32x1024xf32, #tpu.memory_space<hbm>>
    %dma_wait3A_375 = arith.constant 22528 : i32
    %dma_wait3A_376 = tpu.memref_slice %arg4[%mul3A_2, %dma_wait3A_375] : memref<1024x65536xf32, #tpu.memory_space<hbm>> -> memref<32x1024xf32, #tpu.memory_space<hbm>>
    tpu.wait_dma2 semaphore(%arg9 : memref<!tpu.dma_semaphore, #tpu.memory_space<semaphore_mem>>) src(%arg5 : memref<32x1024xf32, #tpu.memory_space<vmem>>) dst(%dma_wait3A_376 : memref<32x1024xf32, #tpu.memory_space<hbm>>)
    %dma_start3A_377 = arith.constant 24576 : i32
    %dma_start3A_378 = tpu.memref_slice %arg3[%mul3A_2, %dma_start3A_377] : memref<1024x65536xf32, #tpu.memory_space<hbm>> -> memref<32x1024xf32, #tpu.memory_space<hbm>>
    %dma_start3A_379 = arith.constant 24576 : i32
    %dma_start3A_380 = tpu.memref_slice %arg3[%mul3A_2, %dma_start3A_379] : memref<1024x65536xf32, #tpu.memory_space<hbm>> -> memref<32x1024xf32, #tpu.memory_space<hbm>>
    tpu.enqueue_dma source(%dma_start3A_380 : memref<32x1024xf32, #tpu.memory_space<hbm>>) target(%arg5 : memref<32x1024xf32, #tpu.memory_space<vmem>>) target_semaphore(%arg7 : memref<!tpu.dma_semaphore, #tpu.memory_space<semaphore_mem>>)
    %dma_start3A_381 = arith.constant 23552 : i32
    %dma_start3A_382 = tpu.memref_slice %arg4[%mul3A_2, %dma_start3A_381] : memref<1024x65536xf32, #tpu.memory_space<hbm>> -> memref<32x1024xf32, #tpu.memory_space<hbm>>
    %dma_start3A_383 = arith.constant 23552 : i32
    %dma_start3A_384 = tpu.memref_slice %arg4[%mul3A_2, %dma_start3A_383] : memref<1024x65536xf32, #tpu.memory_space<hbm>> -> memref<32x1024xf32, #tpu.memory_space<hbm>>
    tpu.enqueue_dma source(%arg6 : memref<32x1024xf32, #tpu.memory_space<vmem>>) target(%dma_start3A_384 : memref<32x1024xf32, #tpu.memory_space<hbm>>) target_semaphore(%arg10 : memref<!tpu.dma_semaphore, #tpu.memory_space<semaphore_mem>>)
    %dma_wait3A_385 = arith.constant 24576 : i32
    %dma_wait3A_386 = tpu.memref_slice %arg3[%mul3A_2, %dma_wait3A_385] : memref<1024x65536xf32, #tpu.memory_space<hbm>> -> memref<32x1024xf32, #tpu.memory_space<hbm>>
    %dma_wait3A_387 = arith.constant 24576 : i32
    %dma_wait3A_388 = tpu.memref_slice %arg3[%mul3A_2, %dma_wait3A_387] : memref<1024x65536xf32, #tpu.memory_space<hbm>> -> memref<32x1024xf32, #tpu.memory_space<hbm>>
    tpu.wait_dma2 semaphore(%arg7 : memref<!tpu.dma_semaphore, #tpu.memory_space<semaphore_mem>>) src(%dma_wait3A_388 : memref<32x1024xf32, #tpu.memory_space<hbm>>) dst(%arg5 : memref<32x1024xf32, #tpu.memory_space<vmem>>)
    %dma_wait3A_389 = arith.constant 23552 : i32
    %dma_wait3A_390 = tpu.memref_slice %arg4[%mul3A_2, %dma_wait3A_389] : memref<1024x65536xf32, #tpu.memory_space<hbm>> -> memref<32x1024xf32, #tpu.memory_space<hbm>>
    %dma_wait3A_391 = arith.constant 23552 : i32
    %dma_wait3A_392 = tpu.memref_slice %arg4[%mul3A_2, %dma_wait3A_391] : memref<1024x65536xf32, #tpu.memory_space<hbm>> -> memref<32x1024xf32, #tpu.memory_space<hbm>>
    tpu.wait_dma2 semaphore(%arg10 : memref<!tpu.dma_semaphore, #tpu.memory_space<semaphore_mem>>) src(%arg6 : memref<32x1024xf32, #tpu.memory_space<vmem>>) dst(%dma_wait3A_392 : memref<32x1024xf32, #tpu.memory_space<hbm>>)
    %dma_start3A_393 = arith.constant 25600 : i32
    %dma_start3A_394 = tpu.memref_slice %arg3[%mul3A_2, %dma_start3A_393] : memref<1024x65536xf32, #tpu.memory_space<hbm>> -> memref<32x1024xf32, #tpu.memory_space<hbm>>
    %dma_start3A_395 = arith.constant 25600 : i32
    %dma_start3A_396 = tpu.memref_slice %arg3[%mul3A_2, %dma_start3A_395] : memref<1024x65536xf32, #tpu.memory_space<hbm>> -> memref<32x1024xf32, #tpu.memory_space<hbm>>
    tpu.enqueue_dma source(%dma_start3A_396 : memref<32x1024xf32, #tpu.memory_space<hbm>>) target(%arg6 : memref<32x1024xf32, #tpu.memory_space<vmem>>) target_semaphore(%arg8 : memref<!tpu.dma_semaphore, #tpu.memory_space<semaphore_mem>>)
    %dma_start3A_397 = arith.constant 24576 : i32
    %dma_start3A_398 = tpu.memref_slice %arg4[%mul3A_2, %dma_start3A_397] : memref<1024x65536xf32, #tpu.memory_space<hbm>> -> memref<32x1024xf32, #tpu.memory_space<hbm>>
    %dma_start3A_399 = arith.constant 24576 : i32
    %dma_start3A_400 = tpu.memref_slice %arg4[%mul3A_2, %dma_start3A_399] : memref<1024x65536xf32, #tpu.memory_space<hbm>> -> memref<32x1024xf32, #tpu.memory_space<hbm>>
    tpu.enqueue_dma source(%arg5 : memref<32x1024xf32, #tpu.memory_space<vmem>>) target(%dma_start3A_400 : memref<32x1024xf32, #tpu.memory_space<hbm>>) target_semaphore(%arg9 : memref<!tpu.dma_semaphore, #tpu.memory_space<semaphore_mem>>)
    %dma_wait3A_401 = arith.constant 25600 : i32
    %dma_wait3A_402 = tpu.memref_slice %arg3[%mul3A_2, %dma_wait3A_401] : memref<1024x65536xf32, #tpu.memory_space<hbm>> -> memref<32x1024xf32, #tpu.memory_space<hbm>>
    %dma_wait3A_403 = arith.constant 25600 : i32
    %dma_wait3A_404 = tpu.memref_slice %arg3[%mul3A_2, %dma_wait3A_403] : memref<1024x65536xf32, #tpu.memory_space<hbm>> -> memref<32x1024xf32, #tpu.memory_space<hbm>>
    tpu.wait_dma2 semaphore(%arg8 : memref<!tpu.dma_semaphore, #tpu.memory_space<semaphore_mem>>) src(%dma_wait3A_404 : memref<32x1024xf32, #tpu.memory_space<hbm>>) dst(%arg6 : memref<32x1024xf32, #tpu.memory_space<vmem>>)
    %dma_wait3A_405 = arith.constant 24576 : i32
    %dma_wait3A_406 = tpu.memref_slice %arg4[%mul3A_2, %dma_wait3A_405] : memref<1024x65536xf32, #tpu.memory_space<hbm>> -> memref<32x1024xf32, #tpu.memory_space<hbm>>
    %dma_wait3A_407 = arith.constant 24576 : i32
    %dma_wait3A_408 = tpu.memref_slice %arg4[%mul3A_2, %dma_wait3A_407] : memref<1024x65536xf32, #tpu.memory_space<hbm>> -> memref<32x1024xf32, #tpu.memory_space<hbm>>
    tpu.wait_dma2 semaphore(%arg9 : memref<!tpu.dma_semaphore, #tpu.memory_space<semaphore_mem>>) src(%arg5 : memref<32x1024xf32, #tpu.memory_space<vmem>>) dst(%dma_wait3A_408 : memref<32x1024xf32, #tpu.memory_space<hbm>>)
    %dma_start3A_409 = arith.constant 26624 : i32
    %dma_start3A_410 = tpu.memref_slice %arg3[%mul3A_2, %dma_start3A_409] : memref<1024x65536xf32, #tpu.memory_space<hbm>> -> memref<32x1024xf32, #tpu.memory_space<hbm>>
    %dma_start3A_411 = arith.constant 26624 : i32
    %dma_start3A_412 = tpu.memref_slice %arg3[%mul3A_2, %dma_start3A_411] : memref<1024x65536xf32, #tpu.memory_space<hbm>> -> memref<32x1024xf32, #tpu.memory_space<hbm>>
    tpu.enqueue_dma source(%dma_start3A_412 : memref<32x1024xf32, #tpu.memory_space<hbm>>) target(%arg5 : memref<32x1024xf32, #tpu.memory_space<vmem>>) target_semaphore(%arg7 : memref<!tpu.dma_semaphore, #tpu.memory_space<semaphore_mem>>)
    %dma_start3A_413 = arith.constant 25600 : i32
    %dma_start3A_414 = tpu.memref_slice %arg4[%mul3A_2, %dma_start3A_413] : memref<1024x65536xf32, #tpu.memory_space<hbm>> -> memref<32x1024xf32, #tpu.memory_space<hbm>>
    %dma_start3A_415 = arith.constant 25600 : i32
    %dma_start3A_416 = tpu.memref_slice %arg4[%mul3A_2, %dma_start3A_415] : memref<1024x65536xf32, #tpu.memory_space<hbm>> -> memref<32x1024xf32, #tpu.memory_space<hbm>>
    tpu.enqueue_dma source(%arg6 : memref<32x1024xf32, #tpu.memory_space<vmem>>) target(%dma_start3A_416 : memref<32x1024xf32, #tpu.memory_space<hbm>>) target_semaphore(%arg10 : memref<!tpu.dma_semaphore, #tpu.memory_space<semaphore_mem>>)
    %dma_wait3A_417 = arith.constant 26624 : i32
    %dma_wait3A_418 = tpu.memref_slice %arg3[%mul3A_2, %dma_wait3A_417] : memref<1024x65536xf32, #tpu.memory_space<hbm>> -> memref<32x1024xf32, #tpu.memory_space<hbm>>
    %dma_wait3A_419 = arith.constant 26624 : i32
    %dma_wait3A_420 = tpu.memref_slice %arg3[%mul3A_2, %dma_wait3A_419] : memref<1024x65536xf32, #tpu.memory_space<hbm>> -> memref<32x1024xf32, #tpu.memory_space<hbm>>
    tpu.wait_dma2 semaphore(%arg7 : memref<!tpu.dma_semaphore, #tpu.memory_space<semaphore_mem>>) src(%dma_wait3A_420 : memref<32x1024xf32, #tpu.memory_space<hbm>>) dst(%arg5 : memref<32x1024xf32, #tpu.memory_space<vmem>>)
    %dma_wait3A_421 = arith.constant 25600 : i32
    %dma_wait3A_422 = tpu.memref_slice %arg4[%mul3A_2, %dma_wait3A_421] : memref<1024x65536xf32, #tpu.memory_space<hbm>> -> memref<32x1024xf32, #tpu.memory_space<hbm>>
    %dma_wait3A_423 = arith.constant 25600 : i32
    %dma_wait3A_424 = tpu.memref_slice %arg4[%mul3A_2, %dma_wait3A_423] : memref<1024x65536xf32, #tpu.memory_space<hbm>> -> memref<32x1024xf32, #tpu.memory_space<hbm>>
    tpu.wait_dma2 semaphore(%arg10 : memref<!tpu.dma_semaphore, #tpu.memory_space<semaphore_mem>>) src(%arg6 : memref<32x1024xf32, #tpu.memory_space<vmem>>) dst(%dma_wait3A_424 : memref<32x1024xf32, #tpu.memory_space<hbm>>)
    %dma_start3A_425 = arith.constant 27648 : i32
    %dma_start3A_426 = tpu.memref_slice %arg3[%mul3A_2, %dma_start3A_425] : memref<1024x65536xf32, #tpu.memory_space<hbm>> -> memref<32x1024xf32, #tpu.memory_space<hbm>>
    %dma_start3A_427 = arith.constant 27648 : i32
    %dma_start3A_428 = tpu.memref_slice %arg3[%mul3A_2, %dma_start3A_427] : memref<1024x65536xf32, #tpu.memory_space<hbm>> -> memref<32x1024xf32, #tpu.memory_space<hbm>>
    tpu.enqueue_dma source(%dma_start3A_428 : memref<32x1024xf32, #tpu.memory_space<hbm>>) target(%arg6 : memref<32x1024xf32, #tpu.memory_space<vmem>>) target_semaphore(%arg8 : memref<!tpu.dma_semaphore, #tpu.memory_space<semaphore_mem>>)
    %dma_start3A_429 = arith.constant 26624 : i32
    %dma_start3A_430 = tpu.memref_slice %arg4[%mul3A_2, %dma_start3A_429] : memref<1024x65536xf32, #tpu.memory_space<hbm>> -> memref<32x1024xf32, #tpu.memory_space<hbm>>
    %dma_start3A_431 = arith.constant 26624 : i32
    %dma_start3A_432 = tpu.memref_slice %arg4[%mul3A_2, %dma_start3A_431] : memref<1024x65536xf32, #tpu.memory_space<hbm>> -> memref<32x1024xf32, #tpu.memory_space<hbm>>
    tpu.enqueue_dma source(%arg5 : memref<32x1024xf32, #tpu.memory_space<vmem>>) target(%dma_start3A_432 : memref<32x1024xf32, #tpu.memory_space<hbm>>) target_semaphore(%arg9 : memref<!tpu.dma_semaphore, #tpu.memory_space<semaphore_mem>>)
    %dma_wait3A_433 = arith.constant 27648 : i32
    %dma_wait3A_434 = tpu.memref_slice %arg3[%mul3A_2, %dma_wait3A_433] : memref<1024x65536xf32, #tpu.memory_space<hbm>> -> memref<32x1024xf32, #tpu.memory_space<hbm>>
    %dma_wait3A_435 = arith.constant 27648 : i32
    %dma_wait3A_436 = tpu.memref_slice %arg3[%mul3A_2, %dma_wait3A_435] : memref<1024x65536xf32, #tpu.memory_space<hbm>> -> memref<32x1024xf32, #tpu.memory_space<hbm>>
    tpu.wait_dma2 semaphore(%arg8 : memref<!tpu.dma_semaphore, #tpu.memory_space<semaphore_mem>>) src(%dma_wait3A_436 : memref<32x1024xf32, #tpu.memory_space<hbm>>) dst(%arg6 : memref<32x1024xf32, #tpu.memory_space<vmem>>)
    %dma_wait3A_437 = arith.constant 26624 : i32
    %dma_wait3A_438 = tpu.memref_slice %arg4[%mul3A_2, %dma_wait3A_437] : memref<1024x65536xf32, #tpu.memory_space<hbm>> -> memref<32x1024xf32, #tpu.memory_space<hbm>>
    %dma_wait3A_439 = arith.constant 26624 : i32
    %dma_wait3A_440 = tpu.memref_slice %arg4[%mul3A_2, %dma_wait3A_439] : memref<1024x65536xf32, #tpu.memory_space<hbm>> -> memref<32x1024xf32, #tpu.memory_space<hbm>>
    tpu.wait_dma2 semaphore(%arg9 : memref<!tpu.dma_semaphore, #tpu.memory_space<semaphore_mem>>) src(%arg5 : memref<32x1024xf32, #tpu.memory_space<vmem>>) dst(%dma_wait3A_440 : memref<32x1024xf32, #tpu.memory_space<hbm>>)
    %dma_start3A_441 = arith.constant 28672 : i32
    %dma_start3A_442 = tpu.memref_slice %arg3[%mul3A_2, %dma_start3A_441] : memref<1024x65536xf32, #tpu.memory_space<hbm>> -> memref<32x1024xf32, #tpu.memory_space<hbm>>
    %dma_start3A_443 = arith.constant 28672 : i32
    %dma_start3A_444 = tpu.memref_slice %arg3[%mul3A_2, %dma_start3A_443] : memref<1024x65536xf32, #tpu.memory_space<hbm>> -> memref<32x1024xf32, #tpu.memory_space<hbm>>
    tpu.enqueue_dma source(%dma_start3A_444 : memref<32x1024xf32, #tpu.memory_space<hbm>>) target(%arg5 : memref<32x1024xf32, #tpu.memory_space<vmem>>) target_semaphore(%arg7 : memref<!tpu.dma_semaphore, #tpu.memory_space<semaphore_mem>>)
    %dma_start3A_445 = arith.constant 27648 : i32
    %dma_start3A_446 = tpu.memref_slice %arg4[%mul3A_2, %dma_start3A_445] : memref<1024x65536xf32, #tpu.memory_space<hbm>> -> memref<32x1024xf32, #tpu.memory_space<hbm>>
    %dma_start3A_447 = arith.constant 27648 : i32
    %dma_start3A_448 = tpu.memref_slice %arg4[%mul3A_2, %dma_start3A_447] : memref<1024x65536xf32, #tpu.memory_space<hbm>> -> memref<32x1024xf32, #tpu.memory_space<hbm>>
    tpu.enqueue_dma source(%arg6 : memref<32x1024xf32, #tpu.memory_space<vmem>>) target(%dma_start3A_448 : memref<32x1024xf32, #tpu.memory_space<hbm>>) target_semaphore(%arg10 : memref<!tpu.dma_semaphore, #tpu.memory_space<semaphore_mem>>)
    %dma_wait3A_449 = arith.constant 28672 : i32
    %dma_wait3A_450 = tpu.memref_slice %arg3[%mul3A_2, %dma_wait3A_449] : memref<1024x65536xf32, #tpu.memory_space<hbm>> -> memref<32x1024xf32, #tpu.memory_space<hbm>>
    %dma_wait3A_451 = arith.constant 28672 : i32
    %dma_wait3A_452 = tpu.memref_slice %arg3[%mul3A_2, %dma_wait3A_451] : memref<1024x65536xf32, #tpu.memory_space<hbm>> -> memref<32x1024xf32, #tpu.memory_space<hbm>>
    tpu.wait_dma2 semaphore(%arg7 : memref<!tpu.dma_semaphore, #tpu.memory_space<semaphore_mem>>) src(%dma_wait3A_452 : memref<32x1024xf32, #tpu.memory_space<hbm>>) dst(%arg5 : memref<32x1024xf32, #tpu.memory_space<vmem>>)
    %dma_wait3A_453 = arith.constant 27648 : i32
    %dma_wait3A_454 = tpu.memref_slice %arg4[%mul3A_2, %dma_wait3A_453] : memref<1024x65536xf32, #tpu.memory_space<hbm>> -> memref<32x1024xf32, #tpu.memory_space<hbm>>
    %dma_wait3A_455 = arith.constant 27648 : i32
    %dma_wait3A_456 = tpu.memref_slice %arg4[%mul3A_2, %dma_wait3A_455] : memref<1024x65536xf32, #tpu.memory_space<hbm>> -> memref<32x1024xf32, #tpu.memory_space<hbm>>
    tpu.wait_dma2 semaphore(%arg10 : memref<!tpu.dma_semaphore, #tpu.memory_space<semaphore_mem>>) src(%arg6 : memref<32x1024xf32, #tpu.memory_space<vmem>>) dst(%dma_wait3A_456 : memref<32x1024xf32, #tpu.memory_space<hbm>>)
    %dma_start3A_457 = arith.constant 29696 : i32
    %dma_start3A_458 = tpu.memref_slice %arg3[%mul3A_2, %dma_start3A_457] : memref<1024x65536xf32, #tpu.memory_space<hbm>> -> memref<32x1024xf32, #tpu.memory_space<hbm>>
    %dma_start3A_459 = arith.constant 29696 : i32
    %dma_start3A_460 = tpu.memref_slice %arg3[%mul3A_2, %dma_start3A_459] : memref<1024x65536xf32, #tpu.memory_space<hbm>> -> memref<32x1024xf32, #tpu.memory_space<hbm>>
    tpu.enqueue_dma source(%dma_start3A_460 : memref<32x1024xf32, #tpu.memory_space<hbm>>) target(%arg6 : memref<32x1024xf32, #tpu.memory_space<vmem>>) target_semaphore(%arg8 : memref<!tpu.dma_semaphore, #tpu.memory_space<semaphore_mem>>)
    %dma_start3A_461 = arith.constant 28672 : i32
    %dma_start3A_462 = tpu.memref_slice %arg4[%mul3A_2, %dma_start3A_461] : memref<1024x65536xf32, #tpu.memory_space<hbm>> -> memref<32x1024xf32, #tpu.memory_space<hbm>>
    %dma_start3A_463 = arith.constant 28672 : i32
    %dma_start3A_464 = tpu.memref_slice %arg4[%mul3A_2, %dma_start3A_463] : memref<1024x65536xf32, #tpu.memory_space<hbm>> -> memref<32x1024xf32, #tpu.memory_space<hbm>>
    tpu.enqueue_dma source(%arg5 : memref<32x1024xf32, #tpu.memory_space<vmem>>) target(%dma_start3A_464 : memref<32x1024xf32, #tpu.memory_space<hbm>>) target_semaphore(%arg9 : memref<!tpu.dma_semaphore, #tpu.memory_space<semaphore_mem>>)
    %dma_wait3A_465 = arith.constant 29696 : i32
    %dma_wait3A_466 = tpu.memref_slice %arg3[%mul3A_2, %dma_wait3A_465] : memref<1024x65536xf32, #tpu.memory_space<hbm>> -> memref<32x1024xf32, #tpu.memory_space<hbm>>
    %dma_wait3A_467 = arith.constant 29696 : i32
    %dma_wait3A_468 = tpu.memref_slice %arg3[%mul3A_2, %dma_wait3A_467] : memref<1024x65536xf32, #tpu.memory_space<hbm>> -> memref<32x1024xf32, #tpu.memory_space<hbm>>
    tpu.wait_dma2 semaphore(%arg8 : memref<!tpu.dma_semaphore, #tpu.memory_space<semaphore_mem>>) src(%dma_wait3A_468 : memref<32x1024xf32, #tpu.memory_space<hbm>>) dst(%arg6 : memref<32x1024xf32, #tpu.memory_space<vmem>>)
    %dma_wait3A_469 = arith.constant 28672 : i32
    %dma_wait3A_470 = tpu.memref_slice %arg4[%mul3A_2, %dma_wait3A_469] : memref<1024x65536xf32, #tpu.memory_space<hbm>> -> memref<32x1024xf32, #tpu.memory_space<hbm>>
    %dma_wait3A_471 = arith.constant 28672 : i32
    %dma_wait3A_472 = tpu.memref_slice %arg4[%mul3A_2, %dma_wait3A_471] : memref<1024x65536xf32, #tpu.memory_space<hbm>> -> memref<32x1024xf32, #tpu.memory_space<hbm>>
    tpu.wait_dma2 semaphore(%arg9 : memref<!tpu.dma_semaphore, #tpu.memory_space<semaphore_mem>>) src(%arg5 : memref<32x1024xf32, #tpu.memory_space<vmem>>) dst(%dma_wait3A_472 : memref<32x1024xf32, #tpu.memory_space<hbm>>)
    %dma_start3A_473 = arith.constant 30720 : i32
    %dma_start3A_474 = tpu.memref_slice %arg3[%mul3A_2, %dma_start3A_473] : memref<1024x65536xf32, #tpu.memory_space<hbm>> -> memref<32x1024xf32, #tpu.memory_space<hbm>>
    %dma_start3A_475 = arith.constant 30720 : i32
    %dma_start3A_476 = tpu.memref_slice %arg3[%mul3A_2, %dma_start3A_475] : memref<1024x65536xf32, #tpu.memory_space<hbm>> -> memref<32x1024xf32, #tpu.memory_space<hbm>>
    tpu.enqueue_dma source(%dma_start3A_476 : memref<32x1024xf32, #tpu.memory_space<hbm>>) target(%arg5 : memref<32x1024xf32, #tpu.memory_space<vmem>>) target_semaphore(%arg7 : memref<!tpu.dma_semaphore, #tpu.memory_space<semaphore_mem>>)
    %dma_start3A_477 = arith.constant 29696 : i32
    %dma_start3A_478 = tpu.memref_slice %arg4[%mul3A_2, %dma_start3A_477] : memref<1024x65536xf32, #tpu.memory_space<hbm>> -> memref<32x1024xf32, #tpu.memory_space<hbm>>
    %dma_start3A_479 = arith.constant 29696 : i32
    %dma_start3A_480 = tpu.memref_slice %arg4[%mul3A_2, %dma_start3A_479] : memref<1024x65536xf32, #tpu.memory_space<hbm>> -> memref<32x1024xf32, #tpu.memory_space<hbm>>
    tpu.enqueue_dma source(%arg6 : memref<32x1024xf32, #tpu.memory_space<vmem>>) target(%dma_start3A_480 : memref<32x1024xf32, #tpu.memory_space<hbm>>) target_semaphore(%arg10 : memref<!tpu.dma_semaphore, #tpu.memory_space<semaphore_mem>>)
    %dma_wait3A_481 = arith.constant 30720 : i32
    %dma_wait3A_482 = tpu.memref_slice %arg3[%mul3A_2, %dma_wait3A_481] : memref<1024x65536xf32, #tpu.memory_space<hbm>> -> memref<32x1024xf32, #tpu.memory_space<hbm>>
    %dma_wait3A_483 = arith.constant 30720 : i32
    %dma_wait3A_484 = tpu.memref_slice %arg3[%mul3A_2, %dma_wait3A_483] : memref<1024x65536xf32, #tpu.memory_space<hbm>> -> memref<32x1024xf32, #tpu.memory_space<hbm>>
    tpu.wait_dma2 semaphore(%arg7 : memref<!tpu.dma_semaphore, #tpu.memory_space<semaphore_mem>>) src(%dma_wait3A_484 : memref<32x1024xf32, #tpu.memory_space<hbm>>) dst(%arg5 : memref<32x1024xf32, #tpu.memory_space<vmem>>)
    %dma_wait3A_485 = arith.constant 29696 : i32
    %dma_wait3A_486 = tpu.memref_slice %arg4[%mul3A_2, %dma_wait3A_485] : memref<1024x65536xf32, #tpu.memory_space<hbm>> -> memref<32x1024xf32, #tpu.memory_space<hbm>>
    %dma_wait3A_487 = arith.constant 29696 : i32
    %dma_wait3A_488 = tpu.memref_slice %arg4[%mul3A_2, %dma_wait3A_487] : memref<1024x65536xf32, #tpu.memory_space<hbm>> -> memref<32x1024xf32, #tpu.memory_space<hbm>>
    tpu.wait_dma2 semaphore(%arg10 : memref<!tpu.dma_semaphore, #tpu.memory_space<semaphore_mem>>) src(%arg6 : memref<32x1024xf32, #tpu.memory_space<vmem>>) dst(%dma_wait3A_488 : memref<32x1024xf32, #tpu.memory_space<hbm>>)
    %dma_start3A_489 = arith.constant 31744 : i32
    %dma_start3A_490 = tpu.memref_slice %arg3[%mul3A_2, %dma_start3A_489] : memref<1024x65536xf32, #tpu.memory_space<hbm>> -> memref<32x1024xf32, #tpu.memory_space<hbm>>
    %dma_start3A_491 = arith.constant 31744 : i32
    %dma_start3A_492 = tpu.memref_slice %arg3[%mul3A_2, %dma_start3A_491] : memref<1024x65536xf32, #tpu.memory_space<hbm>> -> memref<32x1024xf32, #tpu.memory_space<hbm>>
    tpu.enqueue_dma source(%dma_start3A_492 : memref<32x1024xf32, #tpu.memory_space<hbm>>) target(%arg6 : memref<32x1024xf32, #tpu.memory_space<vmem>>) target_semaphore(%arg8 : memref<!tpu.dma_semaphore, #tpu.memory_space<semaphore_mem>>)
    %dma_start3A_493 = arith.constant 30720 : i32
    %dma_start3A_494 = tpu.memref_slice %arg4[%mul3A_2, %dma_start3A_493] : memref<1024x65536xf32, #tpu.memory_space<hbm>> -> memref<32x1024xf32, #tpu.memory_space<hbm>>
    %dma_start3A_495 = arith.constant 30720 : i32
    %dma_start3A_496 = tpu.memref_slice %arg4[%mul3A_2, %dma_start3A_495] : memref<1024x65536xf32, #tpu.memory_space<hbm>> -> memref<32x1024xf32, #tpu.memory_space<hbm>>
    tpu.enqueue_dma source(%arg5 : memref<32x1024xf32, #tpu.memory_space<vmem>>) target(%dma_start3A_496 : memref<32x1024xf32, #tpu.memory_space<hbm>>) target_semaphore(%arg9 : memref<!tpu.dma_semaphore, #tpu.memory_space<semaphore_mem>>)
    %dma_wait3A_497 = arith.constant 31744 : i32
    %dma_wait3A_498 = tpu.memref_slice %arg3[%mul3A_2, %dma_wait3A_497] : memref<1024x65536xf32, #tpu.memory_space<hbm>> -> memref<32x1024xf32, #tpu.memory_space<hbm>>
    %dma_wait3A_499 = arith.constant 31744 : i32
    %dma_wait3A_500 = tpu.memref_slice %arg3[%mul3A_2, %dma_wait3A_499] : memref<1024x65536xf32, #tpu.memory_space<hbm>> -> memref<32x1024xf32, #tpu.memory_space<hbm>>
    tpu.wait_dma2 semaphore(%arg8 : memref<!tpu.dma_semaphore, #tpu.memory_space<semaphore_mem>>) src(%dma_wait3A_500 : memref<32x1024xf32, #tpu.memory_space<hbm>>) dst(%arg6 : memref<32x1024xf32, #tpu.memory_space<vmem>>)
    %dma_wait3A_501 = arith.constant 30720 : i32
    %dma_wait3A_502 = tpu.memref_slice %arg4[%mul3A_2, %dma_wait3A_501] : memref<1024x65536xf32, #tpu.memory_space<hbm>> -> memref<32x1024xf32, #tpu.memory_space<hbm>>
    %dma_wait3A_503 = arith.constant 30720 : i32
    %dma_wait3A_504 = tpu.memref_slice %arg4[%mul3A_2, %dma_wait3A_503] : memref<1024x65536xf32, #tpu.memory_space<hbm>> -> memref<32x1024xf32, #tpu.memory_space<hbm>>
    tpu.wait_dma2 semaphore(%arg9 : memref<!tpu.dma_semaphore, #tpu.memory_space<semaphore_mem>>) src(%arg5 : memref<32x1024xf32, #tpu.memory_space<vmem>>) dst(%dma_wait3A_504 : memref<32x1024xf32, #tpu.memory_space<hbm>>)
    %dma_start3A_505 = arith.constant 32768 : i32
    %dma_start3A_506 = tpu.memref_slice %arg3[%mul3A_2, %dma_start3A_505] : memref<1024x65536xf32, #tpu.memory_space<hbm>> -> memref<32x1024xf32, #tpu.memory_space<hbm>>
    %dma_start3A_507 = arith.constant 32768 : i32
    %dma_start3A_508 = tpu.memref_slice %arg3[%mul3A_2, %dma_start3A_507] : memref<1024x65536xf32, #tpu.memory_space<hbm>> -> memref<32x1024xf32, #tpu.memory_space<hbm>>
    tpu.enqueue_dma source(%dma_start3A_508 : memref<32x1024xf32, #tpu.memory_space<hbm>>) target(%arg5 : memref<32x1024xf32, #tpu.memory_space<vmem>>) target_semaphore(%arg7 : memref<!tpu.dma_semaphore, #tpu.memory_space<semaphore_mem>>)
    %dma_start3A_509 = arith.constant 31744 : i32
    %dma_start3A_510 = tpu.memref_slice %arg4[%mul3A_2, %dma_start3A_509] : memref<1024x65536xf32, #tpu.memory_space<hbm>> -> memref<32x1024xf32, #tpu.memory_space<hbm>>
    %dma_start3A_511 = arith.constant 31744 : i32
    %dma_start3A_512 = tpu.memref_slice %arg4[%mul3A_2, %dma_start3A_511] : memref<1024x65536xf32, #tpu.memory_space<hbm>> -> memref<32x1024xf32, #tpu.memory_space<hbm>>
    tpu.enqueue_dma source(%arg6 : memref<32x1024xf32, #tpu.memory_space<vmem>>) target(%dma_start3A_512 : memref<32x1024xf32, #tpu.memory_space<hbm>>) target_semaphore(%arg10 : memref<!tpu.dma_semaphore, #tpu.memory_space<semaphore_mem>>)
    %dma_wait3A_513 = arith.constant 32768 : i32
    %dma_wait3A_514 = tpu.memref_slice %arg3[%mul3A_2, %dma_wait3A_513] : memref<1024x65536xf32, #tpu.memory_space<hbm>> -> memref<32x1024xf32, #tpu.memory_space<hbm>>
    %dma_wait3A_515 = arith.constant 32768 : i32
    %dma_wait3A_516 = tpu.memref_slice %arg3[%mul3A_2, %dma_wait3A_515] : memref<1024x65536xf32, #tpu.memory_space<hbm>> -> memref<32x1024xf32, #tpu.memory_space<hbm>>
    tpu.wait_dma2 semaphore(%arg7 : memref<!tpu.dma_semaphore, #tpu.memory_space<semaphore_mem>>) src(%dma_wait3A_516 : memref<32x1024xf32, #tpu.memory_space<hbm>>) dst(%arg5 : memref<32x1024xf32, #tpu.memory_space<vmem>>)
    %dma_wait3A_517 = arith.constant 31744 : i32
    %dma_wait3A_518 = tpu.memref_slice %arg4[%mul3A_2, %dma_wait3A_517] : memref<1024x65536xf32, #tpu.memory_space<hbm>> -> memref<32x1024xf32, #tpu.memory_space<hbm>>
    %dma_wait3A_519 = arith.constant 31744 : i32
    %dma_wait3A_520 = tpu.memref_slice %arg4[%mul3A_2, %dma_wait3A_519] : memref<1024x65536xf32, #tpu.memory_space<hbm>> -> memref<32x1024xf32, #tpu.memory_space<hbm>>
    tpu.wait_dma2 semaphore(%arg10 : memref<!tpu.dma_semaphore, #tpu.memory_space<semaphore_mem>>) src(%arg6 : memref<32x1024xf32, #tpu.memory_space<vmem>>) dst(%dma_wait3A_520 : memref<32x1024xf32, #tpu.memory_space<hbm>>)
    %dma_start3A_521 = arith.constant 33792 : i32
    %dma_start3A_522 = tpu.memref_slice %arg3[%mul3A_2, %dma_start3A_521] : memref<1024x65536xf32, #tpu.memory_space<hbm>> -> memref<32x1024xf32, #tpu.memory_space<hbm>>
    %dma_start3A_523 = arith.constant 33792 : i32
    %dma_start3A_524 = tpu.memref_slice %arg3[%mul3A_2, %dma_start3A_523] : memref<1024x65536xf32, #tpu.memory_space<hbm>> -> memref<32x1024xf32, #tpu.memory_space<hbm>>
    tpu.enqueue_dma source(%dma_start3A_524 : memref<32x1024xf32, #tpu.memory_space<hbm>>) target(%arg6 : memref<32x1024xf32, #tpu.memory_space<vmem>>) target_semaphore(%arg8 : memref<!tpu.dma_semaphore, #tpu.memory_space<semaphore_mem>>)
    %dma_start3A_525 = arith.constant 32768 : i32
    %dma_start3A_526 = tpu.memref_slice %arg4[%mul3A_2, %dma_start3A_525] : memref<1024x65536xf32, #tpu.memory_space<hbm>> -> memref<32x1024xf32, #tpu.memory_space<hbm>>
    %dma_start3A_527 = arith.constant 32768 : i32
    %dma_start3A_528 = tpu.memref_slice %arg4[%mul3A_2, %dma_start3A_527] : memref<1024x65536xf32, #tpu.memory_space<hbm>> -> memref<32x1024xf32, #tpu.memory_space<hbm>>
    tpu.enqueue_dma source(%arg5 : memref<32x1024xf32, #tpu.memory_space<vmem>>) target(%dma_start3A_528 : memref<32x1024xf32, #tpu.memory_space<hbm>>) target_semaphore(%arg9 : memref<!tpu.dma_semaphore, #tpu.memory_space<semaphore_mem>>)
    %dma_wait3A_529 = arith.constant 33792 : i32
    %dma_wait3A_530 = tpu.memref_slice %arg3[%mul3A_2, %dma_wait3A_529] : memref<1024x65536xf32, #tpu.memory_space<hbm>> -> memref<32x1024xf32, #tpu.memory_space<hbm>>
    %dma_wait3A_531 = arith.constant 33792 : i32
    %dma_wait3A_532 = tpu.memref_slice %arg3[%mul3A_2, %dma_wait3A_531] : memref<1024x65536xf32, #tpu.memory_space<hbm>> -> memref<32x1024xf32, #tpu.memory_space<hbm>>
    tpu.wait_dma2 semaphore(%arg8 : memref<!tpu.dma_semaphore, #tpu.memory_space<semaphore_mem>>) src(%dma_wait3A_532 : memref<32x1024xf32, #tpu.memory_space<hbm>>) dst(%arg6 : memref<32x1024xf32, #tpu.memory_space<vmem>>)
    %dma_wait3A_533 = arith.constant 32768 : i32
    %dma_wait3A_534 = tpu.memref_slice %arg4[%mul3A_2, %dma_wait3A_533] : memref<1024x65536xf32, #tpu.memory_space<hbm>> -> memref<32x1024xf32, #tpu.memory_space<hbm>>
    %dma_wait3A_535 = arith.constant 32768 : i32
    %dma_wait3A_536 = tpu.memref_slice %arg4[%mul3A_2, %dma_wait3A_535] : memref<1024x65536xf32, #tpu.memory_space<hbm>> -> memref<32x1024xf32, #tpu.memory_space<hbm>>
    tpu.wait_dma2 semaphore(%arg9 : memref<!tpu.dma_semaphore, #tpu.memory_space<semaphore_mem>>) src(%arg5 : memref<32x1024xf32, #tpu.memory_space<vmem>>) dst(%dma_wait3A_536 : memref<32x1024xf32, #tpu.memory_space<hbm>>)
    %dma_start3A_537 = arith.constant 34816 : i32
    %dma_start3A_538 = tpu.memref_slice %arg3[%mul3A_2, %dma_start3A_537] : memref<1024x65536xf32, #tpu.memory_space<hbm>> -> memref<32x1024xf32, #tpu.memory_space<hbm>>
    %dma_start3A_539 = arith.constant 34816 : i32
    %dma_start3A_540 = tpu.memref_slice %arg3[%mul3A_2, %dma_start3A_539] : memref<1024x65536xf32, #tpu.memory_space<hbm>> -> memref<32x1024xf32, #tpu.memory_space<hbm>>
    tpu.enqueue_dma source(%dma_start3A_540 : memref<32x1024xf32, #tpu.memory_space<hbm>>) target(%arg5 : memref<32x1024xf32, #tpu.memory_space<vmem>>) target_semaphore(%arg7 : memref<!tpu.dma_semaphore, #tpu.memory_space<semaphore_mem>>)
    %dma_start3A_541 = arith.constant 33792 : i32
    %dma_start3A_542 = tpu.memref_slice %arg4[%mul3A_2, %dma_start3A_541] : memref<1024x65536xf32, #tpu.memory_space<hbm>> -> memref<32x1024xf32, #tpu.memory_space<hbm>>
    %dma_start3A_543 = arith.constant 33792 : i32
    %dma_start3A_544 = tpu.memref_slice %arg4[%mul3A_2, %dma_start3A_543] : memref<1024x65536xf32, #tpu.memory_space<hbm>> -> memref<32x1024xf32, #tpu.memory_space<hbm>>
    tpu.enqueue_dma source(%arg6 : memref<32x1024xf32, #tpu.memory_space<vmem>>) target(%dma_start3A_544 : memref<32x1024xf32, #tpu.memory_space<hbm>>) target_semaphore(%arg10 : memref<!tpu.dma_semaphore, #tpu.memory_space<semaphore_mem>>)
    %dma_wait3A_545 = arith.constant 34816 : i32
    %dma_wait3A_546 = tpu.memref_slice %arg3[%mul3A_2, %dma_wait3A_545] : memref<1024x65536xf32, #tpu.memory_space<hbm>> -> memref<32x1024xf32, #tpu.memory_space<hbm>>
    %dma_wait3A_547 = arith.constant 34816 : i32
    %dma_wait3A_548 = tpu.memref_slice %arg3[%mul3A_2, %dma_wait3A_547] : memref<1024x65536xf32, #tpu.memory_space<hbm>> -> memref<32x1024xf32, #tpu.memory_space<hbm>>
    tpu.wait_dma2 semaphore(%arg7 : memref<!tpu.dma_semaphore, #tpu.memory_space<semaphore_mem>>) src(%dma_wait3A_548 : memref<32x1024xf32, #tpu.memory_space<hbm>>) dst(%arg5 : memref<32x1024xf32, #tpu.memory_space<vmem>>)
    %dma_wait3A_549 = arith.constant 33792 : i32
    %dma_wait3A_550 = tpu.memref_slice %arg4[%mul3A_2, %dma_wait3A_549] : memref<1024x65536xf32, #tpu.memory_space<hbm>> -> memref<32x1024xf32, #tpu.memory_space<hbm>>
    %dma_wait3A_551 = arith.constant 33792 : i32
    %dma_wait3A_552 = tpu.memref_slice %arg4[%mul3A_2, %dma_wait3A_551] : memref<1024x65536xf32, #tpu.memory_space<hbm>> -> memref<32x1024xf32, #tpu.memory_space<hbm>>
    tpu.wait_dma2 semaphore(%arg10 : memref<!tpu.dma_semaphore, #tpu.memory_space<semaphore_mem>>) src(%arg6 : memref<32x1024xf32, #tpu.memory_space<vmem>>) dst(%dma_wait3A_552 : memref<32x1024xf32, #tpu.memory_space<hbm>>)
    %dma_start3A_553 = arith.constant 35840 : i32
    %dma_start3A_554 = tpu.memref_slice %arg3[%mul3A_2, %dma_start3A_553] : memref<1024x65536xf32, #tpu.memory_space<hbm>> -> memref<32x1024xf32, #tpu.memory_space<hbm>>
    %dma_start3A_555 = arith.constant 35840 : i32
    %dma_start3A_556 = tpu.memref_slice %arg3[%mul3A_2, %dma_start3A_555] : memref<1024x65536xf32, #tpu.memory_space<hbm>> -> memref<32x1024xf32, #tpu.memory_space<hbm>>
    tpu.enqueue_dma source(%dma_start3A_556 : memref<32x1024xf32, #tpu.memory_space<hbm>>) target(%arg6 : memref<32x1024xf32, #tpu.memory_space<vmem>>) target_semaphore(%arg8 : memref<!tpu.dma_semaphore, #tpu.memory_space<semaphore_mem>>)
    %dma_start3A_557 = arith.constant 34816 : i32
    %dma_start3A_558 = tpu.memref_slice %arg4[%mul3A_2, %dma_start3A_557] : memref<1024x65536xf32, #tpu.memory_space<hbm>> -> memref<32x1024xf32, #tpu.memory_space<hbm>>
    %dma_start3A_559 = arith.constant 34816 : i32
    %dma_start3A_560 = tpu.memref_slice %arg4[%mul3A_2, %dma_start3A_559] : memref<1024x65536xf32, #tpu.memory_space<hbm>> -> memref<32x1024xf32, #tpu.memory_space<hbm>>
    tpu.enqueue_dma source(%arg5 : memref<32x1024xf32, #tpu.memory_space<vmem>>) target(%dma_start3A_560 : memref<32x1024xf32, #tpu.memory_space<hbm>>) target_semaphore(%arg9 : memref<!tpu.dma_semaphore, #tpu.memory_space<semaphore_mem>>)
    %dma_wait3A_561 = arith.constant 35840 : i32
    %dma_wait3A_562 = tpu.memref_slice %arg3[%mul3A_2, %dma_wait3A_561] : memref<1024x65536xf32, #tpu.memory_space<hbm>> -> memref<32x1024xf32, #tpu.memory_space<hbm>>
    %dma_wait3A_563 = arith.constant 35840 : i32
    %dma_wait3A_564 = tpu.memref_slice %arg3[%mul3A_2, %dma_wait3A_563] : memref<1024x65536xf32, #tpu.memory_space<hbm>> -> memref<32x1024xf32, #tpu.memory_space<hbm>>
    tpu.wait_dma2 semaphore(%arg8 : memref<!tpu.dma_semaphore, #tpu.memory_space<semaphore_mem>>) src(%dma_wait3A_564 : memref<32x1024xf32, #tpu.memory_space<hbm>>) dst(%arg6 : memref<32x1024xf32, #tpu.memory_space<vmem>>)
    %dma_wait3A_565 = arith.constant 34816 : i32
    %dma_wait3A_566 = tpu.memref_slice %arg4[%mul3A_2, %dma_wait3A_565] : memref<1024x65536xf32, #tpu.memory_space<hbm>> -> memref<32x1024xf32, #tpu.memory_space<hbm>>
    %dma_wait3A_567 = arith.constant 34816 : i32
    %dma_wait3A_568 = tpu.memref_slice %arg4[%mul3A_2, %dma_wait3A_567] : memref<1024x65536xf32, #tpu.memory_space<hbm>> -> memref<32x1024xf32, #tpu.memory_space<hbm>>
    tpu.wait_dma2 semaphore(%arg9 : memref<!tpu.dma_semaphore, #tpu.memory_space<semaphore_mem>>) src(%arg5 : memref<32x1024xf32, #tpu.memory_space<vmem>>) dst(%dma_wait3A_568 : memref<32x1024xf32, #tpu.memory_space<hbm>>)
    %dma_start3A_569 = arith.constant 36864 : i32
    %dma_start3A_570 = tpu.memref_slice %arg3[%mul3A_2, %dma_start3A_569] : memref<1024x65536xf32, #tpu.memory_space<hbm>> -> memref<32x1024xf32, #tpu.memory_space<hbm>>
    %dma_start3A_571 = arith.constant 36864 : i32
    %dma_start3A_572 = tpu.memref_slice %arg3[%mul3A_2, %dma_start3A_571] : memref<1024x65536xf32, #tpu.memory_space<hbm>> -> memref<32x1024xf32, #tpu.memory_space<hbm>>
    tpu.enqueue_dma source(%dma_start3A_572 : memref<32x1024xf32, #tpu.memory_space<hbm>>) target(%arg5 : memref<32x1024xf32, #tpu.memory_space<vmem>>) target_semaphore(%arg7 : memref<!tpu.dma_semaphore, #tpu.memory_space<semaphore_mem>>)
    %dma_start3A_573 = arith.constant 35840 : i32
    %dma_start3A_574 = tpu.memref_slice %arg4[%mul3A_2, %dma_start3A_573] : memref<1024x65536xf32, #tpu.memory_space<hbm>> -> memref<32x1024xf32, #tpu.memory_space<hbm>>
    %dma_start3A_575 = arith.constant 35840 : i32
    %dma_start3A_576 = tpu.memref_slice %arg4[%mul3A_2, %dma_start3A_575] : memref<1024x65536xf32, #tpu.memory_space<hbm>> -> memref<32x1024xf32, #tpu.memory_space<hbm>>
    tpu.enqueue_dma source(%arg6 : memref<32x1024xf32, #tpu.memory_space<vmem>>) target(%dma_start3A_576 : memref<32x1024xf32, #tpu.memory_space<hbm>>) target_semaphore(%arg10 : memref<!tpu.dma_semaphore, #tpu.memory_space<semaphore_mem>>)
    %dma_wait3A_577 = arith.constant 36864 : i32
    %dma_wait3A_578 = tpu.memref_slice %arg3[%mul3A_2, %dma_wait3A_577] : memref<1024x65536xf32, #tpu.memory_space<hbm>> -> memref<32x1024xf32, #tpu.memory_space<hbm>>
    %dma_wait3A_579 = arith.constant 36864 : i32
    %dma_wait3A_580 = tpu.memref_slice %arg3[%mul3A_2, %dma_wait3A_579] : memref<1024x65536xf32, #tpu.memory_space<hbm>> -> memref<32x1024xf32, #tpu.memory_space<hbm>>
    tpu.wait_dma2 semaphore(%arg7 : memref<!tpu.dma_semaphore, #tpu.memory_space<semaphore_mem>>) src(%dma_wait3A_580 : memref<32x1024xf32, #tpu.memory_space<hbm>>) dst(%arg5 : memref<32x1024xf32, #tpu.memory_space<vmem>>)
    %dma_wait3A_581 = arith.constant 35840 : i32
    %dma_wait3A_582 = tpu.memref_slice %arg4[%mul3A_2, %dma_wait3A_581] : memref<1024x65536xf32, #tpu.memory_space<hbm>> -> memref<32x1024xf32, #tpu.memory_space<hbm>>
    %dma_wait3A_583 = arith.constant 35840 : i32
    %dma_wait3A_584 = tpu.memref_slice %arg4[%mul3A_2, %dma_wait3A_583] : memref<1024x65536xf32, #tpu.memory_space<hbm>> -> memref<32x1024xf32, #tpu.memory_space<hbm>>
    tpu.wait_dma2 semaphore(%arg10 : memref<!tpu.dma_semaphore, #tpu.memory_space<semaphore_mem>>) src(%arg6 : memref<32x1024xf32, #tpu.memory_space<vmem>>) dst(%dma_wait3A_584 : memref<32x1024xf32, #tpu.memory_space<hbm>>)
    %dma_start3A_585 = arith.constant 37888 : i32
    %dma_start3A_586 = tpu.memref_slice %arg3[%mul3A_2, %dma_start3A_585] : memref<1024x65536xf32, #tpu.memory_space<hbm>> -> memref<32x1024xf32, #tpu.memory_space<hbm>>
    %dma_start3A_587 = arith.constant 37888 : i32
    %dma_start3A_588 = tpu.memref_slice %arg3[%mul3A_2, %dma_start3A_587] : memref<1024x65536xf32, #tpu.memory_space<hbm>> -> memref<32x1024xf32, #tpu.memory_space<hbm>>
    tpu.enqueue_dma source(%dma_start3A_588 : memref<32x1024xf32, #tpu.memory_space<hbm>>) target(%arg6 : memref<32x1024xf32, #tpu.memory_space<vmem>>) target_semaphore(%arg8 : memref<!tpu.dma_semaphore, #tpu.memory_space<semaphore_mem>>)
    %dma_start3A_589 = arith.constant 36864 : i32
    %dma_start3A_590 = tpu.memref_slice %arg4[%mul3A_2, %dma_start3A_589] : memref<1024x65536xf32, #tpu.memory_space<hbm>> -> memref<32x1024xf32, #tpu.memory_space<hbm>>
    %dma_start3A_591 = arith.constant 36864 : i32
    %dma_start3A_592 = tpu.memref_slice %arg4[%mul3A_2, %dma_start3A_591] : memref<1024x65536xf32, #tpu.memory_space<hbm>> -> memref<32x1024xf32, #tpu.memory_space<hbm>>
    tpu.enqueue_dma source(%arg5 : memref<32x1024xf32, #tpu.memory_space<vmem>>) target(%dma_start3A_592 : memref<32x1024xf32, #tpu.memory_space<hbm>>) target_semaphore(%arg9 : memref<!tpu.dma_semaphore, #tpu.memory_space<semaphore_mem>>)
    %dma_wait3A_593 = arith.constant 37888 : i32
    %dma_wait3A_594 = tpu.memref_slice %arg3[%mul3A_2, %dma_wait3A_593] : memref<1024x65536xf32, #tpu.memory_space<hbm>> -> memref<32x1024xf32, #tpu.memory_space<hbm>>
    %dma_wait3A_595 = arith.constant 37888 : i32
    %dma_wait3A_596 = tpu.memref_slice %arg3[%mul3A_2, %dma_wait3A_595] : memref<1024x65536xf32, #tpu.memory_space<hbm>> -> memref<32x1024xf32, #tpu.memory_space<hbm>>
    tpu.wait_dma2 semaphore(%arg8 : memref<!tpu.dma_semaphore, #tpu.memory_space<semaphore_mem>>) src(%dma_wait3A_596 : memref<32x1024xf32, #tpu.memory_space<hbm>>) dst(%arg6 : memref<32x1024xf32, #tpu.memory_space<vmem>>)
    %dma_wait3A_597 = arith.constant 36864 : i32
    %dma_wait3A_598 = tpu.memref_slice %arg4[%mul3A_2, %dma_wait3A_597] : memref<1024x65536xf32, #tpu.memory_space<hbm>> -> memref<32x1024xf32, #tpu.memory_space<hbm>>
    %dma_wait3A_599 = arith.constant 36864 : i32
    %dma_wait3A_600 = tpu.memref_slice %arg4[%mul3A_2, %dma_wait3A_599] : memref<1024x65536xf32, #tpu.memory_space<hbm>> -> memref<32x1024xf32, #tpu.memory_space<hbm>>
    tpu.wait_dma2 semaphore(%arg9 : memref<!tpu.dma_semaphore, #tpu.memory_space<semaphore_mem>>) src(%arg5 : memref<32x1024xf32, #tpu.memory_space<vmem>>) dst(%dma_wait3A_600 : memref<32x1024xf32, #tpu.memory_space<hbm>>)
    %dma_start3A_601 = arith.constant 38912 : i32
    %dma_start3A_602 = tpu.memref_slice %arg3[%mul3A_2, %dma_start3A_601] : memref<1024x65536xf32, #tpu.memory_space<hbm>> -> memref<32x1024xf32, #tpu.memory_space<hbm>>
    %dma_start3A_603 = arith.constant 38912 : i32
    %dma_start3A_604 = tpu.memref_slice %arg3[%mul3A_2, %dma_start3A_603] : memref<1024x65536xf32, #tpu.memory_space<hbm>> -> memref<32x1024xf32, #tpu.memory_space<hbm>>
    tpu.enqueue_dma source(%dma_start3A_604 : memref<32x1024xf32, #tpu.memory_space<hbm>>) target(%arg5 : memref<32x1024xf32, #tpu.memory_space<vmem>>) target_semaphore(%arg7 : memref<!tpu.dma_semaphore, #tpu.memory_space<semaphore_mem>>)
    %dma_start3A_605 = arith.constant 37888 : i32
    %dma_start3A_606 = tpu.memref_slice %arg4[%mul3A_2, %dma_start3A_605] : memref<1024x65536xf32, #tpu.memory_space<hbm>> -> memref<32x1024xf32, #tpu.memory_space<hbm>>
    %dma_start3A_607 = arith.constant 37888 : i32
    %dma_start3A_608 = tpu.memref_slice %arg4[%mul3A_2, %dma_start3A_607] : memref<1024x65536xf32, #tpu.memory_space<hbm>> -> memref<32x1024xf32, #tpu.memory_space<hbm>>
    tpu.enqueue_dma source(%arg6 : memref<32x1024xf32, #tpu.memory_space<vmem>>) target(%dma_start3A_608 : memref<32x1024xf32, #tpu.memory_space<hbm>>) target_semaphore(%arg10 : memref<!tpu.dma_semaphore, #tpu.memory_space<semaphore_mem>>)
    %dma_wait3A_609 = arith.constant 38912 : i32
    %dma_wait3A_610 = tpu.memref_slice %arg3[%mul3A_2, %dma_wait3A_609] : memref<1024x65536xf32, #tpu.memory_space<hbm>> -> memref<32x1024xf32, #tpu.memory_space<hbm>>
    %dma_wait3A_611 = arith.constant 38912 : i32
    %dma_wait3A_612 = tpu.memref_slice %arg3[%mul3A_2, %dma_wait3A_611] : memref<1024x65536xf32, #tpu.memory_space<hbm>> -> memref<32x1024xf32, #tpu.memory_space<hbm>>
    tpu.wait_dma2 semaphore(%arg7 : memref<!tpu.dma_semaphore, #tpu.memory_space<semaphore_mem>>) src(%dma_wait3A_612 : memref<32x1024xf32, #tpu.memory_space<hbm>>) dst(%arg5 : memref<32x1024xf32, #tpu.memory_space<vmem>>)
    %dma_wait3A_613 = arith.constant 37888 : i32
    %dma_wait3A_614 = tpu.memref_slice %arg4[%mul3A_2, %dma_wait3A_613] : memref<1024x65536xf32, #tpu.memory_space<hbm>> -> memref<32x1024xf32, #tpu.memory_space<hbm>>
    %dma_wait3A_615 = arith.constant 37888 : i32
    %dma_wait3A_616 = tpu.memref_slice %arg4[%mul3A_2, %dma_wait3A_615] : memref<1024x65536xf32, #tpu.memory_space<hbm>> -> memref<32x1024xf32, #tpu.memory_space<hbm>>
    tpu.wait_dma2 semaphore(%arg10 : memref<!tpu.dma_semaphore, #tpu.memory_space<semaphore_mem>>) src(%arg6 : memref<32x1024xf32, #tpu.memory_space<vmem>>) dst(%dma_wait3A_616 : memref<32x1024xf32, #tpu.memory_space<hbm>>)
    %dma_start3A_617 = arith.constant 39936 : i32
    %dma_start3A_618 = tpu.memref_slice %arg3[%mul3A_2, %dma_start3A_617] : memref<1024x65536xf32, #tpu.memory_space<hbm>> -> memref<32x1024xf32, #tpu.memory_space<hbm>>
    %dma_start3A_619 = arith.constant 39936 : i32
    %dma_start3A_620 = tpu.memref_slice %arg3[%mul3A_2, %dma_start3A_619] : memref<1024x65536xf32, #tpu.memory_space<hbm>> -> memref<32x1024xf32, #tpu.memory_space<hbm>>
    tpu.enqueue_dma source(%dma_start3A_620 : memref<32x1024xf32, #tpu.memory_space<hbm>>) target(%arg6 : memref<32x1024xf32, #tpu.memory_space<vmem>>) target_semaphore(%arg8 : memref<!tpu.dma_semaphore, #tpu.memory_space<semaphore_mem>>)
    %dma_start3A_621 = arith.constant 38912 : i32
    %dma_start3A_622 = tpu.memref_slice %arg4[%mul3A_2, %dma_start3A_621] : memref<1024x65536xf32, #tpu.memory_space<hbm>> -> memref<32x1024xf32, #tpu.memory_space<hbm>>
    %dma_start3A_623 = arith.constant 38912 : i32
    %dma_start3A_624 = tpu.memref_slice %arg4[%mul3A_2, %dma_start3A_623] : memref<1024x65536xf32, #tpu.memory_space<hbm>> -> memref<32x1024xf32, #tpu.memory_space<hbm>>
    tpu.enqueue_dma source(%arg5 : memref<32x1024xf32, #tpu.memory_space<vmem>>) target(%dma_start3A_624 : memref<32x1024xf32, #tpu.memory_space<hbm>>) target_semaphore(%arg9 : memref<!tpu.dma_semaphore, #tpu.memory_space<semaphore_mem>>)
    %dma_wait3A_625 = arith.constant 39936 : i32
    %dma_wait3A_626 = tpu.memref_slice %arg3[%mul3A_2, %dma_wait3A_625] : memref<1024x65536xf32, #tpu.memory_space<hbm>> -> memref<32x1024xf32, #tpu.memory_space<hbm>>
    %dma_wait3A_627 = arith.constant 39936 : i32
    %dma_wait3A_628 = tpu.memref_slice %arg3[%mul3A_2, %dma_wait3A_627] : memref<1024x65536xf32, #tpu.memory_space<hbm>> -> memref<32x1024xf32, #tpu.memory_space<hbm>>
    tpu.wait_dma2 semaphore(%arg8 : memref<!tpu.dma_semaphore, #tpu.memory_space<semaphore_mem>>) src(%dma_wait3A_628 : memref<32x1024xf32, #tpu.memory_space<hbm>>) dst(%arg6 : memref<32x1024xf32, #tpu.memory_space<vmem>>)
    %dma_wait3A_629 = arith.constant 38912 : i32
    %dma_wait3A_630 = tpu.memref_slice %arg4[%mul3A_2, %dma_wait3A_629] : memref<1024x65536xf32, #tpu.memory_space<hbm>> -> memref<32x1024xf32, #tpu.memory_space<hbm>>
    %dma_wait3A_631 = arith.constant 38912 : i32
    %dma_wait3A_632 = tpu.memref_slice %arg4[%mul3A_2, %dma_wait3A_631] : memref<1024x65536xf32, #tpu.memory_space<hbm>> -> memref<32x1024xf32, #tpu.memory_space<hbm>>
    tpu.wait_dma2 semaphore(%arg9 : memref<!tpu.dma_semaphore, #tpu.memory_space<semaphore_mem>>) src(%arg5 : memref<32x1024xf32, #tpu.memory_space<vmem>>) dst(%dma_wait3A_632 : memref<32x1024xf32, #tpu.memory_space<hbm>>)
    %dma_start3A_633 = arith.constant 40960 : i32
    %dma_start3A_634 = tpu.memref_slice %arg3[%mul3A_2, %dma_start3A_633] : memref<1024x65536xf32, #tpu.memory_space<hbm>> -> memref<32x1024xf32, #tpu.memory_space<hbm>>
    %dma_start3A_635 = arith.constant 40960 : i32
    %dma_start3A_636 = tpu.memref_slice %arg3[%mul3A_2, %dma_start3A_635] : memref<1024x65536xf32, #tpu.memory_space<hbm>> -> memref<32x1024xf32, #tpu.memory_space<hbm>>
    tpu.enqueue_dma source(%dma_start3A_636 : memref<32x1024xf32, #tpu.memory_space<hbm>>) target(%arg5 : memref<32x1024xf32, #tpu.memory_space<vmem>>) target_semaphore(%arg7 : memref<!tpu.dma_semaphore, #tpu.memory_space<semaphore_mem>>)
    %dma_start3A_637 = arith.constant 39936 : i32
    %dma_start3A_638 = tpu.memref_slice %arg4[%mul3A_2, %dma_start3A_637] : memref<1024x65536xf32, #tpu.memory_space<hbm>> -> memref<32x1024xf32, #tpu.memory_space<hbm>>
    %dma_start3A_639 = arith.constant 39936 : i32
    %dma_start3A_640 = tpu.memref_slice %arg4[%mul3A_2, %dma_start3A_639] : memref<1024x65536xf32, #tpu.memory_space<hbm>> -> memref<32x1024xf32, #tpu.memory_space<hbm>>
    tpu.enqueue_dma source(%arg6 : memref<32x1024xf32, #tpu.memory_space<vmem>>) target(%dma_start3A_640 : memref<32x1024xf32, #tpu.memory_space<hbm>>) target_semaphore(%arg10 : memref<!tpu.dma_semaphore, #tpu.memory_space<semaphore_mem>>)
    %dma_wait3A_641 = arith.constant 40960 : i32
    %dma_wait3A_642 = tpu.memref_slice %arg3[%mul3A_2, %dma_wait3A_641] : memref<1024x65536xf32, #tpu.memory_space<hbm>> -> memref<32x1024xf32, #tpu.memory_space<hbm>>
    %dma_wait3A_643 = arith.constant 40960 : i32
    %dma_wait3A_644 = tpu.memref_slice %arg3[%mul3A_2, %dma_wait3A_643] : memref<1024x65536xf32, #tpu.memory_space<hbm>> -> memref<32x1024xf32, #tpu.memory_space<hbm>>
    tpu.wait_dma2 semaphore(%arg7 : memref<!tpu.dma_semaphore, #tpu.memory_space<semaphore_mem>>) src(%dma_wait3A_644 : memref<32x1024xf32, #tpu.memory_space<hbm>>) dst(%arg5 : memref<32x1024xf32, #tpu.memory_space<vmem>>)
    %dma_wait3A_645 = arith.constant 39936 : i32
    %dma_wait3A_646 = tpu.memref_slice %arg4[%mul3A_2, %dma_wait3A_645] : memref<1024x65536xf32, #tpu.memory_space<hbm>> -> memref<32x1024xf32, #tpu.memory_space<hbm>>
    %dma_wait3A_647 = arith.constant 39936 : i32
    %dma_wait3A_648 = tpu.memref_slice %arg4[%mul3A_2, %dma_wait3A_647] : memref<1024x65536xf32, #tpu.memory_space<hbm>> -> memref<32x1024xf32, #tpu.memory_space<hbm>>
    tpu.wait_dma2 semaphore(%arg10 : memref<!tpu.dma_semaphore, #tpu.memory_space<semaphore_mem>>) src(%arg6 : memref<32x1024xf32, #tpu.memory_space<vmem>>) dst(%dma_wait3A_648 : memref<32x1024xf32, #tpu.memory_space<hbm>>)
    %dma_start3A_649 = arith.constant 41984 : i32
    %dma_start3A_650 = tpu.memref_slice %arg3[%mul3A_2, %dma_start3A_649] : memref<1024x65536xf32, #tpu.memory_space<hbm>> -> memref<32x1024xf32, #tpu.memory_space<hbm>>
    %dma_start3A_651 = arith.constant 41984 : i32
    %dma_start3A_652 = tpu.memref_slice %arg3[%mul3A_2, %dma_start3A_651] : memref<1024x65536xf32, #tpu.memory_space<hbm>> -> memref<32x1024xf32, #tpu.memory_space<hbm>>
    tpu.enqueue_dma source(%dma_start3A_652 : memref<32x1024xf32, #tpu.memory_space<hbm>>) target(%arg6 : memref<32x1024xf32, #tpu.memory_space<vmem>>) target_semaphore(%arg8 : memref<!tpu.dma_semaphore, #tpu.memory_space<semaphore_mem>>)
    %dma_start3A_653 = arith.constant 40960 : i32
    %dma_start3A_654 = tpu.memref_slice %arg4[%mul3A_2, %dma_start3A_653] : memref<1024x65536xf32, #tpu.memory_space<hbm>> -> memref<32x1024xf32, #tpu.memory_space<hbm>>
    %dma_start3A_655 = arith.constant 40960 : i32
    %dma_start3A_656 = tpu.memref_slice %arg4[%mul3A_2, %dma_start3A_655] : memref<1024x65536xf32, #tpu.memory_space<hbm>> -> memref<32x1024xf32, #tpu.memory_space<hbm>>
    tpu.enqueue_dma source(%arg5 : memref<32x1024xf32, #tpu.memory_space<vmem>>) target(%dma_start3A_656 : memref<32x1024xf32, #tpu.memory_space<hbm>>) target_semaphore(%arg9 : memref<!tpu.dma_semaphore, #tpu.memory_space<semaphore_mem>>)
    %dma_wait3A_657 = arith.constant 41984 : i32
    %dma_wait3A_658 = tpu.memref_slice %arg3[%mul3A_2, %dma_wait3A_657] : memref<1024x65536xf32, #tpu.memory_space<hbm>> -> memref<32x1024xf32, #tpu.memory_space<hbm>>
    %dma_wait3A_659 = arith.constant 41984 : i32
    %dma_wait3A_660 = tpu.memref_slice %arg3[%mul3A_2, %dma_wait3A_659] : memref<1024x65536xf32, #tpu.memory_space<hbm>> -> memref<32x1024xf32, #tpu.memory_space<hbm>>
    tpu.wait_dma2 semaphore(%arg8 : memref<!tpu.dma_semaphore, #tpu.memory_space<semaphore_mem>>) src(%dma_wait3A_660 : memref<32x1024xf32, #tpu.memory_space<hbm>>) dst(%arg6 : memref<32x1024xf32, #tpu.memory_space<vmem>>)
    %dma_wait3A_661 = arith.constant 40960 : i32
    %dma_wait3A_662 = tpu.memref_slice %arg4[%mul3A_2, %dma_wait3A_661] : memref<1024x65536xf32, #tpu.memory_space<hbm>> -> memref<32x1024xf32, #tpu.memory_space<hbm>>
    %dma_wait3A_663 = arith.constant 40960 : i32
    %dma_wait3A_664 = tpu.memref_slice %arg4[%mul3A_2, %dma_wait3A_663] : memref<1024x65536xf32, #tpu.memory_space<hbm>> -> memref<32x1024xf32, #tpu.memory_space<hbm>>
    tpu.wait_dma2 semaphore(%arg9 : memref<!tpu.dma_semaphore, #tpu.memory_space<semaphore_mem>>) src(%arg5 : memref<32x1024xf32, #tpu.memory_space<vmem>>) dst(%dma_wait3A_664 : memref<32x1024xf32, #tpu.memory_space<hbm>>)
    %dma_start3A_665 = arith.constant 43008 : i32
    %dma_start3A_666 = tpu.memref_slice %arg3[%mul3A_2, %dma_start3A_665] : memref<1024x65536xf32, #tpu.memory_space<hbm>> -> memref<32x1024xf32, #tpu.memory_space<hbm>>
    %dma_start3A_667 = arith.constant 43008 : i32
    %dma_start3A_668 = tpu.memref_slice %arg3[%mul3A_2, %dma_start3A_667] : memref<1024x65536xf32, #tpu.memory_space<hbm>> -> memref<32x1024xf32, #tpu.memory_space<hbm>>
    tpu.enqueue_dma source(%dma_start3A_668 : memref<32x1024xf32, #tpu.memory_space<hbm>>) target(%arg5 : memref<32x1024xf32, #tpu.memory_space<vmem>>) target_semaphore(%arg7 : memref<!tpu.dma_semaphore, #tpu.memory_space<semaphore_mem>>)
    %dma_start3A_669 = arith.constant 41984 : i32
    %dma_start3A_670 = tpu.memref_slice %arg4[%mul3A_2, %dma_start3A_669] : memref<1024x65536xf32, #tpu.memory_space<hbm>> -> memref<32x1024xf32, #tpu.memory_space<hbm>>
    %dma_start3A_671 = arith.constant 41984 : i32
    %dma_start3A_672 = tpu.memref_slice %arg4[%mul3A_2, %dma_start3A_671] : memref<1024x65536xf32, #tpu.memory_space<hbm>> -> memref<32x1024xf32, #tpu.memory_space<hbm>>
    tpu.enqueue_dma source(%arg6 : memref<32x1024xf32, #tpu.memory_space<vmem>>) target(%dma_start3A_672 : memref<32x1024xf32, #tpu.memory_space<hbm>>) target_semaphore(%arg10 : memref<!tpu.dma_semaphore, #tpu.memory_space<semaphore_mem>>)
    %dma_wait3A_673 = arith.constant 43008 : i32
    %dma_wait3A_674 = tpu.memref_slice %arg3[%mul3A_2, %dma_wait3A_673] : memref<1024x65536xf32, #tpu.memory_space<hbm>> -> memref<32x1024xf32, #tpu.memory_space<hbm>>
    %dma_wait3A_675 = arith.constant 43008 : i32
    %dma_wait3A_676 = tpu.memref_slice %arg3[%mul3A_2, %dma_wait3A_675] : memref<1024x65536xf32, #tpu.memory_space<hbm>> -> memref<32x1024xf32, #tpu.memory_space<hbm>>
    tpu.wait_dma2 semaphore(%arg7 : memref<!tpu.dma_semaphore, #tpu.memory_space<semaphore_mem>>) src(%dma_wait3A_676 : memref<32x1024xf32, #tpu.memory_space<hbm>>) dst(%arg5 : memref<32x1024xf32, #tpu.memory_space<vmem>>)
    %dma_wait3A_677 = arith.constant 41984 : i32
    %dma_wait3A_678 = tpu.memref_slice %arg4[%mul3A_2, %dma_wait3A_677] : memref<1024x65536xf32, #tpu.memory_space<hbm>> -> memref<32x1024xf32, #tpu.memory_space<hbm>>
    %dma_wait3A_679 = arith.constant 41984 : i32
    %dma_wait3A_680 = tpu.memref_slice %arg4[%mul3A_2, %dma_wait3A_679] : memref<1024x65536xf32, #tpu.memory_space<hbm>> -> memref<32x1024xf32, #tpu.memory_space<hbm>>
    tpu.wait_dma2 semaphore(%arg10 : memref<!tpu.dma_semaphore, #tpu.memory_space<semaphore_mem>>) src(%arg6 : memref<32x1024xf32, #tpu.memory_space<vmem>>) dst(%dma_wait3A_680 : memref<32x1024xf32, #tpu.memory_space<hbm>>)
    %dma_start3A_681 = arith.constant 44032 : i32
    %dma_start3A_682 = tpu.memref_slice %arg3[%mul3A_2, %dma_start3A_681] : memref<1024x65536xf32, #tpu.memory_space<hbm>> -> memref<32x1024xf32, #tpu.memory_space<hbm>>
    %dma_start3A_683 = arith.constant 44032 : i32
    %dma_start3A_684 = tpu.memref_slice %arg3[%mul3A_2, %dma_start3A_683] : memref<1024x65536xf32, #tpu.memory_space<hbm>> -> memref<32x1024xf32, #tpu.memory_space<hbm>>
    tpu.enqueue_dma source(%dma_start3A_684 : memref<32x1024xf32, #tpu.memory_space<hbm>>) target(%arg6 : memref<32x1024xf32, #tpu.memory_space<vmem>>) target_semaphore(%arg8 : memref<!tpu.dma_semaphore, #tpu.memory_space<semaphore_mem>>)
    %dma_start3A_685 = arith.constant 43008 : i32
    %dma_start3A_686 = tpu.memref_slice %arg4[%mul3A_2, %dma_start3A_685] : memref<1024x65536xf32, #tpu.memory_space<hbm>> -> memref<32x1024xf32, #tpu.memory_space<hbm>>
    %dma_start3A_687 = arith.constant 43008 : i32
    %dma_start3A_688 = tpu.memref_slice %arg4[%mul3A_2, %dma_start3A_687] : memref<1024x65536xf32, #tpu.memory_space<hbm>> -> memref<32x1024xf32, #tpu.memory_space<hbm>>
    tpu.enqueue_dma source(%arg5 : memref<32x1024xf32, #tpu.memory_space<vmem>>) target(%dma_start3A_688 : memref<32x1024xf32, #tpu.memory_space<hbm>>) target_semaphore(%arg9 : memref<!tpu.dma_semaphore, #tpu.memory_space<semaphore_mem>>)
    %dma_wait3A_689 = arith.constant 44032 : i32
    %dma_wait3A_690 = tpu.memref_slice %arg3[%mul3A_2, %dma_wait3A_689] : memref<1024x65536xf32, #tpu.memory_space<hbm>> -> memref<32x1024xf32, #tpu.memory_space<hbm>>
    %dma_wait3A_691 = arith.constant 44032 : i32
    %dma_wait3A_692 = tpu.memref_slice %arg3[%mul3A_2, %dma_wait3A_691] : memref<1024x65536xf32, #tpu.memory_space<hbm>> -> memref<32x1024xf32, #tpu.memory_space<hbm>>
    tpu.wait_dma2 semaphore(%arg8 : memref<!tpu.dma_semaphore, #tpu.memory_space<semaphore_mem>>) src(%dma_wait3A_692 : memref<32x1024xf32, #tpu.memory_space<hbm>>) dst(%arg6 : memref<32x1024xf32, #tpu.memory_space<vmem>>)
    %dma_wait3A_693 = arith.constant 43008 : i32
    %dma_wait3A_694 = tpu.memref_slice %arg4[%mul3A_2, %dma_wait3A_693] : memref<1024x65536xf32, #tpu.memory_space<hbm>> -> memref<32x1024xf32, #tpu.memory_space<hbm>>
    %dma_wait3A_695 = arith.constant 43008 : i32
    %dma_wait3A_696 = tpu.memref_slice %arg4[%mul3A_2, %dma_wait3A_695] : memref<1024x65536xf32, #tpu.memory_space<hbm>> -> memref<32x1024xf32, #tpu.memory_space<hbm>>
    tpu.wait_dma2 semaphore(%arg9 : memref<!tpu.dma_semaphore, #tpu.memory_space<semaphore_mem>>) src(%arg5 : memref<32x1024xf32, #tpu.memory_space<vmem>>) dst(%dma_wait3A_696 : memref<32x1024xf32, #tpu.memory_space<hbm>>)
    %dma_start3A_697 = arith.constant 45056 : i32
    %dma_start3A_698 = tpu.memref_slice %arg3[%mul3A_2, %dma_start3A_697] : memref<1024x65536xf32, #tpu.memory_space<hbm>> -> memref<32x1024xf32, #tpu.memory_space<hbm>>
    %dma_start3A_699 = arith.constant 45056 : i32
    %dma_start3A_700 = tpu.memref_slice %arg3[%mul3A_2, %dma_start3A_699] : memref<1024x65536xf32, #tpu.memory_space<hbm>> -> memref<32x1024xf32, #tpu.memory_space<hbm>>
    tpu.enqueue_dma source(%dma_start3A_700 : memref<32x1024xf32, #tpu.memory_space<hbm>>) target(%arg5 : memref<32x1024xf32, #tpu.memory_space<vmem>>) target_semaphore(%arg7 : memref<!tpu.dma_semaphore, #tpu.memory_space<semaphore_mem>>)
    %dma_start3A_701 = arith.constant 44032 : i32
    %dma_start3A_702 = tpu.memref_slice %arg4[%mul3A_2, %dma_start3A_701] : memref<1024x65536xf32, #tpu.memory_space<hbm>> -> memref<32x1024xf32, #tpu.memory_space<hbm>>
    %dma_start3A_703 = arith.constant 44032 : i32
    %dma_start3A_704 = tpu.memref_slice %arg4[%mul3A_2, %dma_start3A_703] : memref<1024x65536xf32, #tpu.memory_space<hbm>> -> memref<32x1024xf32, #tpu.memory_space<hbm>>
    tpu.enqueue_dma source(%arg6 : memref<32x1024xf32, #tpu.memory_space<vmem>>) target(%dma_start3A_704 : memref<32x1024xf32, #tpu.memory_space<hbm>>) target_semaphore(%arg10 : memref<!tpu.dma_semaphore, #tpu.memory_space<semaphore_mem>>)
    %dma_wait3A_705 = arith.constant 45056 : i32
    %dma_wait3A_706 = tpu.memref_slice %arg3[%mul3A_2, %dma_wait3A_705] : memref<1024x65536xf32, #tpu.memory_space<hbm>> -> memref<32x1024xf32, #tpu.memory_space<hbm>>
    %dma_wait3A_707 = arith.constant 45056 : i32
    %dma_wait3A_708 = tpu.memref_slice %arg3[%mul3A_2, %dma_wait3A_707] : memref<1024x65536xf32, #tpu.memory_space<hbm>> -> memref<32x1024xf32, #tpu.memory_space<hbm>>
    tpu.wait_dma2 semaphore(%arg7 : memref<!tpu.dma_semaphore, #tpu.memory_space<semaphore_mem>>) src(%dma_wait3A_708 : memref<32x1024xf32, #tpu.memory_space<hbm>>) dst(%arg5 : memref<32x1024xf32, #tpu.memory_space<vmem>>)
    %dma_wait3A_709 = arith.constant 44032 : i32
    %dma_wait3A_710 = tpu.memref_slice %arg4[%mul3A_2, %dma_wait3A_709] : memref<1024x65536xf32, #tpu.memory_space<hbm>> -> memref<32x1024xf32, #tpu.memory_space<hbm>>
    %dma_wait3A_711 = arith.constant 44032 : i32
    %dma_wait3A_712 = tpu.memref_slice %arg4[%mul3A_2, %dma_wait3A_711] : memref<1024x65536xf32, #tpu.memory_space<hbm>> -> memref<32x1024xf32, #tpu.memory_space<hbm>>
    tpu.wait_dma2 semaphore(%arg10 : memref<!tpu.dma_semaphore, #tpu.memory_space<semaphore_mem>>) src(%arg6 : memref<32x1024xf32, #tpu.memory_space<vmem>>) dst(%dma_wait3A_712 : memref<32x1024xf32, #tpu.memory_space<hbm>>)
    %dma_start3A_713 = arith.constant 46080 : i32
    %dma_start3A_714 = tpu.memref_slice %arg3[%mul3A_2, %dma_start3A_713] : memref<1024x65536xf32, #tpu.memory_space<hbm>> -> memref<32x1024xf32, #tpu.memory_space<hbm>>
    %dma_start3A_715 = arith.constant 46080 : i32
    %dma_start3A_716 = tpu.memref_slice %arg3[%mul3A_2, %dma_start3A_715] : memref<1024x65536xf32, #tpu.memory_space<hbm>> -> memref<32x1024xf32, #tpu.memory_space<hbm>>
    tpu.enqueue_dma source(%dma_start3A_716 : memref<32x1024xf32, #tpu.memory_space<hbm>>) target(%arg6 : memref<32x1024xf32, #tpu.memory_space<vmem>>) target_semaphore(%arg8 : memref<!tpu.dma_semaphore, #tpu.memory_space<semaphore_mem>>)
    %dma_start3A_717 = arith.constant 45056 : i32
    %dma_start3A_718 = tpu.memref_slice %arg4[%mul3A_2, %dma_start3A_717] : memref<1024x65536xf32, #tpu.memory_space<hbm>> -> memref<32x1024xf32, #tpu.memory_space<hbm>>
    %dma_start3A_719 = arith.constant 45056 : i32
    %dma_start3A_720 = tpu.memref_slice %arg4[%mul3A_2, %dma_start3A_719] : memref<1024x65536xf32, #tpu.memory_space<hbm>> -> memref<32x1024xf32, #tpu.memory_space<hbm>>
    tpu.enqueue_dma source(%arg5 : memref<32x1024xf32, #tpu.memory_space<vmem>>) target(%dma_start3A_720 : memref<32x1024xf32, #tpu.memory_space<hbm>>) target_semaphore(%arg9 : memref<!tpu.dma_semaphore, #tpu.memory_space<semaphore_mem>>)
    %dma_wait3A_721 = arith.constant 46080 : i32
    %dma_wait3A_722 = tpu.memref_slice %arg3[%mul3A_2, %dma_wait3A_721] : memref<1024x65536xf32, #tpu.memory_space<hbm>> -> memref<32x1024xf32, #tpu.memory_space<hbm>>
    %dma_wait3A_723 = arith.constant 46080 : i32
    %dma_wait3A_724 = tpu.memref_slice %arg3[%mul3A_2, %dma_wait3A_723] : memref<1024x65536xf32, #tpu.memory_space<hbm>> -> memref<32x1024xf32, #tpu.memory_space<hbm>>
    tpu.wait_dma2 semaphore(%arg8 : memref<!tpu.dma_semaphore, #tpu.memory_space<semaphore_mem>>) src(%dma_wait3A_724 : memref<32x1024xf32, #tpu.memory_space<hbm>>) dst(%arg6 : memref<32x1024xf32, #tpu.memory_space<vmem>>)
    %dma_wait3A_725 = arith.constant 45056 : i32
    %dma_wait3A_726 = tpu.memref_slice %arg4[%mul3A_2, %dma_wait3A_725] : memref<1024x65536xf32, #tpu.memory_space<hbm>> -> memref<32x1024xf32, #tpu.memory_space<hbm>>
    %dma_wait3A_727 = arith.constant 45056 : i32
    %dma_wait3A_728 = tpu.memref_slice %arg4[%mul3A_2, %dma_wait3A_727] : memref<1024x65536xf32, #tpu.memory_space<hbm>> -> memref<32x1024xf32, #tpu.memory_space<hbm>>
    tpu.wait_dma2 semaphore(%arg9 : memref<!tpu.dma_semaphore, #tpu.memory_space<semaphore_mem>>) src(%arg5 : memref<32x1024xf32, #tpu.memory_space<vmem>>) dst(%dma_wait3A_728 : memref<32x1024xf32, #tpu.memory_space<hbm>>)
    %dma_start3A_729 = arith.constant 47104 : i32
    %dma_start3A_730 = tpu.memref_slice %arg3[%mul3A_2, %dma_start3A_729] : memref<1024x65536xf32, #tpu.memory_space<hbm>> -> memref<32x1024xf32, #tpu.memory_space<hbm>>
    %dma_start3A_731 = arith.constant 47104 : i32
    %dma_start3A_732 = tpu.memref_slice %arg3[%mul3A_2, %dma_start3A_731] : memref<1024x65536xf32, #tpu.memory_space<hbm>> -> memref<32x1024xf32, #tpu.memory_space<hbm>>
    tpu.enqueue_dma source(%dma_start3A_732 : memref<32x1024xf32, #tpu.memory_space<hbm>>) target(%arg5 : memref<32x1024xf32, #tpu.memory_space<vmem>>) target_semaphore(%arg7 : memref<!tpu.dma_semaphore, #tpu.memory_space<semaphore_mem>>)
    %dma_start3A_733 = arith.constant 46080 : i32
    %dma_start3A_734 = tpu.memref_slice %arg4[%mul3A_2, %dma_start3A_733] : memref<1024x65536xf32, #tpu.memory_space<hbm>> -> memref<32x1024xf32, #tpu.memory_space<hbm>>
    %dma_start3A_735 = arith.constant 46080 : i32
    %dma_start3A_736 = tpu.memref_slice %arg4[%mul3A_2, %dma_start3A_735] : memref<1024x65536xf32, #tpu.memory_space<hbm>> -> memref<32x1024xf32, #tpu.memory_space<hbm>>
    tpu.enqueue_dma source(%arg6 : memref<32x1024xf32, #tpu.memory_space<vmem>>) target(%dma_start3A_736 : memref<32x1024xf32, #tpu.memory_space<hbm>>) target_semaphore(%arg10 : memref<!tpu.dma_semaphore, #tpu.memory_space<semaphore_mem>>)
    %dma_wait3A_737 = arith.constant 47104 : i32
    %dma_wait3A_738 = tpu.memref_slice %arg3[%mul3A_2, %dma_wait3A_737] : memref<1024x65536xf32, #tpu.memory_space<hbm>> -> memref<32x1024xf32, #tpu.memory_space<hbm>>
    %dma_wait3A_739 = arith.constant 47104 : i32
    %dma_wait3A_740 = tpu.memref_slice %arg3[%mul3A_2, %dma_wait3A_739] : memref<1024x65536xf32, #tpu.memory_space<hbm>> -> memref<32x1024xf32, #tpu.memory_space<hbm>>
    tpu.wait_dma2 semaphore(%arg7 : memref<!tpu.dma_semaphore, #tpu.memory_space<semaphore_mem>>) src(%dma_wait3A_740 : memref<32x1024xf32, #tpu.memory_space<hbm>>) dst(%arg5 : memref<32x1024xf32, #tpu.memory_space<vmem>>)
    %dma_wait3A_741 = arith.constant 46080 : i32
    %dma_wait3A_742 = tpu.memref_slice %arg4[%mul3A_2, %dma_wait3A_741] : memref<1024x65536xf32, #tpu.memory_space<hbm>> -> memref<32x1024xf32, #tpu.memory_space<hbm>>
    %dma_wait3A_743 = arith.constant 46080 : i32
    %dma_wait3A_744 = tpu.memref_slice %arg4[%mul3A_2, %dma_wait3A_743] : memref<1024x65536xf32, #tpu.memory_space<hbm>> -> memref<32x1024xf32, #tpu.memory_space<hbm>>
    tpu.wait_dma2 semaphore(%arg10 : memref<!tpu.dma_semaphore, #tpu.memory_space<semaphore_mem>>) src(%arg6 : memref<32x1024xf32, #tpu.memory_space<vmem>>) dst(%dma_wait3A_744 : memref<32x1024xf32, #tpu.memory_space<hbm>>)
    %dma_start3A_745 = arith.constant 48128 : i32
    %dma_start3A_746 = tpu.memref_slice %arg3[%mul3A_2, %dma_start3A_745] : memref<1024x65536xf32, #tpu.memory_space<hbm>> -> memref<32x1024xf32, #tpu.memory_space<hbm>>
    %dma_start3A_747 = arith.constant 48128 : i32
    %dma_start3A_748 = tpu.memref_slice %arg3[%mul3A_2, %dma_start3A_747] : memref<1024x65536xf32, #tpu.memory_space<hbm>> -> memref<32x1024xf32, #tpu.memory_space<hbm>>
    tpu.enqueue_dma source(%dma_start3A_748 : memref<32x1024xf32, #tpu.memory_space<hbm>>) target(%arg6 : memref<32x1024xf32, #tpu.memory_space<vmem>>) target_semaphore(%arg8 : memref<!tpu.dma_semaphore, #tpu.memory_space<semaphore_mem>>)
    %dma_start3A_749 = arith.constant 47104 : i32
    %dma_start3A_750 = tpu.memref_slice %arg4[%mul3A_2, %dma_start3A_749] : memref<1024x65536xf32, #tpu.memory_space<hbm>> -> memref<32x1024xf32, #tpu.memory_space<hbm>>
    %dma_start3A_751 = arith.constant 47104 : i32
    %dma_start3A_752 = tpu.memref_slice %arg4[%mul3A_2, %dma_start3A_751] : memref<1024x65536xf32, #tpu.memory_space<hbm>> -> memref<32x1024xf32, #tpu.memory_space<hbm>>
    tpu.enqueue_dma source(%arg5 : memref<32x1024xf32, #tpu.memory_space<vmem>>) target(%dma_start3A_752 : memref<32x1024xf32, #tpu.memory_space<hbm>>) target_semaphore(%arg9 : memref<!tpu.dma_semaphore, #tpu.memory_space<semaphore_mem>>)
    %dma_wait3A_753 = arith.constant 48128 : i32
    %dma_wait3A_754 = tpu.memref_slice %arg3[%mul3A_2, %dma_wait3A_753] : memref<1024x65536xf32, #tpu.memory_space<hbm>> -> memref<32x1024xf32, #tpu.memory_space<hbm>>
    %dma_wait3A_755 = arith.constant 48128 : i32
    %dma_wait3A_756 = tpu.memref_slice %arg3[%mul3A_2, %dma_wait3A_755] : memref<1024x65536xf32, #tpu.memory_space<hbm>> -> memref<32x1024xf32, #tpu.memory_space<hbm>>
    tpu.wait_dma2 semaphore(%arg8 : memref<!tpu.dma_semaphore, #tpu.memory_space<semaphore_mem>>) src(%dma_wait3A_756 : memref<32x1024xf32, #tpu.memory_space<hbm>>) dst(%arg6 : memref<32x1024xf32, #tpu.memory_space<vmem>>)
    %dma_wait3A_757 = arith.constant 47104 : i32
    %dma_wait3A_758 = tpu.memref_slice %arg4[%mul3A_2, %dma_wait3A_757] : memref<1024x65536xf32, #tpu.memory_space<hbm>> -> memref<32x1024xf32, #tpu.memory_space<hbm>>
    %dma_wait3A_759 = arith.constant 47104 : i32
    %dma_wait3A_760 = tpu.memref_slice %arg4[%mul3A_2, %dma_wait3A_759] : memref<1024x65536xf32, #tpu.memory_space<hbm>> -> memref<32x1024xf32, #tpu.memory_space<hbm>>
    tpu.wait_dma2 semaphore(%arg9 : memref<!tpu.dma_semaphore, #tpu.memory_space<semaphore_mem>>) src(%arg5 : memref<32x1024xf32, #tpu.memory_space<vmem>>) dst(%dma_wait3A_760 : memref<32x1024xf32, #tpu.memory_space<hbm>>)
    %dma_start3A_761 = arith.constant 49152 : i32
    %dma_start3A_762 = tpu.memref_slice %arg3[%mul3A_2, %dma_start3A_761] : memref<1024x65536xf32, #tpu.memory_space<hbm>> -> memref<32x1024xf32, #tpu.memory_space<hbm>>
    %dma_start3A_763 = arith.constant 49152 : i32
    %dma_start3A_764 = tpu.memref_slice %arg3[%mul3A_2, %dma_start3A_763] : memref<1024x65536xf32, #tpu.memory_space<hbm>> -> memref<32x1024xf32, #tpu.memory_space<hbm>>
    tpu.enqueue_dma source(%dma_start3A_764 : memref<32x1024xf32, #tpu.memory_space<hbm>>) target(%arg5 : memref<32x1024xf32, #tpu.memory_space<vmem>>) target_semaphore(%arg7 : memref<!tpu.dma_semaphore, #tpu.memory_space<semaphore_mem>>)
    %dma_start3A_765 = arith.constant 48128 : i32
    %dma_start3A_766 = tpu.memref_slice %arg4[%mul3A_2, %dma_start3A_765] : memref<1024x65536xf32, #tpu.memory_space<hbm>> -> memref<32x1024xf32, #tpu.memory_space<hbm>>
    %dma_start3A_767 = arith.constant 48128 : i32
    %dma_start3A_768 = tpu.memref_slice %arg4[%mul3A_2, %dma_start3A_767] : memref<1024x65536xf32, #tpu.memory_space<hbm>> -> memref<32x1024xf32, #tpu.memory_space<hbm>>
    tpu.enqueue_dma source(%arg6 : memref<32x1024xf32, #tpu.memory_space<vmem>>) target(%dma_start3A_768 : memref<32x1024xf32, #tpu.memory_space<hbm>>) target_semaphore(%arg10 : memref<!tpu.dma_semaphore, #tpu.memory_space<semaphore_mem>>)
    %dma_wait3A_769 = arith.constant 49152 : i32
    %dma_wait3A_770 = tpu.memref_slice %arg3[%mul3A_2, %dma_wait3A_769] : memref<1024x65536xf32, #tpu.memory_space<hbm>> -> memref<32x1024xf32, #tpu.memory_space<hbm>>
    %dma_wait3A_771 = arith.constant 49152 : i32
    %dma_wait3A_772 = tpu.memref_slice %arg3[%mul3A_2, %dma_wait3A_771] : memref<1024x65536xf32, #tpu.memory_space<hbm>> -> memref<32x1024xf32, #tpu.memory_space<hbm>>
    tpu.wait_dma2 semaphore(%arg7 : memref<!tpu.dma_semaphore, #tpu.memory_space<semaphore_mem>>) src(%dma_wait3A_772 : memref<32x1024xf32, #tpu.memory_space<hbm>>) dst(%arg5 : memref<32x1024xf32, #tpu.memory_space<vmem>>)
    %dma_wait3A_773 = arith.constant 48128 : i32
    %dma_wait3A_774 = tpu.memref_slice %arg4[%mul3A_2, %dma_wait3A_773] : memref<1024x65536xf32, #tpu.memory_space<hbm>> -> memref<32x1024xf32, #tpu.memory_space<hbm>>
    %dma_wait3A_775 = arith.constant 48128 : i32
    %dma_wait3A_776 = tpu.memref_slice %arg4[%mul3A_2, %dma_wait3A_775] : memref<1024x65536xf32, #tpu.memory_space<hbm>> -> memref<32x1024xf32, #tpu.memory_space<hbm>>
    tpu.wait_dma2 semaphore(%arg10 : memref<!tpu.dma_semaphore, #tpu.memory_space<semaphore_mem>>) src(%arg6 : memref<32x1024xf32, #tpu.memory_space<vmem>>) dst(%dma_wait3A_776 : memref<32x1024xf32, #tpu.memory_space<hbm>>)
    %dma_start3A_777 = arith.constant 50176 : i32
    %dma_start3A_778 = tpu.memref_slice %arg3[%mul3A_2, %dma_start3A_777] : memref<1024x65536xf32, #tpu.memory_space<hbm>> -> memref<32x1024xf32, #tpu.memory_space<hbm>>
    %dma_start3A_779 = arith.constant 50176 : i32
    %dma_start3A_780 = tpu.memref_slice %arg3[%mul3A_2, %dma_start3A_779] : memref<1024x65536xf32, #tpu.memory_space<hbm>> -> memref<32x1024xf32, #tpu.memory_space<hbm>>
    tpu.enqueue_dma source(%dma_start3A_780 : memref<32x1024xf32, #tpu.memory_space<hbm>>) target(%arg6 : memref<32x1024xf32, #tpu.memory_space<vmem>>) target_semaphore(%arg8 : memref<!tpu.dma_semaphore, #tpu.memory_space<semaphore_mem>>)
    %dma_start3A_781 = arith.constant 49152 : i32
    %dma_start3A_782 = tpu.memref_slice %arg4[%mul3A_2, %dma_start3A_781] : memref<1024x65536xf32, #tpu.memory_space<hbm>> -> memref<32x1024xf32, #tpu.memory_space<hbm>>
    %dma_start3A_783 = arith.constant 49152 : i32
    %dma_start3A_784 = tpu.memref_slice %arg4[%mul3A_2, %dma_start3A_783] : memref<1024x65536xf32, #tpu.memory_space<hbm>> -> memref<32x1024xf32, #tpu.memory_space<hbm>>
    tpu.enqueue_dma source(%arg5 : memref<32x1024xf32, #tpu.memory_space<vmem>>) target(%dma_start3A_784 : memref<32x1024xf32, #tpu.memory_space<hbm>>) target_semaphore(%arg9 : memref<!tpu.dma_semaphore, #tpu.memory_space<semaphore_mem>>)
    %dma_wait3A_785 = arith.constant 50176 : i32
    %dma_wait3A_786 = tpu.memref_slice %arg3[%mul3A_2, %dma_wait3A_785] : memref<1024x65536xf32, #tpu.memory_space<hbm>> -> memref<32x1024xf32, #tpu.memory_space<hbm>>
    %dma_wait3A_787 = arith.constant 50176 : i32
    %dma_wait3A_788 = tpu.memref_slice %arg3[%mul3A_2, %dma_wait3A_787] : memref<1024x65536xf32, #tpu.memory_space<hbm>> -> memref<32x1024xf32, #tpu.memory_space<hbm>>
    tpu.wait_dma2 semaphore(%arg8 : memref<!tpu.dma_semaphore, #tpu.memory_space<semaphore_mem>>) src(%dma_wait3A_788 : memref<32x1024xf32, #tpu.memory_space<hbm>>) dst(%arg6 : memref<32x1024xf32, #tpu.memory_space<vmem>>)
    %dma_wait3A_789 = arith.constant 49152 : i32
    %dma_wait3A_790 = tpu.memref_slice %arg4[%mul3A_2, %dma_wait3A_789] : memref<1024x65536xf32, #tpu.memory_space<hbm>> -> memref<32x1024xf32, #tpu.memory_space<hbm>>
    %dma_wait3A_791 = arith.constant 49152 : i32
    %dma_wait3A_792 = tpu.memref_slice %arg4[%mul3A_2, %dma_wait3A_791] : memref<1024x65536xf32, #tpu.memory_space<hbm>> -> memref<32x1024xf32, #tpu.memory_space<hbm>>
    tpu.wait_dma2 semaphore(%arg9 : memref<!tpu.dma_semaphore, #tpu.memory_space<semaphore_mem>>) src(%arg5 : memref<32x1024xf32, #tpu.memory_space<vmem>>) dst(%dma_wait3A_792 : memref<32x1024xf32, #tpu.memory_space<hbm>>)
    %dma_start3A_793 = arith.constant 51200 : i32
    %dma_start3A_794 = tpu.memref_slice %arg3[%mul3A_2, %dma_start3A_793] : memref<1024x65536xf32, #tpu.memory_space<hbm>> -> memref<32x1024xf32, #tpu.memory_space<hbm>>
    %dma_start3A_795 = arith.constant 51200 : i32
    %dma_start3A_796 = tpu.memref_slice %arg3[%mul3A_2, %dma_start3A_795] : memref<1024x65536xf32, #tpu.memory_space<hbm>> -> memref<32x1024xf32, #tpu.memory_space<hbm>>
    tpu.enqueue_dma source(%dma_start3A_796 : memref<32x1024xf32, #tpu.memory_space<hbm>>) target(%arg5 : memref<32x1024xf32, #tpu.memory_space<vmem>>) target_semaphore(%arg7 : memref<!tpu.dma_semaphore, #tpu.memory_space<semaphore_mem>>)
    %dma_start3A_797 = arith.constant 50176 : i32
    %dma_start3A_798 = tpu.memref_slice %arg4[%mul3A_2, %dma_start3A_797] : memref<1024x65536xf32, #tpu.memory_space<hbm>> -> memref<32x1024xf32, #tpu.memory_space<hbm>>
    %dma_start3A_799 = arith.constant 50176 : i32
    %dma_start3A_800 = tpu.memref_slice %arg4[%mul3A_2, %dma_start3A_799] : memref<1024x65536xf32, #tpu.memory_space<hbm>> -> memref<32x1024xf32, #tpu.memory_space<hbm>>
    tpu.enqueue_dma source(%arg6 : memref<32x1024xf32, #tpu.memory_space<vmem>>) target(%dma_start3A_800 : memref<32x1024xf32, #tpu.memory_space<hbm>>) target_semaphore(%arg10 : memref<!tpu.dma_semaphore, #tpu.memory_space<semaphore_mem>>)
    %dma_wait3A_801 = arith.constant 51200 : i32
    %dma_wait3A_802 = tpu.memref_slice %arg3[%mul3A_2, %dma_wait3A_801] : memref<1024x65536xf32, #tpu.memory_space<hbm>> -> memref<32x1024xf32, #tpu.memory_space<hbm>>
    %dma_wait3A_803 = arith.constant 51200 : i32
    %dma_wait3A_804 = tpu.memref_slice %arg3[%mul3A_2, %dma_wait3A_803] : memref<1024x65536xf32, #tpu.memory_space<hbm>> -> memref<32x1024xf32, #tpu.memory_space<hbm>>
    tpu.wait_dma2 semaphore(%arg7 : memref<!tpu.dma_semaphore, #tpu.memory_space<semaphore_mem>>) src(%dma_wait3A_804 : memref<32x1024xf32, #tpu.memory_space<hbm>>) dst(%arg5 : memref<32x1024xf32, #tpu.memory_space<vmem>>)
    %dma_wait3A_805 = arith.constant 50176 : i32
    %dma_wait3A_806 = tpu.memref_slice %arg4[%mul3A_2, %dma_wait3A_805] : memref<1024x65536xf32, #tpu.memory_space<hbm>> -> memref<32x1024xf32, #tpu.memory_space<hbm>>
    %dma_wait3A_807 = arith.constant 50176 : i32
    %dma_wait3A_808 = tpu.memref_slice %arg4[%mul3A_2, %dma_wait3A_807] : memref<1024x65536xf32, #tpu.memory_space<hbm>> -> memref<32x1024xf32, #tpu.memory_space<hbm>>
    tpu.wait_dma2 semaphore(%arg10 : memref<!tpu.dma_semaphore, #tpu.memory_space<semaphore_mem>>) src(%arg6 : memref<32x1024xf32, #tpu.memory_space<vmem>>) dst(%dma_wait3A_808 : memref<32x1024xf32, #tpu.memory_space<hbm>>)
    %dma_start3A_809 = arith.constant 52224 : i32
    %dma_start3A_810 = tpu.memref_slice %arg3[%mul3A_2, %dma_start3A_809] : memref<1024x65536xf32, #tpu.memory_space<hbm>> -> memref<32x1024xf32, #tpu.memory_space<hbm>>
    %dma_start3A_811 = arith.constant 52224 : i32
    %dma_start3A_812 = tpu.memref_slice %arg3[%mul3A_2, %dma_start3A_811] : memref<1024x65536xf32, #tpu.memory_space<hbm>> -> memref<32x1024xf32, #tpu.memory_space<hbm>>
    tpu.enqueue_dma source(%dma_start3A_812 : memref<32x1024xf32, #tpu.memory_space<hbm>>) target(%arg6 : memref<32x1024xf32, #tpu.memory_space<vmem>>) target_semaphore(%arg8 : memref<!tpu.dma_semaphore, #tpu.memory_space<semaphore_mem>>)
    %dma_start3A_813 = arith.constant 51200 : i32
    %dma_start3A_814 = tpu.memref_slice %arg4[%mul3A_2, %dma_start3A_813] : memref<1024x65536xf32, #tpu.memory_space<hbm>> -> memref<32x1024xf32, #tpu.memory_space<hbm>>
    %dma_start3A_815 = arith.constant 51200 : i32
    %dma_start3A_816 = tpu.memref_slice %arg4[%mul3A_2, %dma_start3A_815] : memref<1024x65536xf32, #tpu.memory_space<hbm>> -> memref<32x1024xf32, #tpu.memory_space<hbm>>
    tpu.enqueue_dma source(%arg5 : memref<32x1024xf32, #tpu.memory_space<vmem>>) target(%dma_start3A_816 : memref<32x1024xf32, #tpu.memory_space<hbm>>) target_semaphore(%arg9 : memref<!tpu.dma_semaphore, #tpu.memory_space<semaphore_mem>>)
    %dma_wait3A_817 = arith.constant 52224 : i32
    %dma_wait3A_818 = tpu.memref_slice %arg3[%mul3A_2, %dma_wait3A_817] : memref<1024x65536xf32, #tpu.memory_space<hbm>> -> memref<32x1024xf32, #tpu.memory_space<hbm>>
    %dma_wait3A_819 = arith.constant 52224 : i32
    %dma_wait3A_820 = tpu.memref_slice %arg3[%mul3A_2, %dma_wait3A_819] : memref<1024x65536xf32, #tpu.memory_space<hbm>> -> memref<32x1024xf32, #tpu.memory_space<hbm>>
    tpu.wait_dma2 semaphore(%arg8 : memref<!tpu.dma_semaphore, #tpu.memory_space<semaphore_mem>>) src(%dma_wait3A_820 : memref<32x1024xf32, #tpu.memory_space<hbm>>) dst(%arg6 : memref<32x1024xf32, #tpu.memory_space<vmem>>)
    %dma_wait3A_821 = arith.constant 51200 : i32
    %dma_wait3A_822 = tpu.memref_slice %arg4[%mul3A_2, %dma_wait3A_821] : memref<1024x65536xf32, #tpu.memory_space<hbm>> -> memref<32x1024xf32, #tpu.memory_space<hbm>>
    %dma_wait3A_823 = arith.constant 51200 : i32
    %dma_wait3A_824 = tpu.memref_slice %arg4[%mul3A_2, %dma_wait3A_823] : memref<1024x65536xf32, #tpu.memory_space<hbm>> -> memref<32x1024xf32, #tpu.memory_space<hbm>>
    tpu.wait_dma2 semaphore(%arg9 : memref<!tpu.dma_semaphore, #tpu.memory_space<semaphore_mem>>) src(%arg5 : memref<32x1024xf32, #tpu.memory_space<vmem>>) dst(%dma_wait3A_824 : memref<32x1024xf32, #tpu.memory_space<hbm>>)
    %dma_start3A_825 = arith.constant 53248 : i32
    %dma_start3A_826 = tpu.memref_slice %arg3[%mul3A_2, %dma_start3A_825] : memref<1024x65536xf32, #tpu.memory_space<hbm>> -> memref<32x1024xf32, #tpu.memory_space<hbm>>
    %dma_start3A_827 = arith.constant 53248 : i32
    %dma_start3A_828 = tpu.memref_slice %arg3[%mul3A_2, %dma_start3A_827] : memref<1024x65536xf32, #tpu.memory_space<hbm>> -> memref<32x1024xf32, #tpu.memory_space<hbm>>
    tpu.enqueue_dma source(%dma_start3A_828 : memref<32x1024xf32, #tpu.memory_space<hbm>>) target(%arg5 : memref<32x1024xf32, #tpu.memory_space<vmem>>) target_semaphore(%arg7 : memref<!tpu.dma_semaphore, #tpu.memory_space<semaphore_mem>>)
    %dma_start3A_829 = arith.constant 52224 : i32
    %dma_start3A_830 = tpu.memref_slice %arg4[%mul3A_2, %dma_start3A_829] : memref<1024x65536xf32, #tpu.memory_space<hbm>> -> memref<32x1024xf32, #tpu.memory_space<hbm>>
    %dma_start3A_831 = arith.constant 52224 : i32
    %dma_start3A_832 = tpu.memref_slice %arg4[%mul3A_2, %dma_start3A_831] : memref<1024x65536xf32, #tpu.memory_space<hbm>> -> memref<32x1024xf32, #tpu.memory_space<hbm>>
    tpu.enqueue_dma source(%arg6 : memref<32x1024xf32, #tpu.memory_space<vmem>>) target(%dma_start3A_832 : memref<32x1024xf32, #tpu.memory_space<hbm>>) target_semaphore(%arg10 : memref<!tpu.dma_semaphore, #tpu.memory_space<semaphore_mem>>)
    %dma_wait3A_833 = arith.constant 53248 : i32
    %dma_wait3A_834 = tpu.memref_slice %arg3[%mul3A_2, %dma_wait3A_833] : memref<1024x65536xf32, #tpu.memory_space<hbm>> -> memref<32x1024xf32, #tpu.memory_space<hbm>>
    %dma_wait3A_835 = arith.constant 53248 : i32
    %dma_wait3A_836 = tpu.memref_slice %arg3[%mul3A_2, %dma_wait3A_835] : memref<1024x65536xf32, #tpu.memory_space<hbm>> -> memref<32x1024xf32, #tpu.memory_space<hbm>>
    tpu.wait_dma2 semaphore(%arg7 : memref<!tpu.dma_semaphore, #tpu.memory_space<semaphore_mem>>) src(%dma_wait3A_836 : memref<32x1024xf32, #tpu.memory_space<hbm>>) dst(%arg5 : memref<32x1024xf32, #tpu.memory_space<vmem>>)
    %dma_wait3A_837 = arith.constant 52224 : i32
    %dma_wait3A_838 = tpu.memref_slice %arg4[%mul3A_2, %dma_wait3A_837] : memref<1024x65536xf32, #tpu.memory_space<hbm>> -> memref<32x1024xf32, #tpu.memory_space<hbm>>
    %dma_wait3A_839 = arith.constant 52224 : i32
    %dma_wait3A_840 = tpu.memref_slice %arg4[%mul3A_2, %dma_wait3A_839] : memref<1024x65536xf32, #tpu.memory_space<hbm>> -> memref<32x1024xf32, #tpu.memory_space<hbm>>
    tpu.wait_dma2 semaphore(%arg10 : memref<!tpu.dma_semaphore, #tpu.memory_space<semaphore_mem>>) src(%arg6 : memref<32x1024xf32, #tpu.memory_space<vmem>>) dst(%dma_wait3A_840 : memref<32x1024xf32, #tpu.memory_space<hbm>>)
    %dma_start3A_841 = arith.constant 54272 : i32
    %dma_start3A_842 = tpu.memref_slice %arg3[%mul3A_2, %dma_start3A_841] : memref<1024x65536xf32, #tpu.memory_space<hbm>> -> memref<32x1024xf32, #tpu.memory_space<hbm>>
    %dma_start3A_843 = arith.constant 54272 : i32
    %dma_start3A_844 = tpu.memref_slice %arg3[%mul3A_2, %dma_start3A_843] : memref<1024x65536xf32, #tpu.memory_space<hbm>> -> memref<32x1024xf32, #tpu.memory_space<hbm>>
    tpu.enqueue_dma source(%dma_start3A_844 : memref<32x1024xf32, #tpu.memory_space<hbm>>) target(%arg6 : memref<32x1024xf32, #tpu.memory_space<vmem>>) target_semaphore(%arg8 : memref<!tpu.dma_semaphore, #tpu.memory_space<semaphore_mem>>)
    %dma_start3A_845 = arith.constant 53248 : i32
    %dma_start3A_846 = tpu.memref_slice %arg4[%mul3A_2, %dma_start3A_845] : memref<1024x65536xf32, #tpu.memory_space<hbm>> -> memref<32x1024xf32, #tpu.memory_space<hbm>>
    %dma_start3A_847 = arith.constant 53248 : i32
    %dma_start3A_848 = tpu.memref_slice %arg4[%mul3A_2, %dma_start3A_847] : memref<1024x65536xf32, #tpu.memory_space<hbm>> -> memref<32x1024xf32, #tpu.memory_space<hbm>>
    tpu.enqueue_dma source(%arg5 : memref<32x1024xf32, #tpu.memory_space<vmem>>) target(%dma_start3A_848 : memref<32x1024xf32, #tpu.memory_space<hbm>>) target_semaphore(%arg9 : memref<!tpu.dma_semaphore, #tpu.memory_space<semaphore_mem>>)
    %dma_wait3A_849 = arith.constant 54272 : i32
    %dma_wait3A_850 = tpu.memref_slice %arg3[%mul3A_2, %dma_wait3A_849] : memref<1024x65536xf32, #tpu.memory_space<hbm>> -> memref<32x1024xf32, #tpu.memory_space<hbm>>
    %dma_wait3A_851 = arith.constant 54272 : i32
    %dma_wait3A_852 = tpu.memref_slice %arg3[%mul3A_2, %dma_wait3A_851] : memref<1024x65536xf32, #tpu.memory_space<hbm>> -> memref<32x1024xf32, #tpu.memory_space<hbm>>
    tpu.wait_dma2 semaphore(%arg8 : memref<!tpu.dma_semaphore, #tpu.memory_space<semaphore_mem>>) src(%dma_wait3A_852 : memref<32x1024xf32, #tpu.memory_space<hbm>>) dst(%arg6 : memref<32x1024xf32, #tpu.memory_space<vmem>>)
    %dma_wait3A_853 = arith.constant 53248 : i32
    %dma_wait3A_854 = tpu.memref_slice %arg4[%mul3A_2, %dma_wait3A_853] : memref<1024x65536xf32, #tpu.memory_space<hbm>> -> memref<32x1024xf32, #tpu.memory_space<hbm>>
    %dma_wait3A_855 = arith.constant 53248 : i32
    %dma_wait3A_856 = tpu.memref_slice %arg4[%mul3A_2, %dma_wait3A_855] : memref<1024x65536xf32, #tpu.memory_space<hbm>> -> memref<32x1024xf32, #tpu.memory_space<hbm>>
    tpu.wait_dma2 semaphore(%arg9 : memref<!tpu.dma_semaphore, #tpu.memory_space<semaphore_mem>>) src(%arg5 : memref<32x1024xf32, #tpu.memory_space<vmem>>) dst(%dma_wait3A_856 : memref<32x1024xf32, #tpu.memory_space<hbm>>)
    %dma_start3A_857 = arith.constant 55296 : i32
    %dma_start3A_858 = tpu.memref_slice %arg3[%mul3A_2, %dma_start3A_857] : memref<1024x65536xf32, #tpu.memory_space<hbm>> -> memref<32x1024xf32, #tpu.memory_space<hbm>>
    %dma_start3A_859 = arith.constant 55296 : i32
    %dma_start3A_860 = tpu.memref_slice %arg3[%mul3A_2, %dma_start3A_859] : memref<1024x65536xf32, #tpu.memory_space<hbm>> -> memref<32x1024xf32, #tpu.memory_space<hbm>>
    tpu.enqueue_dma source(%dma_start3A_860 : memref<32x1024xf32, #tpu.memory_space<hbm>>) target(%arg5 : memref<32x1024xf32, #tpu.memory_space<vmem>>) target_semaphore(%arg7 : memref<!tpu.dma_semaphore, #tpu.memory_space<semaphore_mem>>)
    %dma_start3A_861 = arith.constant 54272 : i32
    %dma_start3A_862 = tpu.memref_slice %arg4[%mul3A_2, %dma_start3A_861] : memref<1024x65536xf32, #tpu.memory_space<hbm>> -> memref<32x1024xf32, #tpu.memory_space<hbm>>
    %dma_start3A_863 = arith.constant 54272 : i32
    %dma_start3A_864 = tpu.memref_slice %arg4[%mul3A_2, %dma_start3A_863] : memref<1024x65536xf32, #tpu.memory_space<hbm>> -> memref<32x1024xf32, #tpu.memory_space<hbm>>
    tpu.enqueue_dma source(%arg6 : memref<32x1024xf32, #tpu.memory_space<vmem>>) target(%dma_start3A_864 : memref<32x1024xf32, #tpu.memory_space<hbm>>) target_semaphore(%arg10 : memref<!tpu.dma_semaphore, #tpu.memory_space<semaphore_mem>>)
    %dma_wait3A_865 = arith.constant 55296 : i32
    %dma_wait3A_866 = tpu.memref_slice %arg3[%mul3A_2, %dma_wait3A_865] : memref<1024x65536xf32, #tpu.memory_space<hbm>> -> memref<32x1024xf32, #tpu.memory_space<hbm>>
    %dma_wait3A_867 = arith.constant 55296 : i32
    %dma_wait3A_868 = tpu.memref_slice %arg3[%mul3A_2, %dma_wait3A_867] : memref<1024x65536xf32, #tpu.memory_space<hbm>> -> memref<32x1024xf32, #tpu.memory_space<hbm>>
    tpu.wait_dma2 semaphore(%arg7 : memref<!tpu.dma_semaphore, #tpu.memory_space<semaphore_mem>>) src(%dma_wait3A_868 : memref<32x1024xf32, #tpu.memory_space<hbm>>) dst(%arg5 : memref<32x1024xf32, #tpu.memory_space<vmem>>)
    %dma_wait3A_869 = arith.constant 54272 : i32
    %dma_wait3A_870 = tpu.memref_slice %arg4[%mul3A_2, %dma_wait3A_869] : memref<1024x65536xf32, #tpu.memory_space<hbm>> -> memref<32x1024xf32, #tpu.memory_space<hbm>>
    %dma_wait3A_871 = arith.constant 54272 : i32
    %dma_wait3A_872 = tpu.memref_slice %arg4[%mul3A_2, %dma_wait3A_871] : memref<1024x65536xf32, #tpu.memory_space<hbm>> -> memref<32x1024xf32, #tpu.memory_space<hbm>>
    tpu.wait_dma2 semaphore(%arg10 : memref<!tpu.dma_semaphore, #tpu.memory_space<semaphore_mem>>) src(%arg6 : memref<32x1024xf32, #tpu.memory_space<vmem>>) dst(%dma_wait3A_872 : memref<32x1024xf32, #tpu.memory_space<hbm>>)
    %dma_start3A_873 = arith.constant 56320 : i32
    %dma_start3A_874 = tpu.memref_slice %arg3[%mul3A_2, %dma_start3A_873] : memref<1024x65536xf32, #tpu.memory_space<hbm>> -> memref<32x1024xf32, #tpu.memory_space<hbm>>
    %dma_start3A_875 = arith.constant 56320 : i32
    %dma_start3A_876 = tpu.memref_slice %arg3[%mul3A_2, %dma_start3A_875] : memref<1024x65536xf32, #tpu.memory_space<hbm>> -> memref<32x1024xf32, #tpu.memory_space<hbm>>
    tpu.enqueue_dma source(%dma_start3A_876 : memref<32x1024xf32, #tpu.memory_space<hbm>>) target(%arg6 : memref<32x1024xf32, #tpu.memory_space<vmem>>) target_semaphore(%arg8 : memref<!tpu.dma_semaphore, #tpu.memory_space<semaphore_mem>>)
    %dma_start3A_877 = arith.constant 55296 : i32
    %dma_start3A_878 = tpu.memref_slice %arg4[%mul3A_2, %dma_start3A_877] : memref<1024x65536xf32, #tpu.memory_space<hbm>> -> memref<32x1024xf32, #tpu.memory_space<hbm>>
    %dma_start3A_879 = arith.constant 55296 : i32
    %dma_start3A_880 = tpu.memref_slice %arg4[%mul3A_2, %dma_start3A_879] : memref<1024x65536xf32, #tpu.memory_space<hbm>> -> memref<32x1024xf32, #tpu.memory_space<hbm>>
    tpu.enqueue_dma source(%arg5 : memref<32x1024xf32, #tpu.memory_space<vmem>>) target(%dma_start3A_880 : memref<32x1024xf32, #tpu.memory_space<hbm>>) target_semaphore(%arg9 : memref<!tpu.dma_semaphore, #tpu.memory_space<semaphore_mem>>)
    %dma_wait3A_881 = arith.constant 56320 : i32
    %dma_wait3A_882 = tpu.memref_slice %arg3[%mul3A_2, %dma_wait3A_881] : memref<1024x65536xf32, #tpu.memory_space<hbm>> -> memref<32x1024xf32, #tpu.memory_space<hbm>>
    %dma_wait3A_883 = arith.constant 56320 : i32
    %dma_wait3A_884 = tpu.memref_slice %arg3[%mul3A_2, %dma_wait3A_883] : memref<1024x65536xf32, #tpu.memory_space<hbm>> -> memref<32x1024xf32, #tpu.memory_space<hbm>>
    tpu.wait_dma2 semaphore(%arg8 : memref<!tpu.dma_semaphore, #tpu.memory_space<semaphore_mem>>) src(%dma_wait3A_884 : memref<32x1024xf32, #tpu.memory_space<hbm>>) dst(%arg6 : memref<32x1024xf32, #tpu.memory_space<vmem>>)
    %dma_wait3A_885 = arith.constant 55296 : i32
    %dma_wait3A_886 = tpu.memref_slice %arg4[%mul3A_2, %dma_wait3A_885] : memref<1024x65536xf32, #tpu.memory_space<hbm>> -> memref<32x1024xf32, #tpu.memory_space<hbm>>
    %dma_wait3A_887 = arith.constant 55296 : i32
    %dma_wait3A_888 = tpu.memref_slice %arg4[%mul3A_2, %dma_wait3A_887] : memref<1024x65536xf32, #tpu.memory_space<hbm>> -> memref<32x1024xf32, #tpu.memory_space<hbm>>
    tpu.wait_dma2 semaphore(%arg9 : memref<!tpu.dma_semaphore, #tpu.memory_space<semaphore_mem>>) src(%arg5 : memref<32x1024xf32, #tpu.memory_space<vmem>>) dst(%dma_wait3A_888 : memref<32x1024xf32, #tpu.memory_space<hbm>>)
    %dma_start3A_889 = arith.constant 57344 : i32
    %dma_start3A_890 = tpu.memref_slice %arg3[%mul3A_2, %dma_start3A_889] : memref<1024x65536xf32, #tpu.memory_space<hbm>> -> memref<32x1024xf32, #tpu.memory_space<hbm>>
    %dma_start3A_891 = arith.constant 57344 : i32
    %dma_start3A_892 = tpu.memref_slice %arg3[%mul3A_2, %dma_start3A_891] : memref<1024x65536xf32, #tpu.memory_space<hbm>> -> memref<32x1024xf32, #tpu.memory_space<hbm>>
    tpu.enqueue_dma source(%dma_start3A_892 : memref<32x1024xf32, #tpu.memory_space<hbm>>) target(%arg5 : memref<32x1024xf32, #tpu.memory_space<vmem>>) target_semaphore(%arg7 : memref<!tpu.dma_semaphore, #tpu.memory_space<semaphore_mem>>)
    %dma_start3A_893 = arith.constant 56320 : i32
    %dma_start3A_894 = tpu.memref_slice %arg4[%mul3A_2, %dma_start3A_893] : memref<1024x65536xf32, #tpu.memory_space<hbm>> -> memref<32x1024xf32, #tpu.memory_space<hbm>>
    %dma_start3A_895 = arith.constant 56320 : i32
    %dma_start3A_896 = tpu.memref_slice %arg4[%mul3A_2, %dma_start3A_895] : memref<1024x65536xf32, #tpu.memory_space<hbm>> -> memref<32x1024xf32, #tpu.memory_space<hbm>>
    tpu.enqueue_dma source(%arg6 : memref<32x1024xf32, #tpu.memory_space<vmem>>) target(%dma_start3A_896 : memref<32x1024xf32, #tpu.memory_space<hbm>>) target_semaphore(%arg10 : memref<!tpu.dma_semaphore, #tpu.memory_space<semaphore_mem>>)
    %dma_wait3A_897 = arith.constant 57344 : i32
    %dma_wait3A_898 = tpu.memref_slice %arg3[%mul3A_2, %dma_wait3A_897] : memref<1024x65536xf32, #tpu.memory_space<hbm>> -> memref<32x1024xf32, #tpu.memory_space<hbm>>
    %dma_wait3A_899 = arith.constant 57344 : i32
    %dma_wait3A_900 = tpu.memref_slice %arg3[%mul3A_2, %dma_wait3A_899] : memref<1024x65536xf32, #tpu.memory_space<hbm>> -> memref<32x1024xf32, #tpu.memory_space<hbm>>
    tpu.wait_dma2 semaphore(%arg7 : memref<!tpu.dma_semaphore, #tpu.memory_space<semaphore_mem>>) src(%dma_wait3A_900 : memref<32x1024xf32, #tpu.memory_space<hbm>>) dst(%arg5 : memref<32x1024xf32, #tpu.memory_space<vmem>>)
    %dma_wait3A_901 = arith.constant 56320 : i32
    %dma_wait3A_902 = tpu.memref_slice %arg4[%mul3A_2, %dma_wait3A_901] : memref<1024x65536xf32, #tpu.memory_space<hbm>> -> memref<32x1024xf32, #tpu.memory_space<hbm>>
    %dma_wait3A_903 = arith.constant 56320 : i32
    %dma_wait3A_904 = tpu.memref_slice %arg4[%mul3A_2, %dma_wait3A_903] : memref<1024x65536xf32, #tpu.memory_space<hbm>> -> memref<32x1024xf32, #tpu.memory_space<hbm>>
    tpu.wait_dma2 semaphore(%arg10 : memref<!tpu.dma_semaphore, #tpu.memory_space<semaphore_mem>>) src(%arg6 : memref<32x1024xf32, #tpu.memory_space<vmem>>) dst(%dma_wait3A_904 : memref<32x1024xf32, #tpu.memory_space<hbm>>)
    %dma_start3A_905 = arith.constant 58368 : i32
    %dma_start3A_906 = tpu.memref_slice %arg3[%mul3A_2, %dma_start3A_905] : memref<1024x65536xf32, #tpu.memory_space<hbm>> -> memref<32x1024xf32, #tpu.memory_space<hbm>>
    %dma_start3A_907 = arith.constant 58368 : i32
    %dma_start3A_908 = tpu.memref_slice %arg3[%mul3A_2, %dma_start3A_907] : memref<1024x65536xf32, #tpu.memory_space<hbm>> -> memref<32x1024xf32, #tpu.memory_space<hbm>>
    tpu.enqueue_dma source(%dma_start3A_908 : memref<32x1024xf32, #tpu.memory_space<hbm>>) target(%arg6 : memref<32x1024xf32, #tpu.memory_space<vmem>>) target_semaphore(%arg8 : memref<!tpu.dma_semaphore, #tpu.memory_space<semaphore_mem>>)
    %dma_start3A_909 = arith.constant 57344 : i32
    %dma_start3A_910 = tpu.memref_slice %arg4[%mul3A_2, %dma_start3A_909] : memref<1024x65536xf32, #tpu.memory_space<hbm>> -> memref<32x1024xf32, #tpu.memory_space<hbm>>
    %dma_start3A_911 = arith.constant 57344 : i32
    %dma_start3A_912 = tpu.memref_slice %arg4[%mul3A_2, %dma_start3A_911] : memref<1024x65536xf32, #tpu.memory_space<hbm>> -> memref<32x1024xf32, #tpu.memory_space<hbm>>
    tpu.enqueue_dma source(%arg5 : memref<32x1024xf32, #tpu.memory_space<vmem>>) target(%dma_start3A_912 : memref<32x1024xf32, #tpu.memory_space<hbm>>) target_semaphore(%arg9 : memref<!tpu.dma_semaphore, #tpu.memory_space<semaphore_mem>>)
    %dma_wait3A_913 = arith.constant 58368 : i32
    %dma_wait3A_914 = tpu.memref_slice %arg3[%mul3A_2, %dma_wait3A_913] : memref<1024x65536xf32, #tpu.memory_space<hbm>> -> memref<32x1024xf32, #tpu.memory_space<hbm>>
    %dma_wait3A_915 = arith.constant 58368 : i32
    %dma_wait3A_916 = tpu.memref_slice %arg3[%mul3A_2, %dma_wait3A_915] : memref<1024x65536xf32, #tpu.memory_space<hbm>> -> memref<32x1024xf32, #tpu.memory_space<hbm>>
    tpu.wait_dma2 semaphore(%arg8 : memref<!tpu.dma_semaphore, #tpu.memory_space<semaphore_mem>>) src(%dma_wait3A_916 : memref<32x1024xf32, #tpu.memory_space<hbm>>) dst(%arg6 : memref<32x1024xf32, #tpu.memory_space<vmem>>)
    %dma_wait3A_917 = arith.constant 57344 : i32
    %dma_wait3A_918 = tpu.memref_slice %arg4[%mul3A_2, %dma_wait3A_917] : memref<1024x65536xf32, #tpu.memory_space<hbm>> -> memref<32x1024xf32, #tpu.memory_space<hbm>>
    %dma_wait3A_919 = arith.constant 57344 : i32
    %dma_wait3A_920 = tpu.memref_slice %arg4[%mul3A_2, %dma_wait3A_919] : memref<1024x65536xf32, #tpu.memory_space<hbm>> -> memref<32x1024xf32, #tpu.memory_space<hbm>>
    tpu.wait_dma2 semaphore(%arg9 : memref<!tpu.dma_semaphore, #tpu.memory_space<semaphore_mem>>) src(%arg5 : memref<32x1024xf32, #tpu.memory_space<vmem>>) dst(%dma_wait3A_920 : memref<32x1024xf32, #tpu.memory_space<hbm>>)
    %dma_start3A_921 = arith.constant 59392 : i32
    %dma_start3A_922 = tpu.memref_slice %arg3[%mul3A_2, %dma_start3A_921] : memref<1024x65536xf32, #tpu.memory_space<hbm>> -> memref<32x1024xf32, #tpu.memory_space<hbm>>
    %dma_start3A_923 = arith.constant 59392 : i32
    %dma_start3A_924 = tpu.memref_slice %arg3[%mul3A_2, %dma_start3A_923] : memref<1024x65536xf32, #tpu.memory_space<hbm>> -> memref<32x1024xf32, #tpu.memory_space<hbm>>
    tpu.enqueue_dma source(%dma_start3A_924 : memref<32x1024xf32, #tpu.memory_space<hbm>>) target(%arg5 : memref<32x1024xf32, #tpu.memory_space<vmem>>) target_semaphore(%arg7 : memref<!tpu.dma_semaphore, #tpu.memory_space<semaphore_mem>>)
    %dma_start3A_925 = arith.constant 58368 : i32
    %dma_start3A_926 = tpu.memref_slice %arg4[%mul3A_2, %dma_start3A_925] : memref<1024x65536xf32, #tpu.memory_space<hbm>> -> memref<32x1024xf32, #tpu.memory_space<hbm>>
    %dma_start3A_927 = arith.constant 58368 : i32
    %dma_start3A_928 = tpu.memref_slice %arg4[%mul3A_2, %dma_start3A_927] : memref<1024x65536xf32, #tpu.memory_space<hbm>> -> memref<32x1024xf32, #tpu.memory_space<hbm>>
    tpu.enqueue_dma source(%arg6 : memref<32x1024xf32, #tpu.memory_space<vmem>>) target(%dma_start3A_928 : memref<32x1024xf32, #tpu.memory_space<hbm>>) target_semaphore(%arg10 : memref<!tpu.dma_semaphore, #tpu.memory_space<semaphore_mem>>)
    %dma_wait3A_929 = arith.constant 59392 : i32
    %dma_wait3A_930 = tpu.memref_slice %arg3[%mul3A_2, %dma_wait3A_929] : memref<1024x65536xf32, #tpu.memory_space<hbm>> -> memref<32x1024xf32, #tpu.memory_space<hbm>>
    %dma_wait3A_931 = arith.constant 59392 : i32
    %dma_wait3A_932 = tpu.memref_slice %arg3[%mul3A_2, %dma_wait3A_931] : memref<1024x65536xf32, #tpu.memory_space<hbm>> -> memref<32x1024xf32, #tpu.memory_space<hbm>>
    tpu.wait_dma2 semaphore(%arg7 : memref<!tpu.dma_semaphore, #tpu.memory_space<semaphore_mem>>) src(%dma_wait3A_932 : memref<32x1024xf32, #tpu.memory_space<hbm>>) dst(%arg5 : memref<32x1024xf32, #tpu.memory_space<vmem>>)
    %dma_wait3A_933 = arith.constant 58368 : i32
    %dma_wait3A_934 = tpu.memref_slice %arg4[%mul3A_2, %dma_wait3A_933] : memref<1024x65536xf32, #tpu.memory_space<hbm>> -> memref<32x1024xf32, #tpu.memory_space<hbm>>
    %dma_wait3A_935 = arith.constant 58368 : i32
    %dma_wait3A_936 = tpu.memref_slice %arg4[%mul3A_2, %dma_wait3A_935] : memref<1024x65536xf32, #tpu.memory_space<hbm>> -> memref<32x1024xf32, #tpu.memory_space<hbm>>
    tpu.wait_dma2 semaphore(%arg10 : memref<!tpu.dma_semaphore, #tpu.memory_space<semaphore_mem>>) src(%arg6 : memref<32x1024xf32, #tpu.memory_space<vmem>>) dst(%dma_wait3A_936 : memref<32x1024xf32, #tpu.memory_space<hbm>>)
    %dma_start3A_937 = arith.constant 60416 : i32
    %dma_start3A_938 = tpu.memref_slice %arg3[%mul3A_2, %dma_start3A_937] : memref<1024x65536xf32, #tpu.memory_space<hbm>> -> memref<32x1024xf32, #tpu.memory_space<hbm>>
    %dma_start3A_939 = arith.constant 60416 : i32
    %dma_start3A_940 = tpu.memref_slice %arg3[%mul3A_2, %dma_start3A_939] : memref<1024x65536xf32, #tpu.memory_space<hbm>> -> memref<32x1024xf32, #tpu.memory_space<hbm>>
    tpu.enqueue_dma source(%dma_start3A_940 : memref<32x1024xf32, #tpu.memory_space<hbm>>) target(%arg6 : memref<32x1024xf32, #tpu.memory_space<vmem>>) target_semaphore(%arg8 : memref<!tpu.dma_semaphore, #tpu.memory_space<semaphore_mem>>)
    %dma_start3A_941 = arith.constant 59392 : i32
    %dma_start3A_942 = tpu.memref_slice %arg4[%mul3A_2, %dma_start3A_941] : memref<1024x65536xf32, #tpu.memory_space<hbm>> -> memref<32x1024xf32, #tpu.memory_space<hbm>>
    %dma_start3A_943 = arith.constant 59392 : i32
    %dma_start3A_944 = tpu.memref_slice %arg4[%mul3A_2, %dma_start3A_943] : memref<1024x65536xf32, #tpu.memory_space<hbm>> -> memref<32x1024xf32, #tpu.memory_space<hbm>>
    tpu.enqueue_dma source(%arg5 : memref<32x1024xf32, #tpu.memory_space<vmem>>) target(%dma_start3A_944 : memref<32x1024xf32, #tpu.memory_space<hbm>>) target_semaphore(%arg9 : memref<!tpu.dma_semaphore, #tpu.memory_space<semaphore_mem>>)
    %dma_wait3A_945 = arith.constant 60416 : i32
    %dma_wait3A_946 = tpu.memref_slice %arg3[%mul3A_2, %dma_wait3A_945] : memref<1024x65536xf32, #tpu.memory_space<hbm>> -> memref<32x1024xf32, #tpu.memory_space<hbm>>
    %dma_wait3A_947 = arith.constant 60416 : i32
    %dma_wait3A_948 = tpu.memref_slice %arg3[%mul3A_2, %dma_wait3A_947] : memref<1024x65536xf32, #tpu.memory_space<hbm>> -> memref<32x1024xf32, #tpu.memory_space<hbm>>
    tpu.wait_dma2 semaphore(%arg8 : memref<!tpu.dma_semaphore, #tpu.memory_space<semaphore_mem>>) src(%dma_wait3A_948 : memref<32x1024xf32, #tpu.memory_space<hbm>>) dst(%arg6 : memref<32x1024xf32, #tpu.memory_space<vmem>>)
    %dma_wait3A_949 = arith.constant 59392 : i32
    %dma_wait3A_950 = tpu.memref_slice %arg4[%mul3A_2, %dma_wait3A_949] : memref<1024x65536xf32, #tpu.memory_space<hbm>> -> memref<32x1024xf32, #tpu.memory_space<hbm>>
    %dma_wait3A_951 = arith.constant 59392 : i32
    %dma_wait3A_952 = tpu.memref_slice %arg4[%mul3A_2, %dma_wait3A_951] : memref<1024x65536xf32, #tpu.memory_space<hbm>> -> memref<32x1024xf32, #tpu.memory_space<hbm>>
    tpu.wait_dma2 semaphore(%arg9 : memref<!tpu.dma_semaphore, #tpu.memory_space<semaphore_mem>>) src(%arg5 : memref<32x1024xf32, #tpu.memory_space<vmem>>) dst(%dma_wait3A_952 : memref<32x1024xf32, #tpu.memory_space<hbm>>)
    %dma_start3A_953 = arith.constant 61440 : i32
    %dma_start3A_954 = tpu.memref_slice %arg3[%mul3A_2, %dma_start3A_953] : memref<1024x65536xf32, #tpu.memory_space<hbm>> -> memref<32x1024xf32, #tpu.memory_space<hbm>>
    %dma_start3A_955 = arith.constant 61440 : i32
    %dma_start3A_956 = tpu.memref_slice %arg3[%mul3A_2, %dma_start3A_955] : memref<1024x65536xf32, #tpu.memory_space<hbm>> -> memref<32x1024xf32, #tpu.memory_space<hbm>>
    tpu.enqueue_dma source(%dma_start3A_956 : memref<32x1024xf32, #tpu.memory_space<hbm>>) target(%arg5 : memref<32x1024xf32, #tpu.memory_space<vmem>>) target_semaphore(%arg7 : memref<!tpu.dma_semaphore, #tpu.memory_space<semaphore_mem>>)
    %dma_start3A_957 = arith.constant 60416 : i32
    %dma_start3A_958 = tpu.memref_slice %arg4[%mul3A_2, %dma_start3A_957] : memref<1024x65536xf32, #tpu.memory_space<hbm>> -> memref<32x1024xf32, #tpu.memory_space<hbm>>
    %dma_start3A_959 = arith.constant 60416 : i32
    %dma_start3A_960 = tpu.memref_slice %arg4[%mul3A_2, %dma_start3A_959] : memref<1024x65536xf32, #tpu.memory_space<hbm>> -> memref<32x1024xf32, #tpu.memory_space<hbm>>
    tpu.enqueue_dma source(%arg6 : memref<32x1024xf32, #tpu.memory_space<vmem>>) target(%dma_start3A_960 : memref<32x1024xf32, #tpu.memory_space<hbm>>) target_semaphore(%arg10 : memref<!tpu.dma_semaphore, #tpu.memory_space<semaphore_mem>>)
    %dma_wait3A_961 = arith.constant 61440 : i32
    %dma_wait3A_962 = tpu.memref_slice %arg3[%mul3A_2, %dma_wait3A_961] : memref<1024x65536xf32, #tpu.memory_space<hbm>> -> memref<32x1024xf32, #tpu.memory_space<hbm>>
    %dma_wait3A_963 = arith.constant 61440 : i32
    %dma_wait3A_964 = tpu.memref_slice %arg3[%mul3A_2, %dma_wait3A_963] : memref<1024x65536xf32, #tpu.memory_space<hbm>> -> memref<32x1024xf32, #tpu.memory_space<hbm>>
    tpu.wait_dma2 semaphore(%arg7 : memref<!tpu.dma_semaphore, #tpu.memory_space<semaphore_mem>>) src(%dma_wait3A_964 : memref<32x1024xf32, #tpu.memory_space<hbm>>) dst(%arg5 : memref<32x1024xf32, #tpu.memory_space<vmem>>)
    %dma_wait3A_965 = arith.constant 60416 : i32
    %dma_wait3A_966 = tpu.memref_slice %arg4[%mul3A_2, %dma_wait3A_965] : memref<1024x65536xf32, #tpu.memory_space<hbm>> -> memref<32x1024xf32, #tpu.memory_space<hbm>>
    %dma_wait3A_967 = arith.constant 60416 : i32
    %dma_wait3A_968 = tpu.memref_slice %arg4[%mul3A_2, %dma_wait3A_967] : memref<1024x65536xf32, #tpu.memory_space<hbm>> -> memref<32x1024xf32, #tpu.memory_space<hbm>>
    tpu.wait_dma2 semaphore(%arg10 : memref<!tpu.dma_semaphore, #tpu.memory_space<semaphore_mem>>) src(%arg6 : memref<32x1024xf32, #tpu.memory_space<vmem>>) dst(%dma_wait3A_968 : memref<32x1024xf32, #tpu.memory_space<hbm>>)
    %dma_start3A_969 = arith.constant 62464 : i32
    %dma_start3A_970 = tpu.memref_slice %arg3[%mul3A_2, %dma_start3A_969] : memref<1024x65536xf32, #tpu.memory_space<hbm>> -> memref<32x1024xf32, #tpu.memory_space<hbm>>
    %dma_start3A_971 = arith.constant 62464 : i32
    %dma_start3A_972 = tpu.memref_slice %arg3[%mul3A_2, %dma_start3A_971] : memref<1024x65536xf32, #tpu.memory_space<hbm>> -> memref<32x1024xf32, #tpu.memory_space<hbm>>
    tpu.enqueue_dma source(%dma_start3A_972 : memref<32x1024xf32, #tpu.memory_space<hbm>>) target(%arg6 : memref<32x1024xf32, #tpu.memory_space<vmem>>) target_semaphore(%arg8 : memref<!tpu.dma_semaphore, #tpu.memory_space<semaphore_mem>>)
    %dma_start3A_973 = arith.constant 61440 : i32
    %dma_start3A_974 = tpu.memref_slice %arg4[%mul3A_2, %dma_start3A_973] : memref<1024x65536xf32, #tpu.memory_space<hbm>> -> memref<32x1024xf32, #tpu.memory_space<hbm>>
    %dma_start3A_975 = arith.constant 61440 : i32
    %dma_start3A_976 = tpu.memref_slice %arg4[%mul3A_2, %dma_start3A_975] : memref<1024x65536xf32, #tpu.memory_space<hbm>> -> memref<32x1024xf32, #tpu.memory_space<hbm>>
    tpu.enqueue_dma source(%arg5 : memref<32x1024xf32, #tpu.memory_space<vmem>>) target(%dma_start3A_976 : memref<32x1024xf32, #tpu.memory_space<hbm>>) target_semaphore(%arg9 : memref<!tpu.dma_semaphore, #tpu.memory_space<semaphore_mem>>)
    %dma_wait3A_977 = arith.constant 62464 : i32
    %dma_wait3A_978 = tpu.memref_slice %arg3[%mul3A_2, %dma_wait3A_977] : memref<1024x65536xf32, #tpu.memory_space<hbm>> -> memref<32x1024xf32, #tpu.memory_space<hbm>>
    %dma_wait3A_979 = arith.constant 62464 : i32
    %dma_wait3A_980 = tpu.memref_slice %arg3[%mul3A_2, %dma_wait3A_979] : memref<1024x65536xf32, #tpu.memory_space<hbm>> -> memref<32x1024xf32, #tpu.memory_space<hbm>>
    tpu.wait_dma2 semaphore(%arg8 : memref<!tpu.dma_semaphore, #tpu.memory_space<semaphore_mem>>) src(%dma_wait3A_980 : memref<32x1024xf32, #tpu.memory_space<hbm>>) dst(%arg6 : memref<32x1024xf32, #tpu.memory_space<vmem>>)
    %dma_wait3A_981 = arith.constant 61440 : i32
    %dma_wait3A_982 = tpu.memref_slice %arg4[%mul3A_2, %dma_wait3A_981] : memref<1024x65536xf32, #tpu.memory_space<hbm>> -> memref<32x1024xf32, #tpu.memory_space<hbm>>
    %dma_wait3A_983 = arith.constant 61440 : i32
    %dma_wait3A_984 = tpu.memref_slice %arg4[%mul3A_2, %dma_wait3A_983] : memref<1024x65536xf32, #tpu.memory_space<hbm>> -> memref<32x1024xf32, #tpu.memory_space<hbm>>
    tpu.wait_dma2 semaphore(%arg9 : memref<!tpu.dma_semaphore, #tpu.memory_space<semaphore_mem>>) src(%arg5 : memref<32x1024xf32, #tpu.memory_space<vmem>>) dst(%dma_wait3A_984 : memref<32x1024xf32, #tpu.memory_space<hbm>>)
    %dma_start3A_985 = arith.constant 63488 : i32
    %dma_start3A_986 = tpu.memref_slice %arg3[%mul3A_2, %dma_start3A_985] : memref<1024x65536xf32, #tpu.memory_space<hbm>> -> memref<32x1024xf32, #tpu.memory_space<hbm>>
    %dma_start3A_987 = arith.constant 63488 : i32
    %dma_start3A_988 = tpu.memref_slice %arg3[%mul3A_2, %dma_start3A_987] : memref<1024x65536xf32, #tpu.memory_space<hbm>> -> memref<32x1024xf32, #tpu.memory_space<hbm>>
    tpu.enqueue_dma source(%dma_start3A_988 : memref<32x1024xf32, #tpu.memory_space<hbm>>) target(%arg5 : memref<32x1024xf32, #tpu.memory_space<vmem>>) target_semaphore(%arg7 : memref<!tpu.dma_semaphore, #tpu.memory_space<semaphore_mem>>)
    %dma_start3A_989 = arith.constant 62464 : i32
    %dma_start3A_990 = tpu.memref_slice %arg4[%mul3A_2, %dma_start3A_989] : memref<1024x65536xf32, #tpu.memory_space<hbm>> -> memref<32x1024xf32, #tpu.memory_space<hbm>>
    %dma_start3A_991 = arith.constant 62464 : i32
    %dma_start3A_992 = tpu.memref_slice %arg4[%mul3A_2, %dma_start3A_991] : memref<1024x65536xf32, #tpu.memory_space<hbm>> -> memref<32x1024xf32, #tpu.memory_space<hbm>>
    tpu.enqueue_dma source(%arg6 : memref<32x1024xf32, #tpu.memory_space<vmem>>) target(%dma_start3A_992 : memref<32x1024xf32, #tpu.memory_space<hbm>>) target_semaphore(%arg10 : memref<!tpu.dma_semaphore, #tpu.memory_space<semaphore_mem>>)
    %dma_wait3A_993 = arith.constant 63488 : i32
    %dma_wait3A_994 = tpu.memref_slice %arg3[%mul3A_2, %dma_wait3A_993] : memref<1024x65536xf32, #tpu.memory_space<hbm>> -> memref<32x1024xf32, #tpu.memory_space<hbm>>
    %dma_wait3A_995 = arith.constant 63488 : i32
    %dma_wait3A_996 = tpu.memref_slice %arg3[%mul3A_2, %dma_wait3A_995] : memref<1024x65536xf32, #tpu.memory_space<hbm>> -> memref<32x1024xf32, #tpu.memory_space<hbm>>
    tpu.wait_dma2 semaphore(%arg7 : memref<!tpu.dma_semaphore, #tpu.memory_space<semaphore_mem>>) src(%dma_wait3A_996 : memref<32x1024xf32, #tpu.memory_space<hbm>>) dst(%arg5 : memref<32x1024xf32, #tpu.memory_space<vmem>>)
    %dma_wait3A_997 = arith.constant 62464 : i32
    %dma_wait3A_998 = tpu.memref_slice %arg4[%mul3A_2, %dma_wait3A_997] : memref<1024x65536xf32, #tpu.memory_space<hbm>> -> memref<32x1024xf32, #tpu.memory_space<hbm>>
    %dma_wait3A_999 = arith.constant 62464 : i32
    %dma_wait3A_1000 = tpu.memref_slice %arg4[%mul3A_2, %dma_wait3A_999] : memref<1024x65536xf32, #tpu.memory_space<hbm>> -> memref<32x1024xf32, #tpu.memory_space<hbm>>
    tpu.wait_dma2 semaphore(%arg10 : memref<!tpu.dma_semaphore, #tpu.memory_space<semaphore_mem>>) src(%arg6 : memref<32x1024xf32, #tpu.memory_space<vmem>>) dst(%dma_wait3A_1000 : memref<32x1024xf32, #tpu.memory_space<hbm>>)
    %dma_start3A_1001 = arith.constant 64512 : i32
    %dma_start3A_1002 = tpu.memref_slice %arg3[%mul3A_2, %dma_start3A_1001] : memref<1024x65536xf32, #tpu.memory_space<hbm>> -> memref<32x1024xf32, #tpu.memory_space<hbm>>
    %dma_start3A_1003 = arith.constant 64512 : i32
    %dma_start3A_1004 = tpu.memref_slice %arg3[%mul3A_2, %dma_start3A_1003] : memref<1024x65536xf32, #tpu.memory_space<hbm>> -> memref<32x1024xf32, #tpu.memory_space<hbm>>
    tpu.enqueue_dma source(%dma_start3A_1004 : memref<32x1024xf32, #tpu.memory_space<hbm>>) target(%arg6 : memref<32x1024xf32, #tpu.memory_space<vmem>>) target_semaphore(%arg8 : memref<!tpu.dma_semaphore, #tpu.memory_space<semaphore_mem>>)
    %dma_start3A_1005 = arith.constant 63488 : i32
    %dma_start3A_1006 = tpu.memref_slice %arg4[%mul3A_2, %dma_start3A_1005] : memref<1024x65536xf32, #tpu.memory_space<hbm>> -> memref<32x1024xf32, #tpu.memory_space<hbm>>
    %dma_start3A_1007 = arith.constant 63488 : i32
    %dma_start3A_1008 = tpu.memref_slice %arg4[%mul3A_2, %dma_start3A_1007] : memref<1024x65536xf32, #tpu.memory_space<hbm>> -> memref<32x1024xf32, #tpu.memory_space<hbm>>
    tpu.enqueue_dma source(%arg5 : memref<32x1024xf32, #tpu.memory_space<vmem>>) target(%dma_start3A_1008 : memref<32x1024xf32, #tpu.memory_space<hbm>>) target_semaphore(%arg9 : memref<!tpu.dma_semaphore, #tpu.memory_space<semaphore_mem>>)
    %dma_wait3A_1009 = arith.constant 64512 : i32
    %dma_wait3A_1010 = tpu.memref_slice %arg3[%mul3A_2, %dma_wait3A_1009] : memref<1024x65536xf32, #tpu.memory_space<hbm>> -> memref<32x1024xf32, #tpu.memory_space<hbm>>
    %dma_wait3A_1011 = arith.constant 64512 : i32
    %dma_wait3A_1012 = tpu.memref_slice %arg3[%mul3A_2, %dma_wait3A_1011] : memref<1024x65536xf32, #tpu.memory_space<hbm>> -> memref<32x1024xf32, #tpu.memory_space<hbm>>
    tpu.wait_dma2 semaphore(%arg8 : memref<!tpu.dma_semaphore, #tpu.memory_space<semaphore_mem>>) src(%dma_wait3A_1012 : memref<32x1024xf32, #tpu.memory_space<hbm>>) dst(%arg6 : memref<32x1024xf32, #tpu.memory_space<vmem>>)
    %dma_wait3A_1013 = arith.constant 63488 : i32
    %dma_wait3A_1014 = tpu.memref_slice %arg4[%mul3A_2, %dma_wait3A_1013] : memref<1024x65536xf32, #tpu.memory_space<hbm>> -> memref<32x1024xf32, #tpu.memory_space<hbm>>
    %dma_wait3A_1015 = arith.constant 63488 : i32
    %dma_wait3A_1016 = tpu.memref_slice %arg4[%mul3A_2, %dma_wait3A_1015] : memref<1024x65536xf32, #tpu.memory_space<hbm>> -> memref<32x1024xf32, #tpu.memory_space<hbm>>
    tpu.wait_dma2 semaphore(%arg9 : memref<!tpu.dma_semaphore, #tpu.memory_space<semaphore_mem>>) src(%arg5 : memref<32x1024xf32, #tpu.memory_space<vmem>>) dst(%dma_wait3A_1016 : memref<32x1024xf32, #tpu.memory_space<hbm>>)
    %dma_start3A_1017 = arith.constant 64512 : i32
    %dma_start3A_1018 = tpu.memref_slice %arg4[%mul3A_2, %dma_start3A_1017] : memref<1024x65536xf32, #tpu.memory_space<hbm>> -> memref<32x1024xf32, #tpu.memory_space<hbm>>
    %dma_start3A_1019 = arith.constant 64512 : i32
    %dma_start3A_1020 = tpu.memref_slice %arg4[%mul3A_2, %dma_start3A_1019] : memref<1024x65536xf32, #tpu.memory_space<hbm>> -> memref<32x1024xf32, #tpu.memory_space<hbm>>
    tpu.enqueue_dma source(%arg6 : memref<32x1024xf32, #tpu.memory_space<vmem>>) target(%dma_start3A_1020 : memref<32x1024xf32, #tpu.memory_space<hbm>>) target_semaphore(%arg10 : memref<!tpu.dma_semaphore, #tpu.memory_space<semaphore_mem>>)
    %dma_wait3A_1021 = arith.constant 64512 : i32
    %dma_wait3A_1022 = tpu.memref_slice %arg4[%mul3A_2, %dma_wait3A_1021] : memref<1024x65536xf32, #tpu.memory_space<hbm>> -> memref<32x1024xf32, #tpu.memory_space<hbm>>
    %dma_wait3A_1023 = arith.constant 64512 : i32
    %dma_wait3A_1024 = tpu.memref_slice %arg4[%mul3A_2, %dma_wait3A_1023] : memref<1024x65536xf32, #tpu.memory_space<hbm>> -> memref<32x1024xf32, #tpu.memory_space<hbm>>
    tpu.wait_dma2 semaphore(%arg10 : memref<!tpu.dma_semaphore, #tpu.memory_space<semaphore_mem>>) src(%arg6 : memref<32x1024xf32, #tpu.memory_space<vmem>>) dst(%dma_wait3A_1024 : memref<32x1024xf32, #tpu.memory_space<hbm>>)
    return
  }
}

module attributes {stable_mosaic.version = 14 : i64} {
  func.func @_t_body(%arg0: i32, %arg1: memref<1024x1024xf32, #tpu.memory_space<vmem>>, %arg2: memref<1024x1024xf32, #tpu.memory_space<vmem>>) attributes {dimension_semantics = [#tpu.dimension_semantics<arbitrary>], iteration_bounds = array<i64: 4>, scalar_prefetch = 0 : i64, scratch_operands = 0 : i64, tpu.core_type = #tpu.core_type<tc>, window_params = [{transform_indices = @transform_0, window_bounds = array<i64: 1024, 1024>}, {transform_indices = @transform_1, window_bounds = array<i64: 1024, 1024>}]} {
    %get3A = arith.constant 0 : index
    %get3A_0 = arith.constant 0 : index
    %get3A_1 = vector.load %arg1[%get3A, %get3A_0] : memref<1024x1024xf32, #tpu.memory_space<vmem>>, vector<1024x1024xf32>
    %transpose3A = tpu.transpose %get3A_1, [1, 0] : vector<1024x1024xf32> -> vector<1024x1024xf32>
    %swap3A = arith.constant 0 : index
    %swap3A_2 = arith.constant 0 : index
    %swap3A_3 = vector.load %arg2[%swap3A, %swap3A_2] : memref<1024x1024xf32, #tpu.memory_space<vmem>>, vector<1024x1024xf32>
    tpu.vector_store %arg2[%swap3A, %swap3A_2], %transpose3A {strides = array<i32>} : memref<1024x1024xf32, #tpu.memory_space<vmem>>, vector<1024x1024xf32>,
    return
  }
  func.func @transform_0(%arg0: i32) -> (i32, i32) {
    %c0_i32 = arith.constant 0 : i32
    %c0_i32_0 = arith.constant 0 : i32
    return %arg0, %c0_i32 : i32, i32
  }
  func.func @transform_1(%arg0: i32) -> (i32, i32) {
    %c0_i32 = arith.constant 0 : i32
    %c0_i32_0 = arith.constant 0 : i32
    return %c0_i32, %arg0 : i32, i32
  }
}

</mosaic_0001>

<sc_bundles>
// kernel: kernel.4.cloned.1.call-start
scs
__scs_entry_jumppad:
0x0: {  	(pc) =	sbr.rel $0x88, $3  }
0x1: {  	(tag) =	ssettag $0x0;
	lr =	simm.s32 $0x1  }
0x2: {  	[smem:$0x3F9F] =	sst lr;
	_ =	strace $0xD0000000  }
0x3: {  	_ = 	snop  }
0x4: {  	_ = 	snop  }
0x5: {  	_ = 	snop  }
0x6: {  	_ = 	snop  }
0x7: {  	_ = 	snop  }
__scs_overlays_trampoline_lowered:
0x8: {  	[smem:$0x3FAE] =	sst s0  }
0x9: {  	[smem:$0x3FAF] =	sst s1  }
0xa: {  	[smem:$0x3FB0] =	sst s2  }
0xb: {  	[smem:$0x3FB1] =	sst s3  }
0xc: {  	[smem:$0x3FB2] =	sst s4  }
0xd: {  	[smem:$0x3FB3] =	sst s5  }
0xe: {  	[smem:$0x3FB4] =	sst s6  }
0xf: {  	[smem:$0x3FB5] =	sst s7  }
0x10: {  	[smem:$0x3FB6] =	sst s8  }
0x11: {  	[smem:$0x3FB7] =	sst s9;
	s0 =	simm.s32 @!p0 $0x0  }
0x12: {  	s1 =	sld [smem:$0x3F9D];
	s0 =	simm.s32 @p0 $0x1  }
0x13: {  	[smem:$0x3FB8] =	sst s0;
	s0 =	simm.s32 @!p1 $0x0  }
0x14: {  	s2 =	sld [smem:$0x3F9C];
	s0 =	simm.s32 @p1 $0x1  }
0x15: {  	[smem:$0x3FB9] =	sst s0;
	s0 =	simm.s32 @!p2 $0x0  }
0x16: {  	s3 =	sld [smem:$0x3FDB];
	s0 =	simm.s32 @p2 $0x1  }
0x17: {  	s4 =	simm.s32 $0x1BF5;
	[smem:$0x3FBB] =	sst s0  }
0x18: {  	s0 =	sld [smem:$0x3F9E];
	_ =	swait.ge [sflag:s4], $0x0  }
0x19: {  	s7 =	sld [smem:$0x3F9F]  }
0x1a: {  	s8 =	sadd.s32 $0xFFFFE003, lr  }
0x1b: {  	s9 =	sadd.s32 $0xFFFFFEF7, lr;
	s5 =	simm.s32 $0xFFFFFFFF;
	p2 =	slt.u32 s8, $0xFFFFF086  }
0x1c: {  	p1 =	slt.u32 s9, $0xF7A;
	s5 =	simm.s32 @!p2 $0x0  }
0x1d: {  	s5 =	simm.s32 @p1 $0x1;
	p0 =	seq.s32 s7, s2  }
0x1e: {  	s7 =	smul.u32 @!p0 $0xF7A, s2;
	p2 =	seq.s32 @!p0 s5, $0x0  }
0x1f: {  	s9 =	smul.u32 $0xF7A, s1;
	s8 =	simm.s32 @!p0 $0x1BF5;
	p2 =	por !p2, p0  }
0x20: {  	[sflag:s8] =	ssyncset.s32 @!p0 $0xFFFFF086;
	s6 =	sadd.s32 @!p0 s3, s7;
	s7 =	simm.s32 @!p0 $0x108  }
0x21: {  	s3 =	sadd.s32 s3, s9;
	s6 =	sadd.s32 @!p0 $0x88, s6;
	s7 =	simm.s32 @p2 $0x1082  }
0x22: {  	[simem:s7], [sflag:s8] =	dma.local @!p0 [hbm:s6], $0xF7A  }
0x23: {  	s9 =	sor.u32 $0xD0000000, s2;
	s6 =	simm.s32 $0x108;
	_ =	swait.ge @!p0 [sflag:s8], $0x0  }
0x24: {  	s3 =	sadd.s32 $0x88, s3;
	s6 =	simm.s32 @!p1 $0x1082;
	[sflag:s4] =	ssyncset.s32 $0xFFFFF086  }
0x25: {  	[simem:s6], [sflag:s4] =	dma.local [hbm:s3], $0xF7A  }
0x26: {  	[smem:$0x3F9F] =	sst s1;
	(tag) =	ssettag s2;
	_ =	strace s9  }
0x27: {  	s1 =	sld [smem:$0x3FAF]  }
0x28: {  	s2 =	sld [smem:$0x3FB0]  }
0x29: {  	s4 =	sld [smem:$0x3FB2]  }
0x2a: {  	p0 =	seq.s32 s5, $0x0;
	s5 =	sld [smem:$0x3FB3]  }
0x2b: {  	s6 =	sld [smem:$0x3FB4]  }
0x2c: {  	s7 =	sld [smem:$0x3FB5]  }
0x2d: {  	s3 =	simm.s32 $0x108;
	s8 =	sld [smem:$0x3FB6]  }
0x2e: {  	s3 =	simm.s32 @!p0 $0x1082;
	s9 =	sld [smem:$0x3FB7]  }
0x2f: {  	lr =	sadd.s32 s0, s3;
	s0 =	sld [smem:$0x3FAE]  }
0x30: {  	s3 =	sld [smem:$0x3FB1]  }
0x31: {  	[smem:$0x3FBA] =	sst s10  }
0x32: {  	s10 =	sld [smem:$0x3FB8];
	_ =	sdelay $0x3  }
0x33: {  	p0 =	seq.s32 s10, $0x1;
	s10 =	sld [smem:$0x3FBA];
	_ =	sdelay $0x3  }
0x34: {  	[smem:$0x3FBA] =	sst s10  }
0x35: {  	s10 =	sld [smem:$0x3FB9];
	_ =	sdelay $0x3  }
0x36: {  	p1 =	seq.s32 s10, $0x1;
	s10 =	sld [smem:$0x3FBA];
	_ =	sdelay $0x3  }
0x37: {  	[smem:$0x3FBA] =	sst s10  }
0x38: {  	s10 =	sld [smem:$0x3FBB]  }
0x39: {  	_ = 	snop;
	(pc) =	sbr.ind lr, $3  }
0x3a: {  	_ = 	snop  }
0x3b: {  	_ = 	snop  }
0x3c: {  	p2 =	seq.s32 s10, $0x1;
	s10 =	sld [smem:$0x3FBA]  }
0x3d: {  	_ =	shalt  }
0x3e: {  	_ =	shalt  }
0x3f: {  	_ =	shalt  }
0x40: {  	_ =	shalt  }
0x41: {  	_ =	shalt  }
0x42: {  	_ =	shalt  }
0x43: {  	_ =	shalt  }
0x44: {  	_ =	shalt  }
0x45: {  	_ =	shalt  }
0x46: {  	_ =	shalt  }
0x47: {  	_ =	shalt  }
0x48: {  	_ =	shalt  }
0x49: {  	_ =	shalt  }
0x4a: {  	_ =	shalt  }
0x4b: {  	_ =	shalt  }
0x4c: {  	_ =	shalt  }
0x4d: {  	_ =	shalt  }
0x4e: {  	_ =	shalt  }
0x4f: {  	_ =	shalt  }
0x50: {  	_ =	shalt  }
0x51: {  	_ =	shalt  }
0x52: {  	_ =	shalt  }
0x53: {  	_ =	shalt  }
0x54: {  	_ =	shalt  }
0x55: {  	_ =	shalt  }
0x56: {  	_ =	shalt  }
0x57: {  	_ =	shalt  }
0x58: {  	_ =	shalt  }
0x59: {  	_ =	shalt  }
0x5a: {  	_ =	shalt  }
0x5b: {  	_ =	shalt  }
0x5c: {  	_ =	shalt  }
0x5d: {  	_ =	shalt  }
0x5e: {  	_ =	shalt  }
0x5f: {  	_ =	shalt  }
0x60: {  	_ =	shalt  }
0x61: {  	_ =	shalt  }
0x62: {  	_ =	shalt  }
0x63: {  	_ =	shalt  }
0x64: {  	_ =	shalt  }
0x65: {  	_ =	shalt  }
0x66: {  	_ =	shalt  }
0x67: {  	_ =	shalt  }
0x68: {  	_ =	shalt  }
0x69: {  	_ =	shalt  }
0x6a: {  	_ =	shalt  }
0x6b: {  	_ =	shalt  }
0x6c: {  	_ =	shalt  }
0x6d: {  	_ =	shalt  }
0x6e: {  	_ =	shalt  }
0x6f: {  	_ =	shalt  }
0x70: {  	_ =	shalt  }
0x71: {  	_ =	shalt  }
0x72: {  	_ =	shalt  }
0x73: {  	_ =	shalt  }
0x74: {  	_ =	shalt  }
0x75: {  	_ =	shalt  }
0x76: {  	_ =	shalt  }
0x77: {  	_ =	shalt  }
0x78: {  	_ =	shalt  }
0x79: {  	_ =	shalt  }
0x7a: {  	_ =	shalt  }
0x7b: {  	_ =	shalt  }
0x7c: {  	_ =	shalt  }
0x7d: {  	_ =	shalt  }
0x7e: {  	_ =	shalt  }
0x7f: {  	_ =	shalt  }
0x80: {  	_ =	shalt  }
0x81: {  	_ =	shalt  }
0x82: {  	_ =	shalt  }
0x83: {  	_ =	shalt  }
0x84: {  	_ =	shalt  }
0x85: {  	_ =	shalt  }
0x86: {  	_ =	shalt  }
0x87: {  	_ =	shalt  }
.Lfunc_end0:
.L_simem_size_0:
called_computation_lowered:
.L_overlay_start_0:
0x88: {  	s2 =	sld [smem:$0x3FD9]  }
0x89: {  	s3 =	sld [smem:$0x3FFE];
	_ =	sdelay $0x1  }
0x8a: {  	s1 =	srdreg.scid  }
0x8b: {  	s0 =	sand.u32 $0x1, s1  }
0x8c: {  	s17 =	sshll.u32 s0, $0xA;
	s2 =	sadd.s32 s3, s2  }
0x8d: {  	s2 =	sadd.s32 s2, s17  }
0x8e: {  	[smem:$0x3FC6] =	sst s2  }
0x8f: {  	_ = 	snop  }
0x90: {  	s2 =	sld [smem:$0x3FC8]  }
0x91: {  	s18 =	sld [smem:$0x3FD0];
	(tm) =	ssettm $0x1  }
0x92: {  	s4 =	sld [smem:$0x3FFB];
	_ =	sdelay $0x3  }
0x93: {  	_ =	strace s4  }
0x94: {  	s4 =	sld [smem:$0x3FFC];
	_ =	sdelay $0x3  }
0x95: {  	_ =	strace s4  }
0x96: {  	s4 =	sld [smem:$0x3FFD];
	_ =	sdelay $0x3  }
0x97: {  	_ =	strace s4  }
0x98: {  	_ =	strace $0x8FFFFFFF  }
0x99: {  	s19 =	sld [smem:$0x3FDB];
	_ =	sdelay $0x1  }
0x9a: {  	s5 =	simm.s32 $_scs_section_size  }
0x9b: {  	s6 =	simm.s32 $_size__tile_overlayer_lowered;
	s7 =	simm.s32 $_tile_overlayer_lowered  }
0x9c: {  	s22 =	simm.s32 $0x1BFF;
	s21 =	sshll.u32 s7, $0x1;
	s4 =	sadd.s32 s5, s19  }
0x9d: {  	s8 =	simm.s32 $0x0;
	s20 =	sshll.u32 s6, $0x1;
	s6 =	sadd.s32 s21, s4  }
0x9e: {  	[timem:s8], [sflag:s22] =	dma.local [hbm:s6], s20  }
0x9f: {  	_ =	swait.ge [sflag:s22], s20  }
0xa0: {  	s5 =	ssub.s32 $0x0, s20;
	[sflag:s22] =	ssyncset.done $0x0  }
0xa1: {  	[sflag:s22] =	ssyncadd.s32 s5;
	_ =	sdelay $0x1  }
0xa2: {  	s23 =	simm.s32 $0x1B8B  }
0xa3: {  	_ =	swait.ge [sflag:s23], $0x1  }
0xa4: {  	[sflag:s23] =	ssyncset.done $0x0  }
0xa5: {  	s25 =	simm.s32 $0x1B8E;
	s24 =	sld [smem:$0x3FFE];
	[sflag:s23] =	ssyncadd.s32 $0xFFFFFFFF  }
0xa6: {  	s26 =	simm.s32 $execute0_lowered;
	[smem:$0x3FD2] =	sst s25  }
0xa7: {  	s6 =	sshll.u32 s26, $0x1;
	_ =	strace $0x80000046;
	[dreg:$0x1] =	wrdreg $0xFFFFFFFF  }
0xa8: {  	s28 =	simm.s32 $_size_execute0_lowered;
	s4 =	sadd.s32 s4, s6;
	[dreg:$0x0] =	wrdreg $0x0  }
0xa9: {  	s6 =	sshll.u32 s28, $0x1;
	[dreg:$0x2] =	wrdreg s4  }
0xaa: {  	[dreg:$0x3] =	wrdreg s6  }
0xab: {  	[dreg:$0x4] =	wrdreg $0xC0  }
0xac: {  	_ =	task [dreg:s8], $0x5FFFF  }
0xad: {  	[dreg:$0x1] =	wrdreg $0xFFFFFFFF  }
0xae: {  	[dreg:$0x0] =	wrdreg $0x60  }
0xaf: {  	[dreg:$0x2] =	wrdreg s24  }
0xb0: {  	[dreg:$0x3] =	wrdreg s2  }
0xb1: {  	[dreg:$0x4] =	wrdreg s18  }
0xb2: {  	[dreg:$0x5] =	wrdreg $0x9  }
0xb3: {  	_ =	task.clear_ibuf [dreg:s8], $0x6FFFF;
	_ =	strace $0x90000046  }
0xb4: {  	s29 =	simm.s32 $0x9;
	_ =	strace $0x80000048  }
0xb5: {  	_ =	swait.ge [sflag:s29], $0x1  }
0xb6: {  	[sflag:s29] =	ssyncadd.s32 $0xFFFFFFFF  }
0xb7: {  	_ =	strace $0x90000048  }
0xb8: {  	_ =	sfence  }
0xb9: {  	s30 =	sld [smem:$0x0];
	_ =	sdelay $0x2  }
0xba: {  	s31 =	sshll.u32 s1, $0xD;
	s1 =	sshrl.u32 s1, $0x2  }
0xbb: {  	s3 =	sand.u32 $0x4000, s31;
	s1 =	sadd.s32 s1, s30  }
0xbc: {  	s0 =	sor.u32 s3, s0;
	s1 =	sshll.u32 s1, $0x11  }
0xbd: {  	s0 =	sor.u32 s1, s0  }
0xbe: {  	s0 =	sadd.s32 $0x8F2B, s0  }
0xbf: {  	[sflag:s0] =	ssyncadd.remote.s32 $0x1  }
0xc0: {  	_ =	sfence.sel $0xFFFF  }
0xc1: {  	[dreg:$0x0] =	wrdreg $0xFFFFFFFF;
	(pc) =	sbr.abs _section_cstart, $3  }
0xc2: {  	[dreg:$0x1] =	wrdreg $0xFFFFFFFF  }
0xc3: {  	_ =	task.clear_ibuf [dreg:s8], $0x2FFFF;
	_ =	strace $0x9FFFFFFF  }
0xc4: {  	(tm) =	ssettm $0x7FFFFFFF  }
0xc5: {  	_ =	shalt  }
tec
execute0_lowered:
.L_overlay_start_1:
0x0: {  	(tag) =	ssettag $0x1  }
0x1: {  	s0 =	srdreg.scid  }
0x2: {  	s2 =	stileid.u32;
	s5 =	sand.u32 $0x1, s0  }
0x3: {  	s22 =	sshll.u32 s2, $0x6;
	s23 =	sshll.u32 s5, $0x5  }
0x4: {  	s4 =	rddreg [dreg:$0x0];
	s0 =	sor.u32 s23, s22  }
0x5: {  	s1 =	rddreg [dreg:$0x1];
	s6 =	sshll.u32 s0, $0x9  }
0x6: {  	s3 =	rddreg [dreg:$0x2];
	s2 =	simm.s32 $0x0;
	s6 =	sadd.s32 s6, s4  }
0x7: {  	[smem:$0x7FF] =	sst s2;
	s4 =	sadd.s32 $0x600, s6  }
0x8: {  	_ =	strace $0x80000047;
	s7 =	sadd.s32 $0xA00, s6;
	[dreg:$0x4] =	wrdreg s4  }
0x9: {  	s24 =	sadd.s32 $0xE00, s6;
	[dreg:$0x5] =	wrdreg s7  }
0xa: {  	s26 =	sadd.s32 $0x1200, s6;
	s4 =	sshll.u32 s0, $0xD;
	[dreg:$0x6] =	wrdreg s24  }
0xb: {  	[dreg:$0x8] =	wrdreg s26;
	s31 =	sadd.s32 s3, s4  }
0xc: {  	s0 =	rddreg [dreg:$0x4];
	s25 =	sadd.s32 $0x400, s31  }
0xd: {  	s7 =	sor.u32 $0x1000, s4;
	s6 =	sadd.s32 $0x800, s31;
	[dreg:$0x7] =	wrdreg s25  }
0xe: {  	s8 =	sadd.s32 s1, s7;
	[dreg:$0x9] =	wrdreg s6  }
0xf: {  	s10 =	sor.u32 $0x1400, s4;
	s9 =	sadd.s32 $0xC00, s31;
	[dreg:$0xa] =	wrdreg s8  }
0x10: {  	s11 =	sadd.s32 s1, s10;
	[dreg:$0xb] =	wrdreg s9  }
0x11: {  	s13 =	sor.u32 $0x1800, s4;
	s12 =	sadd.s32 s3, s7;
	[dreg:$0xc] =	wrdreg s11  }
0x12: {  	s14 =	sadd.s32 s1, s13;
	[dreg:$0xd] =	wrdreg s12  }
0x13: {  	s16 =	sor.u32 $0x1C00, s4;
	s15 =	sadd.s32 s3, s10;
	[dreg:$0xe] =	wrdreg s14  }
0x14: {  	s17 =	sadd.s32 s1, s16;
	[dreg:$0xf] =	wrdreg s15  }
0x15: {  	s19 =	sor.u32 $0x2000, s4;
	s18 =	sadd.s32 s3, s13;
	[dreg:$0x10] =	wrdreg s17  }
0x16: {  	s20 =	sadd.s32 s1, s19;
	[dreg:$0x11] =	wrdreg s18  }
0x17: {  	s22 =	sor.u32 $0x2400, s4;
	s21 =	sadd.s32 s3, s16;
	[dreg:$0x12] =	wrdreg s20  }
0x18: {  	s23 =	sadd.s32 s1, s22;
	[dreg:$0x13] =	wrdreg s21  }
0x19: {  	s24 =	sadd.s32 s3, s19;
	[dreg:$0x14] =	wrdreg s23  }
0x1a: {  	s7 =	sadd.s32 s3, s22;
	s25 =	sor.u32 $0x2800, s4;
	[dreg:$0x15] =	wrdreg s24  }
0x1b: {  	s8 =	sor.u32 $0x2C00, s4;
	[dreg:$0x17] =	wrdreg s7;
	s26 =	sadd.s32 s1, s25  }
0x1c: {  	s9 =	sadd.s32 s1, s8;
	[dreg:$0x16] =	wrdreg s26  }
0x1d: {  	s11 =	sor.u32 $0x3000, s4;
	s10 =	sadd.s32 s3, s25;
	[dreg:$0x18] =	wrdreg s9  }
0x1e: {  	s12 =	sadd.s32 s1, s11;
	[dreg:$0x19] =	wrdreg s10  }
0x1f: {  	s14 =	sor.u32 $0x3400, s4;
	s13 =	sadd.s32 s3, s8;
	[dreg:$0x1a] =	wrdreg s12  }
0x20: {  	s15 =	sadd.s32 s1, s14;
	[dreg:$0x1b] =	wrdreg s13  }
0x21: {  	s17 =	sor.u32 $0x3800, s4;
	s16 =	sadd.s32 s3, s11;
	[dreg:$0x1c] =	wrdreg s15  }
0x22: {  	s18 =	sadd.s32 s1, s17;
	[dreg:$0x1d] =	wrdreg s16  }
0x23: {  	s20 =	sor.u32 $0x3C00, s4;
	s19 =	sadd.s32 s3, s14;
	[dreg:$0x1e] =	wrdreg s18  }
0x24: {  	s21 =	sadd.s32 s1, s20;
	[dreg:$0x1f] =	wrdreg s19  }
0x25: {  	s23 =	sor.u32 $0x4000, s4;
	s22 =	sadd.s32 s3, s17;
	[smem:$0x7AF] =	sst s21  }
0x26: {  	s24 =	sadd.s32 s1, s23;
	[smem:$0x7B0] =	sst s22  }
0x27: {  	s25 =	sadd.s32 s3, s20;
	[smem:$0x7B1] =	sst s24  }
0x28: {  	s26 =	sor.u32 $0x4400, s4;
	[smem:$0x7B2] =	sst s25;
	s9 =	sadd.s32 s3, s23  }
0x29: {  	s10 =	sor.u32 $0x4800, s4;
	s8 =	sadd.s32 s1, s26;
	[smem:$0x7B4] =	sst s9  }
0x2a: {  	s11 =	sadd.s32 s1, s10;
	[smem:$0x7B3] =	sst s8  }
0x2b: {  	s13 =	sor.u32 $0x4C00, s4;
	s12 =	sadd.s32 s3, s26;
	[smem:$0x7B5] =	sst s11  }
0x2c: {  	s14 =	sadd.s32 s1, s13;
	[smem:$0x7B6] =	sst s12  }
0x2d: {  	s16 =	sor.u32 $0x5000, s4;
	s15 =	sadd.s32 s3, s10;
	[smem:$0x7B7] =	sst s14  }
0x2e: {  	s17 =	sadd.s32 s1, s16;
	[smem:$0x7B8] =	sst s15  }
0x2f: {  	s19 =	sor.u32 $0x5400, s4;
	s18 =	sadd.s32 s3, s13;
	[smem:$0x7B9] =	sst s17  }
0x30: {  	s20 =	sadd.s32 s1, s19;
	[smem:$0x7BA] =	sst s18  }
0x31: {  	s22 =	sor.u32 $0x5800, s4;
	s21 =	sadd.s32 s3, s16;
	[smem:$0x7BB] =	sst s20  }
0x32: {  	s23 =	sadd.s32 s1, s22;
	[smem:$0x7BC] =	sst s21  }
0x33: {  	s25 =	sor.u32 $0x5C00, s4;
	s24 =	sadd.s32 s3, s19;
	[smem:$0x7BD] =	sst s23  }
0x34: {  	s26 =	sadd.s32 s1, s25;
	[smem:$0x7BE] =	sst s24  }
0x35: {  	s6 =	sadd.s32 s3, s22;
	[smem:$0x7BF] =	sst s26  }
0x36: {  	s10 =	sadd.s32 s3, s25;
	s8 =	sor.u32 $0x6000, s4;
	[smem:$0x7C0] =	sst s6  }
0x37: {  	s11 =	sor.u32 $0x6400, s4;
	[smem:$0x7C2] =	sst s10;
	s9 =	sadd.s32 s1, s8  }
0x38: {  	s12 =	sadd.s32 s1, s11;
	[smem:$0x7C1] =	sst s9  }
0x39: {  	s14 =	sor.u32 $0x6800, s4;
	s13 =	sadd.s32 s3, s8;
	[smem:$0x7C3] =	sst s12  }
0x3a: {  	s15 =	sadd.s32 s1, s14;
	[smem:$0x7C4] =	sst s13  }
0x3b: {  	s17 =	sor.u32 $0x6C00, s4;
	s16 =	sadd.s32 s3, s11;
	[smem:$0x7C5] =	sst s15  }
0x3c: {  	s18 =	sadd.s32 s1, s17;
	[smem:$0x7C6] =	sst s16  }
0x3d: {  	s20 =	sor.u32 $0x7000, s4;
	s19 =	sadd.s32 s3, s14;
	[smem:$0x7C7] =	sst s18  }
0x3e: {  	s21 =	sadd.s32 s1, s20;
	[smem:$0x7C8] =	sst s19  }
0x3f: {  	s23 =	sor.u32 $0x7400, s4;
	s22 =	sadd.s32 s3, s17;
	[smem:$0x7C9] =	sst s21  }
0x40: {  	s24 =	sadd.s32 s1, s23;
	[smem:$0x7CA] =	sst s22  }
0x41: {  	s26 =	sor.u32 $0x7800, s4;
	s25 =	sadd.s32 s3, s20;
	[smem:$0x7CB] =	sst s24  }
0x42: {  	s10 =	sor.u32 $0x7C00, s4;
	s8 =	sadd.s32 s1, s26;
	[smem:$0x7CC] =	sst s25  }
0x43: {  	s11 =	sadd.s32 s1, s10;
	[smem:$0x7CD] =	sst s8  }
0x44: {  	s9 =	sadd.s32 s3, s23;
	[smem:$0x7CF] =	sst s11  }
0x45: {  	s12 =	sadd.s32 s3, s26;
	[smem:$0x7CE] =	sst s9  }
0x46: {  	s13 =	sor.u32 $0x8000, s4;
	s15 =	sadd.s32 s3, s10;
	[smem:$0x7D0] =	sst s12  }
0x47: {  	s16 =	sor.u32 $0x8400, s4;
	s14 =	sadd.s32 s1, s13;
	[smem:$0x7D2] =	sst s15  }
0x48: {  	s17 =	sadd.s32 s1, s16;
	[smem:$0x7D1] =	sst s14  }
0x49: {  	s19 =	sor.u32 $0x8800, s4;
	s18 =	sadd.s32 s3, s13;
	[smem:$0x7D3] =	sst s17  }
0x4a: {  	s20 =	sadd.s32 s1, s19;
	[smem:$0x7D4] =	sst s18  }
0x4b: {  	s22 =	sor.u32 $0x8C00, s4;
	s21 =	sadd.s32 s3, s16;
	[smem:$0x7D5] =	sst s20  }
0x4c: {  	s23 =	sadd.s32 s1, s22;
	[smem:$0x7D6] =	sst s21  }
0x4d: {  	s25 =	sor.u32 $0x9000, s4;
	s24 =	sadd.s32 s3, s19;
	[smem:$0x7D7] =	sst s23  }
0x4e: {  	s26 =	sadd.s32 s1, s25;
	[smem:$0x7D8] =	sst s24  }
0x4f: {  	s8 =	sor.u32 $0x9400, s4;
	s7 =	sadd.s32 s3, s22;
	[smem:$0x7D9] =	sst s26  }
0x50: {  	s9 =	sadd.s32 s1, s8;
	[smem:$0x7DA] =	sst s7  }
0x51: {  	s11 =	sor.u32 $0x9800, s4;
	s10 =	sadd.s32 s3, s25;
	[smem:$0x7DB] =	sst s9  }
0x52: {  	s12 =	sadd.s32 s1, s11;
	[smem:$0x7DC] =	sst s10  }
0x53: {  	s13 =	sadd.s32 s3, s8;
	[smem:$0x7DD] =	sst s12  }
0x54: {  	s16 =	sadd.s32 s3, s11;
	s14 =	sor.u32 $0x9C00, s4;
	[smem:$0x7DE] =	sst s13  }
0x55: {  	s17 =	sor.u32 $0xA000, s4;
	[smem:$0x7E0] =	sst s16;
	s15 =	sadd.s32 s1, s14  }
0x56: {  	s18 =	sadd.s32 s1, s17;
	[smem:$0x7DF] =	sst s15  }
0x57: {  	s20 =	sor.u32 $0xA400, s4;
	s19 =	sadd.s32 s3, s14;
	[smem:$0x7E1] =	sst s18  }
0x58: {  	s21 =	sadd.s32 s1, s20;
	[smem:$0x7E2] =	sst s19  }
0x59: {  	s23 =	sor.u32 $0xA800, s4;
	s22 =	sadd.s32 s3, s17;
	[smem:$0x7E3] =	sst s21  }
0x5a: {  	s24 =	sadd.s32 s1, s23;
	[smem:$0x7E4] =	sst s22  }
0x5b: {  	s26 =	sor.u32 $0xAC00, s4;
	s25 =	sadd.s32 s3, s20;
	[smem:$0x7E5] =	sst s24  }
0x5c: {  	p0 =	por $0x0, $0x0;
	s8 =	sadd.s32 s1, s26;
	[smem:$0x7E6] =	sst s25  }
0x5d: {  	s10 =	sor.u32 $0xB000, s4;
	s9 =	sadd.s32 s3, s23;
	[smem:$0x7E7] =	sst s8  }
0x5e: {  	s5 =	ssub.s32 $0x2, s5;
	s11 =	sadd.s32 s1, s10;
	[smem:$0x7E8] =	sst s9  }
0x5f: {  	s13 =	sor.u32 $0xB400, s4;
	s12 =	sadd.s32 s3, s26;
	[smem:$0x7E9] =	sst s11  }
0x60: {  	s16 =	sor.u32 $0xB800, s4;
	s14 =	sadd.s32 s1, s13;
	[smem:$0x7EA] =	sst s12  }
0x61: {  	s6 =	sor.u32 $0xE400, s4;
	s17 =	sadd.s32 s1, s16;
	[smem:$0x7EB] =	sst s14  }
0x62: {  	s7 =	sor.u32 $0xE800, s4;
	s15 =	sadd.s32 s3, s10;
	[smem:$0x7ED] =	sst s17  }
0x63: {  	s18 =	sadd.s32 s3, s13;
	s19 =	sor.u32 $0xBC00, s4;
	[smem:$0x7EC] =	sst s15  }
0x64: {  	s21 =	sadd.s32 s3, s16;
	s22 =	sor.u32 $0xC000, s4;
	[smem:$0x7EE] =	sst s18  }
0x65: {  	s25 =	sor.u32 $0xC400, s4;
	s20 =	sadd.s32 s1, s19;
	[smem:$0x7F0] =	sst s21  }
0x66: {  	s9 =	sor.u32 $0xC800, s4;
	s23 =	sadd.s32 s1, s22;
	[smem:$0x7EF] =	sst s20  }
0x67: {  	s12 =	sor.u32 $0xCC00, s4;
	s24 =	sadd.s32 s3, s19;
	[smem:$0x7F1] =	sst s23  }
0x68: {  	s26 =	sadd.s32 s1, s25;
	s8 =	sadd.s32 s3, s22;
	[smem:$0x7F2] =	sst s24  }
0x69: {  	s10 =	sadd.s32 s1, s9;
	s11 =	sadd.s32 s3, s25;
	[smem:$0x7F3] =	sst s26  }
0x6a: {  	s13 =	sadd.s32 s1, s12;
	s14 =	sadd.s32 s3, s9;
	[smem:$0x7F4] =	sst s8  }
0x6b: {  	s15 =	sor.u32 $0xD000, s4;
	s17 =	sadd.s32 s3, s12;
	[smem:$0x7F5] =	sst s10  }
0x6c: {  	s18 =	sor.u32 $0xD400, s4;
	s21 =	sor.u32 $0xD800, s4;
	[smem:$0x7F6] =	sst s11  }
0x6d: {  	s9 =	sor.u32 $0xEC00, s4;
	s12 =	sor.u32 $0xF800, s4;
	[smem:$0x7F7] =	sst s13  }
0x6e: {  	[smem:$0x7F8] =	sst s14;
	s16 =	sadd.s32 s1, s15;
	s8 =	sshrl.u32 s5, $0x1  }
0x6f: {  	[smem:$0x7FA] =	sst s17;
	s19 =	sadd.s32 s1, s18;
	s20 =	sadd.s32 s3, s15  }
0x70: {  	s22 =	sadd.s32 s1, s21;
	s30 =	sadd.s32 s3, s18;
	s23 =	sor.u32 $0xDC00, s4  }
0x71: {  	s29 =	sadd.s32 s3, s21;
	s24 =	sor.u32 $0xE000, s4;
	s21 =	sadd.s32 s1, s7  }
0x72: {  	s10 =	sor.u32 $0xF000, s4;
	s18 =	sadd.s32 s3, s9;
	[smem:$0x7F9] =	sst s16  }
0x73: {  	s11 =	sor.u32 $0xF400, s4;
	s13 =	sor.u32 $0xFC00, s4;
	[smem:$0x7FB] =	sst s19  }
0x74: {  	s4 =	simm.s32 $0x2000;
	s8 =	ssub.s32 s5, s8;
	[smem:$0x7FC] =	sst s20  }
0x75: {  	[smem:$0x7FD] =	sst s22;
	s28 =	sadd.s32 s1, s23;
	s25 =	sadd.s32 s1, s24  }
0x76: {  	s26 =	sadd.s32 s3, s23;
	s23 =	sadd.s32 s1, s6;
	s24 =	sadd.s32 s3, s24  }
0x77: {  	s22 =	sadd.s32 s3, s6;
	s19 =	sadd.s32 s1, s9;
	s16 =	smax.u32 s8, $0x1  }
0x78: {  	s20 =	sadd.s32 s3, s7;
	s17 =	sadd.s32 s1, s10;
	p1 =	sne.s32 s16, $0x1  }
.Ltmp0:
0x79: {  	s14 =	sadd.s32 s1, s11;
	s15 =	sadd.s32 s3, s10;
	(pc) =	sbr.rel @!p1 .LBB2_3-.Ltmp0, $4  }
0x7a: {  	s10 =	sadd.s32 s1, s12;
	s11 =	sadd.s32 s3, s11;
	s5 =	sadd.s32 s1, s13  }
0x7b: {  	s6 =	sadd.s32 s3, s12;
	s3 =	sadd.s32 s3, s13;
	s7 =	simm.s32 $0x8000  }
0x7c: {  	s13 =	simm.s32 $0x2;
	s12 =	simm.s32 $0x3;
	s9 =	simm.s32 $0x4  }
0x7d: {  	s8 =	simm.s32 $0x80000;
	s1 =	sadd.s32 $0xFFFFFFFF, s16;
	s16 =	simm.s32 $0x1  }
0x7e: {  	[tilespmem:s2], [sflag:$0x1] =	stream.strided.gather [hbm4b:s0+s4], $0x8000, s7, s4, $0x38;
	[tilespmem:$0x10000] =	vst v63  }
0x7f: {  	_ =	swait.ge [sflag:s16], $0x8000  }
0x80: {  	[sflag:s16] =	ssyncset.done $0x0  }
0x81: {  	s0 =	rddreg [dreg:$0x5];
	[sflag:s16] =	ssyncadd.s32 $0xFFFF8000  }
0x82: {  	[tilespmem:s7], [sflag:$0x2] =	stream.strided.gather [hbm4b:s0+s4], $0x8000, s7, s4, $0x38;
	[tilespmem:$0x10000] =	vst v63  }
0x83: {  	_ = 	snop  }
0x84: {  	[hbm4b:s31+s4] =	stream.strided.scatter [tilespmem:s2], [sflag:$0x3], $0x8000, s8, s4, $0x38;
	[tilespmem:$0x10000] =	vst v63  }
0x85: {  	_ =	swait.ge [sflag:s13], $0x8000  }
0x86: {  	[sflag:s13] =	ssyncset.done $0x0  }
0x87: {  	[sflag:s13] =	ssyncadd.s32 $0xFFFF8000  }
0x88: {  	_ =	swait.ge [sflag:s12], $0x8000  }
0x89: {  	s0 =	rddreg [dreg:$0x6];
	[sflag:s12] =	ssyncset.done $0x0  }
0x8a: {  	[smem:$0x7AD] =	sst s1;
	[sflag:s12] =	ssyncadd.s32 $0xFFFF8000  }
0x8b: {  	[tilespmem:s2], [sflag:$0x1] =	stream.strided.gather [hbm4b:s0+s4], $0x8000, s7, s4, $0x38;
	[tilespmem:$0x10000] =	vst v63  }
0x8c: {  	s1 =	rddreg [dreg:$0x7]  }
0x8d: {  	[hbm4b:s1+s4] =	stream.strided.scatter [tilespmem:s7], [sflag:$0x4], $0x8000, s8, s4, $0x38;
	[tilespmem:$0x10000] =	vst v63  }
0x8e: {  	_ =	swait.ge [sflag:s16], $0x8000  }
0x8f: {  	[sflag:s16] =	ssyncset.done $0x0  }
0x90: {  	[sflag:s16] =	ssyncadd.s32 $0xFFFF8000  }
0x91: {  	_ =	swait.ge [sflag:s9], $0x8000  }
0x92: {  	[sflag:s9] =	ssyncset.done $0x0  }
0x93: {  	s0 =	rddreg [dreg:$0x8];
	[sflag:s9] =	ssyncadd.s32 $0xFFFF8000  }
0x94: {  	[tilespmem:s7], [sflag:$0x2] =	stream.strided.gather [hbm4b:s0+s4], $0x8000, s7, s4, $0x38;
	[tilespmem:$0x10000] =	vst v63  }
0x95: {  	s1 =	rddreg [dreg:$0x9]  }
0x96: {  	[hbm4b:s1+s4] =	stream.strided.scatter [tilespmem:s2], [sflag:$0x3], $0x8000, s8, s4, $0x38;
	[tilespmem:$0x10000] =	vst v63  }
0x97: {  	_ =	swait.ge [sflag:s13], $0x8000  }
0x98: {  	[sflag:s13] =	ssyncset.done $0x0  }
0x99: {  	[sflag:s13] =	ssyncadd.s32 $0xFFFF8000  }
0x9a: {  	_ =	swait.ge [sflag:s12], $0x8000  }
0x9b: {  	[sflag:s12] =	ssyncset.done $0x0  }
0x9c: {  	s0 =	rddreg [dreg:$0xa];
	[sflag:s12] =	ssyncadd.s32 $0xFFFF8000  }
0x9d: {  	[tilespmem:s2], [sflag:$0x1] =	stream.strided.gather [hbm4b:s0+s4], $0x8000, s8, s4, $0x38;
	[tilespmem:$0x10000] =	vst v63  }
0x9e: {  	s1 =	rddreg [dreg:$0xb]  }
0x9f: {  	[hbm4b:s1+s4] =	stream.strided.scatter [tilespmem:s7], [sflag:$0x4], $0x8000, s8, s4, $0x38;
	[tilespmem:$0x10000] =	vst v63  }
0xa0: {  	_ =	swait.ge [sflag:s16], $0x8000  }
0xa1: {  	[sflag:s16] =	ssyncset.done $0x0  }
0xa2: {  	[sflag:s16] =	ssyncadd.s32 $0xFFFF8000  }
0xa3: {  	_ =	swait.ge [sflag:s9], $0x8000  }
0xa4: {  	[sflag:s9] =	ssyncset.done $0x0  }
0xa5: {  	s0 =	rddreg [dreg:$0xc];
	[sflag:s9] =	ssyncadd.s32 $0xFFFF8000  }
0xa6: {  	[tilespmem:s7], [sflag:$0x2] =	stream.strided.gather [hbm4b:s0+s4], $0x8000, s8, s4, $0x38;
	[tilespmem:$0x10000] =	vst v63  }
0xa7: {  	s1 =	rddreg [dreg:$0xd]  }
0xa8: {  	[hbm4b:s1+s4] =	stream.strided.scatter [tilespmem:s2], [sflag:$0x3], $0x8000, s8, s4, $0x38;
	[tilespmem:$0x10000] =	vst v63  }
0xa9: {  	_ =	swait.ge [sflag:s13], $0x8000  }
0xaa: {  	[sflag:s13] =	ssyncset.done $0x0  }
0xab: {  	[sflag:s13] =	ssyncadd.s32 $0xFFFF8000  }
0xac: {  	_ =	swait.ge [sflag:s12], $0x8000  }
0xad: {  	[sflag:s12] =	ssyncset.done $0x0  }
0xae: {  	s0 =	rddreg [dreg:$0xe];
	[sflag:s12] =	ssyncadd.s32 $0xFFFF8000  }
0xaf: {  	[tilespmem:s2], [sflag:$0x1] =	stream.strided.gather [hbm4b:s0+s4], $0x8000, s8, s4, $0x38;
	[tilespmem:$0x10000] =	vst v63  }
0xb0: {  	s1 =	rddreg [dreg:$0xf]  }
0xb1: {  	[hbm4b:s1+s4] =	stream.strided.scatter [tilespmem:s7], [sflag:$0x4], $0x8000, s8, s4, $0x38;
	[tilespmem:$0x10000] =	vst v63  }
0xb2: {  	_ =	swait.ge [sflag:s16], $0x8000  }
0xb3: {  	[sflag:s16] =	ssyncset.done $0x0  }
0xb4: {  	[sflag:s16] =	ssyncadd.s32 $0xFFFF8000  }
0xb5: {  	_ =	swait.ge [sflag:s9], $0x8000  }
0xb6: {  	[sflag:s9] =	ssyncset.done $0x0  }
0xb7: {  	s0 =	rddreg [dreg:$0x10];
	[sflag:s9] =	ssyncadd.s32 $0xFFFF8000  }
0xb8: {  	[tilespmem:s7], [sflag:$0x2] =	stream.strided.gather [hbm4b:s0+s4], $0x8000, s8, s4, $0x38;
	[tilespmem:$0x10000] =	vst v63  }
0xb9: {  	s1 =	rddreg [dreg:$0x11]  }
0xba: {  	[hbm4b:s1+s4] =	stream.strided.scatter [tilespmem:s2], [sflag:$0x3], $0x8000, s8, s4, $0x38;
	[tilespmem:$0x10000] =	vst v63  }
0xbb: {  	_ =	swait.ge [sflag:s13], $0x8000  }
0xbc: {  	[sflag:s13] =	ssyncset.done $0x0  }
0xbd: {  	[sflag:s13] =	ssyncadd.s32 $0xFFFF8000  }
0xbe: {  	_ =	swait.ge [sflag:s12], $0x8000  }
0xbf: {  	[sflag:s12] =	ssyncset.done $0x0  }
0xc0: {  	s0 =	rddreg [dreg:$0x12];
	[sflag:s12] =	ssyncadd.s32 $0xFFFF8000  }
0xc1: {  	[tilespmem:s2], [sflag:$0x1] =	stream.strided.gather [hbm4b:s0+s4], $0x8000, s8, s4, $0x38;
	[tilespmem:$0x10000] =	vst v63  }
0xc2: {  	s1 =	rddreg [dreg:$0x13]  }
0xc3: {  	[hbm4b:s1+s4] =	stream.strided.scatter [tilespmem:s7], [sflag:$0x4], $0x8000, s8, s4, $0x38;
	[tilespmem:$0x10000] =	vst v63  }
0xc4: {  	_ =	swait.ge [sflag:s16], $0x8000  }
0xc5: {  	[sflag:s16] =	ssyncset.done $0x0  }
0xc6: {  	[sflag:s16] =	ssyncadd.s32 $0xFFFF8000  }
0xc7: {  	_ =	swait.ge [sflag:s9], $0x8000  }
0xc8: {  	[sflag:s9] =	ssyncset.done $0x0  }
0xc9: {  	s0 =	rddreg [dreg:$0x14];
	[sflag:s9] =	ssyncadd.s32 $0xFFFF8000  }
0xca: {  	[tilespmem:s7], [sflag:$0x2] =	stream.strided.gather [hbm4b:s0+s4], $0x8000, s8, s4, $0x38;
	[tilespmem:$0x10000] =	vst v63  }
0xcb: {  	s1 =	rddreg [dreg:$0x15]  }
0xcc: {  	[hbm4b:s1+s4] =	stream.strided.scatter [tilespmem:s2], [sflag:$0x3], $0x8000, s8, s4, $0x38;
	[tilespmem:$0x10000] =	vst v63  }
0xcd: {  	_ =	swait.ge [sflag:s13], $0x8000  }
0xce: {  	[sflag:s13] =	ssyncset.done $0x0  }
0xcf: {  	[sflag:s13] =	ssyncadd.s32 $0xFFFF8000  }
0xd0: {  	_ =	swait.ge [sflag:s12], $0x8000  }
0xd1: {  	[sflag:s12] =	ssyncset.done $0x0  }
0xd2: {  	s0 =	rddreg [dreg:$0x16];
	[sflag:s12] =	ssyncadd.s32 $0xFFFF8000  }
0xd3: {  	[tilespmem:s2], [sflag:$0x1] =	stream.strided.gather [hbm4b:s0+s4], $0x8000, s8, s4, $0x38;
	[tilespmem:$0x10000] =	vst v63  }
0xd4: {  	s1 =	rddreg [dreg:$0x17]  }
0xd5: {  	[hbm4b:s1+s4] =	stream.strided.scatter [tilespmem:s7], [sflag:$0x4], $0x8000, s8, s4, $0x38;
	[tilespmem:$0x10000] =	vst v63  }
0xd6: {  	_ =	swait.ge [sflag:s16], $0x8000  }
0xd7: {  	[sflag:s16] =	ssyncset.done $0x0  }
0xd8: {  	[sflag:s16] =	ssyncadd.s32 $0xFFFF8000  }
0xd9: {  	_ =	swait.ge [sflag:s9], $0x8000  }
0xda: {  	[sflag:s9] =	ssyncset.done $0x0  }
0xdb: {  	s0 =	rddreg [dreg:$0x18];
	[sflag:s9] =	ssyncadd.s32 $0xFFFF8000  }
0xdc: {  	[tilespmem:s7], [sflag:$0x2] =	stream.strided.gather [hbm4b:s0+s4], $0x8000, s8, s4, $0x38;
	[tilespmem:$0x10000] =	vst v63  }
0xdd: {  	s1 =	rddreg [dreg:$0x19]  }
0xde: {  	[hbm4b:s1+s4] =	stream.strided.scatter [tilespmem:s2], [sflag:$0x3], $0x8000, s8, s4, $0x38;
	[tilespmem:$0x10000] =	vst v63  }
0xdf: {  	_ =	swait.ge [sflag:s13], $0x8000  }
0xe0: {  	[sflag:s13] =	ssyncset.done $0x0  }
0xe1: {  	[sflag:s13] =	ssyncadd.s32 $0xFFFF8000  }
0xe2: {  	_ =	swait.ge [sflag:s12], $0x8000  }
0xe3: {  	[sflag:s12] =	ssyncset.done $0x0  }
0xe4: {  	s0 =	rddreg [dreg:$0x1a];
	[sflag:s12] =	ssyncadd.s32 $0xFFFF8000  }
0xe5: {  	[tilespmem:s2], [sflag:$0x1] =	stream.strided.gather [hbm4b:s0+s4], $0x8000, s8, s4, $0x38;
	[tilespmem:$0x10000] =	vst v63  }
0xe6: {  	s1 =	rddreg [dreg:$0x1b]  }
0xe7: {  	[hbm4b:s1+s4] =	stream.strided.scatter [tilespmem:s7], [sflag:$0x4], $0x8000, s8, s4, $0x38;
	[tilespmem:$0x10000] =	vst v63  }
0xe8: {  	_ =	swait.ge [sflag:s16], $0x8000  }
0xe9: {  	[sflag:s16] =	ssyncset.done $0x0  }
0xea: {  	[sflag:s16] =	ssyncadd.s32 $0xFFFF8000  }
0xeb: {  	_ =	swait.ge [sflag:s9], $0x8000  }
0xec: {  	[sflag:s9] =	ssyncset.done $0x0  }
0xed: {  	s0 =	rddreg [dreg:$0x1c];
	[sflag:s9] =	ssyncadd.s32 $0xFFFF8000  }
0xee: {  	[tilespmem:s7], [sflag:$0x2] =	stream.strided.gather [hbm4b:s0+s4], $0x8000, s8, s4, $0x38;
	[tilespmem:$0x10000] =	vst v63  }
0xef: {  	s1 =	rddreg [dreg:$0x1d]  }
0xf0: {  	[hbm4b:s1+s4] =	stream.strided.scatter [tilespmem:s2], [sflag:$0x3], $0x8000, s8, s4, $0x38;
	[tilespmem:$0x10000] =	vst v63  }
0xf1: {  	_ =	swait.ge [sflag:s13], $0x8000  }
0xf2: {  	[sflag:s13] =	ssyncset.done $0x0  }
0xf3: {  	[sflag:s13] =	ssyncadd.s32 $0xFFFF8000  }
0xf4: {  	_ =	swait.ge [sflag:s12], $0x8000  }
0xf5: {  	[sflag:s12] =	ssyncset.done $0x0  }
0xf6: {  	s0 =	rddreg [dreg:$0x1e];
	[sflag:s12] =	ssyncadd.s32 $0xFFFF8000  }
0xf7: {  	[tilespmem:s2], [sflag:$0x1] =	stream.strided.gather [hbm4b:s0+s4], $0x8000, s8, s4, $0x38;
	[tilespmem:$0x10000] =	vst v63  }
0xf8: {  	s1 =	rddreg [dreg:$0x1f]  }
0xf9: {  	[hbm4b:s1+s4] =	stream.strided.scatter [tilespmem:s7], [sflag:$0x4], $0x8000, s8, s4, $0x38;
	[tilespmem:$0x10000] =	vst v63  }
0xfa: {  	_ =	swait.ge [sflag:s16], $0x8000  }
0xfb: {  	[sflag:s16] =	ssyncset.done $0x0  }
0xfc: {  	[sflag:s16] =	ssyncadd.s32 $0xFFFF8000  }
0xfd: {  	_ =	swait.ge [sflag:s9], $0x8000  }
0xfe: {  	s0 =	sld [smem:$0x7AF]  }
0xff: {  	[sflag:s9] =	ssyncset.done $0x0  }
0x100: {  	s1 =	sld [smem:$0x7B0];
	[sflag:s9] =	ssyncadd.s32 $0xFFFF8000  }
0x101: {  	[tilespmem:s7], [sflag:$0x2] =	stream.strided.gather [hbm4b:s0+s4], $0x8000, s8, s4, $0x38;
	[tilespmem:$0x10000] =	vst v63  }
0x102: {  	_ = 	snop  }
0x103: {  	[hbm4b:s1+s4] =	stream.strided.scatter [tilespmem:s2], [sflag:$0x3], $0x8000, s8, s4, $0x38;
	[tilespmem:$0x10000] =	vst v63  }
0x104: {  	_ =	swait.ge [sflag:s13], $0x8000  }
0x105: {  	[sflag:s13] =	ssyncset.done $0x0  }
0x106: {  	[sflag:s13] =	ssyncadd.s32 $0xFFFF8000  }
0x107: {  	_ =	swait.ge [sflag:s12], $0x8000  }
0x108: {  	s0 =	sld [smem:$0x7B1]  }
0x109: {  	[sflag:s12] =	ssyncset.done $0x0  }
0x10a: {  	s1 =	sld [smem:$0x7B2];
	[sflag:s12] =	ssyncadd.s32 $0xFFFF8000  }
0x10b: {  	[tilespmem:s2], [sflag:$0x1] =	stream.strided.gather [hbm4b:s0+s4], $0x8000, s8, s4, $0x38;
	[tilespmem:$0x10000] =	vst v63  }
0x10c: {  	_ = 	snop  }
0x10d: {  	[hbm4b:s1+s4] =	stream.strided.scatter [tilespmem:s7], [sflag:$0x4], $0x8000, s8, s4, $0x38;
	[tilespmem:$0x10000] =	vst v63  }
0x10e: {  	_ =	swait.ge [sflag:s16], $0x8000  }
0x10f: {  	[sflag:s16] =	ssyncset.done $0x0  }
0x110: {  	[sflag:s16] =	ssyncadd.s32 $0xFFFF8000  }
0x111: {  	_ =	swait.ge [sflag:s9], $0x8000  }
0x112: {  	s0 =	sld [smem:$0x7B3]  }
0x113: {  	[sflag:s9] =	ssyncset.done $0x0  }
0x114: {  	s1 =	sld [smem:$0x7B4];
	[sflag:s9] =	ssyncadd.s32 $0xFFFF8000  }
0x115: {  	[tilespmem:s7], [sflag:$0x2] =	stream.strided.gather [hbm4b:s0+s4], $0x8000, s8, s4, $0x38;
	[tilespmem:$0x10000] =	vst v63  }
0x116: {  	_ = 	snop  }
0x117: {  	[hbm4b:s1+s4] =	stream.strided.scatter [tilespmem:s2], [sflag:$0x3], $0x8000, s8, s4, $0x38;
	[tilespmem:$0x10000] =	vst v63  }
0x118: {  	_ =	swait.ge [sflag:s13], $0x8000  }
0x119: {  	[sflag:s13] =	ssyncset.done $0x0  }
0x11a: {  	[sflag:s13] =	ssyncadd.s32 $0xFFFF8000  }
0x11b: {  	_ =	swait.ge [sflag:s12], $0x8000  }
0x11c: {  	s0 =	sld [smem:$0x7B5]  }
0x11d: {  	[sflag:s12] =	ssyncset.done $0x0  }
0x11e: {  	s1 =	sld [smem:$0x7B6];
	[sflag:s12] =	ssyncadd.s32 $0xFFFF8000  }
0x11f: {  	[tilespmem:s2], [sflag:$0x1] =	stream.strided.gather [hbm4b:s0+s4], $0x8000, s8, s4, $0x38;
	[tilespmem:$0x10000] =	vst v63  }
0x120: {  	_ = 	snop  }
0x121: {  	[hbm4b:s1+s4] =	stream.strided.scatter [tilespmem:s7], [sflag:$0x4], $0x8000, s8, s4, $0x38;
	[tilespmem:$0x10000] =	vst v63  }
0x122: {  	_ =	swait.ge [sflag:s16], $0x8000  }
0x123: {  	[sflag:s16] =	ssyncset.done $0x0  }
0x124: {  	[sflag:s16] =	ssyncadd.s32 $0xFFFF8000  }
0x125: {  	_ =	swait.ge [sflag:s9], $0x8000  }
0x126: {  	s0 =	sld [smem:$0x7B7]  }
0x127: {  	[sflag:s9] =	ssyncset.done $0x0  }
0x128: {  	s1 =	sld [smem:$0x7B8];
	[sflag:s9] =	ssyncadd.s32 $0xFFFF8000  }
0x129: {  	[tilespmem:s7], [sflag:$0x2] =	stream.strided.gather [hbm4b:s0+s4], $0x8000, s8, s4, $0x38;
	[tilespmem:$0x10000] =	vst v63  }
0x12a: {  	_ = 	snop  }
0x12b: {  	[hbm4b:s1+s4] =	stream.strided.scatter [tilespmem:s2], [sflag:$0x3], $0x8000, s8, s4, $0x38;
	[tilespmem:$0x10000] =	vst v63  }
0x12c: {  	_ =	swait.ge [sflag:s13], $0x8000  }
0x12d: {  	[sflag:s13] =	ssyncset.done $0x0  }
0x12e: {  	[sflag:s13] =	ssyncadd.s32 $0xFFFF8000  }
0x12f: {  	_ =	swait.ge [sflag:s12], $0x8000  }
0x130: {  	s0 =	sld [smem:$0x7B9]  }
0x131: {  	[sflag:s12] =	ssyncset.done $0x0  }
0x132: {  	s1 =	sld [smem:$0x7BA];
	[sflag:s12] =	ssyncadd.s32 $0xFFFF8000  }
0x133: {  	[tilespmem:s2], [sflag:$0x1] =	stream.strided.gather [hbm4b:s0+s4], $0x8000, s8, s4, $0x38;
	[tilespmem:$0x10000] =	vst v63  }
0x134: {  	_ = 	snop  }
0x135: {  	[hbm4b:s1+s4] =	stream.strided.scatter [tilespmem:s7], [sflag:$0x4], $0x8000, s8, s4, $0x38;
	[tilespmem:$0x10000] =	vst v63  }
0x136: {  	_ =	swait.ge [sflag:s16], $0x8000  }
0x137: {  	[sflag:s16] =	ssyncset.done $0x0  }
0x138: {  	[sflag:s16] =	ssyncadd.s32 $0xFFFF8000  }
0x139: {  	_ =	swait.ge [sflag:s9], $0x8000  }
0x13a: {  	s0 =	sld [smem:$0x7BB]  }
0x13b: {  	[sflag:s9] =	ssyncset.done $0x0  }
0x13c: {  	s1 =	sld [smem:$0x7BC];
	[sflag:s9] =	ssyncadd.s32 $0xFFFF8000  }
0x13d: {  	[tilespmem:s7], [sflag:$0x2] =	stream.strided.gather [hbm4b:s0+s4], $0x8000, s8, s4, $0x38;
	[tilespmem:$0x10000] =	vst v63  }
0x13e: {  	_ = 	snop  }
0x13f: {  	[hbm4b:s1+s4] =	stream.strided.scatter [tilespmem:s2], [sflag:$0x3], $0x8000, s8, s4, $0x38;
	[tilespmem:$0x10000] =	vst v63  }
0x140: {  	_ =	swait.ge [sflag:s13], $0x8000  }
0x141: {  	[sflag:s13] =	ssyncset.done $0x0  }
0x142: {  	[sflag:s13] =	ssyncadd.s32 $0xFFFF8000  }
0x143: {  	_ =	swait.ge [sflag:s12], $0x8000  }
0x144: {  	s0 =	sld [smem:$0x7BD]  }
0x145: {  	[sflag:s12] =	ssyncset.done $0x0  }
0x146: {  	s1 =	sld [smem:$0x7BE];
	[sflag:s12] =	ssyncadd.s32 $0xFFFF8000  }
0x147: {  	[tilespmem:s2], [sflag:$0x1] =	stream.strided.gather [hbm4b:s0+s4], $0x8000, s8, s4, $0x38;
	[tilespmem:$0x10000] =	vst v63  }
0x148: {  	_ = 	snop  }
0x149: {  	[hbm4b:s1+s4] =	stream.strided.scatter [tilespmem:s7], [sflag:$0x4], $0x8000, s8, s4, $0x38;
	[tilespmem:$0x10000] =	vst v63  }
0x14a: {  	_ =	swait.ge [sflag:s16], $0x8000  }
0x14b: {  	[sflag:s16] =	ssyncset.done $0x0  }
0x14c: {  	[sflag:s16] =	ssyncadd.s32 $0xFFFF8000  }
0x14d: {  	_ =	swait.ge [sflag:s9], $0x8000  }
0x14e: {  	s0 =	sld [smem:$0x7BF]  }
0x14f: {  	[sflag:s9] =	ssyncset.done $0x0  }
0x150: {  	s1 =	sld [smem:$0x7C0];
	[sflag:s9] =	ssyncadd.s32 $0xFFFF8000  }
0x151: {  	[tilespmem:s7], [sflag:$0x2] =	stream.strided.gather [hbm4b:s0+s4], $0x8000, s8, s4, $0x38;
	[tilespmem:$0x10000] =	vst v63  }
0x152: {  	_ = 	snop  }
0x153: {  	[hbm4b:s1+s4] =	stream.strided.scatter [tilespmem:s2], [sflag:$0x3], $0x8000, s8, s4, $0x38;
	[tilespmem:$0x10000] =	vst v63  }
0x154: {  	_ =	swait.ge [sflag:s13], $0x8000  }
0x155: {  	[sflag:s13] =	ssyncset.done $0x0  }
0x156: {  	[sflag:s13] =	ssyncadd.s32 $0xFFFF8000  }
0x157: {  	_ =	swait.ge [sflag:s12], $0x8000  }
0x158: {  	s0 =	sld [smem:$0x7C1]  }
0x159: {  	[sflag:s12] =	ssyncset.done $0x0  }
0x15a: {  	s1 =	sld [smem:$0x7C2];
	[sflag:s12] =	ssyncadd.s32 $0xFFFF8000  }
0x15b: {  	[tilespmem:s2], [sflag:$0x1] =	stream.strided.gather [hbm4b:s0+s4], $0x8000, s8, s4, $0x38;
	[tilespmem:$0x10000] =	vst v63  }
0x15c: {  	_ = 	snop  }
0x15d: {  	[hbm4b:s1+s4] =	stream.strided.scatter [tilespmem:s7], [sflag:$0x4], $0x8000, s8, s4, $0x38;
	[tilespmem:$0x10000] =	vst v63  }
0x15e: {  	_ =	swait.ge [sflag:s16], $0x8000  }
0x15f: {  	[sflag:s16] =	ssyncset.done $0x0  }
0x160: {  	[sflag:s16] =	ssyncadd.s32 $0xFFFF8000  }
0x161: {  	_ =	swait.ge [sflag:s9], $0x8000  }
0x162: {  	s0 =	sld [smem:$0x7C3]  }
0x163: {  	[sflag:s9] =	ssyncset.done $0x0  }
0x164: {  	s1 =	sld [smem:$0x7C4];
	[sflag:s9] =	ssyncadd.s32 $0xFFFF8000  }
0x165: {  	[tilespmem:s7], [sflag:$0x2] =	stream.strided.gather [hbm4b:s0+s4], $0x8000, s8, s4, $0x38;
	[tilespmem:$0x10000] =	vst v63  }
0x166: {  	_ = 	snop  }
0x167: {  	[hbm4b:s1+s4] =	stream.strided.scatter [tilespmem:s2], [sflag:$0x3], $0x8000, s8, s4, $0x38;
	[tilespmem:$0x10000] =	vst v63  }
0x168: {  	_ =	swait.ge [sflag:s13], $0x8000  }
0x169: {  	[sflag:s13] =	ssyncset.done $0x0  }
0x16a: {  	[sflag:s13] =	ssyncadd.s32 $0xFFFF8000  }
0x16b: {  	_ =	swait.ge [sflag:s12], $0x8000  }
0x16c: {  	s0 =	sld [smem:$0x7C5]  }
0x16d: {  	[sflag:s12] =	ssyncset.done $0x0  }
0x16e: {  	s1 =	sld [smem:$0x7C6];
	[sflag:s12] =	ssyncadd.s32 $0xFFFF8000  }
0x16f: {  	[tilespmem:s2], [sflag:$0x1] =	stream.strided.gather [hbm4b:s0+s4], $0x8000, s8, s4, $0x38;
	[tilespmem:$0x10000] =	vst v63  }
0x170: {  	_ = 	snop  }
0x171: {  	[hbm4b:s1+s4] =	stream.strided.scatter [tilespmem:s7], [sflag:$0x4], $0x8000, s8, s4, $0x38;
	[tilespmem:$0x10000] =	vst v63  }
0x172: {  	_ =	swait.ge [sflag:s16], $0x8000  }
0x173: {  	[sflag:s16] =	ssyncset.done $0x0  }
0x174: {  	[sflag:s16] =	ssyncadd.s32 $0xFFFF8000  }
0x175: {  	_ =	swait.ge [sflag:s9], $0x8000  }
0x176: {  	s0 =	sld [smem:$0x7C7]  }
0x177: {  	[sflag:s9] =	ssyncset.done $0x0  }
0x178: {  	s1 =	sld [smem:$0x7C8];
	[sflag:s9] =	ssyncadd.s32 $0xFFFF8000  }
0x179: {  	[tilespmem:s7], [sflag:$0x2] =	stream.strided.gather [hbm4b:s0+s4], $0x8000, s8, s4, $0x38;
	[tilespmem:$0x10000] =	vst v63  }
0x17a: {  	_ = 	snop  }
0x17b: {  	[hbm4b:s1+s4] =	stream.strided.scatter [tilespmem:s2], [sflag:$0x3], $0x8000, s8, s4, $0x38;
	[tilespmem:$0x10000] =	vst v63  }
0x17c: {  	_ =	swait.ge [sflag:s13], $0x8000  }
0x17d: {  	[sflag:s13] =	ssyncset.done $0x0  }
0x17e: {  	[sflag:s13] =	ssyncadd.s32 $0xFFFF8000  }
0x17f: {  	_ =	swait.ge [sflag:s12], $0x8000  }
0x180: {  	s0 =	sld [smem:$0x7C9]  }
0x181: {  	[sflag:s12] =	ssyncset.done $0x0  }
0x182: {  	s1 =	sld [smem:$0x7CA];
	[sflag:s12] =	ssyncadd.s32 $0xFFFF8000  }
0x183: {  	[tilespmem:s2], [sflag:$0x1] =	stream.strided.gather [hbm4b:s0+s4], $0x8000, s8, s4, $0x38;
	[tilespmem:$0x10000] =	vst v63  }
0x184: {  	_ = 	snop  }
0x185: {  	[hbm4b:s1+s4] =	stream.strided.scatter [tilespmem:s7], [sflag:$0x4], $0x8000, s8, s4, $0x38;
	[tilespmem:$0x10000] =	vst v63  }
0x186: {  	_ =	swait.ge [sflag:s16], $0x8000  }
0x187: {  	[sflag:s16] =	ssyncset.done $0x0  }
0x188: {  	[sflag:s16] =	ssyncadd.s32 $0xFFFF8000  }
0x189: {  	_ =	swait.ge [sflag:s9], $0x8000  }
0x18a: {  	s0 =	sld [smem:$0x7CB]  }
0x18b: {  	[sflag:s9] =	ssyncset.done $0x0  }
0x18c: {  	s1 =	sld [smem:$0x7CC];
	[sflag:s9] =	ssyncadd.s32 $0xFFFF8000  }
0x18d: {  	[tilespmem:s7], [sflag:$0x2] =	stream.strided.gather [hbm4b:s0+s4], $0x8000, s8, s4, $0x38;
	[tilespmem:$0x10000] =	vst v63  }
0x18e: {  	_ = 	snop  }
0x18f: {  	[hbm4b:s1+s4] =	stream.strided.scatter [tilespmem:s2], [sflag:$0x3], $0x8000, s8, s4, $0x38;
	[tilespmem:$0x10000] =	vst v63  }
0x190: {  	_ =	swait.ge [sflag:s13], $0x8000  }
0x191: {  	[sflag:s13] =	ssyncset.done $0x0  }
0x192: {  	[sflag:s13] =	ssyncadd.s32 $0xFFFF8000  }
0x193: {  	_ =	swait.ge [sflag:s12], $0x8000  }
0x194: {  	s0 =	sld [smem:$0x7CD]  }
0x195: {  	[sflag:s12] =	ssyncset.done $0x0  }
0x196: {  	s1 =	sld [smem:$0x7CE];
	[sflag:s12] =	ssyncadd.s32 $0xFFFF8000  }
0x197: {  	[tilespmem:s2], [sflag:$0x1] =	stream.strided.gather [hbm4b:s0+s4], $0x8000, s8, s4, $0x38;
	[tilespmem:$0x10000] =	vst v63  }
0x198: {  	_ = 	snop  }
0x199: {  	[hbm4b:s1+s4] =	stream.strided.scatter [tilespmem:s7], [sflag:$0x4], $0x8000, s8, s4, $0x38;
	[tilespmem:$0x10000] =	vst v63  }
0x19a: {  	_ =	swait.ge [sflag:s16], $0x8000  }
0x19b: {  	[sflag:s16] =	ssyncset.done $0x0  }
0x19c: {  	[sflag:s16] =	ssyncadd.s32 $0xFFFF8000  }
0x19d: {  	_ =	swait.ge [sflag:s9], $0x8000  }
0x19e: {  	s0 =	sld [smem:$0x7CF]  }
0x19f: {  	[sflag:s9] =	ssyncset.done $0x0  }
0x1a0: {  	s1 =	sld [smem:$0x7D0];
	[sflag:s9] =	ssyncadd.s32 $0xFFFF8000  }
0x1a1: {  	[tilespmem:s7], [sflag:$0x2] =	stream.strided.gather [hbm4b:s0+s4], $0x8000, s8, s4, $0x38;
	[tilespmem:$0x10000] =	vst v63  }
0x1a2: {  	_ = 	snop  }
0x1a3: {  	[hbm4b:s1+s4] =	stream.strided.scatter [tilespmem:s2], [sflag:$0x3], $0x8000, s8, s4, $0x38;
	[tilespmem:$0x10000] =	vst v63  }
0x1a4: {  	_ =	swait.ge [sflag:s13], $0x8000  }
0x1a5: {  	[sflag:s13] =	ssyncset.done $0x0  }
0x1a6: {  	[sflag:s13] =	ssyncadd.s32 $0xFFFF8000  }
0x1a7: {  	_ =	swait.ge [sflag:s12], $0x8000  }
0x1a8: {  	s0 =	sld [smem:$0x7D1]  }
0x1a9: {  	[sflag:s12] =	ssyncset.done $0x0  }
0x1aa: {  	s1 =	sld [smem:$0x7D2];
	[sflag:s12] =	ssyncadd.s32 $0xFFFF8000  }
0x1ab: {  	[tilespmem:s2], [sflag:$0x1] =	stream.strided.gather [hbm4b:s0+s4], $0x8000, s8, s4, $0x38;
	[tilespmem:$0x10000] =	vst v63  }
0x1ac: {  	_ = 	snop  }
0x1ad: {  	[hbm4b:s1+s4] =	stream.strided.scatter [tilespmem:s7], [sflag:$0x4], $0x8000, s8, s4, $0x38;
	[tilespmem:$0x10000] =	vst v63  }
0x1ae: {  	_ =	swait.ge [sflag:s16], $0x8000  }
0x1af: {  	[sflag:s16] =	ssyncset.done $0x0  }
0x1b0: {  	[sflag:s16] =	ssyncadd.s32 $0xFFFF8000  }
0x1b1: {  	_ =	swait.ge [sflag:s9], $0x8000  }
0x1b2: {  	s0 =	sld [smem:$0x7D3]  }
0x1b3: {  	[sflag:s9] =	ssyncset.done $0x0  }
0x1b4: {  	s1 =	sld [smem:$0x7D4];
	[sflag:s9] =	ssyncadd.s32 $0xFFFF8000  }
0x1b5: {  	[tilespmem:s7], [sflag:$0x2] =	stream.strided.gather [hbm4b:s0+s4], $0x8000, s8, s4, $0x38;
	[tilespmem:$0x10000] =	vst v63  }
0x1b6: {  	_ = 	snop  }
0x1b7: {  	[hbm4b:s1+s4] =	stream.strided.scatter [tilespmem:s2], [sflag:$0x3], $0x8000, s8, s4, $0x38;
	[tilespmem:$0x10000] =	vst v63  }
0x1b8: {  	_ =	swait.ge [sflag:s13], $0x8000  }
0x1b9: {  	[sflag:s13] =	ssyncset.done $0x0  }
0x1ba: {  	[sflag:s13] =	ssyncadd.s32 $0xFFFF8000  }
0x1bb: {  	_ =	swait.ge [sflag:s12], $0x8000  }
0x1bc: {  	s0 =	sld [smem:$0x7D5]  }
0x1bd: {  	[sflag:s12] =	ssyncset.done $0x0  }
0x1be: {  	s1 =	sld [smem:$0x7D6];
	[sflag:s12] =	ssyncadd.s32 $0xFFFF8000  }
0x1bf: {  	[tilespmem:s2], [sflag:$0x1] =	stream.strided.gather [hbm4b:s0+s4], $0x8000, s8, s4, $0x38;
	[tilespmem:$0x10000] =	vst v63  }
0x1c0: {  	_ = 	snop  }
0x1c1: {  	[hbm4b:s1+s4] =	stream.strided.scatter [tilespmem:s7], [sflag:$0x4], $0x8000, s8, s4, $0x38;
	[tilespmem:$0x10000] =	vst v63  }
0x1c2: {  	_ =	swait.ge [sflag:s16], $0x8000  }
0x1c3: {  	[sflag:s16] =	ssyncset.done $0x0  }
0x1c4: {  	[sflag:s16] =	ssyncadd.s32 $0xFFFF8000  }
0x1c5: {  	_ =	swait.ge [sflag:s9], $0x8000  }
0x1c6: {  	s0 =	sld [smem:$0x7D7]  }
0x1c7: {  	[sflag:s9] =	ssyncset.done $0x0  }
0x1c8: {  	s1 =	sld [smem:$0x7D8];
	[sflag:s9] =	ssyncadd.s32 $0xFFFF8000  }
0x1c9: {  	[tilespmem:s7], [sflag:$0x2] =	stream.strided.gather [hbm4b:s0+s4], $0x8000, s8, s4, $0x38;
	[tilespmem:$0x10000] =	vst v63  }
0x1ca: {  	_ = 	snop  }
0x1cb: {  	[hbm4b:s1+s4] =	stream.strided.scatter [tilespmem:s2], [sflag:$0x3], $0x8000, s8, s4, $0x38;
	[tilespmem:$0x10000] =	vst v63  }
0x1cc: {  	_ =	swait.ge [sflag:s13], $0x8000  }
0x1cd: {  	[sflag:s13] =	ssyncset.done $0x0  }
0x1ce: {  	[sflag:s13] =	ssyncadd.s32 $0xFFFF8000  }
0x1cf: {  	_ =	swait.ge [sflag:s12], $0x8000  }
0x1d0: {  	s0 =	sld [smem:$0x7D9]  }
0x1d1: {  	[sflag:s12] =	ssyncset.done $0x0  }
0x1d2: {  	s1 =	sld [smem:$0x7DA];
	[sflag:s12] =	ssyncadd.s32 $0xFFFF8000  }
0x1d3: {  	[tilespmem:s2], [sflag:$0x1] =	stream.strided.gather [hbm4b:s0+s4], $0x8000, s8, s4, $0x38;
	[tilespmem:$0x10000] =	vst v63  }
0x1d4: {  	_ = 	snop  }
0x1d5: {  	[hbm4b:s1+s4] =	stream.strided.scatter [tilespmem:s7], [sflag:$0x4], $0x8000, s8, s4, $0x38;
	[tilespmem:$0x10000] =	vst v63  }
0x1d6: {  	_ =	swait.ge [sflag:s16], $0x8000  }
0x1d7: {  	[sflag:s16] =	ssyncset.done $0x0  }
0x1d8: {  	[sflag:s16] =	ssyncadd.s32 $0xFFFF8000  }
0x1d9: {  	_ =	swait.ge [sflag:s9], $0x8000  }
0x1da: {  	s0 =	sld [smem:$0x7DB]  }
0x1db: {  	[sflag:s9] =	ssyncset.done $0x0  }
0x1dc: {  	s1 =	sld [smem:$0x7DC];
	[sflag:s9] =	ssyncadd.s32 $0xFFFF8000  }
0x1dd: {  	[tilespmem:s7], [sflag:$0x2] =	stream.strided.gather [hbm4b:s0+s4], $0x8000, s8, s4, $0x38;
	[tilespmem:$0x10000] =	vst v63  }
0x1de: {  	_ = 	snop  }
0x1df: {  	[hbm4b:s1+s4] =	stream.strided.scatter [tilespmem:s2], [sflag:$0x3], $0x8000, s8, s4, $0x38;
	[tilespmem:$0x10000] =	vst v63  }
0x1e0: {  	_ =	swait.ge [sflag:s13], $0x8000  }
0x1e1: {  	[sflag:s13] =	ssyncset.done $0x0  }
0x1e2: {  	[sflag:s13] =	ssyncadd.s32 $0xFFFF8000  }
0x1e3: {  	_ =	swait.ge [sflag:s12], $0x8000  }
0x1e4: {  	s0 =	sld [smem:$0x7DD]  }
0x1e5: {  	[sflag:s12] =	ssyncset.done $0x0  }
0x1e6: {  	s1 =	sld [smem:$0x7DE];
	[sflag:s12] =	ssyncadd.s32 $0xFFFF8000  }
0x1e7: {  	[tilespmem:s2], [sflag:$0x1] =	stream.strided.gather [hbm4b:s0+s4], $0x8000, s8, s4, $0x38;
	[tilespmem:$0x10000] =	vst v63  }
0x1e8: {  	_ = 	snop  }
0x1e9: {  	[hbm4b:s1+s4] =	stream.strided.scatter [tilespmem:s7], [sflag:$0x4], $0x8000, s8, s4, $0x38;
	[tilespmem:$0x10000] =	vst v63  }
0x1ea: {  	_ =	swait.ge [sflag:s16], $0x8000  }
0x1eb: {  	[sflag:s16] =	ssyncset.done $0x0  }
0x1ec: {  	[sflag:s16] =	ssyncadd.s32 $0xFFFF8000  }
0x1ed: {  	_ =	swait.ge [sflag:s9], $0x8000  }
0x1ee: {  	s0 =	sld [smem:$0x7DF]  }
0x1ef: {  	[sflag:s9] =	ssyncset.done $0x0  }
0x1f0: {  	s1 =	sld [smem:$0x7E0];
	[sflag:s9] =	ssyncadd.s32 $0xFFFF8000  }
0x1f1: {  	[tilespmem:s7], [sflag:$0x2] =	stream.strided.gather [hbm4b:s0+s4], $0x8000, s8, s4, $0x38;
	[tilespmem:$0x10000] =	vst v63  }
0x1f2: {  	_ = 	snop  }
0x1f3: {  	[hbm4b:s1+s4] =	stream.strided.scatter [tilespmem:s2], [sflag:$0x3], $0x8000, s8, s4, $0x38;
	[tilespmem:$0x10000] =	vst v63  }
0x1f4: {  	_ =	swait.ge [sflag:s13], $0x8000  }
0x1f5: {  	[sflag:s13] =	ssyncset.done $0x0  }
0x1f6: {  	[sflag:s13] =	ssyncadd.s32 $0xFFFF8000  }
0x1f7: {  	_ =	swait.ge [sflag:s12], $0x8000  }
0x1f8: {  	s0 =	sld [smem:$0x7E1]  }
0x1f9: {  	[sflag:s12] =	ssyncset.done $0x0  }
0x1fa: {  	s1 =	sld [smem:$0x7E2];
	[sflag:s12] =	ssyncadd.s32 $0xFFFF8000  }
0x1fb: {  	[tilespmem:s2], [sflag:$0x1] =	stream.strided.gather [hbm4b:s0+s4], $0x8000, s8, s4, $0x38;
	[tilespmem:$0x10000] =	vst v63  }
0x1fc: {  	_ = 	snop  }
0x1fd: {  	[hbm4b:s1+s4] =	stream.strided.scatter [tilespmem:s7], [sflag:$0x4], $0x8000, s8, s4, $0x38;
	[tilespmem:$0x10000] =	vst v63  }
0x1fe: {  	_ =	swait.ge [sflag:s16], $0x8000  }
0x1ff: {  	[sflag:s16] =	ssyncset.done $0x0  }
0x200: {  	[sflag:s16] =	ssyncadd.s32 $0xFFFF8000  }
0x201: {  	_ =	swait.ge [sflag:s9], $0x8000  }
0x202: {  	s0 =	sld [smem:$0x7E3]  }
0x203: {  	[sflag:s9] =	ssyncset.done $0x0  }
0x204: {  	s1 =	sld [smem:$0x7E4];
	[sflag:s9] =	ssyncadd.s32 $0xFFFF8000  }
0x205: {  	[tilespmem:s7], [sflag:$0x2] =	stream.strided.gather [hbm4b:s0+s4], $0x8000, s8, s4, $0x38;
	[tilespmem:$0x10000] =	vst v63  }
0x206: {  	_ = 	snop  }
0x207: {  	[hbm4b:s1+s4] =	stream.strided.scatter [tilespmem:s2], [sflag:$0x3], $0x8000, s8, s4, $0x38;
	[tilespmem:$0x10000] =	vst v63  }
0x208: {  	_ =	swait.ge [sflag:s13], $0x8000  }
0x209: {  	[sflag:s13] =	ssyncset.done $0x0  }
0x20a: {  	[sflag:s13] =	ssyncadd.s32 $0xFFFF8000  }
0x20b: {  	_ =	swait.ge [sflag:s12], $0x8000  }
0x20c: {  	s0 =	sld [smem:$0x7E5]  }
0x20d: {  	[sflag:s12] =	ssyncset.done $0x0  }
0x20e: {  	s1 =	sld [smem:$0x7E6];
	[sflag:s12] =	ssyncadd.s32 $0xFFFF8000  }
0x20f: {  	[tilespmem:s2], [sflag:$0x1] =	stream.strided.gather [hbm4b:s0+s4], $0x8000, s8, s4, $0x38;
	[tilespmem:$0x10000] =	vst v63  }
0x210: {  	_ = 	snop  }
0x211: {  	[hbm4b:s1+s4] =	stream.strided.scatter [tilespmem:s7], [sflag:$0x4], $0x8000, s8, s4, $0x38;
	[tilespmem:$0x10000] =	vst v63  }
0x212: {  	_ =	swait.ge [sflag:s16], $0x8000  }
0x213: {  	[sflag:s16] =	ssyncset.done $0x0  }
0x214: {  	[sflag:s16] =	ssyncadd.s32 $0xFFFF8000  }
0x215: {  	_ =	swait.ge [sflag:s9], $0x8000  }
0x216: {  	s0 =	sld [smem:$0x7E7]  }
0x217: {  	[sflag:s9] =	ssyncset.done $0x0  }
0x218: {  	s1 =	sld [smem:$0x7E8];
	[sflag:s9] =	ssyncadd.s32 $0xFFFF8000  }
0x219: {  	[tilespmem:s7], [sflag:$0x2] =	stream.strided.gather [hbm4b:s0+s4], $0x8000, s8, s4, $0x38;
	[tilespmem:$0x10000] =	vst v63  }
0x21a: {  	_ = 	snop  }
0x21b: {  	[hbm4b:s1+s4] =	stream.strided.scatter [tilespmem:s2], [sflag:$0x3], $0x8000, s8, s4, $0x38;
	[tilespmem:$0x10000] =	vst v63  }
0x21c: {  	_ =	swait.ge [sflag:s13], $0x8000  }
0x21d: {  	[sflag:s13] =	ssyncset.done $0x0  }
0x21e: {  	[sflag:s13] =	ssyncadd.s32 $0xFFFF8000  }
0x21f: {  	_ =	swait.ge [sflag:s12], $0x8000  }
0x220: {  	s0 =	sld [smem:$0x7E9]  }
0x221: {  	[sflag:s12] =	ssyncset.done $0x0  }
0x222: {  	s1 =	sld [smem:$0x7EA];
	[sflag:s12] =	ssyncadd.s32 $0xFFFF8000  }
0x223: {  	[tilespmem:s2], [sflag:$0x1] =	stream.strided.gather [hbm4b:s0+s4], $0x8000, s8, s4, $0x38;
	[tilespmem:$0x10000] =	vst v63  }
0x224: {  	_ = 	snop  }
0x225: {  	[hbm4b:s1+s4] =	stream.strided.scatter [tilespmem:s7], [sflag:$0x4], $0x8000, s8, s4, $0x38;
	[tilespmem:$0x10000] =	vst v63  }
0x226: {  	_ =	swait.ge [sflag:s16], $0x8000  }
0x227: {  	[sflag:s16] =	ssyncset.done $0x0  }
0x228: {  	[sflag:s16] =	ssyncadd.s32 $0xFFFF8000  }
0x229: {  	_ =	swait.ge [sflag:s9], $0x8000  }
0x22a: {  	s0 =	sld [smem:$0x7EB]  }
0x22b: {  	[sflag:s9] =	ssyncset.done $0x0  }
0x22c: {  	s1 =	sld [smem:$0x7EC];
	[sflag:s9] =	ssyncadd.s32 $0xFFFF8000  }
0x22d: {  	[tilespmem:s7], [sflag:$0x2] =	stream.strided.gather [hbm4b:s0+s4], $0x8000, s8, s4, $0x38;
	[tilespmem:$0x10000] =	vst v63  }
0x22e: {  	_ = 	snop  }
0x22f: {  	[hbm4b:s1+s4] =	stream.strided.scatter [tilespmem:s2], [sflag:$0x3], $0x8000, s8, s4, $0x38;
	[tilespmem:$0x10000] =	vst v63  }
0x230: {  	_ =	swait.ge [sflag:s13], $0x8000  }
0x231: {  	[sflag:s13] =	ssyncset.done $0x0  }
0x232: {  	[sflag:s13] =	ssyncadd.s32 $0xFFFF8000  }
0x233: {  	_ =	swait.ge [sflag:s12], $0x8000  }
0x234: {  	s0 =	sld [smem:$0x7ED]  }
0x235: {  	[sflag:s12] =	ssyncset.done $0x0  }
0x236: {  	s1 =	sld [smem:$0x7EE];
	[sflag:s12] =	ssyncadd.s32 $0xFFFF8000  }
0x237: {  	[tilespmem:s2], [sflag:$0x1] =	stream.strided.gather [hbm4b:s0+s4], $0x8000, s8, s4, $0x38;
	[tilespmem:$0x10000] =	vst v63  }
0x238: {  	_ = 	snop  }
0x239: {  	[hbm4b:s1+s4] =	stream.strided.scatter [tilespmem:s7], [sflag:$0x4], $0x8000, s8, s4, $0x38;
	[tilespmem:$0x10000] =	vst v63  }
0x23a: {  	_ =	swait.ge [sflag:s16], $0x8000  }
0x23b: {  	[sflag:s16] =	ssyncset.done $0x0  }
0x23c: {  	[sflag:s16] =	ssyncadd.s32 $0xFFFF8000  }
0x23d: {  	_ =	swait.ge [sflag:s9], $0x8000  }
0x23e: {  	s0 =	sld [smem:$0x7EF]  }
0x23f: {  	[sflag:s9] =	ssyncset.done $0x0  }
0x240: {  	s1 =	sld [smem:$0x7F0];
	[sflag:s9] =	ssyncadd.s32 $0xFFFF8000  }
0x241: {  	[tilespmem:s7], [sflag:$0x2] =	stream.strided.gather [hbm4b:s0+s4], $0x8000, s8, s4, $0x38;
	[tilespmem:$0x10000] =	vst v63  }
0x242: {  	_ = 	snop  }
0x243: {  	[hbm4b:s1+s4] =	stream.strided.scatter [tilespmem:s2], [sflag:$0x3], $0x8000, s8, s4, $0x38;
	[tilespmem:$0x10000] =	vst v63  }
0x244: {  	_ =	swait.ge [sflag:s13], $0x8000  }
0x245: {  	[sflag:s13] =	ssyncset.done $0x0  }
0x246: {  	[sflag:s13] =	ssyncadd.s32 $0xFFFF8000  }
0x247: {  	_ =	swait.ge [sflag:s12], $0x8000  }
0x248: {  	s0 =	sld [smem:$0x7F1]  }
0x249: {  	[sflag:s12] =	ssyncset.done $0x0  }
0x24a: {  	s1 =	sld [smem:$0x7F2];
	[sflag:s12] =	ssyncadd.s32 $0xFFFF8000  }
0x24b: {  	[tilespmem:s2], [sflag:$0x1] =	stream.strided.gather [hbm4b:s0+s4], $0x8000, s8, s4, $0x38;
	[tilespmem:$0x10000] =	vst v63  }
0x24c: {  	_ = 	snop  }
0x24d: {  	[hbm4b:s1+s4] =	stream.strided.scatter [tilespmem:s7], [sflag:$0x4], $0x8000, s8, s4, $0x38;
	[tilespmem:$0x10000] =	vst v63  }
0x24e: {  	_ =	swait.ge [sflag:s16], $0x8000  }
0x24f: {  	[sflag:s16] =	ssyncset.done $0x0  }
0x250: {  	[sflag:s16] =	ssyncadd.s32 $0xFFFF8000  }
0x251: {  	_ =	swait.ge [sflag:s9], $0x8000  }
0x252: {  	s0 =	sld [smem:$0x7F3]  }
0x253: {  	[sflag:s9] =	ssyncset.done $0x0  }
0x254: {  	s1 =	sld [smem:$0x7F4];
	[sflag:s9] =	ssyncadd.s32 $0xFFFF8000  }
0x255: {  	[tilespmem:s7], [sflag:$0x2] =	stream.strided.gather [hbm4b:s0+s4], $0x8000, s8, s4, $0x38;
	[tilespmem:$0x10000] =	vst v63  }
0x256: {  	_ = 	snop  }
0x257: {  	[hbm4b:s1+s4] =	stream.strided.scatter [tilespmem:s2], [sflag:$0x3], $0x8000, s8, s4, $0x38;
	[tilespmem:$0x10000] =	vst v63  }
0x258: {  	_ =	swait.ge [sflag:s13], $0x8000  }
0x259: {  	[sflag:s13] =	ssyncset.done $0x0  }
0x25a: {  	[sflag:s13] =	ssyncadd.s32 $0xFFFF8000  }
0x25b: {  	_ =	swait.ge [sflag:s12], $0x8000  }
0x25c: {  	s0 =	sld [smem:$0x7F5]  }
0x25d: {  	[sflag:s12] =	ssyncset.done $0x0  }
0x25e: {  	s1 =	sld [smem:$0x7F6];
	[sflag:s12] =	ssyncadd.s32 $0xFFFF8000  }
0x25f: {  	[tilespmem:s2], [sflag:$0x1] =	stream.strided.gather [hbm4b:s0+s4], $0x8000, s8, s4, $0x38;
	[tilespmem:$0x10000] =	vst v63  }
0x260: {  	_ = 	snop  }
0x261: {  	[hbm4b:s1+s4] =	stream.strided.scatter [tilespmem:s7], [sflag:$0x4], $0x8000, s8, s4, $0x38;
	[tilespmem:$0x10000] =	vst v63  }
0x262: {  	_ =	swait.ge [sflag:s16], $0x8000  }
0x263: {  	[sflag:s16] =	ssyncset.done $0x0  }
0x264: {  	[sflag:s16] =	ssyncadd.s32 $0xFFFF8000  }
0x265: {  	_ =	swait.ge [sflag:s9], $0x8000  }
0x266: {  	s0 =	sld [smem:$0x7F7]  }
0x267: {  	[sflag:s9] =	ssyncset.done $0x0  }
0x268: {  	s1 =	sld [smem:$0x7F8];
	[sflag:s9] =	ssyncadd.s32 $0xFFFF8000  }
0x269: {  	[tilespmem:s7], [sflag:$0x2] =	stream.strided.gather [hbm4b:s0+s4], $0x8000, s8, s4, $0x38;
	[tilespmem:$0x10000] =	vst v63  }
0x26a: {  	_ = 	snop  }
0x26b: {  	[hbm4b:s1+s4] =	stream.strided.scatter [tilespmem:s2], [sflag:$0x3], $0x8000, s8, s4, $0x38;
	[tilespmem:$0x10000] =	vst v63  }
0x26c: {  	_ =	swait.ge [sflag:s13], $0x8000  }
0x26d: {  	[sflag:s13] =	ssyncset.done $0x0  }
0x26e: {  	[sflag:s13] =	ssyncadd.s32 $0xFFFF8000  }
0x26f: {  	_ =	swait.ge [sflag:s12], $0x8000  }
0x270: {  	s0 =	sld [smem:$0x7F9]  }
0x271: {  	[sflag:s12] =	ssyncset.done $0x0  }
0x272: {  	s1 =	sld [smem:$0x7FA];
	[sflag:s12] =	ssyncadd.s32 $0xFFFF8000  }
0x273: {  	[tilespmem:s2], [sflag:$0x1] =	stream.strided.gather [hbm4b:s0+s4], $0x8000, s8, s4, $0x38;
	[tilespmem:$0x10000] =	vst v63  }
0x274: {  	_ = 	snop  }
0x275: {  	[hbm4b:s1+s4] =	stream.strided.scatter [tilespmem:s7], [sflag:$0x4], $0x8000, s8, s4, $0x38;
	[tilespmem:$0x10000] =	vst v63  }
0x276: {  	_ =	swait.ge [sflag:s16], $0x8000  }
0x277: {  	[sflag:s16] =	ssyncset.done $0x0  }
0x278: {  	[sflag:s16] =	ssyncadd.s32 $0xFFFF8000  }
0x279: {  	_ =	swait.ge [sflag:s9], $0x8000  }
0x27a: {  	s0 =	sld [smem:$0x7FB]  }
0x27b: {  	[sflag:s9] =	ssyncset.done $0x0  }
0x27c: {  	s1 =	sld [smem:$0x7FC];
	[sflag:s9] =	ssyncadd.s32 $0xFFFF8000  }
0x27d: {  	[tilespmem:s7], [sflag:$0x2] =	stream.strided.gather [hbm4b:s0+s4], $0x8000, s8, s4, $0x38;
	[tilespmem:$0x10000] =	vst v63  }
0x27e: {  	_ = 	snop  }
0x27f: {  	[hbm4b:s1+s4] =	stream.strided.scatter [tilespmem:s2], [sflag:$0x3], $0x8000, s8, s4, $0x38;
	[tilespmem:$0x10000] =	vst v63  }
0x280: {  	_ =	swait.ge [sflag:s13], $0x8000  }
0x281: {  	[sflag:s13] =	ssyncset.done $0x0  }
0x282: {  	[sflag:s13] =	ssyncadd.s32 $0xFFFF8000  }
0x283: {  	_ =	swait.ge [sflag:s12], $0x8000  }
0x284: {  	s1 =	sld [smem:$0x7FD]  }
0x285: {  	[sflag:s12] =	ssyncset.done $0x0  }
0x286: {  	[sflag:s12] =	ssyncadd.s32 $0xFFFF8000  }
0x287: {  	[tilespmem:s2], [sflag:$0x1] =	stream.strided.gather [hbm4b:s1+s4], $0x8000, s8, s4, $0x38;
	[tilespmem:$0x10000] =	vst v63  }
0x288: {  	_ = 	snop  }
0x289: {  	[hbm4b:s30+s4] =	stream.strided.scatter [tilespmem:s7], [sflag:$0x4], $0x8000, s8, s4, $0x38;
	[tilespmem:$0x10000] =	vst v63  }
0x28a: {  	_ =	swait.ge [sflag:s16], $0x8000  }
0x28b: {  	[sflag:s16] =	ssyncset.done $0x0  }
0x28c: {  	[sflag:s16] =	ssyncadd.s32 $0xFFFF8000  }
0x28d: {  	_ =	swait.ge [sflag:s9], $0x8000  }
0x28e: {  	[sflag:s9] =	ssyncset.done $0x0  }
0x28f: {  	[sflag:s9] =	ssyncadd.s32 $0xFFFF8000  }
0x290: {  	[tilespmem:s7], [sflag:$0x2] =	stream.strided.gather [hbm4b:s28+s4], $0x8000, s8, s4, $0x38;
	[tilespmem:$0x10000] =	vst v63  }
0x291: {  	_ = 	snop  }
0x292: {  	[hbm4b:s29+s4] =	stream.strided.scatter [tilespmem:s2], [sflag:$0x3], $0x8000, s8, s4, $0x38;
	[tilespmem:$0x10000] =	vst v63  }
0x293: {  	_ =	swait.ge [sflag:s13], $0x8000  }
0x294: {  	[sflag:s13] =	ssyncset.done $0x0  }
0x295: {  	[sflag:s13] =	ssyncadd.s32 $0xFFFF8000  }
0x296: {  	_ =	swait.ge [sflag:s12], $0x8000  }
0x297: {  	[sflag:s12] =	ssyncset.done $0x0  }
0x298: {  	[sflag:s12] =	ssyncadd.s32 $0xFFFF8000  }
0x299: {  	[tilespmem:s2], [sflag:$0x1] =	stream.strided.gather [hbm4b:s25+s4], $0x8000, s8, s4, $0x38;
	[tilespmem:$0x10000] =	vst v63  }
0x29a: {  	_ = 	snop  }
0x29b: {  	[hbm4b:s26+s4] =	stream.strided.scatter [tilespmem:s7], [sflag:$0x4], $0x8000, s8, s4, $0x38;
	[tilespmem:$0x10000] =	vst v63  }
0x29c: {  	_ =	swait.ge [sflag:s16], $0x8000  }
0x29d: {  	[sflag:s16] =	ssyncset.done $0x0  }
0x29e: {  	[sflag:s16] =	ssyncadd.s32 $0xFFFF8000  }
0x29f: {  	_ =	swait.ge [sflag:s9], $0x8000  }
0x2a0: {  	[sflag:s9] =	ssyncset.done $0x0  }
0x2a1: {  	[sflag:s9] =	ssyncadd.s32 $0xFFFF8000  }
0x2a2: {  	[tilespmem:s7], [sflag:$0x2] =	stream.strided.gather [hbm4b:s23+s4], $0x8000, s8, s4, $0x38;
	[tilespmem:$0x10000] =	vst v63  }
0x2a3: {  	_ = 	snop  }
0x2a4: {  	[hbm4b:s24+s4] =	stream.strided.scatter [tilespmem:s2], [sflag:$0x3], $0x8000, s8, s4, $0x38;
	[tilespmem:$0x10000] =	vst v63  }
0x2a5: {  	_ =	swait.ge [sflag:s13], $0x8000  }
0x2a6: {  	[sflag:s13] =	ssyncset.done $0x0  }
0x2a7: {  	[sflag:s13] =	ssyncadd.s32 $0xFFFF8000  }
0x2a8: {  	_ =	swait.ge [sflag:s12], $0x8000  }
0x2a9: {  	[sflag:s12] =	ssyncset.done $0x0  }
0x2aa: {  	[sflag:s12] =	ssyncadd.s32 $0xFFFF8000  }
0x2ab: {  	[tilespmem:s2], [sflag:$0x1] =	stream.strided.gather [hbm4b:s21+s4], $0x8000, s8, s4, $0x38;
	[tilespmem:$0x10000] =	vst v63  }
0x2ac: {  	_ = 	snop  }
0x2ad: {  	[hbm4b:s22+s4] =	stream.strided.scatter [tilespmem:s7], [sflag:$0x4], $0x8000, s8, s4, $0x38;
	[tilespmem:$0x10000] =	vst v63  }
0x2ae: {  	_ =	swait.ge [sflag:s16], $0x8000  }
0x2af: {  	[sflag:s16] =	ssyncset.done $0x0  }
0x2b0: {  	[sflag:s16] =	ssyncadd.s32 $0xFFFF8000  }
0x2b1: {  	_ =	swait.ge [sflag:s9], $0x8000  }
0x2b2: {  	[sflag:s9] =	ssyncset.done $0x0  }
0x2b3: {  	[sflag:s9] =	ssyncadd.s32 $0xFFFF8000  }
0x2b4: {  	[tilespmem:s7], [sflag:$0x2] =	stream.strided.gather [hbm4b:s19+s4], $0x8000, s8, s4, $0x38;
	[tilespmem:$0x10000] =	vst v63  }
0x2b5: {  	_ = 	snop  }
0x2b6: {  	[hbm4b:s20+s4] =	stream.strided.scatter [tilespmem:s2], [sflag:$0x3], $0x8000, s8, s4, $0x38;
	[tilespmem:$0x10000] =	vst v63  }
0x2b7: {  	_ =	swait.ge [sflag:s13], $0x8000  }
0x2b8: {  	[sflag:s13] =	ssyncset.done $0x0  }
0x2b9: {  	[sflag:s13] =	ssyncadd.s32 $0xFFFF8000  }
0x2ba: {  	_ =	swait.ge [sflag:s12], $0x8000  }
0x2bb: {  	[sflag:s12] =	ssyncset.done $0x0  }
0x2bc: {  	[sflag:s12] =	ssyncadd.s32 $0xFFFF8000  }
0x2bd: {  	[tilespmem:s2], [sflag:$0x1] =	stream.strided.gather [hbm4b:s17+s4], $0x8000, s8, s4, $0x38;
	[tilespmem:$0x10000] =	vst v63  }
0x2be: {  	_ = 	snop  }
0x2bf: {  	[hbm4b:s18+s4] =	stream.strided.scatter [tilespmem:s7], [sflag:$0x4], $0x8000, s8, s4, $0x38;
	[tilespmem:$0x10000] =	vst v63  }
0x2c0: {  	_ =	swait.ge [sflag:s16], $0x8000  }
0x2c1: {  	[sflag:s16] =	ssyncset.done $0x0  }
0x2c2: {  	[sflag:s16] =	ssyncadd.s32 $0xFFFF8000  }
0x2c3: {  	_ =	swait.ge [sflag:s9], $0x8000  }
0x2c4: {  	[sflag:s9] =	ssyncset.done $0x0  }
0x2c5: {  	[sflag:s9] =	ssyncadd.s32 $0xFFFF8000  }
0x2c6: {  	[tilespmem:s7], [sflag:$0x2] =	stream.strided.gather [hbm4b:s14+s4], $0x8000, s8, s4, $0x38;
	[tilespmem:$0x10000] =	vst v63  }
0x2c7: {  	_ = 	snop  }
0x2c8: {  	[hbm4b:s15+s4] =	stream.strided.scatter [tilespmem:s2], [sflag:$0x3], $0x8000, s8, s4, $0x38;
	[tilespmem:$0x10000] =	vst v63  }
0x2c9: {  	_ =	swait.ge [sflag:s13], $0x8000  }
0x2ca: {  	[sflag:s13] =	ssyncset.done $0x0  }
0x2cb: {  	[sflag:s13] =	ssyncadd.s32 $0xFFFF8000  }
0x2cc: {  	_ =	swait.ge [sflag:s12], $0x8000  }
0x2cd: {  	[sflag:s12] =	ssyncset.done $0x0  }
0x2ce: {  	[sflag:s12] =	ssyncadd.s32 $0xFFFF8000  }
0x2cf: {  	[tilespmem:s2], [sflag:$0x1] =	stream.strided.gather [hbm4b:s10+s4], $0x8000, s8, s4, $0x38;
	[tilespmem:$0x10000] =	vst v63  }
0x2d0: {  	_ = 	snop  }
0x2d1: {  	[hbm4b:s11+s4] =	stream.strided.scatter [tilespmem:s7], [sflag:$0x4], $0x8000, s8, s4, $0x38;
	[tilespmem:$0x10000] =	vst v63  }
0x2d2: {  	_ =	swait.ge [sflag:s16], $0x8000  }
0x2d3: {  	[sflag:s16] =	ssyncset.done $0x0  }
0x2d4: {  	[sflag:s16] =	ssyncadd.s32 $0xFFFF8000  }
0x2d5: {  	_ =	swait.ge [sflag:s9], $0x8000  }
0x2d6: {  	[sflag:s9] =	ssyncset.done $0x0  }
0x2d7: {  	[sflag:s9] =	ssyncadd.s32 $0xFFFF8000  }
0x2d8: {  	[tilespmem:s7], [sflag:$0x2] =	stream.strided.gather [hbm4b:s5+s4], $0x8000, s8, s4, $0x38;
	[tilespmem:$0x10000] =	vst v63  }
0x2d9: {  	_ = 	snop  }
0x2da: {  	[hbm4b:s6+s4] =	stream.strided.scatter [tilespmem:s2], [sflag:$0x3], $0x8000, s8, s4, $0x38;
	[tilespmem:$0x10000] =	vst v63  }
0x2db: {  	_ =	swait.ge [sflag:s13], $0x8000  }
0x2dc: {  	[sflag:s13] =	ssyncset.done $0x0  }
0x2dd: {  	[sflag:s13] =	ssyncadd.s32 $0xFFFF8000  }
0x2de: {  	_ =	swait.ge [sflag:s12], $0x8000  }
0x2df: {  	s1 =	sld [smem:$0x7AD];
	_ =	sdelay $0x2  }
0x2e0: {  	[sflag:s12] =	ssyncset.done $0x0;
	p1 =	sne.s32 s1, $0x1  }
.Ltmp1:
0x2e1: {  	[sflag:s12] =	ssyncadd.s32 $0xFFFF8000;
	(pc) =	sbr.rel @!p1 .LBB2_3-.Ltmp1, $4  }
0x2e2: {  	[hbm4b:s3+s4] =	stream.strided.scatter [tilespmem:s7], [sflag:$0x4], $0x8000, s8, s4, $0x38;
	[tilespmem:$0x10000] =	vst v63  }
0x2e3: {  	_ =	swait.ge [sflag:s9], $0x8000  }
0x2e4: {  	p0 =	por $0x1, $0x1;
	s0 =	rddreg [dreg:$0x4]  }
0x2e5: {  	s1 =	sadd.s32 $0xFFFFFFFF, s1;
	[sflag:s9] =	ssyncset.done $0x0;
	[smem:$0x7AE] =	sst s31  }
.LBB2_2:
0x2e6: {  	[sflag:s9] =	ssyncadd.s32 $0xFFFF8000  }
0x2e7: {  	[tilespmem:s2], [sflag:$0x1] =	stream.strided.gather [hbm4b:s0+s4], $0x8000, s7, s4, $0x38;
	[tilespmem:$0x10000] =	vst v63  }
0x2e8: {  	_ =	swait.ge [sflag:s16], $0x8000  }
0x2e9: {  	[sflag:s16] =	ssyncset.done $0x0  }
0x2ea: {  	s0 =	rddreg [dreg:$0x5];
	[sflag:s16] =	ssyncadd.s32 $0xFFFF8000  }
0x2eb: {  	[tilespmem:s7], [sflag:$0x2] =	stream.strided.gather [hbm4b:s0+s4], $0x8000, s7, s4, $0x38;
	[tilespmem:$0x10000] =	vst v63  }
0x2ec: {  	_ = 	snop  }
0x2ed: {  	[hbm4b:s31+s4] =	stream.strided.scatter [tilespmem:s2], [sflag:$0x3], $0x8000, s8, s4, $0x38;
	[tilespmem:$0x10000] =	vst v63  }
0x2ee: {  	s31 =	smov.u32 s30  }
0x2ef: {  	s30 =	smov.u32 s29;
	s29 =	smov.u32 s28;
	s28 =	smov.u32 s26  }
0x2f0: {  	s26 =	smov.u32 s25;
	s25 =	smov.u32 s24;
	s24 =	smov.u32 s23  }
0x2f1: {  	s23 =	smov.u32 s22;
	s22 =	smov.u32 s21;
	_ =	swait.ge [sflag:s13], $0x8000  }
0x2f2: {  	s21 =	smov.u32 s20;
	s20 =	smov.u32 s19;
	[sflag:s13] =	ssyncset.done $0x0  }
0x2f3: {  	s19 =	smov.u32 s18;
	s18 =	smov.u32 s17;
	[sflag:s13] =	ssyncadd.s32 $0xFFFF8000  }
0x2f4: {  	s17 =	smov.u32 s15;
	s15 =	smov.u32 s14;
	_ =	swait.ge [sflag:s12], $0x8000  }
0x2f5: {  	s14 =	smov.u32 s11;
	s11 =	smov.u32 s10;
	[sflag:s12] =	ssyncset.done $0x0  }
0x2f6: {  	s10 =	smov.u32 s6;
	s0 =	rddreg [dreg:$0x6];
	[sflag:s12] =	ssyncadd.s32 $0xFFFF8000  }
0x2f7: {  	[tilespmem:s2], [sflag:$0x1] =	stream.strided.gather [hbm4b:s0+s4], $0x8000, s7, s4, $0x38;
	[tilespmem:$0x10000] =	vst v63  }
0x2f8: {  	s6 =	smov.u32 s5;
	s5 =	smov.u32 s3;
	s3 =	rddreg [dreg:$0x7]  }
0x2f9: {  	[hbm4b:s3+s4] =	stream.strided.scatter [tilespmem:s7], [sflag:$0x4], $0x8000, s8, s4, $0x38;
	[tilespmem:$0x10000] =	vst v63  }
0x2fa: {  	_ =	swait.ge [sflag:s16], $0x8000  }
0x2fb: {  	[sflag:s16] =	ssyncset.done $0x0  }
0x2fc: {  	[sflag:s16] =	ssyncadd.s32 $0xFFFF8000  }
0x2fd: {  	_ =	swait.ge [sflag:s9], $0x8000  }
0x2fe: {  	[sflag:s9] =	ssyncset.done $0x0  }
0x2ff: {  	s0 =	rddreg [dreg:$0x8];
	[sflag:s9] =	ssyncadd.s32 $0xFFFF8000  }
0x300: {  	[tilespmem:s7], [sflag:$0x2] =	stream.strided.gather [hbm4b:s0+s4], $0x8000, s7, s4, $0x38;
	[tilespmem:$0x10000] =	vst v63  }
0x301: {  	s3 =	rddreg [dreg:$0x9]  }
0x302: {  	[hbm4b:s3+s4] =	stream.strided.scatter [tilespmem:s2], [sflag:$0x3], $0x8000, s8, s4, $0x38;
	[tilespmem:$0x10000] =	vst v63  }
0x303: {  	_ =	swait.ge [sflag:s13], $0x8000  }
0x304: {  	[sflag:s13] =	ssyncset.done $0x0  }
0x305: {  	[sflag:s13] =	ssyncadd.s32 $0xFFFF8000  }
0x306: {  	_ =	swait.ge [sflag:s12], $0x8000  }
0x307: {  	[sflag:s12] =	ssyncset.done $0x0  }
0x308: {  	s0 =	rddreg [dreg:$0xa];
	[sflag:s12] =	ssyncadd.s32 $0xFFFF8000  }
0x309: {  	[tilespmem:s2], [sflag:$0x1] =	stream.strided.gather [hbm4b:s0+s4], $0x8000, s8, s4, $0x38;
	[tilespmem:$0x10000] =	vst v63  }
0x30a: {  	s3 =	rddreg [dreg:$0xb]  }
0x30b: {  	[hbm4b:s3+s4] =	stream.strided.scatter [tilespmem:s7], [sflag:$0x4], $0x8000, s8, s4, $0x38;
	[tilespmem:$0x10000] =	vst v63  }
0x30c: {  	_ =	swait.ge [sflag:s16], $0x8000  }
0x30d: {  	[sflag:s16] =	ssyncset.done $0x0  }
0x30e: {  	[sflag:s16] =	ssyncadd.s32 $0xFFFF8000  }
0x30f: {  	_ =	swait.ge [sflag:s9], $0x8000  }
0x310: {  	[sflag:s9] =	ssyncset.done $0x0  }
0x311: {  	s0 =	rddreg [dreg:$0xc];
	[sflag:s9] =	ssyncadd.s32 $0xFFFF8000  }
0x312: {  	[tilespmem:s7], [sflag:$0x2] =	stream.strided.gather [hbm4b:s0+s4], $0x8000, s8, s4, $0x38;
	[tilespmem:$0x10000] =	vst v63  }
0x313: {  	s3 =	rddreg [dreg:$0xd]  }
0x314: {  	[hbm4b:s3+s4] =	stream.strided.scatter [tilespmem:s2], [sflag:$0x3], $0x8000, s8, s4, $0x38;
	[tilespmem:$0x10000] =	vst v63  }
0x315: {  	_ =	swait.ge [sflag:s13], $0x8000  }
0x316: {  	[sflag:s13] =	ssyncset.done $0x0  }
0x317: {  	[sflag:s13] =	ssyncadd.s32 $0xFFFF8000  }
0x318: {  	_ =	swait.ge [sflag:s12], $0x8000  }
0x319: {  	[sflag:s12] =	ssyncset.done $0x0  }
0x31a: {  	s0 =	rddreg [dreg:$0xe];
	[sflag:s12] =	ssyncadd.s32 $0xFFFF8000  }
0x31b: {  	[tilespmem:s2], [sflag:$0x1] =	stream.strided.gather [hbm4b:s0+s4], $0x8000, s8, s4, $0x38;
	[tilespmem:$0x10000] =	vst v63  }
0x31c: {  	s3 =	rddreg [dreg:$0xf]  }
0x31d: {  	[hbm4b:s3+s4] =	stream.strided.scatter [tilespmem:s7], [sflag:$0x4], $0x8000, s8, s4, $0x38;
	[tilespmem:$0x10000] =	vst v63  }
0x31e: {  	_ =	swait.ge [sflag:s16], $0x8000  }
0x31f: {  	[sflag:s16] =	ssyncset.done $0x0  }
0x320: {  	[sflag:s16] =	ssyncadd.s32 $0xFFFF8000  }
0x321: {  	_ =	swait.ge [sflag:s9], $0x8000  }
0x322: {  	[sflag:s9] =	ssyncset.done $0x0  }
0x323: {  	s0 =	rddreg [dreg:$0x10];
	[sflag:s9] =	ssyncadd.s32 $0xFFFF8000  }
0x324: {  	[tilespmem:s7], [sflag:$0x2] =	stream.strided.gather [hbm4b:s0+s4], $0x8000, s8, s4, $0x38;
	[tilespmem:$0x10000] =	vst v63  }
0x325: {  	s3 =	rddreg [dreg:$0x11]  }
0x326: {  	[hbm4b:s3+s4] =	stream.strided.scatter [tilespmem:s2], [sflag:$0x3], $0x8000, s8, s4, $0x38;
	[tilespmem:$0x10000] =	vst v63  }
0x327: {  	_ =	swait.ge [sflag:s13], $0x8000  }
0x328: {  	[sflag:s13] =	ssyncset.done $0x0  }
0x329: {  	[sflag:s13] =	ssyncadd.s32 $0xFFFF8000  }
0x32a: {  	_ =	swait.ge [sflag:s12], $0x8000  }
0x32b: {  	[sflag:s12] =	ssyncset.done $0x0  }
0x32c: {  	s0 =	rddreg [dreg:$0x12];
	[sflag:s12] =	ssyncadd.s32 $0xFFFF8000  }
0x32d: {  	[tilespmem:s2], [sflag:$0x1] =	stream.strided.gather [hbm4b:s0+s4], $0x8000, s8, s4, $0x38;
	[tilespmem:$0x10000] =	vst v63  }
0x32e: {  	s3 =	rddreg [dreg:$0x13]  }
0x32f: {  	[hbm4b:s3+s4] =	stream.strided.scatter [tilespmem:s7], [sflag:$0x4], $0x8000, s8, s4, $0x38;
	[tilespmem:$0x10000] =	vst v63  }
0x330: {  	_ =	swait.ge [sflag:s16], $0x8000  }
0x331: {  	[sflag:s16] =	ssyncset.done $0x0  }
0x332: {  	[sflag:s16] =	ssyncadd.s32 $0xFFFF8000  }
0x333: {  	_ =	swait.ge [sflag:s9], $0x8000  }
0x334: {  	[sflag:s9] =	ssyncset.done $0x0  }
0x335: {  	s0 =	rddreg [dreg:$0x14];
	[sflag:s9] =	ssyncadd.s32 $0xFFFF8000  }
0x336: {  	[tilespmem:s7], [sflag:$0x2] =	stream.strided.gather [hbm4b:s0+s4], $0x8000, s8, s4, $0x38;
	[tilespmem:$0x10000] =	vst v63  }
0x337: {  	s3 =	rddreg [dreg:$0x15]  }
0x338: {  	[hbm4b:s3+s4] =	stream.strided.scatter [tilespmem:s2], [sflag:$0x3], $0x8000, s8, s4, $0x38;
	[tilespmem:$0x10000] =	vst v63  }
0x339: {  	_ =	swait.ge [sflag:s13], $0x8000  }
0x33a: {  	[sflag:s13] =	ssyncset.done $0x0  }
0x33b: {  	[sflag:s13] =	ssyncadd.s32 $0xFFFF8000  }
0x33c: {  	_ =	swait.ge [sflag:s12], $0x8000  }
0x33d: {  	[sflag:s12] =	ssyncset.done $0x0  }
0x33e: {  	s0 =	rddreg [dreg:$0x16];
	[sflag:s12] =	ssyncadd.s32 $0xFFFF8000  }
0x33f: {  	[tilespmem:s2], [sflag:$0x1] =	stream.strided.gather [hbm4b:s0+s4], $0x8000, s8, s4, $0x38;
	[tilespmem:$0x10000] =	vst v63  }
0x340: {  	s3 =	rddreg [dreg:$0x17]  }
0x341: {  	[hbm4b:s3+s4] =	stream.strided.scatter [tilespmem:s7], [sflag:$0x4], $0x8000, s8, s4, $0x38;
	[tilespmem:$0x10000] =	vst v63  }
0x342: {  	_ =	swait.ge [sflag:s16], $0x8000  }
0x343: {  	[sflag:s16] =	ssyncset.done $0x0  }
0x344: {  	[sflag:s16] =	ssyncadd.s32 $0xFFFF8000  }
0x345: {  	_ =	swait.ge [sflag:s9], $0x8000  }
0x346: {  	[sflag:s9] =	ssyncset.done $0x0  }
0x347: {  	s0 =	rddreg [dreg:$0x18];
	[sflag:s9] =	ssyncadd.s32 $0xFFFF8000  }
0x348: {  	[tilespmem:s7], [sflag:$0x2] =	stream.strided.gather [hbm4b:s0+s4], $0x8000, s8, s4, $0x38;
	[tilespmem:$0x10000] =	vst v63  }
0x349: {  	s3 =	rddreg [dreg:$0x19]  }
0x34a: {  	[hbm4b:s3+s4] =	stream.strided.scatter [tilespmem:s2], [sflag:$0x3], $0x8000, s8, s4, $0x38;
	[tilespmem:$0x10000] =	vst v63  }
0x34b: {  	_ =	swait.ge [sflag:s13], $0x8000  }
0x34c: {  	[sflag:s13] =	ssyncset.done $0x0  }
0x34d: {  	[sflag:s13] =	ssyncadd.s32 $0xFFFF8000  }
0x34e: {  	_ =	swait.ge [sflag:s12], $0x8000  }
0x34f: {  	[sflag:s12] =	ssyncset.done $0x0  }
0x350: {  	s0 =	rddreg [dreg:$0x1a];
	[sflag:s12] =	ssyncadd.s32 $0xFFFF8000  }
0x351: {  	[tilespmem:s2], [sflag:$0x1] =	stream.strided.gather [hbm4b:s0+s4], $0x8000, s8, s4, $0x38;
	[tilespmem:$0x10000] =	vst v63  }
0x352: {  	s3 =	rddreg [dreg:$0x1b]  }
0x353: {  	[hbm4b:s3+s4] =	stream.strided.scatter [tilespmem:s7], [sflag:$0x4], $0x8000, s8, s4, $0x38;
	[tilespmem:$0x10000] =	vst v63  }
0x354: {  	_ =	swait.ge [sflag:s16], $0x8000  }
0x355: {  	[sflag:s16] =	ssyncset.done $0x0  }
0x356: {  	[sflag:s16] =	ssyncadd.s32 $0xFFFF8000  }
0x357: {  	_ =	swait.ge [sflag:s9], $0x8000  }
0x358: {  	[sflag:s9] =	ssyncset.done $0x0  }
0x359: {  	s0 =	rddreg [dreg:$0x1c];
	[sflag:s9] =	ssyncadd.s32 $0xFFFF8000  }
0x35a: {  	[tilespmem:s7], [sflag:$0x2] =	stream.strided.gather [hbm4b:s0+s4], $0x8000, s8, s4, $0x38;
	[tilespmem:$0x10000] =	vst v63  }
0x35b: {  	s3 =	rddreg [dreg:$0x1d]  }
0x35c: {  	[hbm4b:s3+s4] =	stream.strided.scatter [tilespmem:s2], [sflag:$0x3], $0x8000, s8, s4, $0x38;
	[tilespmem:$0x10000] =	vst v63  }
0x35d: {  	_ =	swait.ge [sflag:s13], $0x8000  }
0x35e: {  	[sflag:s13] =	ssyncset.done $0x0  }
0x35f: {  	[sflag:s13] =	ssyncadd.s32 $0xFFFF8000  }
0x360: {  	_ =	swait.ge [sflag:s12], $0x8000  }
0x361: {  	[sflag:s12] =	ssyncset.done $0x0  }
0x362: {  	s0 =	rddreg [dreg:$0x1e];
	[sflag:s12] =	ssyncadd.s32 $0xFFFF8000  }
0x363: {  	[tilespmem:s2], [sflag:$0x1] =	stream.strided.gather [hbm4b:s0+s4], $0x8000, s8, s4, $0x38;
	[tilespmem:$0x10000] =	vst v63  }
0x364: {  	s3 =	rddreg [dreg:$0x1f]  }
0x365: {  	[hbm4b:s3+s4] =	stream.strided.scatter [tilespmem:s7], [sflag:$0x4], $0x8000, s8, s4, $0x38;
	[tilespmem:$0x10000] =	vst v63  }
0x366: {  	_ =	swait.ge [sflag:s16], $0x8000  }
0x367: {  	[sflag:s16] =	ssyncset.done $0x0  }
0x368: {  	[sflag:s16] =	ssyncadd.s32 $0xFFFF8000  }
0x369: {  	_ =	swait.ge [sflag:s9], $0x8000  }
0x36a: {  	s0 =	sld [smem:$0x7AF]  }
0x36b: {  	[sflag:s9] =	ssyncset.done $0x0  }
0x36c: {  	s3 =	sld [smem:$0x7B0];
	[sflag:s9] =	ssyncadd.s32 $0xFFFF8000  }
0x36d: {  	[tilespmem:s7], [sflag:$0x2] =	stream.strided.gather [hbm4b:s0+s4], $0x8000, s8, s4, $0x38;
	[tilespmem:$0x10000] =	vst v63  }
0x36e: {  	_ = 	snop  }
0x36f: {  	[hbm4b:s3+s4] =	stream.strided.scatter [tilespmem:s2], [sflag:$0x3], $0x8000, s8, s4, $0x38;
	[tilespmem:$0x10000] =	vst v63  }
0x370: {  	_ =	swait.ge [sflag:s13], $0x8000  }
0x371: {  	[sflag:s13] =	ssyncset.done $0x0  }
0x372: {  	[sflag:s13] =	ssyncadd.s32 $0xFFFF8000  }
0x373: {  	_ =	swait.ge [sflag:s12], $0x8000  }
0x374: {  	s0 =	sld [smem:$0x7B1]  }
0x375: {  	[sflag:s12] =	ssyncset.done $0x0  }
0x376: {  	s3 =	sld [smem:$0x7B2];
	[sflag:s12] =	ssyncadd.s32 $0xFFFF8000  }
0x377: {  	[tilespmem:s2], [sflag:$0x1] =	stream.strided.gather [hbm4b:s0+s4], $0x8000, s8, s4, $0x38;
	[tilespmem:$0x10000] =	vst v63  }
0x378: {  	_ = 	snop  }
0x379: {  	[hbm4b:s3+s4] =	stream.strided.scatter [tilespmem:s7], [sflag:$0x4], $0x8000, s8, s4, $0x38;
	[tilespmem:$0x10000] =	vst v63  }
0x37a: {  	_ =	swait.ge [sflag:s16], $0x8000  }
0x37b: {  	[sflag:s16] =	ssyncset.done $0x0  }
0x37c: {  	[sflag:s16] =	ssyncadd.s32 $0xFFFF8000  }
0x37d: {  	_ =	swait.ge [sflag:s9], $0x8000  }
0x37e: {  	s0 =	sld [smem:$0x7B3]  }
0x37f: {  	[sflag:s9] =	ssyncset.done $0x0  }
0x380: {  	s3 =	sld [smem:$0x7B4];
	[sflag:s9] =	ssyncadd.s32 $0xFFFF8000  }
0x381: {  	[tilespmem:s7], [sflag:$0x2] =	stream.strided.gather [hbm4b:s0+s4], $0x8000, s8, s4, $0x38;
	[tilespmem:$0x10000] =	vst v63  }
0x382: {  	_ = 	snop  }
0x383: {  	[hbm4b:s3+s4] =	stream.strided.scatter [tilespmem:s2], [sflag:$0x3], $0x8000, s8, s4, $0x38;
	[tilespmem:$0x10000] =	vst v63  }
0x384: {  	_ =	swait.ge [sflag:s13], $0x8000  }
0x385: {  	[sflag:s13] =	ssyncset.done $0x0  }
0x386: {  	[sflag:s13] =	ssyncadd.s32 $0xFFFF8000  }
0x387: {  	_ =	swait.ge [sflag:s12], $0x8000  }
0x388: {  	s0 =	sld [smem:$0x7B5]  }
0x389: {  	[sflag:s12] =	ssyncset.done $0x0  }
0x38a: {  	s3 =	sld [smem:$0x7B6];
	[sflag:s12] =	ssyncadd.s32 $0xFFFF8000  }
0x38b: {  	[tilespmem:s2], [sflag:$0x1] =	stream.strided.gather [hbm4b:s0+s4], $0x8000, s8, s4, $0x38;
	[tilespmem:$0x10000] =	vst v63  }
0x38c: {  	_ = 	snop  }
0x38d: {  	[hbm4b:s3+s4] =	stream.strided.scatter [tilespmem:s7], [sflag:$0x4], $0x8000, s8, s4, $0x38;
	[tilespmem:$0x10000] =	vst v63  }
0x38e: {  	_ =	swait.ge [sflag:s16], $0x8000  }
0x38f: {  	[sflag:s16] =	ssyncset.done $0x0  }
0x390: {  	[sflag:s16] =	ssyncadd.s32 $0xFFFF8000  }
0x391: {  	_ =	swait.ge [sflag:s9], $0x8000  }
0x392: {  	s0 =	sld [smem:$0x7B7]  }
0x393: {  	[sflag:s9] =	ssyncset.done $0x0  }
0x394: {  	s3 =	sld [smem:$0x7B8];
	[sflag:s9] =	ssyncadd.s32 $0xFFFF8000  }
0x395: {  	[tilespmem:s7], [sflag:$0x2] =	stream.strided.gather [hbm4b:s0+s4], $0x8000, s8, s4, $0x38;
	[tilespmem:$0x10000] =	vst v63  }
0x396: {  	_ = 	snop  }
0x397: {  	[hbm4b:s3+s4] =	stream.strided.scatter [tilespmem:s2], [sflag:$0x3], $0x8000, s8, s4, $0x38;
	[tilespmem:$0x10000] =	vst v63  }
0x398: {  	_ =	swait.ge [sflag:s13], $0x8000  }
0x399: {  	[sflag:s13] =	ssyncset.done $0x0  }
0x39a: {  	[sflag:s13] =	ssyncadd.s32 $0xFFFF8000  }
0x39b: {  	_ =	swait.ge [sflag:s12], $0x8000  }
0x39c: {  	s0 =	sld [smem:$0x7B9]  }
0x39d: {  	[sflag:s12] =	ssyncset.done $0x0  }
0x39e: {  	s3 =	sld [smem:$0x7BA];
	[sflag:s12] =	ssyncadd.s32 $0xFFFF8000  }
0x39f: {  	[tilespmem:s2], [sflag:$0x1] =	stream.strided.gather [hbm4b:s0+s4], $0x8000, s8, s4, $0x38;
	[tilespmem:$0x10000] =	vst v63  }
0x3a0: {  	_ = 	snop  }
0x3a1: {  	[hbm4b:s3+s4] =	stream.strided.scatter [tilespmem:s7], [sflag:$0x4], $0x8000, s8, s4, $0x38;
	[tilespmem:$0x10000] =	vst v63  }
0x3a2: {  	_ =	swait.ge [sflag:s16], $0x8000  }
0x3a3: {  	[sflag:s16] =	ssyncset.done $0x0  }
0x3a4: {  	[sflag:s16] =	ssyncadd.s32 $0xFFFF8000  }
0x3a5: {  	_ =	swait.ge [sflag:s9], $0x8000  }
0x3a6: {  	s0 =	sld [smem:$0x7BB]  }
0x3a7: {  	[sflag:s9] =	ssyncset.done $0x0  }
0x3a8: {  	s3 =	sld [smem:$0x7BC];
	[sflag:s9] =	ssyncadd.s32 $0xFFFF8000  }
0x3a9: {  	[tilespmem:s7], [sflag:$0x2] =	stream.strided.gather [hbm4b:s0+s4], $0x8000, s8, s4, $0x38;
	[tilespmem:$0x10000] =	vst v63  }
0x3aa: {  	_ = 	snop  }
0x3ab: {  	[hbm4b:s3+s4] =	stream.strided.scatter [tilespmem:s2], [sflag:$0x3], $0x8000, s8, s4, $0x38;
	[tilespmem:$0x10000] =	vst v63  }
0x3ac: {  	_ =	swait.ge [sflag:s13], $0x8000  }
0x3ad: {  	[sflag:s13] =	ssyncset.done $0x0  }
0x3ae: {  	[sflag:s13] =	ssyncadd.s32 $0xFFFF8000  }
0x3af: {  	_ =	swait.ge [sflag:s12], $0x8000  }
0x3b0: {  	s0 =	sld [smem:$0x7BD]  }
0x3b1: {  	[sflag:s12] =	ssyncset.done $0x0  }
0x3b2: {  	s3 =	sld [smem:$0x7BE];
	[sflag:s12] =	ssyncadd.s32 $0xFFFF8000  }
0x3b3: {  	[tilespmem:s2], [sflag:$0x1] =	stream.strided.gather [hbm4b:s0+s4], $0x8000, s8, s4, $0x38;
	[tilespmem:$0x10000] =	vst v63  }
0x3b4: {  	_ = 	snop  }
0x3b5: {  	[hbm4b:s3+s4] =	stream.strided.scatter [tilespmem:s7], [sflag:$0x4], $0x8000, s8, s4, $0x38;
	[tilespmem:$0x10000] =	vst v63  }
0x3b6: {  	_ =	swait.ge [sflag:s16], $0x8000  }
0x3b7: {  	[sflag:s16] =	ssyncset.done $0x0  }
0x3b8: {  	[sflag:s16] =	ssyncadd.s32 $0xFFFF8000  }
0x3b9: {  	_ =	swait.ge [sflag:s9], $0x8000  }
0x3ba: {  	s0 =	sld [smem:$0x7BF]  }
0x3bb: {  	[sflag:s9] =	ssyncset.done $0x0  }
0x3bc: {  	s3 =	sld [smem:$0x7C0];
	[sflag:s9] =	ssyncadd.s32 $0xFFFF8000  }
0x3bd: {  	[tilespmem:s7], [sflag:$0x2] =	stream.strided.gather [hbm4b:s0+s4], $0x8000, s8, s4, $0x38;
	[tilespmem:$0x10000] =	vst v63  }
0x3be: {  	_ = 	snop  }
0x3bf: {  	[hbm4b:s3+s4] =	stream.strided.scatter [tilespmem:s2], [sflag:$0x3], $0x8000, s8, s4, $0x38;
	[tilespmem:$0x10000] =	vst v63  }
0x3c0: {  	_ =	swait.ge [sflag:s13], $0x8000  }
0x3c1: {  	[sflag:s13] =	ssyncset.done $0x0  }
0x3c2: {  	[sflag:s13] =	ssyncadd.s32 $0xFFFF8000  }
0x3c3: {  	_ =	swait.ge [sflag:s12], $0x8000  }
0x3c4: {  	s0 =	sld [smem:$0x7C1]  }
0x3c5: {  	[sflag:s12] =	ssyncset.done $0x0  }
0x3c6: {  	s3 =	sld [smem:$0x7C2];
	[sflag:s12] =	ssyncadd.s32 $0xFFFF8000  }
0x3c7: {  	[tilespmem:s2], [sflag:$0x1] =	stream.strided.gather [hbm4b:s0+s4], $0x8000, s8, s4, $0x38;
	[tilespmem:$0x10000] =	vst v63  }
0x3c8: {  	_ = 	snop  }
0x3c9: {  	[hbm4b:s3+s4] =	stream.strided.scatter [tilespmem:s7], [sflag:$0x4], $0x8000, s8, s4, $0x38;
	[tilespmem:$0x10000] =	vst v63  }
0x3ca: {  	_ =	swait.ge [sflag:s16], $0x8000  }
0x3cb: {  	[sflag:s16] =	ssyncset.done $0x0  }
0x3cc: {  	[sflag:s16] =	ssyncadd.s32 $0xFFFF8000  }
0x3cd: {  	_ =	swait.ge [sflag:s9], $0x8000  }
0x3ce: {  	s0 =	sld [smem:$0x7C3]  }
0x3cf: {  	[sflag:s9] =	ssyncset.done $0x0  }
0x3d0: {  	s3 =	sld [smem:$0x7C4];
	[sflag:s9] =	ssyncadd.s32 $0xFFFF8000  }
0x3d1: {  	[tilespmem:s7], [sflag:$0x2] =	stream.strided.gather [hbm4b:s0+s4], $0x8000, s8, s4, $0x38;
	[tilespmem:$0x10000] =	vst v63  }
0x3d2: {  	_ = 	snop  }
0x3d3: {  	[hbm4b:s3+s4] =	stream.strided.scatter [tilespmem:s2], [sflag:$0x3], $0x8000, s8, s4, $0x38;
	[tilespmem:$0x10000] =	vst v63  }
0x3d4: {  	_ =	swait.ge [sflag:s13], $0x8000  }
0x3d5: {  	[sflag:s13] =	ssyncset.done $0x0  }
0x3d6: {  	[sflag:s13] =	ssyncadd.s32 $0xFFFF8000  }
0x3d7: {  	_ =	swait.ge [sflag:s12], $0x8000  }
0x3d8: {  	s0 =	sld [smem:$0x7C5]  }
0x3d9: {  	[sflag:s12] =	ssyncset.done $0x0  }
0x3da: {  	s3 =	sld [smem:$0x7C6];
	[sflag:s12] =	ssyncadd.s32 $0xFFFF8000  }
0x3db: {  	[tilespmem:s2], [sflag:$0x1] =	stream.strided.gather [hbm4b:s0+s4], $0x8000, s8, s4, $0x38;
	[tilespmem:$0x10000] =	vst v63  }
0x3dc: {  	_ = 	snop  }
0x3dd: {  	[hbm4b:s3+s4] =	stream.strided.scatter [tilespmem:s7], [sflag:$0x4], $0x8000, s8, s4, $0x38;
	[tilespmem:$0x10000] =	vst v63  }
0x3de: {  	_ =	swait.ge [sflag:s16], $0x8000  }
0x3df: {  	[sflag:s16] =	ssyncset.done $0x0  }
0x3e0: {  	[sflag:s16] =	ssyncadd.s32 $0xFFFF8000  }
0x3e1: {  	_ =	swait.ge [sflag:s9], $0x8000  }
0x3e2: {  	s0 =	sld [smem:$0x7C7]  }
0x3e3: {  	[sflag:s9] =	ssyncset.done $0x0  }
0x3e4: {  	s3 =	sld [smem:$0x7C8];
	[sflag:s9] =	ssyncadd.s32 $0xFFFF8000  }
0x3e5: {  	[tilespmem:s7], [sflag:$0x2] =	stream.strided.gather [hbm4b:s0+s4], $0x8000, s8, s4, $0x38;
	[tilespmem:$0x10000] =	vst v63  }
0x3e6: {  	_ = 	snop  }
0x3e7: {  	[hbm4b:s3+s4] =	stream.strided.scatter [tilespmem:s2], [sflag:$0x3], $0x8000, s8, s4, $0x38;
	[tilespmem:$0x10000] =	vst v63  }
0x3e8: {  	_ =	swait.ge [sflag:s13], $0x8000  }
0x3e9: {  	[sflag:s13] =	ssyncset.done $0x0  }
0x3ea: {  	[sflag:s13] =	ssyncadd.s32 $0xFFFF8000  }
0x3eb: {  	_ =	swait.ge [sflag:s12], $0x8000  }
0x3ec: {  	s0 =	sld [smem:$0x7C9]  }
0x3ed: {  	[sflag:s12] =	ssyncset.done $0x0  }
0x3ee: {  	s3 =	sld [smem:$0x7CA];
	[sflag:s12] =	ssyncadd.s32 $0xFFFF8000  }
0x3ef: {  	[tilespmem:s2], [sflag:$0x1] =	stream.strided.gather [hbm4b:s0+s4], $0x8000, s8, s4, $0x38;
	[tilespmem:$0x10000] =	vst v63  }
0x3f0: {  	_ = 	snop  }
0x3f1: {  	[hbm4b:s3+s4] =	stream.strided.scatter [tilespmem:s7], [sflag:$0x4], $0x8000, s8, s4, $0x38;
	[tilespmem:$0x10000] =	vst v63  }
0x3f2: {  	_ =	swait.ge [sflag:s16], $0x8000  }
0x3f3: {  	[sflag:s16] =	ssyncset.done $0x0  }
0x3f4: {  	[sflag:s16] =	ssyncadd.s32 $0xFFFF8000  }
0x3f5: {  	_ =	swait.ge [sflag:s9], $0x8000  }
0x3f6: {  	s0 =	sld [smem:$0x7CB]  }
0x3f7: {  	[sflag:s9] =	ssyncset.done $0x0  }
0x3f8: {  	s3 =	sld [smem:$0x7CC];
	[sflag:s9] =	ssyncadd.s32 $0xFFFF8000  }
0x3f9: {  	[tilespmem:s7], [sflag:$0x2] =	stream.strided.gather [hbm4b:s0+s4], $0x8000, s8, s4, $0x38;
	[tilespmem:$0x10000] =	vst v63  }
0x3fa: {  	_ = 	snop  }
0x3fb: {  	[hbm4b:s3+s4] =	stream.strided.scatter [tilespmem:s2], [sflag:$0x3], $0x8000, s8, s4, $0x38;
	[tilespmem:$0x10000] =	vst v63  }
0x3fc: {  	_ =	swait.ge [sflag:s13], $0x8000  }
0x3fd: {  	[sflag:s13] =	ssyncset.done $0x0  }
0x3fe: {  	[sflag:s13] =	ssyncadd.s32 $0xFFFF8000  }
0x3ff: {  	_ =	swait.ge [sflag:s12], $0x8000  }
0x400: {  	s0 =	sld [smem:$0x7CD]  }
0x401: {  	[sflag:s12] =	ssyncset.done $0x0  }
0x402: {  	s3 =	sld [smem:$0x7CE];
	[sflag:s12] =	ssyncadd.s32 $0xFFFF8000  }
0x403: {  	[tilespmem:s2], [sflag:$0x1] =	stream.strided.gather [hbm4b:s0+s4], $0x8000, s8, s4, $0x38;
	[tilespmem:$0x10000] =	vst v63  }
0x404: {  	_ = 	snop  }
0x405: {  	[hbm4b:s3+s4] =	stream.strided.scatter [tilespmem:s7], [sflag:$0x4], $0x8000, s8, s4, $0x38;
	[tilespmem:$0x10000] =	vst v63  }
0x406: {  	_ =	swait.ge [sflag:s16], $0x8000  }
0x407: {  	[sflag:s16] =	ssyncset.done $0x0  }
0x408: {  	[sflag:s16] =	ssyncadd.s32 $0xFFFF8000  }
0x409: {  	_ =	swait.ge [sflag:s9], $0x8000  }
0x40a: {  	s0 =	sld [smem:$0x7CF]  }
0x40b: {  	[sflag:s9] =	ssyncset.done $0x0  }
0x40c: {  	s3 =	sld [smem:$0x7D0];
	[sflag:s9] =	ssyncadd.s32 $0xFFFF8000  }
0x40d: {  	[tilespmem:s7], [sflag:$0x2] =	stream.strided.gather [hbm4b:s0+s4], $0x8000, s8, s4, $0x38;
	[tilespmem:$0x10000] =	vst v63  }
0x40e: {  	_ = 	snop  }
0x40f: {  	[hbm4b:s3+s4] =	stream.strided.scatter [tilespmem:s2], [sflag:$0x3], $0x8000, s8, s4, $0x38;
	[tilespmem:$0x10000] =	vst v63  }
0x410: {  	_ =	swait.ge [sflag:s13], $0x8000  }
0x411: {  	[sflag:s13] =	ssyncset.done $0x0  }
0x412: {  	[sflag:s13] =	ssyncadd.s32 $0xFFFF8000  }
0x413: {  	_ =	swait.ge [sflag:s12], $0x8000  }
0x414: {  	s0 =	sld [smem:$0x7D1]  }
0x415: {  	[sflag:s12] =	ssyncset.done $0x0  }
0x416: {  	s3 =	sld [smem:$0x7D2];
	[sflag:s12] =	ssyncadd.s32 $0xFFFF8000  }
0x417: {  	[tilespmem:s2], [sflag:$0x1] =	stream.strided.gather [hbm4b:s0+s4], $0x8000, s8, s4, $0x38;
	[tilespmem:$0x10000] =	vst v63  }
0x418: {  	_ = 	snop  }
0x419: {  	[hbm4b:s3+s4] =	stream.strided.scatter [tilespmem:s7], [sflag:$0x4], $0x8000, s8, s4, $0x38;
	[tilespmem:$0x10000] =	vst v63  }
0x41a: {  	_ =	swait.ge [sflag:s16], $0x8000  }
0x41b: {  	[sflag:s16] =	ssyncset.done $0x0  }
0x41c: {  	[sflag:s16] =	ssyncadd.s32 $0xFFFF8000  }
0x41d: {  	_ =	swait.ge [sflag:s9], $0x8000  }
0x41e: {  	s0 =	sld [smem:$0x7D3]  }
0x41f: {  	[sflag:s9] =	ssyncset.done $0x0  }
0x420: {  	s3 =	sld [smem:$0x7D4];
	[sflag:s9] =	ssyncadd.s32 $0xFFFF8000  }
0x421: {  	[tilespmem:s7], [sflag:$0x2] =	stream.strided.gather [hbm4b:s0+s4], $0x8000, s8, s4, $0x38;
	[tilespmem:$0x10000] =	vst v63  }
0x422: {  	_ = 	snop  }
0x423: {  	[hbm4b:s3+s4] =	stream.strided.scatter [tilespmem:s2], [sflag:$0x3], $0x8000, s8, s4, $0x38;
	[tilespmem:$0x10000] =	vst v63  }
0x424: {  	_ =	swait.ge [sflag:s13], $0x8000  }
0x425: {  	[sflag:s13] =	ssyncset.done $0x0  }
0x426: {  	[sflag:s13] =	ssyncadd.s32 $0xFFFF8000  }
0x427: {  	_ =	swait.ge [sflag:s12], $0x8000  }
0x428: {  	s0 =	sld [smem:$0x7D5]  }
0x429: {  	[sflag:s12] =	ssyncset.done $0x0  }
0x42a: {  	s3 =	sld [smem:$0x7D6];
	[sflag:s12] =	ssyncadd.s32 $0xFFFF8000  }
0x42b: {  	[tilespmem:s2], [sflag:$0x1] =	stream.strided.gather [hbm4b:s0+s4], $0x8000, s8, s4, $0x38;
	[tilespmem:$0x10000] =	vst v63  }
0x42c: {  	_ = 	snop  }
0x42d: {  	[hbm4b:s3+s4] =	stream.strided.scatter [tilespmem:s7], [sflag:$0x4], $0x8000, s8, s4, $0x38;
	[tilespmem:$0x10000] =	vst v63  }
0x42e: {  	_ =	swait.ge [sflag:s16], $0x8000  }
0x42f: {  	[sflag:s16] =	ssyncset.done $0x0  }
0x430: {  	[sflag:s16] =	ssyncadd.s32 $0xFFFF8000  }
0x431: {  	_ =	swait.ge [sflag:s9], $0x8000  }
0x432: {  	s0 =	sld [smem:$0x7D7]  }
0x433: {  	[sflag:s9] =	ssyncset.done $0x0  }
0x434: {  	s3 =	sld [smem:$0x7D8];
	[sflag:s9] =	ssyncadd.s32 $0xFFFF8000  }
0x435: {  	[tilespmem:s7], [sflag:$0x2] =	stream.strided.gather [hbm4b:s0+s4], $0x8000, s8, s4, $0x38;
	[tilespmem:$0x10000] =	vst v63  }
0x436: {  	_ = 	snop  }
0x437: {  	[hbm4b:s3+s4] =	stream.strided.scatter [tilespmem:s2], [sflag:$0x3], $0x8000, s8, s4, $0x38;
	[tilespmem:$0x10000] =	vst v63  }
0x438: {  	_ =	swait.ge [sflag:s13], $0x8000  }
0x439: {  	[sflag:s13] =	ssyncset.done $0x0  }
0x43a: {  	[sflag:s13] =	ssyncadd.s32 $0xFFFF8000  }
0x43b: {  	_ =	swait.ge [sflag:s12], $0x8000  }
0x43c: {  	s0 =	sld [smem:$0x7D9]  }
0x43d: {  	[sflag:s12] =	ssyncset.done $0x0  }
0x43e: {  	s3 =	sld [smem:$0x7DA];
	[sflag:s12] =	ssyncadd.s32 $0xFFFF8000  }
0x43f: {  	[tilespmem:s2], [sflag:$0x1] =	stream.strided.gather [hbm4b:s0+s4], $0x8000, s8, s4, $0x38;
	[tilespmem:$0x10000] =	vst v63  }
0x440: {  	_ = 	snop  }
0x441: {  	[hbm4b:s3+s4] =	stream.strided.scatter [tilespmem:s7], [sflag:$0x4], $0x8000, s8, s4, $0x38;
	[tilespmem:$0x10000] =	vst v63  }
0x442: {  	_ =	swait.ge [sflag:s16], $0x8000  }
0x443: {  	[sflag:s16] =	ssyncset.done $0x0  }
0x444: {  	[sflag:s16] =	ssyncadd.s32 $0xFFFF8000  }
0x445: {  	_ =	swait.ge [sflag:s9], $0x8000  }
0x446: {  	s0 =	sld [smem:$0x7DB]  }
0x447: {  	[sflag:s9] =	ssyncset.done $0x0  }
0x448: {  	s3 =	sld [smem:$0x7DC];
	[sflag:s9] =	ssyncadd.s32 $0xFFFF8000  }
0x449: {  	[tilespmem:s7], [sflag:$0x2] =	stream.strided.gather [hbm4b:s0+s4], $0x8000, s8, s4, $0x38;
	[tilespmem:$0x10000] =	vst v63  }
0x44a: {  	_ = 	snop  }
0x44b: {  	[hbm4b:s3+s4] =	stream.strided.scatter [tilespmem:s2], [sflag:$0x3], $0x8000, s8, s4, $0x38;
	[tilespmem:$0x10000] =	vst v63  }
0x44c: {  	_ =	swait.ge [sflag:s13], $0x8000  }
0x44d: {  	[sflag:s13] =	ssyncset.done $0x0  }
0x44e: {  	[sflag:s13] =	ssyncadd.s32 $0xFFFF8000  }
0x44f: {  	_ =	swait.ge [sflag:s12], $0x8000  }
0x450: {  	s0 =	sld [smem:$0x7DD]  }
0x451: {  	[sflag:s12] =	ssyncset.done $0x0  }
0x452: {  	s3 =	sld [smem:$0x7DE];
	[sflag:s12] =	ssyncadd.s32 $0xFFFF8000  }
0x453: {  	[tilespmem:s2], [sflag:$0x1] =	stream.strided.gather [hbm4b:s0+s4], $0x8000, s8, s4, $0x38;
	[tilespmem:$0x10000] =	vst v63  }
0x454: {  	_ = 	snop  }
0x455: {  	[hbm4b:s3+s4] =	stream.strided.scatter [tilespmem:s7], [sflag:$0x4], $0x8000, s8, s4, $0x38;
	[tilespmem:$0x10000] =	vst v63  }
0x456: {  	_ =	swait.ge [sflag:s16], $0x8000  }
0x457: {  	[sflag:s16] =	ssyncset.done $0x0  }
0x458: {  	[sflag:s16] =	ssyncadd.s32 $0xFFFF8000  }
0x459: {  	_ =	swait.ge [sflag:s9], $0x8000  }
0x45a: {  	s0 =	sld [smem:$0x7DF]  }
0x45b: {  	[sflag:s9] =	ssyncset.done $0x0  }
0x45c: {  	s3 =	sld [smem:$0x7E0];
	[sflag:s9] =	ssyncadd.s32 $0xFFFF8000  }
0x45d: {  	[tilespmem:s7], [sflag:$0x2] =	stream.strided.gather [hbm4b:s0+s4], $0x8000, s8, s4, $0x38;
	[tilespmem:$0x10000] =	vst v63  }
0x45e: {  	_ = 	snop  }
0x45f: {  	[hbm4b:s3+s4] =	stream.strided.scatter [tilespmem:s2], [sflag:$0x3], $0x8000, s8, s4, $0x38;
	[tilespmem:$0x10000] =	vst v63  }
0x460: {  	_ =	swait.ge [sflag:s13], $0x8000  }
0x461: {  	[sflag:s13] =	ssyncset.done $0x0  }
0x462: {  	[sflag:s13] =	ssyncadd.s32 $0xFFFF8000  }
0x463: {  	_ =	swait.ge [sflag:s12], $0x8000  }
0x464: {  	s0 =	sld [smem:$0x7E1]  }
0x465: {  	[sflag:s12] =	ssyncset.done $0x0  }
0x466: {  	s3 =	sld [smem:$0x7E2];
	[sflag:s12] =	ssyncadd.s32 $0xFFFF8000  }
0x467: {  	[tilespmem:s2], [sflag:$0x1] =	stream.strided.gather [hbm4b:s0+s4], $0x8000, s8, s4, $0x38;
	[tilespmem:$0x10000] =	vst v63  }
0x468: {  	_ = 	snop  }
0x469: {  	[hbm4b:s3+s4] =	stream.strided.scatter [tilespmem:s7], [sflag:$0x4], $0x8000, s8, s4, $0x38;
	[tilespmem:$0x10000] =	vst v63  }
0x46a: {  	_ =	swait.ge [sflag:s16], $0x8000  }
0x46b: {  	[sflag:s16] =	ssyncset.done $0x0  }
0x46c: {  	[sflag:s16] =	ssyncadd.s32 $0xFFFF8000  }
0x46d: {  	_ =	swait.ge [sflag:s9], $0x8000  }
0x46e: {  	s0 =	sld [smem:$0x7E3]  }
0x46f: {  	[sflag:s9] =	ssyncset.done $0x0  }
0x470: {  	s3 =	sld [smem:$0x7E4];
	[sflag:s9] =	ssyncadd.s32 $0xFFFF8000  }
0x471: {  	[tilespmem:s7], [sflag:$0x2] =	stream.strided.gather [hbm4b:s0+s4], $0x8000, s8, s4, $0x38;
	[tilespmem:$0x10000] =	vst v63  }
0x472: {  	_ = 	snop  }
0x473: {  	[hbm4b:s3+s4] =	stream.strided.scatter [tilespmem:s2], [sflag:$0x3], $0x8000, s8, s4, $0x38;
	[tilespmem:$0x10000] =	vst v63  }
0x474: {  	_ =	swait.ge [sflag:s13], $0x8000  }
0x475: {  	[sflag:s13] =	ssyncset.done $0x0  }
0x476: {  	[sflag:s13] =	ssyncadd.s32 $0xFFFF8000  }
0x477: {  	_ =	swait.ge [sflag:s12], $0x8000  }
0x478: {  	s0 =	sld [smem:$0x7E5]  }
0x479: {  	[sflag:s12] =	ssyncset.done $0x0  }
0x47a: {  	s3 =	sld [smem:$0x7E6];
	[sflag:s12] =	ssyncadd.s32 $0xFFFF8000  }
0x47b: {  	[tilespmem:s2], [sflag:$0x1] =	stream.strided.gather [hbm4b:s0+s4], $0x8000, s8, s4, $0x38;
	[tilespmem:$0x10000] =	vst v63  }
0x47c: {  	_ = 	snop  }
0x47d: {  	[hbm4b:s3+s4] =	stream.strided.scatter [tilespmem:s7], [sflag:$0x4], $0x8000, s8, s4, $0x38;
	[tilespmem:$0x10000] =	vst v63  }
0x47e: {  	_ =	swait.ge [sflag:s16], $0x8000  }
0x47f: {  	[sflag:s16] =	ssyncset.done $0x0  }
0x480: {  	[sflag:s16] =	ssyncadd.s32 $0xFFFF8000  }
0x481: {  	_ =	swait.ge [sflag:s9], $0x8000  }
0x482: {  	s0 =	sld [smem:$0x7E7]  }
0x483: {  	[sflag:s9] =	ssyncset.done $0x0  }
0x484: {  	s3 =	sld [smem:$0x7E8];
	[sflag:s9] =	ssyncadd.s32 $0xFFFF8000  }
0x485: {  	[tilespmem:s7], [sflag:$0x2] =	stream.strided.gather [hbm4b:s0+s4], $0x8000, s8, s4, $0x38;
	[tilespmem:$0x10000] =	vst v63  }
0x486: {  	_ = 	snop  }
0x487: {  	[hbm4b:s3+s4] =	stream.strided.scatter [tilespmem:s2], [sflag:$0x3], $0x8000, s8, s4, $0x38;
	[tilespmem:$0x10000] =	vst v63  }
0x488: {  	_ =	swait.ge [sflag:s13], $0x8000  }
0x489: {  	[sflag:s13] =	ssyncset.done $0x0  }
0x48a: {  	[sflag:s13] =	ssyncadd.s32 $0xFFFF8000  }
0x48b: {  	_ =	swait.ge [sflag:s12], $0x8000  }
0x48c: {  	s0 =	sld [smem:$0x7E9]  }
0x48d: {  	[sflag:s12] =	ssyncset.done $0x0  }
0x48e: {  	s3 =	sld [smem:$0x7EA];
	[sflag:s12] =	ssyncadd.s32 $0xFFFF8000  }
0x48f: {  	[tilespmem:s2], [sflag:$0x1] =	stream.strided.gather [hbm4b:s0+s4], $0x8000, s8, s4, $0x38;
	[tilespmem:$0x10000] =	vst v63  }
0x490: {  	_ = 	snop  }
0x491: {  	[hbm4b:s3+s4] =	stream.strided.scatter [tilespmem:s7], [sflag:$0x4], $0x8000, s8, s4, $0x38;
	[tilespmem:$0x10000] =	vst v63  }
0x492: {  	_ =	swait.ge [sflag:s16], $0x8000  }
0x493: {  	[sflag:s16] =	ssyncset.done $0x0  }
0x494: {  	[sflag:s16] =	ssyncadd.s32 $0xFFFF8000  }
0x495: {  	_ =	swait.ge [sflag:s9], $0x8000  }
0x496: {  	s0 =	sld [smem:$0x7EB]  }
0x497: {  	[sflag:s9] =	ssyncset.done $0x0  }
0x498: {  	s3 =	sld [smem:$0x7EC];
	[sflag:s9] =	ssyncadd.s32 $0xFFFF8000  }
0x499: {  	[tilespmem:s7], [sflag:$0x2] =	stream.strided.gather [hbm4b:s0+s4], $0x8000, s8, s4, $0x38;
	[tilespmem:$0x10000] =	vst v63  }
0x49a: {  	_ = 	snop  }
0x49b: {  	[hbm4b:s3+s4] =	stream.strided.scatter [tilespmem:s2], [sflag:$0x3], $0x8000, s8, s4, $0x38;
	[tilespmem:$0x10000] =	vst v63  }
0x49c: {  	_ =	swait.ge [sflag:s13], $0x8000  }
0x49d: {  	[sflag:s13] =	ssyncset.done $0x0  }
0x49e: {  	[sflag:s13] =	ssyncadd.s32 $0xFFFF8000  }
0x49f: {  	_ =	swait.ge [sflag:s12], $0x8000  }
0x4a0: {  	s0 =	sld [smem:$0x7ED]  }
0x4a1: {  	[sflag:s12] =	ssyncset.done $0x0  }
0x4a2: {  	s3 =	sld [smem:$0x7EE];
	[sflag:s12] =	ssyncadd.s32 $0xFFFF8000  }
0x4a3: {  	[tilespmem:s2], [sflag:$0x1] =	stream.strided.gather [hbm4b:s0+s4], $0x8000, s8, s4, $0x38;
	[tilespmem:$0x10000] =	vst v63  }
0x4a4: {  	_ = 	snop  }
0x4a5: {  	[hbm4b:s3+s4] =	stream.strided.scatter [tilespmem:s7], [sflag:$0x4], $0x8000, s8, s4, $0x38;
	[tilespmem:$0x10000] =	vst v63  }
0x4a6: {  	_ =	swait.ge [sflag:s16], $0x8000  }
0x4a7: {  	[sflag:s16] =	ssyncset.done $0x0  }
0x4a8: {  	[sflag:s16] =	ssyncadd.s32 $0xFFFF8000  }
0x4a9: {  	_ =	swait.ge [sflag:s9], $0x8000  }
0x4aa: {  	s0 =	sld [smem:$0x7EF]  }
0x4ab: {  	[sflag:s9] =	ssyncset.done $0x0  }
0x4ac: {  	s3 =	sld [smem:$0x7F0];
	[sflag:s9] =	ssyncadd.s32 $0xFFFF8000  }
0x4ad: {  	[tilespmem:s7], [sflag:$0x2] =	stream.strided.gather [hbm4b:s0+s4], $0x8000, s8, s4, $0x38;
	[tilespmem:$0x10000] =	vst v63  }
0x4ae: {  	_ = 	snop  }
0x4af: {  	[hbm4b:s3+s4] =	stream.strided.scatter [tilespmem:s2], [sflag:$0x3], $0x8000, s8, s4, $0x38;
	[tilespmem:$0x10000] =	vst v63  }
0x4b0: {  	_ =	swait.ge [sflag:s13], $0x8000  }
0x4b1: {  	[sflag:s13] =	ssyncset.done $0x0  }
0x4b2: {  	[sflag:s13] =	ssyncadd.s32 $0xFFFF8000  }
0x4b3: {  	_ =	swait.ge [sflag:s12], $0x8000  }
0x4b4: {  	s0 =	sld [smem:$0x7F1]  }
0x4b5: {  	[sflag:s12] =	ssyncset.done $0x0  }
0x4b6: {  	s3 =	sld [smem:$0x7F2];
	[sflag:s12] =	ssyncadd.s32 $0xFFFF8000  }
0x4b7: {  	[tilespmem:s2], [sflag:$0x1] =	stream.strided.gather [hbm4b:s0+s4], $0x8000, s8, s4, $0x38;
	[tilespmem:$0x10000] =	vst v63  }
0x4b8: {  	_ = 	snop  }
0x4b9: {  	[hbm4b:s3+s4] =	stream.strided.scatter [tilespmem:s7], [sflag:$0x4], $0x8000, s8, s4, $0x38;
	[tilespmem:$0x10000] =	vst v63  }
0x4ba: {  	_ =	swait.ge [sflag:s16], $0x8000  }
0x4bb: {  	[sflag:s16] =	ssyncset.done $0x0  }
0x4bc: {  	[sflag:s16] =	ssyncadd.s32 $0xFFFF8000  }
0x4bd: {  	_ =	swait.ge [sflag:s9], $0x8000  }
0x4be: {  	s0 =	sld [smem:$0x7F3]  }
0x4bf: {  	[sflag:s9] =	ssyncset.done $0x0  }
0x4c0: {  	s3 =	sld [smem:$0x7F4];
	[sflag:s9] =	ssyncadd.s32 $0xFFFF8000  }
0x4c1: {  	[tilespmem:s7], [sflag:$0x2] =	stream.strided.gather [hbm4b:s0+s4], $0x8000, s8, s4, $0x38;
	[tilespmem:$0x10000] =	vst v63  }
0x4c2: {  	_ = 	snop  }
0x4c3: {  	[hbm4b:s3+s4] =	stream.strided.scatter [tilespmem:s2], [sflag:$0x3], $0x8000, s8, s4, $0x38;
	[tilespmem:$0x10000] =	vst v63  }
0x4c4: {  	_ =	swait.ge [sflag:s13], $0x8000  }
0x4c5: {  	[sflag:s13] =	ssyncset.done $0x0  }
0x4c6: {  	[sflag:s13] =	ssyncadd.s32 $0xFFFF8000  }
0x4c7: {  	_ =	swait.ge [sflag:s12], $0x8000  }
0x4c8: {  	s0 =	sld [smem:$0x7F5]  }
0x4c9: {  	[sflag:s12] =	ssyncset.done $0x0  }
0x4ca: {  	s3 =	sld [smem:$0x7F6];
	[sflag:s12] =	ssyncadd.s32 $0xFFFF8000  }
0x4cb: {  	[tilespmem:s2], [sflag:$0x1] =	stream.strided.gather [hbm4b:s0+s4], $0x8000, s8, s4, $0x38;
	[tilespmem:$0x10000] =	vst v63  }
0x4cc: {  	_ = 	snop  }
0x4cd: {  	[hbm4b:s3+s4] =	stream.strided.scatter [tilespmem:s7], [sflag:$0x4], $0x8000, s8, s4, $0x38;
	[tilespmem:$0x10000] =	vst v63  }
0x4ce: {  	_ =	swait.ge [sflag:s16], $0x8000  }
0x4cf: {  	[sflag:s16] =	ssyncset.done $0x0  }
0x4d0: {  	[sflag:s16] =	ssyncadd.s32 $0xFFFF8000  }
0x4d1: {  	_ =	swait.ge [sflag:s9], $0x8000  }
0x4d2: {  	s0 =	sld [smem:$0x7F7]  }
0x4d3: {  	[sflag:s9] =	ssyncset.done $0x0  }
0x4d4: {  	s3 =	sld [smem:$0x7F8];
	[sflag:s9] =	ssyncadd.s32 $0xFFFF8000  }
0x4d5: {  	[tilespmem:s7], [sflag:$0x2] =	stream.strided.gather [hbm4b:s0+s4], $0x8000, s8, s4, $0x38;
	[tilespmem:$0x10000] =	vst v63  }
0x4d6: {  	_ = 	snop  }
0x4d7: {  	[hbm4b:s3+s4] =	stream.strided.scatter [tilespmem:s2], [sflag:$0x3], $0x8000, s8, s4, $0x38;
	[tilespmem:$0x10000] =	vst v63  }
0x4d8: {  	_ =	swait.ge [sflag:s13], $0x8000  }
0x4d9: {  	[sflag:s13] =	ssyncset.done $0x0  }
0x4da: {  	[sflag:s13] =	ssyncadd.s32 $0xFFFF8000  }
0x4db: {  	_ =	swait.ge [sflag:s12], $0x8000  }
0x4dc: {  	s0 =	sld [smem:$0x7F9]  }
0x4dd: {  	[sflag:s12] =	ssyncset.done $0x0  }
0x4de: {  	s3 =	sld [smem:$0x7FA];
	[sflag:s12] =	ssyncadd.s32 $0xFFFF8000  }
0x4df: {  	[tilespmem:s2], [sflag:$0x1] =	stream.strided.gather [hbm4b:s0+s4], $0x8000, s8, s4, $0x38;
	[tilespmem:$0x10000] =	vst v63  }
0x4e0: {  	_ = 	snop  }
0x4e1: {  	[hbm4b:s3+s4] =	stream.strided.scatter [tilespmem:s7], [sflag:$0x4], $0x8000, s8, s4, $0x38;
	[tilespmem:$0x10000] =	vst v63  }
0x4e2: {  	_ =	swait.ge [sflag:s16], $0x8000  }
0x4e3: {  	[sflag:s16] =	ssyncset.done $0x0  }
0x4e4: {  	[sflag:s16] =	ssyncadd.s32 $0xFFFF8000  }
0x4e5: {  	_ =	swait.ge [sflag:s9], $0x8000  }
0x4e6: {  	s0 =	sld [smem:$0x7FB]  }
0x4e7: {  	[sflag:s9] =	ssyncset.done $0x0  }
0x4e8: {  	s3 =	sld [smem:$0x7FC];
	[sflag:s9] =	ssyncadd.s32 $0xFFFF8000  }
0x4e9: {  	[tilespmem:s7], [sflag:$0x2] =	stream.strided.gather [hbm4b:s0+s4], $0x8000, s8, s4, $0x38;
	[tilespmem:$0x10000] =	vst v63  }
0x4ea: {  	_ = 	snop  }
0x4eb: {  	[hbm4b:s3+s4] =	stream.strided.scatter [tilespmem:s2], [sflag:$0x3], $0x8000, s8, s4, $0x38;
	[tilespmem:$0x10000] =	vst v63  }
0x4ec: {  	s3 =	smov.u32 s5  }
0x4ed: {  	s5 =	smov.u32 s6;
	s6 =	smov.u32 s10;
	s10 =	smov.u32 s11  }
0x4ee: {  	s11 =	smov.u32 s14;
	s14 =	smov.u32 s15;
	s15 =	smov.u32 s17  }
0x4ef: {  	s17 =	smov.u32 s18;
	s18 =	smov.u32 s19;
	s19 =	smov.u32 s20  }
0x4f0: {  	s20 =	smov.u32 s21;
	s21 =	smov.u32 s22;
	s22 =	smov.u32 s23  }
0x4f1: {  	s23 =	smov.u32 s24;
	s24 =	smov.u32 s25;
	s25 =	smov.u32 s26  }
0x4f2: {  	s26 =	smov.u32 s28;
	s28 =	smov.u32 s29;
	s29 =	smov.u32 s30  }
0x4f3: {  	s30 =	smov.u32 s31;
	s31 =	sld [smem:$0x7AE];
	_ =	swait.ge [sflag:s13], $0x8000  }
0x4f4: {  	[sflag:s13] =	ssyncset.done $0x0  }
0x4f5: {  	[sflag:s13] =	ssyncadd.s32 $0xFFFF8000  }
0x4f6: {  	_ =	swait.ge [sflag:s12], $0x8000  }
0x4f7: {  	s0 =	sld [smem:$0x7FD]  }
0x4f8: {  	[sflag:s12] =	ssyncset.done $0x0  }
0x4f9: {  	[sflag:s12] =	ssyncadd.s32 $0xFFFF8000  }
0x4fa: {  	[tilespmem:s2], [sflag:$0x1] =	stream.strided.gather [hbm4b:s0+s4], $0x8000, s8, s4, $0x38;
	[tilespmem:$0x10000] =	vst v63  }
0x4fb: {  	_ = 	snop  }
0x4fc: {  	[hbm4b:s30+s4] =	stream.strided.scatter [tilespmem:s7], [sflag:$0x4], $0x8000, s8, s4, $0x38;
	[tilespmem:$0x10000] =	vst v63  }
0x4fd: {  	_ =	swait.ge [sflag:s16], $0x8000  }
0x4fe: {  	[sflag:s16] =	ssyncset.done $0x0  }
0x4ff: {  	[sflag:s16] =	ssyncadd.s32 $0xFFFF8000  }
0x500: {  	_ =	swait.ge [sflag:s9], $0x8000  }
0x501: {  	[sflag:s9] =	ssyncset.done $0x0  }
0x502: {  	[sflag:s9] =	ssyncadd.s32 $0xFFFF8000  }
0x503: {  	[tilespmem:s7], [sflag:$0x2] =	stream.strided.gather [hbm4b:s28+s4], $0x8000, s8, s4, $0x38;
	[tilespmem:$0x10000] =	vst v63  }
0x504: {  	_ = 	snop  }
0x505: {  	[hbm4b:s29+s4] =	stream.strided.scatter [tilespmem:s2], [sflag:$0x3], $0x8000, s8, s4, $0x38;
	[tilespmem:$0x10000] =	vst v63  }
0x506: {  	_ =	swait.ge [sflag:s13], $0x8000  }
0x507: {  	[sflag:s13] =	ssyncset.done $0x0  }
0x508: {  	[sflag:s13] =	ssyncadd.s32 $0xFFFF8000  }
0x509: {  	_ =	swait.ge [sflag:s12], $0x8000  }
0x50a: {  	[sflag:s12] =	ssyncset.done $0x0  }
0x50b: {  	[sflag:s12] =	ssyncadd.s32 $0xFFFF8000  }
0x50c: {  	[tilespmem:s2], [sflag:$0x1] =	stream.strided.gather [hbm4b:s25+s4], $0x8000, s8, s4, $0x38;
	[tilespmem:$0x10000] =	vst v63  }
0x50d: {  	_ = 	snop  }
0x50e: {  	[hbm4b:s26+s4] =	stream.strided.scatter [tilespmem:s7], [sflag:$0x4], $0x8000, s8, s4, $0x38;
	[tilespmem:$0x10000] =	vst v63  }
0x50f: {  	_ =	swait.ge [sflag:s16], $0x8000  }
0x510: {  	[sflag:s16] =	ssyncset.done $0x0  }
0x511: {  	[sflag:s16] =	ssyncadd.s32 $0xFFFF8000  }
0x512: {  	_ =	swait.ge [sflag:s9], $0x8000  }
0x513: {  	[sflag:s9] =	ssyncset.done $0x0  }
0x514: {  	[sflag:s9] =	ssyncadd.s32 $0xFFFF8000  }
0x515: {  	[tilespmem:s7], [sflag:$0x2] =	stream.strided.gather [hbm4b:s23+s4], $0x8000, s8, s4, $0x38;
	[tilespmem:$0x10000] =	vst v63  }
0x516: {  	_ = 	snop  }
0x517: {  	[hbm4b:s24+s4] =	stream.strided.scatter [tilespmem:s2], [sflag:$0x3], $0x8000, s8, s4, $0x38;
	[tilespmem:$0x10000] =	vst v63  }
0x518: {  	_ =	swait.ge [sflag:s13], $0x8000  }
0x519: {  	[sflag:s13] =	ssyncset.done $0x0  }
0x51a: {  	[sflag:s13] =	ssyncadd.s32 $0xFFFF8000  }
0x51b: {  	_ =	swait.ge [sflag:s12], $0x8000  }
0x51c: {  	[sflag:s12] =	ssyncset.done $0x0  }
0x51d: {  	[sflag:s12] =	ssyncadd.s32 $0xFFFF8000  }
0x51e: {  	[tilespmem:s2], [sflag:$0x1] =	stream.strided.gather [hbm4b:s21+s4], $0x8000, s8, s4, $0x38;
	[tilespmem:$0x10000] =	vst v63  }
0x51f: {  	_ = 	snop  }
0x520: {  	[hbm4b:s22+s4] =	stream.strided.scatter [tilespmem:s7], [sflag:$0x4], $0x8000, s8, s4, $0x38;
	[tilespmem:$0x10000] =	vst v63  }
0x521: {  	_ =	swait.ge [sflag:s16], $0x8000  }
0x522: {  	[sflag:s16] =	ssyncset.done $0x0  }
0x523: {  	[sflag:s16] =	ssyncadd.s32 $0xFFFF8000  }
0x524: {  	_ =	swait.ge [sflag:s9], $0x8000  }
0x525: {  	[sflag:s9] =	ssyncset.done $0x0  }
0x526: {  	[sflag:s9] =	ssyncadd.s32 $0xFFFF8000  }
0x527: {  	[tilespmem:s7], [sflag:$0x2] =	stream.strided.gather [hbm4b:s19+s4], $0x8000, s8, s4, $0x38;
	[tilespmem:$0x10000] =	vst v63  }
0x528: {  	_ = 	snop  }
0x529: {  	[hbm4b:s20+s4] =	stream.strided.scatter [tilespmem:s2], [sflag:$0x3], $0x8000, s8, s4, $0x38;
	[tilespmem:$0x10000] =	vst v63  }
0x52a: {  	_ =	swait.ge [sflag:s13], $0x8000  }
0x52b: {  	[sflag:s13] =	ssyncset.done $0x0  }
0x52c: {  	[sflag:s13] =	ssyncadd.s32 $0xFFFF8000  }
0x52d: {  	_ =	swait.ge [sflag:s12], $0x8000  }
0x52e: {  	[sflag:s12] =	ssyncset.done $0x0  }
0x52f: {  	[sflag:s12] =	ssyncadd.s32 $0xFFFF8000  }
0x530: {  	[tilespmem:s2], [sflag:$0x1] =	stream.strided.gather [hbm4b:s17+s4], $0x8000, s8, s4, $0x38;
	[tilespmem:$0x10000] =	vst v63  }
0x531: {  	_ = 	snop  }
0x532: {  	[hbm4b:s18+s4] =	stream.strided.scatter [tilespmem:s7], [sflag:$0x4], $0x8000, s8, s4, $0x38;
	[tilespmem:$0x10000] =	vst v63  }
0x533: {  	_ =	swait.ge [sflag:s16], $0x8000  }
0x534: {  	[sflag:s16] =	ssyncset.done $0x0  }
0x535: {  	[sflag:s16] =	ssyncadd.s32 $0xFFFF8000  }
0x536: {  	_ =	swait.ge [sflag:s9], $0x8000  }
0x537: {  	[sflag:s9] =	ssyncset.done $0x0  }
0x538: {  	[sflag:s9] =	ssyncadd.s32 $0xFFFF8000  }
0x539: {  	[tilespmem:s7], [sflag:$0x2] =	stream.strided.gather [hbm4b:s14+s4], $0x8000, s8, s4, $0x38;
	[tilespmem:$0x10000] =	vst v63  }
0x53a: {  	_ = 	snop  }
0x53b: {  	[hbm4b:s15+s4] =	stream.strided.scatter [tilespmem:s2], [sflag:$0x3], $0x8000, s8, s4, $0x38;
	[tilespmem:$0x10000] =	vst v63  }
0x53c: {  	_ =	swait.ge [sflag:s13], $0x8000  }
0x53d: {  	[sflag:s13] =	ssyncset.done $0x0  }
0x53e: {  	[sflag:s13] =	ssyncadd.s32 $0xFFFF8000  }
0x53f: {  	_ =	swait.ge [sflag:s12], $0x8000  }
0x540: {  	[sflag:s12] =	ssyncset.done $0x0  }
0x541: {  	[sflag:s12] =	ssyncadd.s32 $0xFFFF8000  }
0x542: {  	[tilespmem:s2], [sflag:$0x1] =	stream.strided.gather [hbm4b:s10+s4], $0x8000, s8, s4, $0x38;
	[tilespmem:$0x10000] =	vst v63  }
0x543: {  	_ = 	snop  }
0x544: {  	[hbm4b:s11+s4] =	stream.strided.scatter [tilespmem:s7], [sflag:$0x4], $0x8000, s8, s4, $0x38;
	[tilespmem:$0x10000] =	vst v63  }
0x545: {  	_ =	swait.ge [sflag:s16], $0x8000  }
0x546: {  	[sflag:s16] =	ssyncset.done $0x0  }
0x547: {  	[sflag:s16] =	ssyncadd.s32 $0xFFFF8000  }
0x548: {  	_ =	swait.ge [sflag:s9], $0x8000  }
0x549: {  	[sflag:s9] =	ssyncset.done $0x0  }
0x54a: {  	[sflag:s9] =	ssyncadd.s32 $0xFFFF8000  }
0x54b: {  	[tilespmem:s7], [sflag:$0x2] =	stream.strided.gather [hbm4b:s5+s4], $0x8000, s8, s4, $0x38;
	[tilespmem:$0x10000] =	vst v63  }
0x54c: {  	_ = 	snop  }
0x54d: {  	[hbm4b:s6+s4] =	stream.strided.scatter [tilespmem:s2], [sflag:$0x3], $0x8000, s8, s4, $0x38;
	[tilespmem:$0x10000] =	vst v63  }
0x54e: {  	_ =	swait.ge [sflag:s13], $0x8000  }
0x54f: {  	[sflag:s13] =	ssyncset.done $0x0  }
0x550: {  	[sflag:s13] =	ssyncadd.s32 $0xFFFF8000  }
0x551: {  	p1 =	sne.s32 s1, $0x1;
	_ =	swait.ge [sflag:s12], $0x8000  }
.Ltmp2:
0x552: {  	[sflag:s12] =	ssyncset.done $0x0;
	(pc) =	sbr.rel @p1 .LBB2_2-.Ltmp2, $4  }
0x553: {  	[sflag:s12] =	ssyncadd.s32 $0xFFFF8000  }
0x554: {  	[hbm4b:s3+s4] =	stream.strided.scatter [tilespmem:s7], [sflag:$0x4], $0x8000, s8, s4, $0x38;
	[tilespmem:$0x10000] =	vst v63  }
0x555: {  	_ =	swait.ge [sflag:s9], $0x8000  }
0x556: {  	s1 =	sadd.s32 $0xFFFFFFFF, s1;
	s0 =	rddreg [dreg:$0x4];
	[sflag:s9] =	ssyncset.done $0x0  }
.LBB2_3:
0x557: {  	[sflag:s9] =	ssyncadd.s32 @p0 $0xFFFF8000  }
0x558: {  	[tilespmem:s2], [sflag:$0x1] =	stream.strided.gather [hbm4b:s0+s4], $0x8000, s7, s4, $0x38;
	[tilespmem:$0x10000] =	vst v63  }
0x559: {  	_ =	swait.ge [sflag:s16], $0x8000  }
0x55a: {  	[sflag:s16] =	ssyncset.done $0x0  }
0x55b: {  	s1 =	rddreg [dreg:$0x5];
	[sflag:s16] =	ssyncadd.s32 $0xFFFF8000  }
0x55c: {  	[tilespmem:s7], [sflag:$0x2] =	stream.strided.gather [hbm4b:s1+s4], $0x8000, s7, s4, $0x38;
	[tilespmem:$0x10000] =	vst v63  }
0x55d: {  	_ = 	snop  }
0x55e: {  	[hbm4b:s31+s4] =	stream.strided.scatter [tilespmem:s2], [sflag:$0x3], $0x8000, s8, s4, $0x38;
	[tilespmem:$0x10000] =	vst v63  }
0x55f: {  	_ =	swait.ge [sflag:s13], $0x8000  }
0x560: {  	[sflag:s13] =	ssyncset.done $0x0  }
0x561: {  	[sflag:s13] =	ssyncadd.s32 $0xFFFF8000  }
0x562: {  	_ =	swait.ge [sflag:s12], $0x8000  }
0x563: {  	[sflag:s12] =	ssyncset.done $0x0  }
0x564: {  	s31 =	rddreg [dreg:$0x6];
	[sflag:s12] =	ssyncadd.s32 $0xFFFF8000  }
0x565: {  	[tilespmem:s2], [sflag:$0x1] =	stream.strided.gather [hbm4b:s31+s4], $0x8000, s7, s4, $0x38;
	[tilespmem:$0x10000] =	vst v63  }
0x566: {  	s1 =	rddreg [dreg:$0x7]  }
0x567: {  	[hbm4b:s1+s4] =	stream.strided.scatter [tilespmem:s7], [sflag:$0x4], $0x8000, s8, s4, $0x38;
	[tilespmem:$0x10000] =	vst v63  }
0x568: {  	_ =	swait.ge [sflag:s16], $0x8000  }
0x569: {  	[sflag:s16] =	ssyncset.done $0x0  }
0x56a: {  	[sflag:s16] =	ssyncadd.s32 $0xFFFF8000  }
0x56b: {  	_ =	swait.ge [sflag:s9], $0x8000  }
0x56c: {  	[sflag:s9] =	ssyncset.done $0x0  }
0x56d: {  	s1 =	rddreg [dreg:$0x8];
	[sflag:s9] =	ssyncadd.s32 $0xFFFF8000  }
0x56e: {  	[tilespmem:s7], [sflag:$0x2] =	stream.strided.gather [hbm4b:s1+s4], $0x8000, s7, s4, $0x38;
	[tilespmem:$0x10000] =	vst v63  }
0x56f: {  	s31 =	rddreg [dreg:$0x9]  }
0x570: {  	[hbm4b:s31+s4] =	stream.strided.scatter [tilespmem:s2], [sflag:$0x3], $0x8000, s8, s4, $0x38;
	[tilespmem:$0x10000] =	vst v63  }
0x571: {  	_ =	swait.ge [sflag:s13], $0x8000  }
0x572: {  	[sflag:s13] =	ssyncset.done $0x0  }
0x573: {  	[sflag:s13] =	ssyncadd.s32 $0xFFFF8000  }
0x574: {  	_ =	swait.ge [sflag:s12], $0x8000  }
0x575: {  	[sflag:s12] =	ssyncset.done $0x0  }
0x576: {  	s1 =	rddreg [dreg:$0xa];
	[sflag:s12] =	ssyncadd.s32 $0xFFFF8000  }
0x577: {  	[tilespmem:s2], [sflag:$0x1] =	stream.strided.gather [hbm4b:s1+s4], $0x8000, s8, s4, $0x38;
	[tilespmem:$0x10000] =	vst v63  }
0x578: {  	s31 =	rddreg [dreg:$0xb]  }
0x579: {  	[hbm4b:s31+s4] =	stream.strided.scatter [tilespmem:s7], [sflag:$0x4], $0x8000, s8, s4, $0x38;
	[tilespmem:$0x10000] =	vst v63  }
0x57a: {  	_ =	swait.ge [sflag:s16], $0x8000  }
0x57b: {  	[sflag:s16] =	ssyncset.done $0x0  }
0x57c: {  	[sflag:s16] =	ssyncadd.s32 $0xFFFF8000  }
0x57d: {  	_ =	swait.ge [sflag:s9], $0x8000  }
0x57e: {  	[sflag:s9] =	ssyncset.done $0x0  }
0x57f: {  	s1 =	rddreg [dreg:$0xc];
	[sflag:s9] =	ssyncadd.s32 $0xFFFF8000  }
0x580: {  	[tilespmem:s7], [sflag:$0x2] =	stream.strided.gather [hbm4b:s1+s4], $0x8000, s8, s4, $0x38;
	[tilespmem:$0x10000] =	vst v63  }
0x581: {  	s31 =	rddreg [dreg:$0xd]  }
0x582: {  	[hbm4b:s31+s4] =	stream.strided.scatter [tilespmem:s2], [sflag:$0x3], $0x8000, s8, s4, $0x38;
	[tilespmem:$0x10000] =	vst v63  }
0x583: {  	_ =	swait.ge [sflag:s13], $0x8000  }
0x584: {  	[sflag:s13] =	ssyncset.done $0x0  }
0x585: {  	[sflag:s13] =	ssyncadd.s32 $0xFFFF8000  }
0x586: {  	_ =	swait.ge [sflag:s12], $0x8000  }
0x587: {  	[sflag:s12] =	ssyncset.done $0x0  }
0x588: {  	s1 =	rddreg [dreg:$0xe];
	[sflag:s12] =	ssyncadd.s32 $0xFFFF8000  }
0x589: {  	[tilespmem:s2], [sflag:$0x1] =	stream.strided.gather [hbm4b:s1+s4], $0x8000, s8, s4, $0x38;
	[tilespmem:$0x10000] =	vst v63  }
0x58a: {  	s31 =	rddreg [dreg:$0xf]  }
0x58b: {  	[hbm4b:s31+s4] =	stream.strided.scatter [tilespmem:s7], [sflag:$0x4], $0x8000, s8, s4, $0x38;
	[tilespmem:$0x10000] =	vst v63  }
0x58c: {  	_ =	swait.ge [sflag:s16], $0x8000  }
0x58d: {  	[sflag:s16] =	ssyncset.done $0x0  }
0x58e: {  	[sflag:s16] =	ssyncadd.s32 $0xFFFF8000  }
0x58f: {  	_ =	swait.ge [sflag:s9], $0x8000  }
0x590: {  	[sflag:s9] =	ssyncset.done $0x0  }
0x591: {  	s1 =	rddreg [dreg:$0x10];
	[sflag:s9] =	ssyncadd.s32 $0xFFFF8000  }
0x592: {  	[tilespmem:s7], [sflag:$0x2] =	stream.strided.gather [hbm4b:s1+s4], $0x8000, s8, s4, $0x38;
	[tilespmem:$0x10000] =	vst v63  }
0x593: {  	s31 =	rddreg [dreg:$0x11]  }
0x594: {  	[hbm4b:s31+s4] =	stream.strided.scatter [tilespmem:s2], [sflag:$0x3], $0x8000, s8, s4, $0x38;
	[tilespmem:$0x10000] =	vst v63  }
0x595: {  	_ =	swait.ge [sflag:s13], $0x8000  }
0x596: {  	[sflag:s13] =	ssyncset.done $0x0  }
0x597: {  	[sflag:s13] =	ssyncadd.s32 $0xFFFF8000  }
0x598: {  	_ =	swait.ge [sflag:s12], $0x8000  }
0x599: {  	[sflag:s12] =	ssyncset.done $0x0  }
0x59a: {  	s1 =	rddreg [dreg:$0x12];
	[sflag:s12] =	ssyncadd.s32 $0xFFFF8000  }
0x59b: {  	[tilespmem:s2], [sflag:$0x1] =	stream.strided.gather [hbm4b:s1+s4], $0x8000, s8, s4, $0x38;
	[tilespmem:$0x10000] =	vst v63  }
0x59c: {  	s31 =	rddreg [dreg:$0x13]  }
0x59d: {  	[hbm4b:s31+s4] =	stream.strided.scatter [tilespmem:s7], [sflag:$0x4], $0x8000, s8, s4, $0x38;
	[tilespmem:$0x10000] =	vst v63  }
0x59e: {  	_ =	swait.ge [sflag:s16], $0x8000  }
0x59f: {  	[sflag:s16] =	ssyncset.done $0x0  }
0x5a0: {  	[sflag:s16] =	ssyncadd.s32 $0xFFFF8000  }
0x5a1: {  	_ =	swait.ge [sflag:s9], $0x8000  }
0x5a2: {  	[sflag:s9] =	ssyncset.done $0x0  }
0x5a3: {  	s1 =	rddreg [dreg:$0x14];
	[sflag:s9] =	ssyncadd.s32 $0xFFFF8000  }
0x5a4: {  	[tilespmem:s7], [sflag:$0x2] =	stream.strided.gather [hbm4b:s1+s4], $0x8000, s8, s4, $0x38;
	[tilespmem:$0x10000] =	vst v63  }
0x5a5: {  	s31 =	rddreg [dreg:$0x15]  }
0x5a6: {  	[hbm4b:s31+s4] =	stream.strided.scatter [tilespmem:s2], [sflag:$0x3], $0x8000, s8, s4, $0x38;
	[tilespmem:$0x10000] =	vst v63  }
0x5a7: {  	_ =	swait.ge [sflag:s13], $0x8000  }
0x5a8: {  	[sflag:s13] =	ssyncset.done $0x0  }
0x5a9: {  	[sflag:s13] =	ssyncadd.s32 $0xFFFF8000  }
0x5aa: {  	_ =	swait.ge [sflag:s12], $0x8000  }
0x5ab: {  	[sflag:s12] =	ssyncset.done $0x0  }
0x5ac: {  	s1 =	rddreg [dreg:$0x16];
	[sflag:s12] =	ssyncadd.s32 $0xFFFF8000  }
0x5ad: {  	[tilespmem:s2], [sflag:$0x1] =	stream.strided.gather [hbm4b:s1+s4], $0x8000, s8, s4, $0x38;
	[tilespmem:$0x10000] =	vst v63  }
0x5ae: {  	s31 =	rddreg [dreg:$0x17]  }
0x5af: {  	[hbm4b:s31+s4] =	stream.strided.scatter [tilespmem:s7], [sflag:$0x4], $0x8000, s8, s4, $0x38;
	[tilespmem:$0x10000] =	vst v63  }
0x5b0: {  	_ =	swait.ge [sflag:s16], $0x8000  }
0x5b1: {  	[sflag:s16] =	ssyncset.done $0x0  }
0x5b2: {  	[sflag:s16] =	ssyncadd.s32 $0xFFFF8000  }
0x5b3: {  	_ =	swait.ge [sflag:s9], $0x8000  }
0x5b4: {  	[sflag:s9] =	ssyncset.done $0x0  }
0x5b5: {  	s1 =	rddreg [dreg:$0x18];
	[sflag:s9] =	ssyncadd.s32 $0xFFFF8000  }
0x5b6: {  	[tilespmem:s7], [sflag:$0x2] =	stream.strided.gather [hbm4b:s1+s4], $0x8000, s8, s4, $0x38;
	[tilespmem:$0x10000] =	vst v63  }
0x5b7: {  	s31 =	rddreg [dreg:$0x19]  }
0x5b8: {  	[hbm4b:s31+s4] =	stream.strided.scatter [tilespmem:s2], [sflag:$0x3], $0x8000, s8, s4, $0x38;
	[tilespmem:$0x10000] =	vst v63  }
0x5b9: {  	_ =	swait.ge [sflag:s13], $0x8000  }
0x5ba: {  	[sflag:s13] =	ssyncset.done $0x0  }
0x5bb: {  	[sflag:s13] =	ssyncadd.s32 $0xFFFF8000  }
0x5bc: {  	_ =	swait.ge [sflag:s12], $0x8000  }
0x5bd: {  	[sflag:s12] =	ssyncset.done $0x0  }
0x5be: {  	s1 =	rddreg [dreg:$0x1a];
	[sflag:s12] =	ssyncadd.s32 $0xFFFF8000  }
0x5bf: {  	[tilespmem:s2], [sflag:$0x1] =	stream.strided.gather [hbm4b:s1+s4], $0x8000, s8, s4, $0x38;
	[tilespmem:$0x10000] =	vst v63  }
0x5c0: {  	s31 =	rddreg [dreg:$0x1b]  }
0x5c1: {  	[hbm4b:s31+s4] =	stream.strided.scatter [tilespmem:s7], [sflag:$0x4], $0x8000, s8, s4, $0x38;
	[tilespmem:$0x10000] =	vst v63  }
0x5c2: {  	_ =	swait.ge [sflag:s16], $0x8000  }
0x5c3: {  	[sflag:s16] =	ssyncset.done $0x0  }
0x5c4: {  	[sflag:s16] =	ssyncadd.s32 $0xFFFF8000  }
0x5c5: {  	_ =	swait.ge [sflag:s9], $0x8000  }
0x5c6: {  	[sflag:s9] =	ssyncset.done $0x0  }
0x5c7: {  	s1 =	rddreg [dreg:$0x1c];
	[sflag:s9] =	ssyncadd.s32 $0xFFFF8000  }
0x5c8: {  	[tilespmem:s7], [sflag:$0x2] =	stream.strided.gather [hbm4b:s1+s4], $0x8000, s8, s4, $0x38;
	[tilespmem:$0x10000] =	vst v63  }
0x5c9: {  	s31 =	rddreg [dreg:$0x1d]  }
0x5ca: {  	[hbm4b:s31+s4] =	stream.strided.scatter [tilespmem:s2], [sflag:$0x3], $0x8000, s8, s4, $0x38;
	[tilespmem:$0x10000] =	vst v63  }
0x5cb: {  	_ =	swait.ge [sflag:s13], $0x8000  }
0x5cc: {  	[sflag:s13] =	ssyncset.done $0x0  }
0x5cd: {  	[sflag:s13] =	ssyncadd.s32 $0xFFFF8000  }
0x5ce: {  	_ =	swait.ge [sflag:s12], $0x8000  }
0x5cf: {  	[sflag:s12] =	ssyncset.done $0x0  }
0x5d0: {  	s1 =	rddreg [dreg:$0x1e];
	[sflag:s12] =	ssyncadd.s32 $0xFFFF8000  }
0x5d1: {  	[tilespmem:s2], [sflag:$0x1] =	stream.strided.gather [hbm4b:s1+s4], $0x8000, s8, s4, $0x38;
	[tilespmem:$0x10000] =	vst v63  }
0x5d2: {  	s31 =	rddreg [dreg:$0x1f]  }
0x5d3: {  	[hbm4b:s31+s4] =	stream.strided.scatter [tilespmem:s7], [sflag:$0x4], $0x8000, s8, s4, $0x38;
	[tilespmem:$0x10000] =	vst v63  }
0x5d4: {  	_ =	swait.ge [sflag:s16], $0x8000  }
0x5d5: {  	[sflag:s16] =	ssyncset.done $0x0  }
0x5d6: {  	[sflag:s16] =	ssyncadd.s32 $0xFFFF8000  }
0x5d7: {  	_ =	swait.ge [sflag:s9], $0x8000  }
0x5d8: {  	s1 =	sld [smem:$0x7AF]  }
0x5d9: {  	[sflag:s9] =	ssyncset.done $0x0  }
0x5da: {  	s31 =	sld [smem:$0x7B0];
	[sflag:s9] =	ssyncadd.s32 $0xFFFF8000  }
0x5db: {  	[tilespmem:s7], [sflag:$0x2] =	stream.strided.gather [hbm4b:s1+s4], $0x8000, s8, s4, $0x38;
	[tilespmem:$0x10000] =	vst v63  }
0x5dc: {  	_ = 	snop  }
0x5dd: {  	[hbm4b:s31+s4] =	stream.strided.scatter [tilespmem:s2], [sflag:$0x3], $0x8000, s8, s4, $0x38;
	[tilespmem:$0x10000] =	vst v63  }
0x5de: {  	_ =	swait.ge [sflag:s13], $0x8000  }
0x5df: {  	[sflag:s13] =	ssyncset.done $0x0  }
0x5e0: {  	[sflag:s13] =	ssyncadd.s32 $0xFFFF8000  }
0x5e1: {  	_ =	swait.ge [sflag:s12], $0x8000  }
0x5e2: {  	s1 =	sld [smem:$0x7B1]  }
0x5e3: {  	[sflag:s12] =	ssyncset.done $0x0  }
0x5e4: {  	s31 =	sld [smem:$0x7B2];
	[sflag:s12] =	ssyncadd.s32 $0xFFFF8000  }
0x5e5: {  	[tilespmem:s2], [sflag:$0x1] =	stream.strided.gather [hbm4b:s1+s4], $0x8000, s8, s4, $0x38;
	[tilespmem:$0x10000] =	vst v63  }
0x5e6: {  	_ = 	snop  }
0x5e7: {  	[hbm4b:s31+s4] =	stream.strided.scatter [tilespmem:s7], [sflag:$0x4], $0x8000, s8, s4, $0x38;
	[tilespmem:$0x10000] =	vst v63  }
0x5e8: {  	_ =	swait.ge [sflag:s16], $0x8000  }
0x5e9: {  	[sflag:s16] =	ssyncset.done $0x0  }
0x5ea: {  	[sflag:s16] =	ssyncadd.s32 $0xFFFF8000  }
0x5eb: {  	_ =	swait.ge [sflag:s9], $0x8000  }
0x5ec: {  	s1 =	sld [smem:$0x7B3]  }
0x5ed: {  	[sflag:s9] =	ssyncset.done $0x0  }
0x5ee: {  	s31 =	sld [smem:$0x7B4];
	[sflag:s9] =	ssyncadd.s32 $0xFFFF8000  }
0x5ef: {  	[tilespmem:s7], [sflag:$0x2] =	stream.strided.gather [hbm4b:s1+s4], $0x8000, s8, s4, $0x38;
	[tilespmem:$0x10000] =	vst v63  }
0x5f0: {  	_ = 	snop  }
0x5f1: {  	[hbm4b:s31+s4] =	stream.strided.scatter [tilespmem:s2], [sflag:$0x3], $0x8000, s8, s4, $0x38;
	[tilespmem:$0x10000] =	vst v63  }
0x5f2: {  	_ =	swait.ge [sflag:s13], $0x8000  }
0x5f3: {  	[sflag:s13] =	ssyncset.done $0x0  }
0x5f4: {  	[sflag:s13] =	ssyncadd.s32 $0xFFFF8000  }
0x5f5: {  	_ =	swait.ge [sflag:s12], $0x8000  }
0x5f6: {  	s1 =	sld [smem:$0x7B5]  }
0x5f7: {  	[sflag:s12] =	ssyncset.done $0x0  }
0x5f8: {  	s31 =	sld [smem:$0x7B6];
	[sflag:s12] =	ssyncadd.s32 $0xFFFF8000  }
0x5f9: {  	[tilespmem:s2], [sflag:$0x1] =	stream.strided.gather [hbm4b:s1+s4], $0x8000, s8, s4, $0x38;
	[tilespmem:$0x10000] =	vst v63  }
0x5fa: {  	_ = 	snop  }
0x5fb: {  	[hbm4b:s31+s4] =	stream.strided.scatter [tilespmem:s7], [sflag:$0x4], $0x8000, s8, s4, $0x38;
	[tilespmem:$0x10000] =	vst v63  }
0x5fc: {  	_ =	swait.ge [sflag:s16], $0x8000  }
0x5fd: {  	[sflag:s16] =	ssyncset.done $0x0  }
0x5fe: {  	[sflag:s16] =	ssyncadd.s32 $0xFFFF8000  }
0x5ff: {  	_ =	swait.ge [sflag:s9], $0x8000  }
0x600: {  	s1 =	sld [smem:$0x7B7]  }
0x601: {  	[sflag:s9] =	ssyncset.done $0x0  }
0x602: {  	s31 =	sld [smem:$0x7B8];
	[sflag:s9] =	ssyncadd.s32 $0xFFFF8000  }
0x603: {  	[tilespmem:s7], [sflag:$0x2] =	stream.strided.gather [hbm4b:s1+s4], $0x8000, s8, s4, $0x38;
	[tilespmem:$0x10000] =	vst v63  }
0x604: {  	_ = 	snop  }
0x605: {  	[hbm4b:s31+s4] =	stream.strided.scatter [tilespmem:s2], [sflag:$0x3], $0x8000, s8, s4, $0x38;
	[tilespmem:$0x10000] =	vst v63  }
0x606: {  	_ =	swait.ge [sflag:s13], $0x8000  }
0x607: {  	[sflag:s13] =	ssyncset.done $0x0  }
0x608: {  	[sflag:s13] =	ssyncadd.s32 $0xFFFF8000  }
0x609: {  	_ =	swait.ge [sflag:s12], $0x8000  }
0x60a: {  	s1 =	sld [smem:$0x7B9]  }
0x60b: {  	[sflag:s12] =	ssyncset.done $0x0  }
0x60c: {  	s31 =	sld [smem:$0x7BA];
	[sflag:s12] =	ssyncadd.s32 $0xFFFF8000  }
0x60d: {  	[tilespmem:s2], [sflag:$0x1] =	stream.strided.gather [hbm4b:s1+s4], $0x8000, s8, s4, $0x38;
	[tilespmem:$0x10000] =	vst v63  }
0x60e: {  	_ = 	snop  }
0x60f: {  	[hbm4b:s31+s4] =	stream.strided.scatter [tilespmem:s7], [sflag:$0x4], $0x8000, s8, s4, $0x38;
	[tilespmem:$0x10000] =	vst v63  }
0x610: {  	_ =	swait.ge [sflag:s16], $0x8000  }
0x611: {  	[sflag:s16] =	ssyncset.done $0x0  }
0x612: {  	[sflag:s16] =	ssyncadd.s32 $0xFFFF8000  }
0x613: {  	_ =	swait.ge [sflag:s9], $0x8000  }
0x614: {  	s1 =	sld [smem:$0x7BB]  }
0x615: {  	[sflag:s9] =	ssyncset.done $0x0  }
0x616: {  	s31 =	sld [smem:$0x7BC];
	[sflag:s9] =	ssyncadd.s32 $0xFFFF8000  }
0x617: {  	[tilespmem:s7], [sflag:$0x2] =	stream.strided.gather [hbm4b:s1+s4], $0x8000, s8, s4, $0x38;
	[tilespmem:$0x10000] =	vst v63  }
0x618: {  	_ = 	snop  }
0x619: {  	[hbm4b:s31+s4] =	stream.strided.scatter [tilespmem:s2], [sflag:$0x3], $0x8000, s8, s4, $0x38;
	[tilespmem:$0x10000] =	vst v63  }
0x61a: {  	_ =	swait.ge [sflag:s13], $0x8000  }
0x61b: {  	[sflag:s13] =	ssyncset.done $0x0  }
0x61c: {  	[sflag:s13] =	ssyncadd.s32 $0xFFFF8000  }
0x61d: {  	_ =	swait.ge [sflag:s12], $0x8000  }
0x61e: {  	s1 =	sld [smem:$0x7BD]  }
0x61f: {  	[sflag:s12] =	ssyncset.done $0x0  }
0x620: {  	s31 =	sld [smem:$0x7BE];
	[sflag:s12] =	ssyncadd.s32 $0xFFFF8000  }
0x621: {  	[tilespmem:s2], [sflag:$0x1] =	stream.strided.gather [hbm4b:s1+s4], $0x8000, s8, s4, $0x38;
	[tilespmem:$0x10000] =	vst v63  }
0x622: {  	_ = 	snop  }
0x623: {  	[hbm4b:s31+s4] =	stream.strided.scatter [tilespmem:s7], [sflag:$0x4], $0x8000, s8, s4, $0x38;
	[tilespmem:$0x10000] =	vst v63  }
0x624: {  	_ =	swait.ge [sflag:s16], $0x8000  }
0x625: {  	[sflag:s16] =	ssyncset.done $0x0  }
0x626: {  	[sflag:s16] =	ssyncadd.s32 $0xFFFF8000  }
0x627: {  	_ =	swait.ge [sflag:s9], $0x8000  }
0x628: {  	s1 =	sld [smem:$0x7BF]  }
0x629: {  	[sflag:s9] =	ssyncset.done $0x0  }
0x62a: {  	s31 =	sld [smem:$0x7C0];
	[sflag:s9] =	ssyncadd.s32 $0xFFFF8000  }
0x62b: {  	[tilespmem:s7], [sflag:$0x2] =	stream.strided.gather [hbm4b:s1+s4], $0x8000, s8, s4, $0x38;
	[tilespmem:$0x10000] =	vst v63  }
0x62c: {  	_ = 	snop  }
0x62d: {  	[hbm4b:s31+s4] =	stream.strided.scatter [tilespmem:s2], [sflag:$0x3], $0x8000, s8, s4, $0x38;
	[tilespmem:$0x10000] =	vst v63  }
0x62e: {  	_ =	swait.ge [sflag:s13], $0x8000  }
0x62f: {  	[sflag:s13] =	ssyncset.done $0x0  }
0x630: {  	[sflag:s13] =	ssyncadd.s32 $0xFFFF8000  }
0x631: {  	_ =	swait.ge [sflag:s12], $0x8000  }
0x632: {  	s1 =	sld [smem:$0x7C1]  }
0x633: {  	[sflag:s12] =	ssyncset.done $0x0  }
0x634: {  	s31 =	sld [smem:$0x7C2];
	[sflag:s12] =	ssyncadd.s32 $0xFFFF8000  }
0x635: {  	[tilespmem:s2], [sflag:$0x1] =	stream.strided.gather [hbm4b:s1+s4], $0x8000, s8, s4, $0x38;
	[tilespmem:$0x10000] =	vst v63  }
0x636: {  	_ = 	snop  }
0x637: {  	[hbm4b:s31+s4] =	stream.strided.scatter [tilespmem:s7], [sflag:$0x4], $0x8000, s8, s4, $0x38;
	[tilespmem:$0x10000] =	vst v63  }
0x638: {  	_ =	swait.ge [sflag:s16], $0x8000  }
0x639: {  	[sflag:s16] =	ssyncset.done $0x0  }
0x63a: {  	[sflag:s16] =	ssyncadd.s32 $0xFFFF8000  }
0x63b: {  	_ =	swait.ge [sflag:s9], $0x8000  }
0x63c: {  	s1 =	sld [smem:$0x7C3]  }
0x63d: {  	[sflag:s9] =	ssyncset.done $0x0  }
0x63e: {  	s31 =	sld [smem:$0x7C4];
	[sflag:s9] =	ssyncadd.s32 $0xFFFF8000  }
0x63f: {  	[tilespmem:s7], [sflag:$0x2] =	stream.strided.gather [hbm4b:s1+s4], $0x8000, s8, s4, $0x38;
	[tilespmem:$0x10000] =	vst v63  }
0x640: {  	_ = 	snop  }
0x641: {  	[hbm4b:s31+s4] =	stream.strided.scatter [tilespmem:s2], [sflag:$0x3], $0x8000, s8, s4, $0x38;
	[tilespmem:$0x10000] =	vst v63  }
0x642: {  	_ =	swait.ge [sflag:s13], $0x8000  }
0x643: {  	[sflag:s13] =	ssyncset.done $0x0  }
0x644: {  	[sflag:s13] =	ssyncadd.s32 $0xFFFF8000  }
0x645: {  	_ =	swait.ge [sflag:s12], $0x8000  }
0x646: {  	s1 =	sld [smem:$0x7C5]  }
0x647: {  	[sflag:s12] =	ssyncset.done $0x0  }
0x648: {  	s31 =	sld [smem:$0x7C6];
	[sflag:s12] =	ssyncadd.s32 $0xFFFF8000  }
0x649: {  	[tilespmem:s2], [sflag:$0x1] =	stream.strided.gather [hbm4b:s1+s4], $0x8000, s8, s4, $0x38;
	[tilespmem:$0x10000] =	vst v63  }
0x64a: {  	_ = 	snop  }
0x64b: {  	[hbm4b:s31+s4] =	stream.strided.scatter [tilespmem:s7], [sflag:$0x4], $0x8000, s8, s4, $0x38;
	[tilespmem:$0x10000] =	vst v63  }
0x64c: {  	_ =	swait.ge [sflag:s16], $0x8000  }
0x64d: {  	[sflag:s16] =	ssyncset.done $0x0  }
0x64e: {  	[sflag:s16] =	ssyncadd.s32 $0xFFFF8000  }
0x64f: {  	_ =	swait.ge [sflag:s9], $0x8000  }
0x650: {  	s1 =	sld [smem:$0x7C7]  }
0x651: {  	[sflag:s9] =	ssyncset.done $0x0  }
0x652: {  	s31 =	sld [smem:$0x7C8];
	[sflag:s9] =	ssyncadd.s32 $0xFFFF8000  }
0x653: {  	[tilespmem:s7], [sflag:$0x2] =	stream.strided.gather [hbm4b:s1+s4], $0x8000, s8, s4, $0x38;
	[tilespmem:$0x10000] =	vst v63  }
0x654: {  	_ = 	snop  }
0x655: {  	[hbm4b:s31+s4] =	stream.strided.scatter [tilespmem:s2], [sflag:$0x3], $0x8000, s8, s4, $0x38;
	[tilespmem:$0x10000] =	vst v63  }
0x656: {  	_ =	swait.ge [sflag:s13], $0x8000  }
0x657: {  	[sflag:s13] =	ssyncset.done $0x0  }
0x658: {  	[sflag:s13] =	ssyncadd.s32 $0xFFFF8000  }
0x659: {  	_ =	swait.ge [sflag:s12], $0x8000  }
0x65a: {  	s1 =	sld [smem:$0x7C9]  }
0x65b: {  	[sflag:s12] =	ssyncset.done $0x0  }
0x65c: {  	s31 =	sld [smem:$0x7CA];
	[sflag:s12] =	ssyncadd.s32 $0xFFFF8000  }
0x65d: {  	[tilespmem:s2], [sflag:$0x1] =	stream.strided.gather [hbm4b:s1+s4], $0x8000, s8, s4, $0x38;
	[tilespmem:$0x10000] =	vst v63  }
0x65e: {  	_ = 	snop  }
0x65f: {  	[hbm4b:s31+s4] =	stream.strided.scatter [tilespmem:s7], [sflag:$0x4], $0x8000, s8, s4, $0x38;
	[tilespmem:$0x10000] =	vst v63  }
0x660: {  	_ =	swait.ge [sflag:s16], $0x8000  }
0x661: {  	[sflag:s16] =	ssyncset.done $0x0  }
0x662: {  	[sflag:s16] =	ssyncadd.s32 $0xFFFF8000  }
0x663: {  	_ =	swait.ge [sflag:s9], $0x8000  }
0x664: {  	s1 =	sld [smem:$0x7CB]  }
0x665: {  	[sflag:s9] =	ssyncset.done $0x0  }
0x666: {  	s31 =	sld [smem:$0x7CC];
	[sflag:s9] =	ssyncadd.s32 $0xFFFF8000  }
0x667: {  	[tilespmem:s7], [sflag:$0x2] =	stream.strided.gather [hbm4b:s1+s4], $0x8000, s8, s4, $0x38;
	[tilespmem:$0x10000] =	vst v63  }
0x668: {  	_ = 	snop  }
0x669: {  	[hbm4b:s31+s4] =	stream.strided.scatter [tilespmem:s2], [sflag:$0x3], $0x8000, s8, s4, $0x38;
	[tilespmem:$0x10000] =	vst v63  }
0x66a: {  	_ =	swait.ge [sflag:s13], $0x8000  }
0x66b: {  	[sflag:s13] =	ssyncset.done $0x0  }
0x66c: {  	[sflag:s13] =	ssyncadd.s32 $0xFFFF8000  }
0x66d: {  	_ =	swait.ge [sflag:s12], $0x8000  }
0x66e: {  	s1 =	sld [smem:$0x7CD]  }
0x66f: {  	[sflag:s12] =	ssyncset.done $0x0  }
0x670: {  	s31 =	sld [smem:$0x7CE];
	[sflag:s12] =	ssyncadd.s32 $0xFFFF8000  }
0x671: {  	[tilespmem:s2], [sflag:$0x1] =	stream.strided.gather [hbm4b:s1+s4], $0x8000, s8, s4, $0x38;
	[tilespmem:$0x10000] =	vst v63  }
0x672: {  	_ = 	snop  }
0x673: {  	[hbm4b:s31+s4] =	stream.strided.scatter [tilespmem:s7], [sflag:$0x4], $0x8000, s8, s4, $0x38;
	[tilespmem:$0x10000] =	vst v63  }
0x674: {  	_ =	swait.ge [sflag:s16], $0x8000  }
0x675: {  	[sflag:s16] =	ssyncset.done $0x0  }
0x676: {  	[sflag:s16] =	ssyncadd.s32 $0xFFFF8000  }
0x677: {  	_ =	swait.ge [sflag:s9], $0x8000  }
0x678: {  	s1 =	sld [smem:$0x7CF]  }
0x679: {  	[sflag:s9] =	ssyncset.done $0x0  }
0x67a: {  	s31 =	sld [smem:$0x7D0];
	[sflag:s9] =	ssyncadd.s32 $0xFFFF8000  }
0x67b: {  	[tilespmem:s7], [sflag:$0x2] =	stream.strided.gather [hbm4b:s1+s4], $0x8000, s8, s4, $0x38;
	[tilespmem:$0x10000] =	vst v63  }
0x67c: {  	_ = 	snop  }
0x67d: {  	[hbm4b:s31+s4] =	stream.strided.scatter [tilespmem:s2], [sflag:$0x3], $0x8000, s8, s4, $0x38;
	[tilespmem:$0x10000] =	vst v63  }
0x67e: {  	_ =	swait.ge [sflag:s13], $0x8000  }
0x67f: {  	[sflag:s13] =	ssyncset.done $0x0  }
0x680: {  	[sflag:s13] =	ssyncadd.s32 $0xFFFF8000  }
0x681: {  	_ =	swait.ge [sflag:s12], $0x8000  }
0x682: {  	s1 =	sld [smem:$0x7D1]  }
0x683: {  	[sflag:s12] =	ssyncset.done $0x0  }
0x684: {  	s31 =	sld [smem:$0x7D2];
	[sflag:s12] =	ssyncadd.s32 $0xFFFF8000  }
0x685: {  	[tilespmem:s2], [sflag:$0x1] =	stream.strided.gather [hbm4b:s1+s4], $0x8000, s8, s4, $0x38;
	[tilespmem:$0x10000] =	vst v63  }
0x686: {  	_ = 	snop  }
0x687: {  	[hbm4b:s31+s4] =	stream.strided.scatter [tilespmem:s7], [sflag:$0x4], $0x8000, s8, s4, $0x38;
	[tilespmem:$0x10000] =	vst v63  }
0x688: {  	_ =	swait.ge [sflag:s16], $0x8000  }
0x689: {  	[sflag:s16] =	ssyncset.done $0x0  }
0x68a: {  	[sflag:s16] =	ssyncadd.s32 $0xFFFF8000  }
0x68b: {  	_ =	swait.ge [sflag:s9], $0x8000  }
0x68c: {  	s1 =	sld [smem:$0x7D3]  }
0x68d: {  	[sflag:s9] =	ssyncset.done $0x0  }
0x68e: {  	s31 =	sld [smem:$0x7D4];
	[sflag:s9] =	ssyncadd.s32 $0xFFFF8000  }
0x68f: {  	[tilespmem:s7], [sflag:$0x2] =	stream.strided.gather [hbm4b:s1+s4], $0x8000, s8, s4, $0x38;
	[tilespmem:$0x10000] =	vst v63  }
0x690: {  	_ = 	snop  }
0x691: {  	[hbm4b:s31+s4] =	stream.strided.scatter [tilespmem:s2], [sflag:$0x3], $0x8000, s8, s4, $0x38;
	[tilespmem:$0x10000] =	vst v63  }
0x692: {  	_ =	swait.ge [sflag:s13], $0x8000  }
0x693: {  	[sflag:s13] =	ssyncset.done $0x0  }
0x694: {  	[sflag:s13] =	ssyncadd.s32 $0xFFFF8000  }
0x695: {  	_ =	swait.ge [sflag:s12], $0x8000  }
0x696: {  	s1 =	sld [smem:$0x7D5]  }
0x697: {  	[sflag:s12] =	ssyncset.done $0x0  }
0x698: {  	s31 =	sld [smem:$0x7D6];
	[sflag:s12] =	ssyncadd.s32 $0xFFFF8000  }
0x699: {  	[tilespmem:s2], [sflag:$0x1] =	stream.strided.gather [hbm4b:s1+s4], $0x8000, s8, s4, $0x38;
	[tilespmem:$0x10000] =	vst v63  }
0x69a: {  	_ = 	snop  }
0x69b: {  	[hbm4b:s31+s4] =	stream.strided.scatter [tilespmem:s7], [sflag:$0x4], $0x8000, s8, s4, $0x38;
	[tilespmem:$0x10000] =	vst v63  }
0x69c: {  	_ =	swait.ge [sflag:s16], $0x8000  }
0x69d: {  	[sflag:s16] =	ssyncset.done $0x0  }
0x69e: {  	[sflag:s16] =	ssyncadd.s32 $0xFFFF8000  }
0x69f: {  	_ =	swait.ge [sflag:s9], $0x8000  }
0x6a0: {  	s1 =	sld [smem:$0x7D7]  }
0x6a1: {  	[sflag:s9] =	ssyncset.done $0x0  }
0x6a2: {  	s31 =	sld [smem:$0x7D8];
	[sflag:s9] =	ssyncadd.s32 $0xFFFF8000  }
0x6a3: {  	[tilespmem:s7], [sflag:$0x2] =	stream.strided.gather [hbm4b:s1+s4], $0x8000, s8, s4, $0x38;
	[tilespmem:$0x10000] =	vst v63  }
0x6a4: {  	_ = 	snop  }
0x6a5: {  	[hbm4b:s31+s4] =	stream.strided.scatter [tilespmem:s2], [sflag:$0x3], $0x8000, s8, s4, $0x38;
	[tilespmem:$0x10000] =	vst v63  }
0x6a6: {  	_ =	swait.ge [sflag:s13], $0x8000  }
0x6a7: {  	[sflag:s13] =	ssyncset.done $0x0  }
0x6a8: {  	[sflag:s13] =	ssyncadd.s32 $0xFFFF8000  }
0x6a9: {  	_ =	swait.ge [sflag:s12], $0x8000  }
0x6aa: {  	s1 =	sld [smem:$0x7D9]  }
0x6ab: {  	[sflag:s12] =	ssyncset.done $0x0  }
0x6ac: {  	s31 =	sld [smem:$0x7DA];
	[sflag:s12] =	ssyncadd.s32 $0xFFFF8000  }
0x6ad: {  	[tilespmem:s2], [sflag:$0x1] =	stream.strided.gather [hbm4b:s1+s4], $0x8000, s8, s4, $0x38;
	[tilespmem:$0x10000] =	vst v63  }
0x6ae: {  	_ = 	snop  }
0x6af: {  	[hbm4b:s31+s4] =	stream.strided.scatter [tilespmem:s7], [sflag:$0x4], $0x8000, s8, s4, $0x38;
	[tilespmem:$0x10000] =	vst v63  }
0x6b0: {  	_ =	swait.ge [sflag:s16], $0x8000  }
0x6b1: {  	[sflag:s16] =	ssyncset.done $0x0  }
0x6b2: {  	[sflag:s16] =	ssyncadd.s32 $0xFFFF8000  }
0x6b3: {  	_ =	swait.ge [sflag:s9], $0x8000  }
0x6b4: {  	s1 =	sld [smem:$0x7DB]  }
0x6b5: {  	[sflag:s9] =	ssyncset.done $0x0  }
0x6b6: {  	s31 =	sld [smem:$0x7DC];
	[sflag:s9] =	ssyncadd.s32 $0xFFFF8000  }
0x6b7: {  	[tilespmem:s7], [sflag:$0x2] =	stream.strided.gather [hbm4b:s1+s4], $0x8000, s8, s4, $0x38;
	[tilespmem:$0x10000] =	vst v63  }
0x6b8: {  	_ = 	snop  }
0x6b9: {  	[hbm4b:s31+s4] =	stream.strided.scatter [tilespmem:s2], [sflag:$0x3], $0x8000, s8, s4, $0x38;
	[tilespmem:$0x10000] =	vst v63  }
0x6ba: {  	_ =	swait.ge [sflag:s13], $0x8000  }
0x6bb: {  	[sflag:s13] =	ssyncset.done $0x0  }
0x6bc: {  	[sflag:s13] =	ssyncadd.s32 $0xFFFF8000  }
0x6bd: {  	_ =	swait.ge [sflag:s12], $0x8000  }
0x6be: {  	s1 =	sld [smem:$0x7DD]  }
0x6bf: {  	[sflag:s12] =	ssyncset.done $0x0  }
0x6c0: {  	s31 =	sld [smem:$0x7DE];
	[sflag:s12] =	ssyncadd.s32 $0xFFFF8000  }
0x6c1: {  	[tilespmem:s2], [sflag:$0x1] =	stream.strided.gather [hbm4b:s1+s4], $0x8000, s8, s4, $0x38;
	[tilespmem:$0x10000] =	vst v63  }
0x6c2: {  	_ = 	snop  }
0x6c3: {  	[hbm4b:s31+s4] =	stream.strided.scatter [tilespmem:s7], [sflag:$0x4], $0x8000, s8, s4, $0x38;
	[tilespmem:$0x10000] =	vst v63  }
0x6c4: {  	_ =	swait.ge [sflag:s16], $0x8000  }
0x6c5: {  	[sflag:s16] =	ssyncset.done $0x0  }
0x6c6: {  	[sflag:s16] =	ssyncadd.s32 $0xFFFF8000  }
0x6c7: {  	_ =	swait.ge [sflag:s9], $0x8000  }
0x6c8: {  	s1 =	sld [smem:$0x7DF]  }
0x6c9: {  	[sflag:s9] =	ssyncset.done $0x0  }
0x6ca: {  	s31 =	sld [smem:$0x7E0];
	[sflag:s9] =	ssyncadd.s32 $0xFFFF8000  }
0x6cb: {  	[tilespmem:s7], [sflag:$0x2] =	stream.strided.gather [hbm4b:s1+s4], $0x8000, s8, s4, $0x38;
	[tilespmem:$0x10000] =	vst v63  }
0x6cc: {  	_ = 	snop  }
0x6cd: {  	[hbm4b:s31+s4] =	stream.strided.scatter [tilespmem:s2], [sflag:$0x3], $0x8000, s8, s4, $0x38;
	[tilespmem:$0x10000] =	vst v63  }
0x6ce: {  	_ =	swait.ge [sflag:s13], $0x8000  }
0x6cf: {  	[sflag:s13] =	ssyncset.done $0x0  }
0x6d0: {  	[sflag:s13] =	ssyncadd.s32 $0xFFFF8000  }
0x6d1: {  	_ =	swait.ge [sflag:s12], $0x8000  }
0x6d2: {  	s1 =	sld [smem:$0x7E1]  }
0x6d3: {  	[sflag:s12] =	ssyncset.done $0x0  }
0x6d4: {  	s31 =	sld [smem:$0x7E2];
	[sflag:s12] =	ssyncadd.s32 $0xFFFF8000  }
0x6d5: {  	[tilespmem:s2], [sflag:$0x1] =	stream.strided.gather [hbm4b:s1+s4], $0x8000, s8, s4, $0x38;
	[tilespmem:$0x10000] =	vst v63  }
0x6d6: {  	_ = 	snop  }
0x6d7: {  	[hbm4b:s31+s4] =	stream.strided.scatter [tilespmem:s7], [sflag:$0x4], $0x8000, s8, s4, $0x38;
	[tilespmem:$0x10000] =	vst v63  }
0x6d8: {  	_ =	swait.ge [sflag:s16], $0x8000  }
0x6d9: {  	[sflag:s16] =	ssyncset.done $0x0  }
0x6da: {  	[sflag:s16] =	ssyncadd.s32 $0xFFFF8000  }
0x6db: {  	_ =	swait.ge [sflag:s9], $0x8000  }
0x6dc: {  	s1 =	sld [smem:$0x7E3]  }
0x6dd: {  	[sflag:s9] =	ssyncset.done $0x0  }
0x6de: {  	s31 =	sld [smem:$0x7E4];
	[sflag:s9] =	ssyncadd.s32 $0xFFFF8000  }
0x6df: {  	[tilespmem:s7], [sflag:$0x2] =	stream.strided.gather [hbm4b:s1+s4], $0x8000, s8, s4, $0x38;
	[tilespmem:$0x10000] =	vst v63  }
0x6e0: {  	_ = 	snop  }
0x6e1: {  	[hbm4b:s31+s4] =	stream.strided.scatter [tilespmem:s2], [sflag:$0x3], $0x8000, s8, s4, $0x38;
	[tilespmem:$0x10000] =	vst v63  }
0x6e2: {  	_ =	swait.ge [sflag:s13], $0x8000  }
0x6e3: {  	[sflag:s13] =	ssyncset.done $0x0  }
0x6e4: {  	[sflag:s13] =	ssyncadd.s32 $0xFFFF8000  }
0x6e5: {  	_ =	swait.ge [sflag:s12], $0x8000  }
0x6e6: {  	s1 =	sld [smem:$0x7E5]  }
0x6e7: {  	[sflag:s12] =	ssyncset.done $0x0  }
0x6e8: {  	s31 =	sld [smem:$0x7E6];
	[sflag:s12] =	ssyncadd.s32 $0xFFFF8000  }
0x6e9: {  	[tilespmem:s2], [sflag:$0x1] =	stream.strided.gather [hbm4b:s1+s4], $0x8000, s8, s4, $0x38;
	[tilespmem:$0x10000] =	vst v63  }
0x6ea: {  	_ = 	snop  }
0x6eb: {  	[hbm4b:s31+s4] =	stream.strided.scatter [tilespmem:s7], [sflag:$0x4], $0x8000, s8, s4, $0x38;
	[tilespmem:$0x10000] =	vst v63  }
0x6ec: {  	_ =	swait.ge [sflag:s16], $0x8000  }
0x6ed: {  	[sflag:s16] =	ssyncset.done $0x0  }
0x6ee: {  	[sflag:s16] =	ssyncadd.s32 $0xFFFF8000  }
0x6ef: {  	_ =	swait.ge [sflag:s9], $0x8000  }
0x6f0: {  	s1 =	sld [smem:$0x7E7]  }
0x6f1: {  	[sflag:s9] =	ssyncset.done $0x0  }
0x6f2: {  	s31 =	sld [smem:$0x7E8];
	[sflag:s9] =	ssyncadd.s32 $0xFFFF8000  }
0x6f3: {  	[tilespmem:s7], [sflag:$0x2] =	stream.strided.gather [hbm4b:s1+s4], $0x8000, s8, s4, $0x38;
	[tilespmem:$0x10000] =	vst v63  }
0x6f4: {  	_ = 	snop  }
0x6f5: {  	[hbm4b:s31+s4] =	stream.strided.scatter [tilespmem:s2], [sflag:$0x3], $0x8000, s8, s4, $0x38;
	[tilespmem:$0x10000] =	vst v63  }
0x6f6: {  	_ =	swait.ge [sflag:s13], $0x8000  }
0x6f7: {  	[sflag:s13] =	ssyncset.done $0x0  }
0x6f8: {  	[sflag:s13] =	ssyncadd.s32 $0xFFFF8000  }
0x6f9: {  	_ =	swait.ge [sflag:s12], $0x8000  }
0x6fa: {  	s1 =	sld [smem:$0x7E9]  }
0x6fb: {  	[sflag:s12] =	ssyncset.done $0x0  }
0x6fc: {  	s31 =	sld [smem:$0x7EA];
	[sflag:s12] =	ssyncadd.s32 $0xFFFF8000  }
0x6fd: {  	[tilespmem:s2], [sflag:$0x1] =	stream.strided.gather [hbm4b:s1+s4], $0x8000, s8, s4, $0x38;
	[tilespmem:$0x10000] =	vst v63  }
0x6fe: {  	_ = 	snop  }
0x6ff: {  	[hbm4b:s31+s4] =	stream.strided.scatter [tilespmem:s7], [sflag:$0x4], $0x8000, s8, s4, $0x38;
	[tilespmem:$0x10000] =	vst v63  }
0x700: {  	_ =	swait.ge [sflag:s16], $0x8000  }
0x701: {  	[sflag:s16] =	ssyncset.done $0x0  }
0x702: {  	[sflag:s16] =	ssyncadd.s32 $0xFFFF8000  }
0x703: {  	_ =	swait.ge [sflag:s9], $0x8000  }
0x704: {  	s1 =	sld [smem:$0x7EB]  }
0x705: {  	[sflag:s9] =	ssyncset.done $0x0  }
0x706: {  	s31 =	sld [smem:$0x7EC];
	[sflag:s9] =	ssyncadd.s32 $0xFFFF8000  }
0x707: {  	[tilespmem:s7], [sflag:$0x2] =	stream.strided.gather [hbm4b:s1+s4], $0x8000, s8, s4, $0x38;
	[tilespmem:$0x10000] =	vst v63  }
0x708: {  	_ = 	snop  }
0x709: {  	[hbm4b:s31+s4] =	stream.strided.scatter [tilespmem:s2], [sflag:$0x3], $0x8000, s8, s4, $0x38;
	[tilespmem:$0x10000] =	vst v63  }
0x70a: {  	_ =	swait.ge [sflag:s13], $0x8000  }
0x70b: {  	[sflag:s13] =	ssyncset.done $0x0  }
0x70c: {  	[sflag:s13] =	ssyncadd.s32 $0xFFFF8000  }
0x70d: {  	_ =	swait.ge [sflag:s12], $0x8000  }
0x70e: {  	s1 =	sld [smem:$0x7ED]  }
0x70f: {  	[sflag:s12] =	ssyncset.done $0x0  }
0x710: {  	s31 =	sld [smem:$0x7EE];
	[sflag:s12] =	ssyncadd.s32 $0xFFFF8000  }
0x711: {  	[tilespmem:s2], [sflag:$0x1] =	stream.strided.gather [hbm4b:s1+s4], $0x8000, s8, s4, $0x38;
	[tilespmem:$0x10000] =	vst v63  }
0x712: {  	_ = 	snop  }
0x713: {  	[hbm4b:s31+s4] =	stream.strided.scatter [tilespmem:s7], [sflag:$0x4], $0x8000, s8, s4, $0x38;
	[tilespmem:$0x10000] =	vst v63  }
0x714: {  	_ =	swait.ge [sflag:s16], $0x8000  }
0x715: {  	[sflag:s16] =	ssyncset.done $0x0  }
0x716: {  	[sflag:s16] =	ssyncadd.s32 $0xFFFF8000  }
0x717: {  	_ =	swait.ge [sflag:s9], $0x8000  }
0x718: {  	s1 =	sld [smem:$0x7EF]  }
0x719: {  	[sflag:s9] =	ssyncset.done $0x0  }
0x71a: {  	s31 =	sld [smem:$0x7F0];
	[sflag:s9] =	ssyncadd.s32 $0xFFFF8000  }
0x71b: {  	[tilespmem:s7], [sflag:$0x2] =	stream.strided.gather [hbm4b:s1+s4], $0x8000, s8, s4, $0x38;
	[tilespmem:$0x10000] =	vst v63  }
0x71c: {  	_ = 	snop  }
0x71d: {  	[hbm4b:s31+s4] =	stream.strided.scatter [tilespmem:s2], [sflag:$0x3], $0x8000, s8, s4, $0x38;
	[tilespmem:$0x10000] =	vst v63  }
0x71e: {  	_ =	swait.ge [sflag:s13], $0x8000  }
0x71f: {  	[sflag:s13] =	ssyncset.done $0x0  }
0x720: {  	[sflag:s13] =	ssyncadd.s32 $0xFFFF8000  }
0x721: {  	_ =	swait.ge [sflag:s12], $0x8000  }
0x722: {  	s1 =	sld [smem:$0x7F1]  }
0x723: {  	[sflag:s12] =	ssyncset.done $0x0  }
0x724: {  	s31 =	sld [smem:$0x7F2];
	[sflag:s12] =	ssyncadd.s32 $0xFFFF8000  }
0x725: {  	[tilespmem:s2], [sflag:$0x1] =	stream.strided.gather [hbm4b:s1+s4], $0x8000, s8, s4, $0x38;
	[tilespmem:$0x10000] =	vst v63  }
0x726: {  	_ = 	snop  }
0x727: {  	[hbm4b:s31+s4] =	stream.strided.scatter [tilespmem:s7], [sflag:$0x4], $0x8000, s8, s4, $0x38;
	[tilespmem:$0x10000] =	vst v63  }
0x728: {  	_ =	swait.ge [sflag:s16], $0x8000  }
0x729: {  	[sflag:s16] =	ssyncset.done $0x0  }
0x72a: {  	[sflag:s16] =	ssyncadd.s32 $0xFFFF8000  }
0x72b: {  	_ =	swait.ge [sflag:s9], $0x8000  }
0x72c: {  	s1 =	sld [smem:$0x7F3]  }
0x72d: {  	[sflag:s9] =	ssyncset.done $0x0  }
0x72e: {  	s31 =	sld [smem:$0x7F4];
	[sflag:s9] =	ssyncadd.s32 $0xFFFF8000  }
0x72f: {  	[tilespmem:s7], [sflag:$0x2] =	stream.strided.gather [hbm4b:s1+s4], $0x8000, s8, s4, $0x38;
	[tilespmem:$0x10000] =	vst v63  }
0x730: {  	_ = 	snop  }
0x731: {  	[hbm4b:s31+s4] =	stream.strided.scatter [tilespmem:s2], [sflag:$0x3], $0x8000, s8, s4, $0x38;
	[tilespmem:$0x10000] =	vst v63  }
0x732: {  	_ =	swait.ge [sflag:s13], $0x8000  }
0x733: {  	[sflag:s13] =	ssyncset.done $0x0  }
0x734: {  	[sflag:s13] =	ssyncadd.s32 $0xFFFF8000  }
0x735: {  	_ =	swait.ge [sflag:s12], $0x8000  }
0x736: {  	s1 =	sld [smem:$0x7F5]  }
0x737: {  	[sflag:s12] =	ssyncset.done $0x0  }
0x738: {  	s31 =	sld [smem:$0x7F6];
	[sflag:s12] =	ssyncadd.s32 $0xFFFF8000  }
0x739: {  	[tilespmem:s2], [sflag:$0x1] =	stream.strided.gather [hbm4b:s1+s4], $0x8000, s8, s4, $0x38;
	[tilespmem:$0x10000] =	vst v63  }
0x73a: {  	_ = 	snop  }
0x73b: {  	[hbm4b:s31+s4] =	stream.strided.scatter [tilespmem:s7], [sflag:$0x4], $0x8000, s8, s4, $0x38;
	[tilespmem:$0x10000] =	vst v63  }
0x73c: {  	_ =	swait.ge [sflag:s16], $0x8000  }
0x73d: {  	[sflag:s16] =	ssyncset.done $0x0  }
0x73e: {  	[sflag:s16] =	ssyncadd.s32 $0xFFFF8000  }
0x73f: {  	_ =	swait.ge [sflag:s9], $0x8000  }
0x740: {  	s1 =	sld [smem:$0x7F7]  }
0x741: {  	[sflag:s9] =	ssyncset.done $0x0  }
0x742: {  	s31 =	sld [smem:$0x7F8];
	[sflag:s9] =	ssyncadd.s32 $0xFFFF8000  }
0x743: {  	[tilespmem:s7], [sflag:$0x2] =	stream.strided.gather [hbm4b:s1+s4], $0x8000, s8, s4, $0x38;
	[tilespmem:$0x10000] =	vst v63  }
0x744: {  	_ = 	snop  }
0x745: {  	[hbm4b:s31+s4] =	stream.strided.scatter [tilespmem:s2], [sflag:$0x3], $0x8000, s8, s4, $0x38;
	[tilespmem:$0x10000] =	vst v63  }
0x746: {  	_ =	swait.ge [sflag:s13], $0x8000  }
0x747: {  	[sflag:s13] =	ssyncset.done $0x0  }
0x748: {  	[sflag:s13] =	ssyncadd.s32 $0xFFFF8000  }
0x749: {  	_ =	swait.ge [sflag:s12], $0x8000  }
0x74a: {  	s1 =	sld [smem:$0x7F9]  }
0x74b: {  	[sflag:s12] =	ssyncset.done $0x0  }
0x74c: {  	s31 =	sld [smem:$0x7FA];
	[sflag:s12] =	ssyncadd.s32 $0xFFFF8000  }
0x74d: {  	[tilespmem:s2], [sflag:$0x1] =	stream.strided.gather [hbm4b:s1+s4], $0x8000, s8, s4, $0x38;
	[tilespmem:$0x10000] =	vst v63  }
0x74e: {  	_ = 	snop  }
0x74f: {  	[hbm4b:s31+s4] =	stream.strided.scatter [tilespmem:s7], [sflag:$0x4], $0x8000, s8, s4, $0x38;
	[tilespmem:$0x10000] =	vst v63  }
0x750: {  	_ =	swait.ge [sflag:s16], $0x8000  }
0x751: {  	[sflag:s16] =	ssyncset.done $0x0  }
0x752: {  	[sflag:s16] =	ssyncadd.s32 $0xFFFF8000  }
0x753: {  	_ =	swait.ge [sflag:s9], $0x8000  }
0x754: {  	s1 =	sld [smem:$0x7FB]  }
0x755: {  	[sflag:s9] =	ssyncset.done $0x0  }
0x756: {  	s31 =	sld [smem:$0x7FC];
	[sflag:s9] =	ssyncadd.s32 $0xFFFF8000  }
0x757: {  	[tilespmem:s7], [sflag:$0x2] =	stream.strided.gather [hbm4b:s1+s4], $0x8000, s8, s4, $0x38;
	[tilespmem:$0x10000] =	vst v63  }
0x758: {  	_ = 	snop  }
0x759: {  	[hbm4b:s31+s4] =	stream.strided.scatter [tilespmem:s2], [sflag:$0x3], $0x8000, s8, s4, $0x38;
	[tilespmem:$0x10000] =	vst v63  }
0x75a: {  	_ =	swait.ge [sflag:s13], $0x8000  }
0x75b: {  	[sflag:s13] =	ssyncset.done $0x0  }
0x75c: {  	[sflag:s13] =	ssyncadd.s32 $0xFFFF8000  }
0x75d: {  	_ =	swait.ge [sflag:s12], $0x8000  }
0x75e: {  	s1 =	sld [smem:$0x7FD]  }
0x75f: {  	[sflag:s12] =	ssyncset.done $0x0  }
0x760: {  	[sflag:s12] =	ssyncadd.s32 $0xFFFF8000  }
0x761: {  	[tilespmem:s2], [sflag:$0x1] =	stream.strided.gather [hbm4b:s1+s4], $0x8000, s8, s4, $0x38;
	[tilespmem:$0x10000] =	vst v63  }
0x762: {  	_ = 	snop  }
0x763: {  	[hbm4b:s30+s4] =	stream.strided.scatter [tilespmem:s7], [sflag:$0x4], $0x8000, s8, s4, $0x38;
	[tilespmem:$0x10000] =	vst v63  }
0x764: {  	_ =	swait.ge [sflag:s16], $0x8000  }
0x765: {  	[sflag:s16] =	ssyncset.done $0x0  }
0x766: {  	[sflag:s16] =	ssyncadd.s32 $0xFFFF8000  }
0x767: {  	_ =	swait.ge [sflag:s9], $0x8000  }
0x768: {  	[sflag:s9] =	ssyncset.done $0x0  }
0x769: {  	[sflag:s9] =	ssyncadd.s32 $0xFFFF8000  }
0x76a: {  	[tilespmem:s7], [sflag:$0x2] =	stream.strided.gather [hbm4b:s28+s4], $0x8000, s8, s4, $0x38;
	[tilespmem:$0x10000] =	vst v63  }
0x76b: {  	_ = 	snop  }
0x76c: {  	[hbm4b:s29+s4] =	stream.strided.scatter [tilespmem:s2], [sflag:$0x3], $0x8000, s8, s4, $0x38;
	[tilespmem:$0x10000] =	vst v63  }
0x76d: {  	_ =	swait.ge [sflag:s13], $0x8000  }
0x76e: {  	[sflag:s13] =	ssyncset.done $0x0  }
0x76f: {  	[sflag:s13] =	ssyncadd.s32 $0xFFFF8000  }
0x770: {  	_ =	swait.ge [sflag:s12], $0x8000  }
0x771: {  	[sflag:s12] =	ssyncset.done $0x0  }
0x772: {  	[sflag:s12] =	ssyncadd.s32 $0xFFFF8000  }
0x773: {  	[tilespmem:s2], [sflag:$0x1] =	stream.strided.gather [hbm4b:s25+s4], $0x8000, s8, s4, $0x38;
	[tilespmem:$0x10000] =	vst v63  }
0x774: {  	_ = 	snop  }
0x775: {  	[hbm4b:s26+s4] =	stream.strided.scatter [tilespmem:s7], [sflag:$0x4], $0x8000, s8, s4, $0x38;
	[tilespmem:$0x10000] =	vst v63  }
0x776: {  	_ =	swait.ge [sflag:s16], $0x8000  }
0x777: {  	[sflag:s16] =	ssyncset.done $0x0  }
0x778: {  	[sflag:s16] =	ssyncadd.s32 $0xFFFF8000  }
0x779: {  	_ =	swait.ge [sflag:s9], $0x8000  }
0x77a: {  	[sflag:s9] =	ssyncset.done $0x0  }
0x77b: {  	[sflag:s9] =	ssyncadd.s32 $0xFFFF8000  }
0x77c: {  	[tilespmem:s7], [sflag:$0x2] =	stream.strided.gather [hbm4b:s23+s4], $0x8000, s8, s4, $0x38;
	[tilespmem:$0x10000] =	vst v63  }
0x77d: {  	_ = 	snop  }
0x77e: {  	[hbm4b:s24+s4] =	stream.strided.scatter [tilespmem:s2], [sflag:$0x3], $0x8000, s8, s4, $0x38;
	[tilespmem:$0x10000] =	vst v63  }
0x77f: {  	_ =	swait.ge [sflag:s13], $0x8000  }
0x780: {  	[sflag:s13] =	ssyncset.done $0x0  }
0x781: {  	[sflag:s13] =	ssyncadd.s32 $0xFFFF8000  }
0x782: {  	_ =	swait.ge [sflag:s12], $0x8000  }
0x783: {  	[sflag:s12] =	ssyncset.done $0x0  }
0x784: {  	[sflag:s12] =	ssyncadd.s32 $0xFFFF8000  }
0x785: {  	[tilespmem:s2], [sflag:$0x1] =	stream.strided.gather [hbm4b:s21+s4], $0x8000, s8, s4, $0x38;
	[tilespmem:$0x10000] =	vst v63  }
0x786: {  	_ = 	snop  }
0x787: {  	[hbm4b:s22+s4] =	stream.strided.scatter [tilespmem:s7], [sflag:$0x4], $0x8000, s8, s4, $0x38;
	[tilespmem:$0x10000] =	vst v63  }
0x788: {  	_ =	swait.ge [sflag:s16], $0x8000  }
0x789: {  	[sflag:s16] =	ssyncset.done $0x0  }
0x78a: {  	[sflag:s16] =	ssyncadd.s32 $0xFFFF8000  }
0x78b: {  	_ =	swait.ge [sflag:s9], $0x8000  }
0x78c: {  	[sflag:s9] =	ssyncset.done $0x0  }
0x78d: {  	[sflag:s9] =	ssyncadd.s32 $0xFFFF8000  }
0x78e: {  	[tilespmem:s7], [sflag:$0x2] =	stream.strided.gather [hbm4b:s19+s4], $0x8000, s8, s4, $0x38;
	[tilespmem:$0x10000] =	vst v63  }
0x78f: {  	_ = 	snop  }
0x790: {  	[hbm4b:s20+s4] =	stream.strided.scatter [tilespmem:s2], [sflag:$0x3], $0x8000, s8, s4, $0x38;
	[tilespmem:$0x10000] =	vst v63  }
0x791: {  	_ =	swait.ge [sflag:s13], $0x8000  }
0x792: {  	[sflag:s13] =	ssyncset.done $0x0  }
0x793: {  	[sflag:s13] =	ssyncadd.s32 $0xFFFF8000  }
0x794: {  	_ =	swait.ge [sflag:s12], $0x8000  }
0x795: {  	[sflag:s12] =	ssyncset.done $0x0  }
0x796: {  	[sflag:s12] =	ssyncadd.s32 $0xFFFF8000  }
0x797: {  	[tilespmem:s2], [sflag:$0x1] =	stream.strided.gather [hbm4b:s17+s4], $0x8000, s8, s4, $0x38;
	[tilespmem:$0x10000] =	vst v63  }
0x798: {  	_ = 	snop  }
0x799: {  	[hbm4b:s18+s4] =	stream.strided.scatter [tilespmem:s7], [sflag:$0x4], $0x8000, s8, s4, $0x38;
	[tilespmem:$0x10000] =	vst v63  }
0x79a: {  	_ =	swait.ge [sflag:s16], $0x8000  }
0x79b: {  	[sflag:s16] =	ssyncset.done $0x0  }
0x79c: {  	[sflag:s16] =	ssyncadd.s32 $0xFFFF8000  }
0x79d: {  	_ =	swait.ge [sflag:s9], $0x8000  }
0x79e: {  	[sflag:s9] =	ssyncset.done $0x0  }
0x79f: {  	[sflag:s9] =	ssyncadd.s32 $0xFFFF8000  }
0x7a0: {  	[tilespmem:s7], [sflag:$0x2] =	stream.strided.gather [hbm4b:s14+s4], $0x8000, s8, s4, $0x38;
	[tilespmem:$0x10000] =	vst v63  }
0x7a1: {  	_ = 	snop  }
0x7a2: {  	[hbm4b:s15+s4] =	stream.strided.scatter [tilespmem:s2], [sflag:$0x3], $0x8000, s8, s4, $0x38;
	[tilespmem:$0x10000] =	vst v63  }
0x7a3: {  	_ =	swait.ge [sflag:s13], $0x8000  }
0x7a4: {  	[sflag:s13] =	ssyncset.done $0x0  }
0x7a5: {  	[sflag:s13] =	ssyncadd.s32 $0xFFFF8000  }
0x7a6: {  	_ =	swait.ge [sflag:s12], $0x8000  }
0x7a7: {  	[sflag:s12] =	ssyncset.done $0x0  }
0x7a8: {  	[sflag:s12] =	ssyncadd.s32 $0xFFFF8000  }
0x7a9: {  	[tilespmem:s2], [sflag:$0x1] =	stream.strided.gather [hbm4b:s10+s4], $0x8000, s8, s4, $0x38;
	[tilespmem:$0x10000] =	vst v63  }
0x7aa: {  	_ = 	snop  }
0x7ab: {  	[hbm4b:s11+s4] =	stream.strided.scatter [tilespmem:s7], [sflag:$0x4], $0x8000, s8, s4, $0x38;
	[tilespmem:$0x10000] =	vst v63  }
0x7ac: {  	_ =	swait.ge [sflag:s16], $0x8000  }
0x7ad: {  	[sflag:s16] =	ssyncset.done $0x0  }
0x7ae: {  	[sflag:s16] =	ssyncadd.s32 $0xFFFF8000  }
0x7af: {  	_ =	swait.ge [sflag:s9], $0x8000  }
0x7b0: {  	[sflag:s9] =	ssyncset.done $0x0  }
0x7b1: {  	[sflag:s9] =	ssyncadd.s32 $0xFFFF8000  }
0x7b2: {  	[tilespmem:s7], [sflag:$0x2] =	stream.strided.gather [hbm4b:s5+s4], $0x8000, s8, s4, $0x38;
	[tilespmem:$0x10000] =	vst v63  }
0x7b3: {  	_ = 	snop  }
0x7b4: {  	[hbm4b:s6+s4] =	stream.strided.scatter [tilespmem:s2], [sflag:$0x3], $0x8000, s8, s4, $0x38;
	[tilespmem:$0x10000] =	vst v63  }
0x7b5: {  	_ =	swait.ge [sflag:s13], $0x8000  }
0x7b6: {  	[sflag:s13] =	ssyncset.done $0x0  }
0x7b7: {  	[sflag:s13] =	ssyncadd.s32 $0xFFFF8000  }
0x7b8: {  	_ =	swait.ge [sflag:s12], $0x8000  }
0x7b9: {  	[sflag:s12] =	ssyncset.done $0x0  }
0x7ba: {  	[sflag:s12] =	ssyncadd.s32 $0xFFFF8000  }
0x7bb: {  	[hbm4b:s3+s4] =	stream.strided.scatter [tilespmem:s7], [sflag:$0x4], $0x8000, s8, s4, $0x38;
	[tilespmem:$0x10000] =	vst v63  }
0x7bc: {  	_ =	swait.ge [sflag:s9], $0x8000  }
0x7bd: {  	[sflag:s9] =	ssyncset.done $0x0  }
0x7be: {  	[sflag:s9] =	ssyncadd.s32 $0xFFFF8000  }
0x7bf: {  	_ =	sfence.sel $0x180000  }
0x7c0: {  	[bflag:$0x0] =	sbarrier.arrive $0xFFFF  }
0x7c1: {  	_ =	strace $0x90000047  }
0x7c2: {  	s31 =	stileid.u32;
	[bflag:$0x2] =	sbarrier.arrive $0xFFFF  }
0x7c3: {  	p0 =	sne.s32 s31, $0x0;
	s0 =	rddreg [dreg:$0x3]  }
0x7c4: {  	s0 =	sadd.s32 @!p0 $0x100000, s0  }
0x7c5: {  	[sflag:s0] =	ssyncadd.tile.s32 @!p0 $0x1;
	_ =	shalt  }
.Lfunc_end2:
_tile_overlayer_lowered:
.L_overlay_start_2:
0x7c6: {  	(tag) =	ssettag $0x2  }
0x7c7: {  	s0 =	rddreg [dreg:$0x0];
	s2 =	stileid.u32  }
0x7c8: {  	s1 =	rddreg [dreg:$0x1];
	p0 =	sne.s32 s2, $0x0  }
0x7c9: {  	s3 =	rddreg [dreg:$0x2];
	[bflag:$0x3] =	sbarrier.arrive $0xFFFF;
	s2 =	simm.s32 @!p0 $0x1C05  }
0x7ca: {  	[timem:s3], [sflag:s2] =	dma.local @!p0 [hbm:s0], s1  }
0x7cb: {  	s0 =	simm.s32 @!p0 $0x5  }
0x7cc: {  	_ =	swait.ge @!p0 [sflag:s0], s1  }
0x7cd: {  	s1 =	ssub.s32 @!p0 $0x0, s1;
	[sflag:s0] =	ssyncset.done @!p0 $0x0  }
0x7ce: {  	[sflag:s0] =	ssyncadd.s32 @!p0 s1  }
0x7cf: {  	[bflag:$0x3] =	sbarrier.arrive $0xFFFF  }
0x7d0: {  	_ =	shalt  }

</sc_bundles>
